<compile_context>
chip_gen: v7x
topology: tpu7x:2x2x1
jax: 0.10.2.dev20260603
libtpu: 0.0.44.dev20260713+nightly
codegen_flags: <defaults>
</compile_context>

<pallas_src>
import functools

import numpy as np

import jax
import jax.numpy as jnp
from jax import lax
from jax.experimental import pallas as pl
from jax.experimental.pallas import tpu as pltpu
from jax.experimental.pallas import tpu_sc as plsc

NC = 2
NS = 16
CH = 128
JUNK = 240


def _sc_mesh():
    return plsc.VectorSubcoreMesh(core_axis_name="c", subcore_axis_name="s")


def _deg_call(dst4, NP, T, ECK, Nn):
    RPT = NP // NS
    TH = T // 2

    @functools.partial(
        pl.kernel,
        out_type=jax.ShapeDtypeStruct((NC, NP), jnp.float32),
        mesh=_sc_mesh(),
        compiler_params=pltpu.CompilerParams(use_tc_tiling_on_sc=False),
        scratch_types=[
            pltpu.VMEM((T, CH), jnp.int32),
            pltpu.VMEM((CH,), jnp.float32),
            pltpu.VMEM((RPT,), jnp.float32),
            pltpu.VMEM_SHARED((NP,), jnp.float32),
        ],
    )
    def body(dst_h, out_h, dst_v, ones_v, z_v, deg_sh):
        c = lax.axis_index("c")
        s = lax.axis_index("s")
        pltpu.sync_copy(dst_h.at[s], dst_v)
        for j in range(CH // 16):
            ones_v[pl.ds(j * 16, 16)] = jnp.ones((16,), jnp.float32)

        def zb(i, _):
            z_v[pl.ds(i * 16, 16)] = jnp.zeros((16,), jnp.float32)
            return 0

        lax.fori_loop(0, RPT // 16, zb, 0)
        pltpu.sync_copy(z_v, deg_sh.at[pl.ds(s * RPT, RPT)])
        plsc.subcore_barrier()

        def eb(t, _):
            pltpu.sync_copy(ones_v, deg_sh.at[dst_v.at[t]], add=True)
            return 0

        lax.fori_loop(c * TH, (c + 1) * TH, eb, 0)
        plsc.subcore_barrier()
        pltpu.sync_copy(deg_sh.at[pl.ds(s * RPT, RPT)],
                        out_h.at[c, pl.ds(s * RPT, RPT)])

    return body(dst4)


def _edge_call(g2c, src4, dst4, zrows, NP, DH, T, ECK, Nn):
    RPT = NP // NS

    @functools.partial(
        pl.kernel,
        out_type=jax.ShapeDtypeStruct((NC, NP, DH), jnp.bfloat16),
        mesh=_sc_mesh(),
        compiler_params=pltpu.CompilerParams(use_tc_tiling_on_sc=False),
        scratch_types=[
            pltpu.VMEM((T, CH), jnp.int32),
            pltpu.VMEM((T, CH), jnp.int32),
            pltpu.VMEM((CH, DH), jnp.bfloat16),
            pltpu.VMEM((CH, DH), jnp.bfloat16),
            pltpu.VMEM((CH, DH), jnp.bfloat16),
            pltpu.VMEM((CH, DH), jnp.bfloat16),
            pltpu.VMEM_SHARED((NP, DH), jnp.bfloat16),
            pltpu.SemaphoreType.DMA,
            pltpu.SemaphoreType.DMA,
            pltpu.SemaphoreType.DMA,
            pltpu.SemaphoreType.DMA,
            pltpu.SemaphoreType.DMA,
            pltpu.SemaphoreType.DMA,
            pltpu.SemaphoreType.DMA,
            pltpu.SemaphoreType.DMA,
        ],
    )
    def body(g_h2, src_h, dst_h, z_h, out_h, src_v, dst_v, rowa, rowb,
             rowc, rowd, acc, gs0, gs1, gs2, gs3, ss0, ss1, ss2, ss3):
        c = lax.axis_index("c")
        s = lax.axis_index("s")
        pltpu.sync_copy(z_h, acc.at[pl.ds(s * RPT, RPT)])
        pltpu.sync_copy(src_h.at[s], src_v)
        pltpu.sync_copy(dst_h.at[s], dst_v)
        plsc.subcore_barrier()

        bufs = (rowa, rowb, rowc, rowd)
        gsems = (gs0, gs1, gs2, gs3)
        ssems = (ss0, ss1, ss2, ss3)

        def run(g_h):
            def gstart(t, b):
                pltpu.async_copy(g_h.at[src_v.at[t]], bufs[b], gsems[b])

            def gwait(t, b):
                pltpu.make_async_copy(g_h.at[src_v.at[t]], bufs[b],
                                      gsems[b]).wait()

            def sstart(t, b):
                pltpu.make_async_copy(bufs[b], acc.at[dst_v.at[t]],
                                      ssems[b]).start(add=True)

            def swait(t, b):
                pltpu.make_async_copy(bufs[b], acc.at[dst_v.at[t]],
                                      ssems[b]).wait()

            for k in range(3):
                gstart(k, k)
            for j in range(4):
                if j > 0:
                    swait(j - 1, j - 1)
                gstart(j + 3, (j + 3) % 4)
                gwait(j, j)
                sstart(j, j)

            def group(i, _):
                for j in range(4):
                    t = 4 * i + j
                    swait(t - 1, (j + 3) % 4)
                    gstart(t + 3, (j + 3) % 4)
                    gwait(t, j)
                    sstart(t, j)
                return 0

            lax.fori_loop(1, T // 4 - 1, group, 0)
            tail = 4 * (T // 4 - 1)
            swait(tail - 1, 3)
            gstart(T - 1, 3)
            for j in range(4):
                t = tail + j
                gwait(t, j)
                sstart(t, j)
            for j in range(4):
                swait(tail + j, j)

        @pl.when(c == 0)
        def _():
            run(g_h2.at[0])

        @pl.when(c == 1)
        def _():
            run(g_h2.at[1])

        plsc.subcore_barrier()
        pltpu.sync_copy(acc.at[pl.ds(s * RPT, RPT)],
                        out_h.at[c, pl.ds(s * RPT, RPT)])

    return body(g2c, src4, dst4, zrows)


def _tc_mm(inp, W, degt, NP, D):
    BLK = 1024
    DH = D // 2

    def body(x_ref, w_ref, d_ref, g_ref):
        h = jnp.dot(x_ref[...], w_ref[...], preferred_element_type=jnp.float32)
        dsum = d_ref[:, 0:1] + d_ref[:, 1:2]
        dis = lax.rsqrt(dsum)
        g = (h * dis).astype(jnp.bfloat16)
        g_ref[0] = g[:, :DH]
        g_ref[1] = g[:, DH:]

    return pl.pallas_call(
        body,
        grid=(NP // BLK,),
        in_specs=[
            pl.BlockSpec((BLK, D), lambda i: (i, 0)),
            pl.BlockSpec((D, D), lambda i: (0, 0)),
            pl.BlockSpec((BLK, NC), lambda i: (i, 0)),
        ],
        out_specs=pl.BlockSpec((NC, BLK, DH), lambda i: (0, i, 0)),
        out_shape=jax.ShapeDtypeStruct((NC, NP, DH), jnp.bfloat16),
    )(inp, W, degt)


def _tc_fin_mm(acc2, degt, b2d, W, NP, D):
    BLK = 1024
    DH = D // 2

    def body(a_ref, d_ref, b_ref, w_ref, g_ref):
        dsum = d_ref[:, 0:1] + d_ref[:, 1:2]
        dis = lax.rsqrt(dsum)
        a = jnp.concatenate([a_ref[0], a_ref[1]],
                            axis=-1).astype(jnp.float32)
        z = jax.nn.sigmoid(dis * a + b_ref[...])
        h2 = jnp.dot(z, w_ref[...], preferred_element_type=jnp.float32)
        g2 = (h2 * dis).astype(jnp.bfloat16)
        g_ref[0] = g2[:, :DH]
        g_ref[1] = g2[:, DH:]

    return pl.pallas_call(
        body,
        grid=(NP // BLK,),
        in_specs=[
            pl.BlockSpec((NC, BLK, DH), lambda i: (0, i, 0)),
            pl.BlockSpec((BLK, NC), lambda i: (i, 0)),
            pl.BlockSpec((1, D), lambda i: (0, 0)),
            pl.BlockSpec((D, D), lambda i: (0, 0)),
        ],
        out_specs=pl.BlockSpec((NC, BLK, DH), lambda i: (0, i, 0)),
        out_shape=jax.ShapeDtypeStruct((NC, NP, DH), jnp.bfloat16),
    )(acc2, degt, b2d, W)


def _tc_fin(acc2, degt, b2d, N, NP, D):
    BLK = 1024
    DH = D // 2

    def body(a_ref, d_ref, b_ref, z_ref):
        dsum = d_ref[:, 0:1] + d_ref[:, 1:2]
        dis = lax.rsqrt(dsum)
        a = jnp.concatenate([a_ref[0], a_ref[1]],
                            axis=-1).astype(jnp.float32)
        z_ref[...] = jax.nn.sigmoid(dis * a + b_ref[...])

    return pl.pallas_call(
        body,
        grid=(-(-N // BLK),),
        in_specs=[
            pl.BlockSpec((NC, BLK, DH), lambda i: (0, i, 0)),
            pl.BlockSpec((BLK, NC), lambda i: (i, 0)),
            pl.BlockSpec((1, D), lambda i: (0, 0)),
        ],
        out_specs=pl.BlockSpec((BLK, D), lambda i: (i, 0)),
        out_shape=jax.ShapeDtypeStruct((N, D), jnp.float32),
    )(acc2, degt, b2d)


def kernel(x, edge_index, W1, b1, W2, b2):
    N, D = x.shape
    E = edge_index.shape[1]
    DH = D // 2
    NP = N + JUNK
    E2 = E + N
    T = -(-E2 // (NS * CH))
    T += (-T) % 4

    ECK = E // CH
    NCK = NS * T
    ti = np.arange((NCK - ECK) * CH, dtype=np.int64)
    tail = np.where(ti < N, ti, N + ti % JUNK).astype(np.int32)
    tail3 = jnp.asarray(np.broadcast_to(
        tail.reshape(1, NCK - ECK, CH), (2, NCK - ECK, CH)))
    ei4 = jnp.concatenate([edge_index.reshape(2, ECK, CH), tail3],
                          axis=1).reshape(2, NS, T, CH)
    src4 = ei4[0]
    dst4 = ei4[1]
    zrows = jnp.zeros((NP // NS, DH), jnp.bfloat16)
    b1r = b1.reshape(1, D)
    b2r = b2.reshape(1, D)

    deg2 = _deg_call(dst4, NP, T, ECK, N)
    degt = deg2.T

    g1 = _tc_mm(x, W1, degt, NP, D)
    acc1 = _edge_call(g1, src4, dst4, zrows, NP, DH, T, ECK, N)
    g2 = _tc_fin_mm(acc1, degt, b1r, W2, NP, D)
    acc2 = _edge_call(g2, src4, dst4, zrows, NP, DH, T, ECK, N)
    return _tc_fin(acc2, degt, b2r, N, NP, D)

# --- scband reference (transcript-rebuilt; emitter-appended) ---
"""Pipeline reference for scband-gcn-12893491823230 (READ-ONLY COPY).

The authoritative reference and input builder live on the scoring server;
editing this copy changes nothing except your own understanding.
"""

import jax, jax.numpy as jnp
import numpy as np

N = 10000
E = 320000
D_IN = 128
D_OUT = 128


def setup_inputs(seed: int = 0) -> dict:
    key = jax.random.key(seed)
    k1, k2, k3, k4, k5, k6 = jax.random.split(key, 6)
    x = jax.random.normal(k1, (N, D_IN), dtype=jnp.float32)
    edge_index = jax.random.randint(k2, (2, E), 0, N, dtype=jnp.int32)
    s1 = float(np.sqrt(6.0 / (D_IN + D_IN)))
    s2 = float(np.sqrt(6.0 / (D_IN + D_OUT)))
    W1 = jax.random.uniform(k3, (D_IN, D_IN), jnp.float32, -s1, s1)
    b1 = jnp.zeros((D_IN,), jnp.float32)
    W2 = jax.random.uniform(k4, (D_IN, D_OUT), jnp.float32, -s2, s2)
    b2 = jnp.zeros((D_OUT,), jnp.float32)
    return {"x": x, "edge_index": edge_index, "W1": W1, "b1": b1, "W2": W2, "b2": b2}


def _gcn_conv(x, edge_index, W, b):
    # Faithful PyG GCNConv: add self-loops, symmetric normalization, linear, scatter-add, bias
    src = edge_index[0]
    dst = edge_index[1]
    loop = jnp.arange(N, dtype=edge_index.dtype)
    src = jnp.concatenate([src, loop])
    dst = jnp.concatenate([dst, loop])
    ew = jnp.ones(src.shape[0], dtype=x.dtype)
    deg = jnp.zeros((N,), dtype=x.dtype).at[dst].add(ew)
    deg_inv_sqrt = jnp.where(deg > 0, deg ** -0.5, 0.0)
    norm = deg_inv_sqrt[src] * deg_inv_sqrt[dst]
    h = x @ W
    msg = h[src] * norm[:, None]
    out = jnp.zeros((N, h.shape[1]), dtype=x.dtype).at[dst].add(msg)
    return out + b


def reference(x, edge_index, W1, b1, W2, b2):
    h = _gcn_conv(x, edge_index, W1, b1)
    h = jax.nn.sigmoid(h)
    h = _gcn_conv(h, edge_index, W2, b2)
    return jax.nn.sigmoid(h)

if __name__ == "__main__":
    import jax
    _d = setup_inputs()
    print(jax.jit(kernel)(*tuple(_d.values())))

</pallas_src>

<mosaic_0001>
#map = affine_map<(d0, d1) -> (0, 0, 0)>
#map1 = affine_map<(d0, d1) -> (0, 0)>
module attributes {stable_mosaic.version = 14 : i64} {
  func.func @body(%arg0: i32, %arg1: i32, %arg2: memref<16x164x128xi32, #tpu.memory_space<hbm>>, %arg3: memref<2x10240xf32, #tpu.memory_space<hbm>>, %arg4: memref<164x128xi32, #tpu.memory_space<vmem>>, %arg5: memref<128xf32, #tpu.memory_space<vmem>>, %arg6: memref<640xf32, #tpu.memory_space<vmem>>, %arg7: memref<10240xf32, #tpu.memory_space<vmem_shared>>) attributes {dimension_semantics = [#tpu.dimension_semantics<core_parallel>, #tpu.dimension_semantics<subcore_parallel>], iteration_bounds = array<i64: 2, 16>, scalar_prefetch = 0 : i64, scratch_operands = 4 : i64, tpu.core_type = #tpu.core_type<sc_vector_subcore>, window_params = [{transform_indices = #map}, {transform_indices = #map1}]} {
    "tpu.region"() ({
      %run_scoped3A = tpu.sem_alloc : memref<!tpu.dma_semaphore, #tpu.memory_space<semaphore_mem>>
      %dma_start3A = arith.constant 0 : i32
      %dma_start3A_73 = arith.constant 0 : i32
      %dma_start3A_74 = tpu.memref_slice %arg2[%arg1, %dma_start3A, %dma_start3A_73] : memref<16x164x128xi32, #tpu.memory_space<hbm>> -> memref<1x164x128xi32, #tpu.memory_space<hbm>>
      %dma_start3A_75 = tpu.memref_squeeze %dma_start3A_74 : memref<1x164x128xi32, #tpu.memory_space<hbm>> -> memref<164x128xi32, #tpu.memory_space<hbm>>
      %dma_start3A_76 = arith.constant 0 : i32
      %dma_start3A_77 = arith.constant 0 : i32
      %dma_start3A_78 = tpu.memref_slice %arg2[%arg1, %dma_start3A_76, %dma_start3A_77] : memref<16x164x128xi32, #tpu.memory_space<hbm>> -> memref<1x164x128xi32, #tpu.memory_space<hbm>>
      %dma_start3A_79 = tpu.memref_squeeze %dma_start3A_78 : memref<1x164x128xi32, #tpu.memory_space<hbm>> -> memref<164x128xi32, #tpu.memory_space<hbm>>
      tpu.enqueue_dma source(%dma_start3A_79 : memref<164x128xi32, #tpu.memory_space<hbm>>) target(%arg4 : memref<164x128xi32, #tpu.memory_space<vmem>>) target_semaphore(%run_scoped3A : memref<!tpu.dma_semaphore, #tpu.memory_space<semaphore_mem>>)
      %dma_wait3A = arith.constant 0 : i32
      %dma_wait3A_80 = arith.constant 0 : i32
      %dma_wait3A_81 = tpu.memref_slice %arg2[%arg1, %dma_wait3A, %dma_wait3A_80] : memref<16x164x128xi32, #tpu.memory_space<hbm>> -> memref<1x164x128xi32, #tpu.memory_space<hbm>>
      %dma_wait3A_82 = tpu.memref_squeeze %dma_wait3A_81 : memref<1x164x128xi32, #tpu.memory_space<hbm>> -> memref<164x128xi32, #tpu.memory_space<hbm>>
      %dma_wait3A_83 = arith.constant 0 : i32
      %dma_wait3A_84 = arith.constant 0 : i32
      %dma_wait3A_85 = tpu.memref_slice %arg2[%arg1, %dma_wait3A_83, %dma_wait3A_84] : memref<16x164x128xi32, #tpu.memory_space<hbm>> -> memref<1x164x128xi32, #tpu.memory_space<hbm>>
      %dma_wait3A_86 = tpu.memref_squeeze %dma_wait3A_85 : memref<1x164x128xi32, #tpu.memory_space<hbm>> -> memref<164x128xi32, #tpu.memory_space<hbm>>
      tpu.wait_dma2 semaphore(%run_scoped3A : memref<!tpu.dma_semaphore, #tpu.memory_space<semaphore_mem>>) src(%dma_wait3A_86 : memref<164x128xi32, #tpu.memory_space<hbm>>) dst(%arg4 : memref<164x128xi32, #tpu.memory_space<vmem>>)
      tpu.yield
    }) : () -> ()
    %broadcast_in_dim3A = arith.constant 1.000000e+00 : f32
    %broadcast_in_dim3A_0 = vector.broadcast %broadcast_in_dim3A : f32 to vector<16xf32>
    %swap3A = arith.constant 0 : index
    %swap3A_1 = tpu.vector_load %arg5[%swap3A] {strides = array<i32>} : memref<128xf32, #tpu.memory_space<vmem>>, vector<16xf32>,
    %swap3A_2 = vector.shape_cast %swap3A_1 : vector<16xf32> to vector<16xf32>
    %swap3A_3 = vector.shape_cast %broadcast_in_dim3A_0 : vector<16xf32> to vector<16xf32>
    tpu.vector_store %arg5[%swap3A], %swap3A_3 {strides = array<i32>} : memref<128xf32, #tpu.memory_space<vmem>>, vector<16xf32>,
    %broadcast_in_dim3A_4 = arith.constant 1.000000e+00 : f32
    %broadcast_in_dim3A_5 = vector.broadcast %broadcast_in_dim3A_4 : f32 to vector<16xf32>
    %swap3A_6 = arith.constant 16 : index
    %swap3A_7 = tpu.vector_load %arg5[%swap3A_6] {strides = array<i32>} : memref<128xf32, #tpu.memory_space<vmem>>, vector<16xf32>,
    %swap3A_8 = vector.shape_cast %swap3A_7 : vector<16xf32> to vector<16xf32>
    %swap3A_9 = vector.shape_cast %broadcast_in_dim3A_5 : vector<16xf32> to vector<16xf32>
    tpu.vector_store %arg5[%swap3A_6], %swap3A_9 {strides = array<i32>} : memref<128xf32, #tpu.memory_space<vmem>>, vector<16xf32>,
    %broadcast_in_dim3A_10 = arith.constant 1.000000e+00 : f32
    %broadcast_in_dim3A_11 = vector.broadcast %broadcast_in_dim3A_10 : f32 to vector<16xf32>
    %swap3A_12 = arith.constant 32 : index
    %swap3A_13 = tpu.vector_load %arg5[%swap3A_12] {strides = array<i32>} : memref<128xf32, #tpu.memory_space<vmem>>, vector<16xf32>,
    %swap3A_14 = vector.shape_cast %swap3A_13 : vector<16xf32> to vector<16xf32>
    %swap3A_15 = vector.shape_cast %broadcast_in_dim3A_11 : vector<16xf32> to vector<16xf32>
    tpu.vector_store %arg5[%swap3A_12], %swap3A_15 {strides = array<i32>} : memref<128xf32, #tpu.memory_space<vmem>>, vector<16xf32>,
    %broadcast_in_dim3A_16 = arith.constant 1.000000e+00 : f32
    %broadcast_in_dim3A_17 = vector.broadcast %broadcast_in_dim3A_16 : f32 to vector<16xf32>
    %swap3A_18 = arith.constant 48 : index
    %swap3A_19 = tpu.vector_load %arg5[%swap3A_18] {strides = array<i32>} : memref<128xf32, #tpu.memory_space<vmem>>, vector<16xf32>,
    %swap3A_20 = vector.shape_cast %swap3A_19 : vector<16xf32> to vector<16xf32>
    %swap3A_21 = vector.shape_cast %broadcast_in_dim3A_17 : vector<16xf32> to vector<16xf32>
    tpu.vector_store %arg5[%swap3A_18], %swap3A_21 {strides = array<i32>} : memref<128xf32, #tpu.memory_space<vmem>>, vector<16xf32>,
    %broadcast_in_dim3A_22 = arith.constant 1.000000e+00 : f32
    %broadcast_in_dim3A_23 = vector.broadcast %broadcast_in_dim3A_22 : f32 to vector<16xf32>
    %swap3A_24 = arith.constant 64 : index
    %swap3A_25 = tpu.vector_load %arg5[%swap3A_24] {strides = array<i32>} : memref<128xf32, #tpu.memory_space<vmem>>, vector<16xf32>,
    %swap3A_26 = vector.shape_cast %swap3A_25 : vector<16xf32> to vector<16xf32>
    %swap3A_27 = vector.shape_cast %broadcast_in_dim3A_23 : vector<16xf32> to vector<16xf32>
    tpu.vector_store %arg5[%swap3A_24], %swap3A_27 {strides = array<i32>} : memref<128xf32, #tpu.memory_space<vmem>>, vector<16xf32>,
    %broadcast_in_dim3A_28 = arith.constant 1.000000e+00 : f32
    %broadcast_in_dim3A_29 = vector.broadcast %broadcast_in_dim3A_28 : f32 to vector<16xf32>
    %swap3A_30 = arith.constant 80 : index
    %swap3A_31 = tpu.vector_load %arg5[%swap3A_30] {strides = array<i32>} : memref<128xf32, #tpu.memory_space<vmem>>, vector<16xf32>,
    %swap3A_32 = vector.shape_cast %swap3A_31 : vector<16xf32> to vector<16xf32>
    %swap3A_33 = vector.shape_cast %broadcast_in_dim3A_29 : vector<16xf32> to vector<16xf32>
    tpu.vector_store %arg5[%swap3A_30], %swap3A_33 {strides = array<i32>} : memref<128xf32, #tpu.memory_space<vmem>>, vector<16xf32>,
    %broadcast_in_dim3A_34 = arith.constant 1.000000e+00 : f32
    %broadcast_in_dim3A_35 = vector.broadcast %broadcast_in_dim3A_34 : f32 to vector<16xf32>
    %swap3A_36 = arith.constant 96 : index
    %swap3A_37 = tpu.vector_load %arg5[%swap3A_36] {strides = array<i32>} : memref<128xf32, #tpu.memory_space<vmem>>, vector<16xf32>,
    %swap3A_38 = vector.shape_cast %swap3A_37 : vector<16xf32> to vector<16xf32>
    %swap3A_39 = vector.shape_cast %broadcast_in_dim3A_35 : vector<16xf32> to vector<16xf32>
    tpu.vector_store %arg5[%swap3A_36], %swap3A_39 {strides = array<i32>} : memref<128xf32, #tpu.memory_space<vmem>>, vector<16xf32>,
    %broadcast_in_dim3A_40 = arith.constant 1.000000e+00 : f32
    %broadcast_in_dim3A_41 = vector.broadcast %broadcast_in_dim3A_40 : f32 to vector<16xf32>
    %swap3A_42 = arith.constant 112 : index
    %swap3A_43 = tpu.vector_load %arg5[%swap3A_42] {strides = array<i32>} : memref<128xf32, #tpu.memory_space<vmem>>, vector<16xf32>,
    %swap3A_44 = vector.shape_cast %swap3A_43 : vector<16xf32> to vector<16xf32>
    %swap3A_45 = vector.shape_cast %broadcast_in_dim3A_41 : vector<16xf32> to vector<16xf32>
    tpu.vector_store %arg5[%swap3A_42], %swap3A_45 {strides = array<i32>} : memref<128xf32, #tpu.memory_space<vmem>>, vector<16xf32>,
    %scan3A = arith.constant 0 : i32
    %scan3A_46 = arith.constant 0 : i32
    %scan3A_47 = arith.constant 40 : i32
    %scan3A_48 = arith.addi %scan3A_46, %scan3A_47 : i32
    %scan3A_49 = arith.constant 1 : i32
    %scan3A_50 = scf.for %scan3A_73 = %scan3A_46 to %scan3A_48 step %scan3A_49 iter_args(%scan3A_74 = %scan3A) -> (i32)  : i32 {
      %broadcast_in_dim3A_75 = arith.constant 0.000000e+00 : f32
      %broadcast_in_dim3A_76 = vector.broadcast %broadcast_in_dim3A_75 : f32 to vector<16xf32>
      %mul3A_77 = arith.constant 16 : i32
      %mul3A_78 = arith.muli %scan3A_73, %mul3A_77 : i32
      %swap3A_79 = arith.index_cast %mul3A_78 : i32 to index
      %swap3A_80 = tpu.vector_load %arg6[%swap3A_79] {strides = array<i32>} : memref<640xf32, #tpu.memory_space<vmem>>, vector<16xf32>,
      %swap3A_81 = vector.shape_cast %swap3A_80 : vector<16xf32> to vector<16xf32>
      %swap3A_82 = vector.shape_cast %broadcast_in_dim3A_76 : vector<16xf32> to vector<16xf32>
      tpu.vector_store %arg6[%swap3A_79], %swap3A_82 {strides = array<i32>} : memref<640xf32, #tpu.memory_space<vmem>>, vector<16xf32>,
      %scan3A_83 = arith.constant 0 : i32
      scf.yield %scan3A_83 : i32
    }
    %scan3A_51 = arith.constant 40 : i32
    %mul3A = arith.constant 640 : i32
    %mul3A_52 = arith.muli %arg1, %mul3A : i32
    "tpu.region"() ({
      %run_scoped3A = tpu.sem_alloc : memref<!tpu.dma_semaphore, #tpu.memory_space<semaphore_mem>>
      %dma_start3A = tpu.memref_slice %arg7[%mul3A_52] : memref<10240xf32, #tpu.memory_space<vmem_shared>> -> memref<640xf32, #tpu.memory_space<vmem_shared>>
      %dma_start3A_73 = tpu.memref_slice %arg7[%mul3A_52] : memref<10240xf32, #tpu.memory_space<vmem_shared>> -> memref<640xf32, #tpu.memory_space<vmem_shared>>
      tpu.enqueue_dma source(%arg6 : memref<640xf32, #tpu.memory_space<vmem>>) target(%dma_start3A_73 : memref<640xf32, #tpu.memory_space<vmem_shared>>) target_semaphore(%run_scoped3A : memref<!tpu.dma_semaphore, #tpu.memory_space<semaphore_mem>>)
      %dma_wait3A = tpu.memref_slice %arg7[%mul3A_52] : memref<10240xf32, #tpu.memory_space<vmem_shared>> -> memref<640xf32, #tpu.memory_space<vmem_shared>>
      %dma_wait3A_74 = tpu.memref_slice %arg7[%mul3A_52] : memref<10240xf32, #tpu.memory_space<vmem_shared>> -> memref<640xf32, #tpu.memory_space<vmem_shared>>
      tpu.wait_dma2 semaphore(%run_scoped3A : memref<!tpu.dma_semaphore, #tpu.memory_space<semaphore_mem>>) src(%arg6 : memref<640xf32, #tpu.memory_space<vmem>>) dst(%dma_wait3A_74 : memref<640xf32, #tpu.memory_space<vmem_shared>>)
      tpu.yield
    }) : () -> ()
    %barrier3A = arith.constant 0 : index
    tpu.barrier barrier_id(%barrier3A)
    %mul3A_53 = arith.constant 82 : i32
    %mul3A_54 = arith.muli %arg0, %mul3A_53 : i32
    %add3A = arith.constant 1 : i32
    %add3A_55 = arith.addi %arg0, %add3A : i32
    %mul3A_56 = arith.constant 82 : i32
    %mul3A_57 = arith.muli %add3A_55, %mul3A_56 : i32
    %while3A = arith.constant 0 : i32
    %while3A_58 = arith.subi %mul3A_57, %mul3A_54 : i32
    %while3A_59 = arith.addi %mul3A_54, %while3A_58 : i32
    %while3A_60 = arith.constant 1 : i32
    %while3A_61 = arith.divsi %while3A_58, %while3A_60 : i32
    %while3A_62 = arith.muli %while3A_61, %while3A_60 : i32
    %while3A_63 = arith.addi %mul3A_54, %while3A_62 : i32
    %while3A_64 = arith.constant 1 : i32
    %while3A_65 = scf.for %while3A_73 = %mul3A_54 to %while3A_63 step %while3A_64 iter_args(%while3A_74 = %while3A) -> (i32)  : i32 {
      "tpu.region"() ({
        %run_scoped3A = tpu.sem_alloc : memref<!tpu.dma_semaphore, #tpu.memory_space<semaphore_mem>>
        %dma_start3A = arith.constant 0 : i32
        %dma_start3A_76 = tpu.memref_slice %arg4[%while3A_73, %dma_start3A] : memref<164x128xi32, #tpu.memory_space<vmem>> -> memref<1x128xi32, #tpu.memory_space<vmem>>
        %dma_start3A_77 = tpu.memref_squeeze %dma_start3A_76 : memref<1x128xi32, #tpu.memory_space<vmem>> -> memref<128xi32, #tpu.memory_space<vmem>>
        %dma_start3A_78 = arith.constant 0 : i32
        %dma_start3A_79 = tpu.memref_slice %arg7[%dma_start3A_78] : memref<10240xf32, #tpu.memory_space<vmem_shared>> -> memref<10240xf32, #tpu.memory_space<vmem_shared>>
        tpu.enqueue_indirect_dma source(%arg5 : memref<128xf32, #tpu.memory_space<vmem>>) target(%dma_start3A_79 : memref<10240xf32, #tpu.memory_space<vmem_shared>>) offsets(%dma_start3A_77 : memref<128xi32, #tpu.memory_space<vmem>>) semaphore(%run_scoped3A : memref<!tpu.dma_semaphore, #tpu.memory_space<semaphore_mem>>) {add = true}
        %dma_wait3A = arith.constant 0 : i32
        %dma_wait3A_80 = tpu.memref_slice %arg4[%while3A_73, %dma_wait3A] : memref<164x128xi32, #tpu.memory_space<vmem>> -> memref<1x128xi32, #tpu.memory_space<vmem>>
        %dma_wait3A_81 = tpu.memref_squeeze %dma_wait3A_80 : memref<1x128xi32, #tpu.memory_space<vmem>> -> memref<128xi32, #tpu.memory_space<vmem>>
        %dma_wait3A_82 = arith.constant 0 : i32
        %dma_wait3A_83 = tpu.memref_slice %arg7[%dma_wait3A_82] : memref<10240xf32, #tpu.memory_space<vmem_shared>> -> memref<10240xf32, #tpu.memory_space<vmem_shared>>
        tpu.wait_indirect_dma semaphore(%run_scoped3A : memref<!tpu.dma_semaphore, #tpu.memory_space<semaphore_mem>>) src(%arg5 : memref<128xf32, #tpu.memory_space<vmem>>) dst(%dma_wait3A_83 : memref<10240xf32, #tpu.memory_space<vmem_shared>>)
        tpu.yield
      }) : () -> ()
      %while3A_75 = arith.constant 0 : i32
      scf.yield %while3A_75 : i32
    }
    %while3A_66 = arith.constant 1 : i32
    %while3A_67 = scf.for %while3A_73 = %while3A_63 to %while3A_59 step %while3A_66 iter_args(%while3A_74 = %while3A_65) -> (i32)  : i32 {
      "tpu.region"() ({
        %run_scoped3A = tpu.sem_alloc : memref<!tpu.dma_semaphore, #tpu.memory_space<semaphore_mem>>
        %dma_start3A = arith.constant 0 : i32
        %dma_start3A_76 = tpu.memref_slice %arg4[%while3A_73, %dma_start3A] : memref<164x128xi32, #tpu.memory_space<vmem>> -> memref<1x128xi32, #tpu.memory_space<vmem>>
        %dma_start3A_77 = tpu.memref_squeeze %dma_start3A_76 : memref<1x128xi32, #tpu.memory_space<vmem>> -> memref<128xi32, #tpu.memory_space<vmem>>
        %dma_start3A_78 = arith.constant 0 : i32
        %dma_start3A_79 = tpu.memref_slice %arg7[%dma_start3A_78] : memref<10240xf32, #tpu.memory_space<vmem_shared>> -> memref<10240xf32, #tpu.memory_space<vmem_shared>>
        tpu.enqueue_indirect_dma source(%arg5 : memref<128xf32, #tpu.memory_space<vmem>>) target(%dma_start3A_79 : memref<10240xf32, #tpu.memory_space<vmem_shared>>) offsets(%dma_start3A_77 : memref<128xi32, #tpu.memory_space<vmem>>) semaphore(%run_scoped3A : memref<!tpu.dma_semaphore, #tpu.memory_space<semaphore_mem>>) {add = true}
        %dma_wait3A = arith.constant 0 : i32
        %dma_wait3A_80 = tpu.memref_slice %arg4[%while3A_73, %dma_wait3A] : memref<164x128xi32, #tpu.memory_space<vmem>> -> memref<1x128xi32, #tpu.memory_space<vmem>>
        %dma_wait3A_81 = tpu.memref_squeeze %dma_wait3A_80 : memref<1x128xi32, #tpu.memory_space<vmem>> -> memref<128xi32, #tpu.memory_space<vmem>>
        %dma_wait3A_82 = arith.constant 0 : i32
        %dma_wait3A_83 = tpu.memref_slice %arg7[%dma_wait3A_82] : memref<10240xf32, #tpu.memory_space<vmem_shared>> -> memref<10240xf32, #tpu.memory_space<vmem_shared>>
        tpu.wait_indirect_dma semaphore(%run_scoped3A : memref<!tpu.dma_semaphore, #tpu.memory_space<semaphore_mem>>) src(%arg5 : memref<128xf32, #tpu.memory_space<vmem>>) dst(%dma_wait3A_83 : memref<10240xf32, #tpu.memory_space<vmem_shared>>)
        tpu.yield
      }) : () -> ()
      %while3A_75 = arith.constant 0 : i32
      scf.yield %while3A_75 : i32
    }
    %barrier3A_68 = arith.constant 0 : index
    tpu.barrier barrier_id(%barrier3A_68)
    %mul3A_69 = arith.constant 640 : i32
    %mul3A_70 = arith.muli %arg1, %mul3A_69 : i32
    %mul3A_71 = arith.constant 640 : i32
    %mul3A_72 = arith.muli %arg1, %mul3A_71 : i32
    "tpu.region"() ({
      %run_scoped3A = tpu.sem_alloc : memref<!tpu.dma_semaphore, #tpu.memory_space<semaphore_mem>>
      %dma_start3A = tpu.memref_slice %arg3[%arg0, %mul3A_72] : memref<2x10240xf32, #tpu.memory_space<hbm>> -> memref<1x640xf32, #tpu.memory_space<hbm>>
      %dma_start3A_73 = tpu.memref_squeeze %dma_start3A : memref<1x640xf32, #tpu.memory_space<hbm>> -> memref<640xf32, #tpu.memory_space<hbm>>
      %dma_start3A_74 = tpu.memref_slice %arg7[%mul3A_70] : memref<10240xf32, #tpu.memory_space<vmem_shared>> -> memref<640xf32, #tpu.memory_space<vmem_shared>>
      tpu.enqueue_dma source(%dma_start3A_74 : memref<640xf32, #tpu.memory_space<vmem_shared>>) target(%dma_start3A_73 : memref<640xf32, #tpu.memory_space<hbm>>) target_semaphore(%run_scoped3A : memref<!tpu.dma_semaphore, #tpu.memory_space<semaphore_mem>>)
      %dma_wait3A = tpu.memref_slice %arg3[%arg0, %mul3A_72] : memref<2x10240xf32, #tpu.memory_space<hbm>> -> memref<1x640xf32, #tpu.memory_space<hbm>>
      %dma_wait3A_75 = tpu.memref_squeeze %dma_wait3A : memref<1x640xf32, #tpu.memory_space<hbm>> -> memref<640xf32, #tpu.memory_space<hbm>>
      %dma_wait3A_76 = tpu.memref_slice %arg7[%mul3A_70] : memref<10240xf32, #tpu.memory_space<vmem_shared>> -> memref<640xf32, #tpu.memory_space<vmem_shared>>
      tpu.wait_dma2 semaphore(%run_scoped3A : memref<!tpu.dma_semaphore, #tpu.memory_space<semaphore_mem>>) src(%dma_wait3A_76 : memref<640xf32, #tpu.memory_space<vmem_shared>>) dst(%dma_wait3A_75 : memref<640xf32, #tpu.memory_space<hbm>>)
      tpu.yield
    }) : () -> ()
    return
  }
}

#map = affine_map<(d0, d1) -> (0, 0, 0)>
#map1 = affine_map<(d0, d1) -> (0, 0)>
module attributes {stable_mosaic.version = 14 : i64} {
  func.func @body(%arg0: i32, %arg1: i32, %arg2: memref<2x10240x64xbf16, #tpu.memory_space<hbm>>, %arg3: memref<16x164x128xi32, #tpu.memory_space<hbm>>, %arg4: memref<16x164x128xi32, #tpu.memory_space<hbm>>, %arg5: memref<640x64xbf16, #tpu.memory_space<hbm>>, %arg6: memref<2x10240x64xbf16, #tpu.memory_space<hbm>>, %arg7: memref<164x128xi32, #tpu.memory_space<vmem>>, %arg8: memref<164x128xi32, #tpu.memory_space<vmem>>, %arg9: memref<128x64xbf16, #tpu.memory_space<vmem>>, %arg10: memref<128x64xbf16, #tpu.memory_space<vmem>>, %arg11: memref<128x64xbf16, #tpu.memory_space<vmem>>, %arg12: memref<128x64xbf16, #tpu.memory_space<vmem>>, %arg13: memref<10240x64xbf16, #tpu.memory_space<vmem_shared>>, %arg14: memref<!tpu.dma_semaphore, #tpu.memory_space<semaphore_mem>>, %arg15: memref<!tpu.dma_semaphore, #tpu.memory_space<semaphore_mem>>, %arg16: memref<!tpu.dma_semaphore, #tpu.memory_space<semaphore_mem>>, %arg17: memref<!tpu.dma_semaphore, #tpu.memory_space<semaphore_mem>>, %arg18: memref<!tpu.dma_semaphore, #tpu.memory_space<semaphore_mem>>, %arg19: memref<!tpu.dma_semaphore, #tpu.memory_space<semaphore_mem>>, %arg20: memref<!tpu.dma_semaphore, #tpu.memory_space<semaphore_mem>>, %arg21: memref<!tpu.dma_semaphore, #tpu.memory_space<semaphore_mem>>) attributes {dimension_semantics = [#tpu.dimension_semantics<core_parallel>, #tpu.dimension_semantics<subcore_parallel>], iteration_bounds = array<i64: 2, 16>, scalar_prefetch = 0 : i64, scratch_operands = 15 : i64, tpu.core_type = #tpu.core_type<sc_vector_subcore>, window_params = [{transform_indices = #map}, {transform_indices = #map}, {transform_indices = #map}, {transform_indices = #map1}, {transform_indices = #map}]} {
    %mul3A = arith.constant 640 : i32
    %mul3A_0 = arith.muli %arg1, %mul3A : i32
    "tpu.region"() ({
      %run_scoped3A = tpu.sem_alloc : memref<!tpu.dma_semaphore, #tpu.memory_space<semaphore_mem>>
      %dma_start3A = arith.constant 0 : i32
      %dma_start3A_13 = tpu.memref_slice %arg13[%mul3A_0, %dma_start3A] : memref<10240x64xbf16, #tpu.memory_space<vmem_shared>> -> memref<640x64xbf16, #tpu.memory_space<vmem_shared>>
      tpu.enqueue_dma source(%arg5 : memref<640x64xbf16, #tpu.memory_space<hbm>>) target(%dma_start3A_13 : memref<640x64xbf16, #tpu.memory_space<vmem_shared>>) target_semaphore(%run_scoped3A : memref<!tpu.dma_semaphore, #tpu.memory_space<semaphore_mem>>)
      %dma_wait3A = arith.constant 0 : i32
      %dma_wait3A_14 = tpu.memref_slice %arg13[%mul3A_0, %dma_wait3A] : memref<10240x64xbf16, #tpu.memory_space<vmem_shared>> -> memref<640x64xbf16, #tpu.memory_space<vmem_shared>>
      tpu.wait_dma2 semaphore(%run_scoped3A : memref<!tpu.dma_semaphore, #tpu.memory_space<semaphore_mem>>) src(%arg5 : memref<640x64xbf16, #tpu.memory_space<hbm>>) dst(%dma_wait3A_14 : memref<640x64xbf16, #tpu.memory_space<vmem_shared>>)
      tpu.yield
    }) : () -> ()
    "tpu.region"() ({
      %run_scoped3A = tpu.sem_alloc : memref<!tpu.dma_semaphore, #tpu.memory_space<semaphore_mem>>
      %dma_start3A = arith.constant 0 : i32
      %dma_start3A_13 = arith.constant 0 : i32
      %dma_start3A_14 = tpu.memref_slice %arg3[%arg1, %dma_start3A, %dma_start3A_13] : memref<16x164x128xi32, #tpu.memory_space<hbm>> -> memref<1x164x128xi32, #tpu.memory_space<hbm>>
      %dma_start3A_15 = tpu.memref_squeeze %dma_start3A_14 : memref<1x164x128xi32, #tpu.memory_space<hbm>> -> memref<164x128xi32, #tpu.memory_space<hbm>>
      %dma_start3A_16 = arith.constant 0 : i32
      %dma_start3A_17 = arith.constant 0 : i32
      %dma_start3A_18 = tpu.memref_slice %arg3[%arg1, %dma_start3A_16, %dma_start3A_17] : memref<16x164x128xi32, #tpu.memory_space<hbm>> -> memref<1x164x128xi32, #tpu.memory_space<hbm>>
      %dma_start3A_19 = tpu.memref_squeeze %dma_start3A_18 : memref<1x164x128xi32, #tpu.memory_space<hbm>> -> memref<164x128xi32, #tpu.memory_space<hbm>>
      tpu.enqueue_dma source(%dma_start3A_19 : memref<164x128xi32, #tpu.memory_space<hbm>>) target(%arg7 : memref<164x128xi32, #tpu.memory_space<vmem>>) target_semaphore(%run_scoped3A : memref<!tpu.dma_semaphore, #tpu.memory_space<semaphore_mem>>)
      %dma_wait3A = arith.constant 0 : i32
      %dma_wait3A_20 = arith.constant 0 : i32
      %dma_wait3A_21 = tpu.memref_slice %arg3[%arg1, %dma_wait3A, %dma_wait3A_20] : memref<16x164x128xi32, #tpu.memory_space<hbm>> -> memref<1x164x128xi32, #tpu.memory_space<hbm>>
      %dma_wait3A_22 = tpu.memref_squeeze %dma_wait3A_21 : memref<1x164x128xi32, #tpu.memory_space<hbm>> -> memref<164x128xi32, #tpu.memory_space<hbm>>
      %dma_wait3A_23 = arith.constant 0 : i32
      %dma_wait3A_24 = arith.constant 0 : i32
      %dma_wait3A_25 = tpu.memref_slice %arg3[%arg1, %dma_wait3A_23, %dma_wait3A_24] : memref<16x164x128xi32, #tpu.memory_space<hbm>> -> memref<1x164x128xi32, #tpu.memory_space<hbm>>
      %dma_wait3A_26 = tpu.memref_squeeze %dma_wait3A_25 : memref<1x164x128xi32, #tpu.memory_space<hbm>> -> memref<164x128xi32, #tpu.memory_space<hbm>>
      tpu.wait_dma2 semaphore(%run_scoped3A : memref<!tpu.dma_semaphore, #tpu.memory_space<semaphore_mem>>) src(%dma_wait3A_26 : memref<164x128xi32, #tpu.memory_space<hbm>>) dst(%arg7 : memref<164x128xi32, #tpu.memory_space<vmem>>)
      tpu.yield
    }) : () -> ()
    "tpu.region"() ({
      %run_scoped3A = tpu.sem_alloc : memref<!tpu.dma_semaphore, #tpu.memory_space<semaphore_mem>>
      %dma_start3A = arith.constant 0 : i32
      %dma_start3A_13 = arith.constant 0 : i32
      %dma_start3A_14 = tpu.memref_slice %arg4[%arg1, %dma_start3A, %dma_start3A_13] : memref<16x164x128xi32, #tpu.memory_space<hbm>> -> memref<1x164x128xi32, #tpu.memory_space<hbm>>
      %dma_start3A_15 = tpu.memref_squeeze %dma_start3A_14 : memref<1x164x128xi32, #tpu.memory_space<hbm>> -> memref<164x128xi32, #tpu.memory_space<hbm>>
      %dma_start3A_16 = arith.constant 0 : i32
      %dma_start3A_17 = arith.constant 0 : i32
      %dma_start3A_18 = tpu.memref_slice %arg4[%arg1, %dma_start3A_16, %dma_start3A_17] : memref<16x164x128xi32, #tpu.memory_space<hbm>> -> memref<1x164x128xi32, #tpu.memory_space<hbm>>
      %dma_start3A_19 = tpu.memref_squeeze %dma_start3A_18 : memref<1x164x128xi32, #tpu.memory_space<hbm>> -> memref<164x128xi32, #tpu.memory_space<hbm>>
      tpu.enqueue_dma source(%dma_start3A_19 : memref<164x128xi32, #tpu.memory_space<hbm>>) target(%arg8 : memref<164x128xi32, #tpu.memory_space<vmem>>) target_semaphore(%run_scoped3A : memref<!tpu.dma_semaphore, #tpu.memory_space<semaphore_mem>>)
      %dma_wait3A = arith.constant 0 : i32
      %dma_wait3A_20 = arith.constant 0 : i32
      %dma_wait3A_21 = tpu.memref_slice %arg4[%arg1, %dma_wait3A, %dma_wait3A_20] : memref<16x164x128xi32, #tpu.memory_space<hbm>> -> memref<1x164x128xi32, #tpu.memory_space<hbm>>
      %dma_wait3A_22 = tpu.memref_squeeze %dma_wait3A_21 : memref<1x164x128xi32, #tpu.memory_space<hbm>> -> memref<164x128xi32, #tpu.memory_space<hbm>>
      %dma_wait3A_23 = arith.constant 0 : i32
      %dma_wait3A_24 = arith.constant 0 : i32
      %dma_wait3A_25 = tpu.memref_slice %arg4[%arg1, %dma_wait3A_23, %dma_wait3A_24] : memref<16x164x128xi32, #tpu.memory_space<hbm>> -> memref<1x164x128xi32, #tpu.memory_space<hbm>>
      %dma_wait3A_26 = tpu.memref_squeeze %dma_wait3A_25 : memref<1x164x128xi32, #tpu.memory_space<hbm>> -> memref<164x128xi32, #tpu.memory_space<hbm>>
      tpu.wait_dma2 semaphore(%run_scoped3A : memref<!tpu.dma_semaphore, #tpu.memory_space<semaphore_mem>>) src(%dma_wait3A_26 : memref<164x128xi32, #tpu.memory_space<hbm>>) dst(%arg8 : memref<164x128xi32, #tpu.memory_space<vmem>>)
      tpu.yield
    }) : () -> ()
    %barrier3A = arith.constant 0 : index
    tpu.barrier barrier_id(%barrier3A)
    %eq3A = arith.constant 0 : i32
    %eq3A_1 = arith.cmpi eq, %arg0, %eq3A : i32
    %convert_element_type3A = arith.extui %eq3A_1 : i1 to i32
    %cond3A = arith.constant 0 : i32
    %cond3A_2 = arith.cmpi ne, %convert_element_type3A, %cond3A : i32
    scf.if %cond3A_2 {
      %dma_start3A = arith.constant 0 : i32
      %dma_start3A_13 = arith.constant 0 : i32
      %dma_start3A_14 = arith.constant 0 : i32
      %dma_start3A_15 = tpu.memref_slice %arg7[%dma_start3A_13, %dma_start3A_14] : memref<164x128xi32, #tpu.memory_space<vmem>> -> memref<1x128xi32, #tpu.memory_space<vmem>>
      %dma_start3A_16 = tpu.memref_squeeze %dma_start3A_15 : memref<1x128xi32, #tpu.memory_space<vmem>> -> memref<128xi32, #tpu.memory_space<vmem>>
      %dma_start3A_17 = arith.constant 0 : i32
      %dma_start3A_18 = arith.constant 0 : i32
      %dma_start3A_19 = tpu.memref_slice %arg2[%dma_start3A, %dma_start3A_17, %dma_start3A_18] : memref<2x10240x64xbf16, #tpu.memory_space<hbm>> -> memref<1x10240x64xbf16, #tpu.memory_space<hbm>>
      %dma_start3A_20 = tpu.memref_squeeze %dma_start3A_19 : memref<1x10240x64xbf16, #tpu.memory_space<hbm>> -> memref<10240x64xbf16, #tpu.memory_space<hbm>>
      %dma_start3A_21 = arith.constant 0 : i32
      %dma_start3A_22 = arith.constant 0 : i32
      %dma_start3A_23 = tpu.memref_slice %dma_start3A_20[%dma_start3A_21, %dma_start3A_22] : memref<10240x64xbf16, #tpu.memory_space<hbm>> -> memref<10240x64xbf16, #tpu.memory_space<hbm>>
      tpu.enqueue_indirect_dma source(%dma_start3A_23 : memref<10240x64xbf16, #tpu.memory_space<hbm>>) target(%arg9 : memref<128x64xbf16, #tpu.memory_space<vmem>>) offsets(%dma_start3A_16 : memref<128xi32, #tpu.memory_space<vmem>>) semaphore(%arg14 : memref<!tpu.dma_semaphore, #tpu.memory_space<semaphore_mem>>)
      %dma_start3A_24 = arith.constant 0 : i32
      %dma_start3A_25 = arith.constant 1 : i32
      %dma_start3A_26 = arith.constant 0 : i32
      %dma_start3A_27 = tpu.memref_slice %arg7[%dma_start3A_25, %dma_start3A_26] : memref<164x128xi32, #tpu.memory_space<vmem>> -> memref<1x128xi32, #tpu.memory_space<vmem>>
      %dma_start3A_28 = tpu.memref_squeeze %dma_start3A_27 : memref<1x128xi32, #tpu.memory_space<vmem>> -> memref<128xi32, #tpu.memory_space<vmem>>
      %dma_start3A_29 = arith.constant 0 : i32
      %dma_start3A_30 = arith.constant 0 : i32
      %dma_start3A_31 = tpu.memref_slice %arg2[%dma_start3A_24, %dma_start3A_29, %dma_start3A_30] : memref<2x10240x64xbf16, #tpu.memory_space<hbm>> -> memref<1x10240x64xbf16, #tpu.memory_space<hbm>>
      %dma_start3A_32 = tpu.memref_squeeze %dma_start3A_31 : memref<1x10240x64xbf16, #tpu.memory_space<hbm>> -> memref<10240x64xbf16, #tpu.memory_space<hbm>>
      %dma_start3A_33 = arith.constant 0 : i32
      %dma_start3A_34 = arith.constant 0 : i32
      %dma_start3A_35 = tpu.memref_slice %dma_start3A_32[%dma_start3A_33, %dma_start3A_34] : memref<10240x64xbf16, #tpu.memory_space<hbm>> -> memref<10240x64xbf16, #tpu.memory_space<hbm>>
      tpu.enqueue_indirect_dma source(%dma_start3A_35 : memref<10240x64xbf16, #tpu.memory_space<hbm>>) target(%arg10 : memref<128x64xbf16, #tpu.memory_space<vmem>>) offsets(%dma_start3A_28 : memref<128xi32, #tpu.memory_space<vmem>>) semaphore(%arg15 : memref<!tpu.dma_semaphore, #tpu.memory_space<semaphore_mem>>)
      %dma_start3A_36 = arith.constant 0 : i32
      %dma_start3A_37 = arith.constant 2 : i32
      %dma_start3A_38 = arith.constant 0 : i32
      %dma_start3A_39 = tpu.memref_slice %arg7[%dma_start3A_37, %dma_start3A_38] : memref<164x128xi32, #tpu.memory_space<vmem>> -> memref<1x128xi32, #tpu.memory_space<vmem>>
      %dma_start3A_40 = tpu.memref_squeeze %dma_start3A_39 : memref<1x128xi32, #tpu.memory_space<vmem>> -> memref<128xi32, #tpu.memory_space<vmem>>
      %dma_start3A_41 = arith.constant 0 : i32
      %dma_start3A_42 = arith.constant 0 : i32
      %dma_start3A_43 = tpu.memref_slice %arg2[%dma_start3A_36, %dma_start3A_41, %dma_start3A_42] : memref<2x10240x64xbf16, #tpu.memory_space<hbm>> -> memref<1x10240x64xbf16, #tpu.memory_space<hbm>>
      %dma_start3A_44 = tpu.memref_squeeze %dma_start3A_43 : memref<1x10240x64xbf16, #tpu.memory_space<hbm>> -> memref<10240x64xbf16, #tpu.memory_space<hbm>>
      %dma_start3A_45 = arith.constant 0 : i32
      %dma_start3A_46 = arith.constant 0 : i32
      %dma_start3A_47 = tpu.memref_slice %dma_start3A_44[%dma_start3A_45, %dma_start3A_46] : memref<10240x64xbf16, #tpu.memory_space<hbm>> -> memref<10240x64xbf16, #tpu.memory_space<hbm>>
      tpu.enqueue_indirect_dma source(%dma_start3A_47 : memref<10240x64xbf16, #tpu.memory_space<hbm>>) target(%arg11 : memref<128x64xbf16, #tpu.memory_space<vmem>>) offsets(%dma_start3A_40 : memref<128xi32, #tpu.memory_space<vmem>>) semaphore(%arg16 : memref<!tpu.dma_semaphore, #tpu.memory_space<semaphore_mem>>)
      %dma_start3A_48 = arith.constant 0 : i32
      %dma_start3A_49 = arith.constant 3 : i32
      %dma_start3A_50 = arith.constant 0 : i32
      %dma_start3A_51 = tpu.memref_slice %arg7[%dma_start3A_49, %dma_start3A_50] : memref<164x128xi32, #tpu.memory_space<vmem>> -> memref<1x128xi32, #tpu.memory_space<vmem>>
      %dma_start3A_52 = tpu.memref_squeeze %dma_start3A_51 : memref<1x128xi32, #tpu.memory_space<vmem>> -> memref<128xi32, #tpu.memory_space<vmem>>
      %dma_start3A_53 = arith.constant 0 : i32
      %dma_start3A_54 = arith.constant 0 : i32
      %dma_start3A_55 = tpu.memref_slice %arg2[%dma_start3A_48, %dma_start3A_53, %dma_start3A_54] : memref<2x10240x64xbf16, #tpu.memory_space<hbm>> -> memref<1x10240x64xbf16, #tpu.memory_space<hbm>>
      %dma_start3A_56 = tpu.memref_squeeze %dma_start3A_55 : memref<1x10240x64xbf16, #tpu.memory_space<hbm>> -> memref<10240x64xbf16, #tpu.memory_space<hbm>>
      %dma_start3A_57 = arith.constant 0 : i32
      %dma_start3A_58 = arith.constant 0 : i32
      %dma_start3A_59 = tpu.memref_slice %dma_start3A_56[%dma_start3A_57, %dma_start3A_58] : memref<10240x64xbf16, #tpu.memory_space<hbm>> -> memref<10240x64xbf16, #tpu.memory_space<hbm>>
      tpu.enqueue_indirect_dma source(%dma_start3A_59 : memref<10240x64xbf16, #tpu.memory_space<hbm>>) target(%arg12 : memref<128x64xbf16, #tpu.memory_space<vmem>>) offsets(%dma_start3A_52 : memref<128xi32, #tpu.memory_space<vmem>>) semaphore(%arg17 : memref<!tpu.dma_semaphore, #tpu.memory_space<semaphore_mem>>)
      %dma_wait3A = arith.constant 0 : i32
      %dma_wait3A_60 = arith.constant 0 : i32
      %dma_wait3A_61 = arith.constant 0 : i32
      %dma_wait3A_62 = tpu.memref_slice %arg7[%dma_wait3A_60, %dma_wait3A_61] : memref<164x128xi32, #tpu.memory_space<vmem>> -> memref<1x128xi32, #tpu.memory_space<vmem>>
      %dma_wait3A_63 = tpu.memref_squeeze %dma_wait3A_62 : memref<1x128xi32, #tpu.memory_space<vmem>> -> memref<128xi32, #tpu.memory_space<vmem>>
      %dma_wait3A_64 = arith.constant 0 : i32
      %dma_wait3A_65 = arith.constant 0 : i32
      %dma_wait3A_66 = tpu.memref_slice %arg2[%dma_wait3A, %dma_wait3A_64, %dma_wait3A_65] : memref<2x10240x64xbf16, #tpu.memory_space<hbm>> -> memref<1x10240x64xbf16, #tpu.memory_space<hbm>>
      %dma_wait3A_67 = tpu.memref_squeeze %dma_wait3A_66 : memref<1x10240x64xbf16, #tpu.memory_space<hbm>> -> memref<10240x64xbf16, #tpu.memory_space<hbm>>
      %dma_wait3A_68 = arith.constant 0 : i32
      %dma_wait3A_69 = arith.constant 0 : i32
      %dma_wait3A_70 = tpu.memref_slice %dma_wait3A_67[%dma_wait3A_68, %dma_wait3A_69] : memref<10240x64xbf16, #tpu.memory_space<hbm>> -> memref<10240x64xbf16, #tpu.memory_space<hbm>>
      tpu.wait_indirect_dma semaphore(%arg14 : memref<!tpu.dma_semaphore, #tpu.memory_space<semaphore_mem>>) src(%dma_wait3A_70 : memref<10240x64xbf16, #tpu.memory_space<hbm>>) dst(%arg9 : memref<128x64xbf16, #tpu.memory_space<vmem>>)
      %dma_start3A_71 = arith.constant 0 : i32
      %dma_start3A_72 = arith.constant 0 : i32
      %dma_start3A_73 = tpu.memref_slice %arg8[%dma_start3A_71, %dma_start3A_72] : memref<164x128xi32, #tpu.memory_space<vmem>> -> memref<1x128xi32, #tpu.memory_space<vmem>>
      %dma_start3A_74 = tpu.memref_squeeze %dma_start3A_73 : memref<1x128xi32, #tpu.memory_space<vmem>> -> memref<128xi32, #tpu.memory_space<vmem>>
      %dma_start3A_75 = arith.constant 0 : i32
      %dma_start3A_76 = arith.constant 0 : i32
      %dma_start3A_77 = tpu.memref_slice %arg13[%dma_start3A_75, %dma_start3A_76] : memref<10240x64xbf16, #tpu.memory_space<vmem_shared>> -> memref<10240x64xbf16, #tpu.memory_space<vmem_shared>>
      tpu.enqueue_indirect_dma source(%arg9 : memref<128x64xbf16, #tpu.memory_space<vmem>>) target(%dma_start3A_77 : memref<10240x64xbf16, #tpu.memory_space<vmem_shared>>) offsets(%dma_start3A_74 : memref<128xi32, #tpu.memory_space<vmem>>) semaphore(%arg18 : memref<!tpu.dma_semaphore, #tpu.memory_space<semaphore_mem>>) {add = true}
      %dma_wait3A_78 = arith.constant 0 : i32
      %dma_wait3A_79 = arith.constant 0 : i32
      %dma_wait3A_80 = tpu.memref_slice %arg8[%dma_wait3A_78, %dma_wait3A_79] : memref<164x128xi32, #tpu.memory_space<vmem>> -> memref<1x128xi32, #tpu.memory_space<vmem>>
      %dma_wait3A_81 = tpu.memref_squeeze %dma_wait3A_80 : memref<1x128xi32, #tpu.memory_space<vmem>> -> memref<128xi32, #tpu.memory_space<vmem>>
      %dma_wait3A_82 = arith.constant 0 : i32
      %dma_wait3A_83 = arith.constant 0 : i32
      %dma_wait3A_84 = tpu.memref_slice %arg13[%dma_wait3A_82, %dma_wait3A_83] : memref<10240x64xbf16, #tpu.memory_space<vmem_shared>> -> memref<10240x64xbf16, #tpu.memory_space<vmem_shared>>
      tpu.wait_indirect_dma semaphore(%arg18 : memref<!tpu.dma_semaphore, #tpu.memory_space<semaphore_mem>>) src(%arg9 : memref<128x64xbf16, #tpu.memory_space<vmem>>) dst(%dma_wait3A_84 : memref<10240x64xbf16, #tpu.memory_space<vmem_shared>>)
      %dma_start3A_85 = arith.constant 0 : i32
      %dma_start3A_86 = arith.constant 4 : i32
      %dma_start3A_87 = arith.constant 0 : i32
      %dma_start3A_88 = tpu.memref_slice %arg7[%dma_start3A_86, %dma_start3A_87] : memref<164x128xi32, #tpu.memory_space<vmem>> -> memref<1x128xi32, #tpu.memory_space<vmem>>
      %dma_start3A_89 = tpu.memref_squeeze %dma_start3A_88 : memref<1x128xi32, #tpu.memory_space<vmem>> -> memref<128xi32, #tpu.memory_space<vmem>>
      %dma_start3A_90 = arith.constant 0 : i32
      %dma_start3A_91 = arith.constant 0 : i32
      %dma_start3A_92 = tpu.memref_slice %arg2[%dma_start3A_85, %dma_start3A_90, %dma_start3A_91] : memref<2x10240x64xbf16, #tpu.memory_space<hbm>> -> memref<1x10240x64xbf16, #tpu.memory_space<hbm>>
      %dma_start3A_93 = tpu.memref_squeeze %dma_start3A_92 : memref<1x10240x64xbf16, #tpu.memory_space<hbm>> -> memref<10240x64xbf16, #tpu.memory_space<hbm>>
      %dma_start3A_94 = arith.constant 0 : i32
      %dma_start3A_95 = arith.constant 0 : i32
      %dma_start3A_96 = tpu.memref_slice %dma_start3A_93[%dma_start3A_94, %dma_start3A_95] : memref<10240x64xbf16, #tpu.memory_space<hbm>> -> memref<10240x64xbf16, #tpu.memory_space<hbm>>
      tpu.enqueue_indirect_dma source(%dma_start3A_96 : memref<10240x64xbf16, #tpu.memory_space<hbm>>) target(%arg9 : memref<128x64xbf16, #tpu.memory_space<vmem>>) offsets(%dma_start3A_89 : memref<128xi32, #tpu.memory_space<vmem>>) semaphore(%arg14 : memref<!tpu.dma_semaphore, #tpu.memory_space<semaphore_mem>>)
      %dma_wait3A_97 = arith.constant 0 : i32
      %dma_wait3A_98 = arith.constant 1 : i32
      %dma_wait3A_99 = arith.constant 0 : i32
      %dma_wait3A_100 = tpu.memref_slice %arg7[%dma_wait3A_98, %dma_wait3A_99] : memref<164x128xi32, #tpu.memory_space<vmem>> -> memref<1x128xi32, #tpu.memory_space<vmem>>
      %dma_wait3A_101 = tpu.memref_squeeze %dma_wait3A_100 : memref<1x128xi32, #tpu.memory_space<vmem>> -> memref<128xi32, #tpu.memory_space<vmem>>
      %dma_wait3A_102 = arith.constant 0 : i32
      %dma_wait3A_103 = arith.constant 0 : i32
      %dma_wait3A_104 = tpu.memref_slice %arg2[%dma_wait3A_97, %dma_wait3A_102, %dma_wait3A_103] : memref<2x10240x64xbf16, #tpu.memory_space<hbm>> -> memref<1x10240x64xbf16, #tpu.memory_space<hbm>>
      %dma_wait3A_105 = tpu.memref_squeeze %dma_wait3A_104 : memref<1x10240x64xbf16, #tpu.memory_space<hbm>> -> memref<10240x64xbf16, #tpu.memory_space<hbm>>
      %dma_wait3A_106 = arith.constant 0 : i32
      %dma_wait3A_107 = arith.constant 0 : i32
      %dma_wait3A_108 = tpu.memref_slice %dma_wait3A_105[%dma_wait3A_106, %dma_wait3A_107] : memref<10240x64xbf16, #tpu.memory_space<hbm>> -> memref<10240x64xbf16, #tpu.memory_space<hbm>>
      tpu.wait_indirect_dma semaphore(%arg15 : memref<!tpu.dma_semaphore, #tpu.memory_space<semaphore_mem>>) src(%dma_wait3A_108 : memref<10240x64xbf16, #tpu.memory_space<hbm>>) dst(%arg10 : memref<128x64xbf16, #tpu.memory_space<vmem>>)
      %dma_start3A_109 = arith.constant 1 : i32
      %dma_start3A_110 = arith.constant 0 : i32
      %dma_start3A_111 = tpu.memref_slice %arg8[%dma_start3A_109, %dma_start3A_110] : memref<164x128xi32, #tpu.memory_space<vmem>> -> memref<1x128xi32, #tpu.memory_space<vmem>>
      %dma_start3A_112 = tpu.memref_squeeze %dma_start3A_111 : memref<1x128xi32, #tpu.memory_space<vmem>> -> memref<128xi32, #tpu.memory_space<vmem>>
      %dma_start3A_113 = arith.constant 0 : i32
      %dma_start3A_114 = arith.constant 0 : i32
      %dma_start3A_115 = tpu.memref_slice %arg13[%dma_start3A_113, %dma_start3A_114] : memref<10240x64xbf16, #tpu.memory_space<vmem_shared>> -> memref<10240x64xbf16, #tpu.memory_space<vmem_shared>>
      tpu.enqueue_indirect_dma source(%arg10 : memref<128x64xbf16, #tpu.memory_space<vmem>>) target(%dma_start3A_115 : memref<10240x64xbf16, #tpu.memory_space<vmem_shared>>) offsets(%dma_start3A_112 : memref<128xi32, #tpu.memory_space<vmem>>) semaphore(%arg19 : memref<!tpu.dma_semaphore, #tpu.memory_space<semaphore_mem>>) {add = true}
      %dma_wait3A_116 = arith.constant 1 : i32
      %dma_wait3A_117 = arith.constant 0 : i32
      %dma_wait3A_118 = tpu.memref_slice %arg8[%dma_wait3A_116, %dma_wait3A_117] : memref<164x128xi32, #tpu.memory_space<vmem>> -> memref<1x128xi32, #tpu.memory_space<vmem>>
      %dma_wait3A_119 = tpu.memref_squeeze %dma_wait3A_118 : memref<1x128xi32, #tpu.memory_space<vmem>> -> memref<128xi32, #tpu.memory_space<vmem>>
      %dma_wait3A_120 = arith.constant 0 : i32
      %dma_wait3A_121 = arith.constant 0 : i32
      %dma_wait3A_122 = tpu.memref_slice %arg13[%dma_wait3A_120, %dma_wait3A_121] : memref<10240x64xbf16, #tpu.memory_space<vmem_shared>> -> memref<10240x64xbf16, #tpu.memory_space<vmem_shared>>
      tpu.wait_indirect_dma semaphore(%arg19 : memref<!tpu.dma_semaphore, #tpu.memory_space<semaphore_mem>>) src(%arg10 : memref<128x64xbf16, #tpu.memory_space<vmem>>) dst(%dma_wait3A_122 : memref<10240x64xbf16, #tpu.memory_space<vmem_shared>>)
      %dma_start3A_123 = arith.constant 0 : i32
      %dma_start3A_124 = arith.constant 5 : i32
      %dma_start3A_125 = arith.constant 0 : i32
      %dma_start3A_126 = tpu.memref_slice %arg7[%dma_start3A_124, %dma_start3A_125] : memref<164x128xi32, #tpu.memory_space<vmem>> -> memref<1x128xi32, #tpu.memory_space<vmem>>
      %dma_start3A_127 = tpu.memref_squeeze %dma_start3A_126 : memref<1x128xi32, #tpu.memory_space<vmem>> -> memref<128xi32, #tpu.memory_space<vmem>>
      %dma_start3A_128 = arith.constant 0 : i32
      %dma_start3A_129 = arith.constant 0 : i32
      %dma_start3A_130 = tpu.memref_slice %arg2[%dma_start3A_123, %dma_start3A_128, %dma_start3A_129] : memref<2x10240x64xbf16, #tpu.memory_space<hbm>> -> memref<1x10240x64xbf16, #tpu.memory_space<hbm>>
      %dma_start3A_131 = tpu.memref_squeeze %dma_start3A_130 : memref<1x10240x64xbf16, #tpu.memory_space<hbm>> -> memref<10240x64xbf16, #tpu.memory_space<hbm>>
      %dma_start3A_132 = arith.constant 0 : i32
      %dma_start3A_133 = arith.constant 0 : i32
      %dma_start3A_134 = tpu.memref_slice %dma_start3A_131[%dma_start3A_132, %dma_start3A_133] : memref<10240x64xbf16, #tpu.memory_space<hbm>> -> memref<10240x64xbf16, #tpu.memory_space<hbm>>
      tpu.enqueue_indirect_dma source(%dma_start3A_134 : memref<10240x64xbf16, #tpu.memory_space<hbm>>) target(%arg10 : memref<128x64xbf16, #tpu.memory_space<vmem>>) offsets(%dma_start3A_127 : memref<128xi32, #tpu.memory_space<vmem>>) semaphore(%arg15 : memref<!tpu.dma_semaphore, #tpu.memory_space<semaphore_mem>>)
      %dma_wait3A_135 = arith.constant 0 : i32
      %dma_wait3A_136 = arith.constant 2 : i32
      %dma_wait3A_137 = arith.constant 0 : i32
      %dma_wait3A_138 = tpu.memref_slice %arg7[%dma_wait3A_136, %dma_wait3A_137] : memref<164x128xi32, #tpu.memory_space<vmem>> -> memref<1x128xi32, #tpu.memory_space<vmem>>
      %dma_wait3A_139 = tpu.memref_squeeze %dma_wait3A_138 : memref<1x128xi32, #tpu.memory_space<vmem>> -> memref<128xi32, #tpu.memory_space<vmem>>
      %dma_wait3A_140 = arith.constant 0 : i32
      %dma_wait3A_141 = arith.constant 0 : i32
      %dma_wait3A_142 = tpu.memref_slice %arg2[%dma_wait3A_135, %dma_wait3A_140, %dma_wait3A_141] : memref<2x10240x64xbf16, #tpu.memory_space<hbm>> -> memref<1x10240x64xbf16, #tpu.memory_space<hbm>>
      %dma_wait3A_143 = tpu.memref_squeeze %dma_wait3A_142 : memref<1x10240x64xbf16, #tpu.memory_space<hbm>> -> memref<10240x64xbf16, #tpu.memory_space<hbm>>
      %dma_wait3A_144 = arith.constant 0 : i32
      %dma_wait3A_145 = arith.constant 0 : i32
      %dma_wait3A_146 = tpu.memref_slice %dma_wait3A_143[%dma_wait3A_144, %dma_wait3A_145] : memref<10240x64xbf16, #tpu.memory_space<hbm>> -> memref<10240x64xbf16, #tpu.memory_space<hbm>>
      tpu.wait_indirect_dma semaphore(%arg16 : memref<!tpu.dma_semaphore, #tpu.memory_space<semaphore_mem>>) src(%dma_wait3A_146 : memref<10240x64xbf16, #tpu.memory_space<hbm>>) dst(%arg11 : memref<128x64xbf16, #tpu.memory_space<vmem>>)
      %dma_start3A_147 = arith.constant 2 : i32
      %dma_start3A_148 = arith.constant 0 : i32
      %dma_start3A_149 = tpu.memref_slice %arg8[%dma_start3A_147, %dma_start3A_148] : memref<164x128xi32, #tpu.memory_space<vmem>> -> memref<1x128xi32, #tpu.memory_space<vmem>>
      %dma_start3A_150 = tpu.memref_squeeze %dma_start3A_149 : memref<1x128xi32, #tpu.memory_space<vmem>> -> memref<128xi32, #tpu.memory_space<vmem>>
      %dma_start3A_151 = arith.constant 0 : i32
      %dma_start3A_152 = arith.constant 0 : i32
      %dma_start3A_153 = tpu.memref_slice %arg13[%dma_start3A_151, %dma_start3A_152] : memref<10240x64xbf16, #tpu.memory_space<vmem_shared>> -> memref<10240x64xbf16, #tpu.memory_space<vmem_shared>>
      tpu.enqueue_indirect_dma source(%arg11 : memref<128x64xbf16, #tpu.memory_space<vmem>>) target(%dma_start3A_153 : memref<10240x64xbf16, #tpu.memory_space<vmem_shared>>) offsets(%dma_start3A_150 : memref<128xi32, #tpu.memory_space<vmem>>) semaphore(%arg20 : memref<!tpu.dma_semaphore, #tpu.memory_space<semaphore_mem>>) {add = true}
      %dma_wait3A_154 = arith.constant 2 : i32
      %dma_wait3A_155 = arith.constant 0 : i32
      %dma_wait3A_156 = tpu.memref_slice %arg8[%dma_wait3A_154, %dma_wait3A_155] : memref<164x128xi32, #tpu.memory_space<vmem>> -> memref<1x128xi32, #tpu.memory_space<vmem>>
      %dma_wait3A_157 = tpu.memref_squeeze %dma_wait3A_156 : memref<1x128xi32, #tpu.memory_space<vmem>> -> memref<128xi32, #tpu.memory_space<vmem>>
      %dma_wait3A_158 = arith.constant 0 : i32
      %dma_wait3A_159 = arith.constant 0 : i32
      %dma_wait3A_160 = tpu.memref_slice %arg13[%dma_wait3A_158, %dma_wait3A_159] : memref<10240x64xbf16, #tpu.memory_space<vmem_shared>> -> memref<10240x64xbf16, #tpu.memory_space<vmem_shared>>
      tpu.wait_indirect_dma semaphore(%arg20 : memref<!tpu.dma_semaphore, #tpu.memory_space<semaphore_mem>>) src(%arg11 : memref<128x64xbf16, #tpu.memory_space<vmem>>) dst(%dma_wait3A_160 : memref<10240x64xbf16, #tpu.memory_space<vmem_shared>>)
      %dma_start3A_161 = arith.constant 0 : i32
      %dma_start3A_162 = arith.constant 6 : i32
      %dma_start3A_163 = arith.constant 0 : i32
      %dma_start3A_164 = tpu.memref_slice %arg7[%dma_start3A_162, %dma_start3A_163] : memref<164x128xi32, #tpu.memory_space<vmem>> -> memref<1x128xi32, #tpu.memory_space<vmem>>
      %dma_start3A_165 = tpu.memref_squeeze %dma_start3A_164 : memref<1x128xi32, #tpu.memory_space<vmem>> -> memref<128xi32, #tpu.memory_space<vmem>>
      %dma_start3A_166 = arith.constant 0 : i32
      %dma_start3A_167 = arith.constant 0 : i32
      %dma_start3A_168 = tpu.memref_slice %arg2[%dma_start3A_161, %dma_start3A_166, %dma_start3A_167] : memref<2x10240x64xbf16, #tpu.memory_space<hbm>> -> memref<1x10240x64xbf16, #tpu.memory_space<hbm>>
      %dma_start3A_169 = tpu.memref_squeeze %dma_start3A_168 : memref<1x10240x64xbf16, #tpu.memory_space<hbm>> -> memref<10240x64xbf16, #tpu.memory_space<hbm>>
      %dma_start3A_170 = arith.constant 0 : i32
      %dma_start3A_171 = arith.constant 0 : i32
      %dma_start3A_172 = tpu.memref_slice %dma_start3A_169[%dma_start3A_170, %dma_start3A_171] : memref<10240x64xbf16, #tpu.memory_space<hbm>> -> memref<10240x64xbf16, #tpu.memory_space<hbm>>
      tpu.enqueue_indirect_dma source(%dma_start3A_172 : memref<10240x64xbf16, #tpu.memory_space<hbm>>) target(%arg11 : memref<128x64xbf16, #tpu.memory_space<vmem>>) offsets(%dma_start3A_165 : memref<128xi32, #tpu.memory_space<vmem>>) semaphore(%arg16 : memref<!tpu.dma_semaphore, #tpu.memory_space<semaphore_mem>>)
      %dma_wait3A_173 = arith.constant 0 : i32
      %dma_wait3A_174 = arith.constant 3 : i32
      %dma_wait3A_175 = arith.constant 0 : i32
      %dma_wait3A_176 = tpu.memref_slice %arg7[%dma_wait3A_174, %dma_wait3A_175] : memref<164x128xi32, #tpu.memory_space<vmem>> -> memref<1x128xi32, #tpu.memory_space<vmem>>
      %dma_wait3A_177 = tpu.memref_squeeze %dma_wait3A_176 : memref<1x128xi32, #tpu.memory_space<vmem>> -> memref<128xi32, #tpu.memory_space<vmem>>
      %dma_wait3A_178 = arith.constant 0 : i32
      %dma_wait3A_179 = arith.constant 0 : i32
      %dma_wait3A_180 = tpu.memref_slice %arg2[%dma_wait3A_173, %dma_wait3A_178, %dma_wait3A_179] : memref<2x10240x64xbf16, #tpu.memory_space<hbm>> -> memref<1x10240x64xbf16, #tpu.memory_space<hbm>>
      %dma_wait3A_181 = tpu.memref_squeeze %dma_wait3A_180 : memref<1x10240x64xbf16, #tpu.memory_space<hbm>> -> memref<10240x64xbf16, #tpu.memory_space<hbm>>
      %dma_wait3A_182 = arith.constant 0 : i32
      %dma_wait3A_183 = arith.constant 0 : i32
      %dma_wait3A_184 = tpu.memref_slice %dma_wait3A_181[%dma_wait3A_182, %dma_wait3A_183] : memref<10240x64xbf16, #tpu.memory_space<hbm>> -> memref<10240x64xbf16, #tpu.memory_space<hbm>>
      tpu.wait_indirect_dma semaphore(%arg17 : memref<!tpu.dma_semaphore, #tpu.memory_space<semaphore_mem>>) src(%dma_wait3A_184 : memref<10240x64xbf16, #tpu.memory_space<hbm>>) dst(%arg12 : memref<128x64xbf16, #tpu.memory_space<vmem>>)
      %dma_start3A_185 = arith.constant 3 : i32
      %dma_start3A_186 = arith.constant 0 : i32
      %dma_start3A_187 = tpu.memref_slice %arg8[%dma_start3A_185, %dma_start3A_186] : memref<164x128xi32, #tpu.memory_space<vmem>> -> memref<1x128xi32, #tpu.memory_space<vmem>>
      %dma_start3A_188 = tpu.memref_squeeze %dma_start3A_187 : memref<1x128xi32, #tpu.memory_space<vmem>> -> memref<128xi32, #tpu.memory_space<vmem>>
      %dma_start3A_189 = arith.constant 0 : i32
      %dma_start3A_190 = arith.constant 0 : i32
      %dma_start3A_191 = tpu.memref_slice %arg13[%dma_start3A_189, %dma_start3A_190] : memref<10240x64xbf16, #tpu.memory_space<vmem_shared>> -> memref<10240x64xbf16, #tpu.memory_space<vmem_shared>>
      tpu.enqueue_indirect_dma source(%arg12 : memref<128x64xbf16, #tpu.memory_space<vmem>>) target(%dma_start3A_191 : memref<10240x64xbf16, #tpu.memory_space<vmem_shared>>) offsets(%dma_start3A_188 : memref<128xi32, #tpu.memory_space<vmem>>) semaphore(%arg21 : memref<!tpu.dma_semaphore, #tpu.memory_space<semaphore_mem>>) {add = true}
      %scan3A = arith.constant 0 : i32
      %scan3A_192 = arith.constant 0 : i32
      %scan3A_193 = arith.constant 1 : i32
      %scan3A_194 = arith.constant 39 : i32
      %scan3A_195 = arith.addi %scan3A_193, %scan3A_194 : i32
      %scan3A_196 = arith.constant 1 : i32
      %scan3A_197 = scf.for %scan3A_322 = %scan3A_193 to %scan3A_195 step %scan3A_196 iter_args(%scan3A_323 = %scan3A_192) -> (i32)  : i32 {
        %mul3A_324 = arith.constant 4 : i32
        %mul3A_325 = arith.muli %mul3A_324, %scan3A_322 : i32
        %add3A = arith.constant 0 : i32
        %add3A_326 = arith.addi %mul3A_325, %add3A : i32
        %sub3A = arith.constant 1 : i32
        %sub3A_327 = arith.subi %add3A_326, %sub3A : i32
        %dma_wait3A_328 = arith.constant 0 : i32
        %dma_wait3A_329 = tpu.memref_slice %arg8[%sub3A_327, %dma_wait3A_328] : memref<164x128xi32, #tpu.memory_space<vmem>> -> memref<1x128xi32, #tpu.memory_space<vmem>>
        %dma_wait3A_330 = tpu.memref_squeeze %dma_wait3A_329 : memref<1x128xi32, #tpu.memory_space<vmem>> -> memref<128xi32, #tpu.memory_space<vmem>>
        %dma_wait3A_331 = arith.constant 0 : i32
        %dma_wait3A_332 = arith.constant 0 : i32
        %dma_wait3A_333 = tpu.memref_slice %arg13[%dma_wait3A_331, %dma_wait3A_332] : memref<10240x64xbf16, #tpu.memory_space<vmem_shared>> -> memref<10240x64xbf16, #tpu.memory_space<vmem_shared>>
        tpu.wait_indirect_dma semaphore(%arg21 : memref<!tpu.dma_semaphore, #tpu.memory_space<semaphore_mem>>) src(%arg12 : memref<128x64xbf16, #tpu.memory_space<vmem>>) dst(%dma_wait3A_333 : memref<10240x64xbf16, #tpu.memory_space<vmem_shared>>)
        %add3A_334 = arith.constant 3 : i32
        %add3A_335 = arith.addi %add3A_326, %add3A_334 : i32
        %dma_start3A_336 = arith.constant 0 : i32
        %dma_start3A_337 = tpu.memref_slice %arg7[%add3A_335, %dma_start3A_336] : memref<164x128xi32, #tpu.memory_space<vmem>> -> memref<1x128xi32, #tpu.memory_space<vmem>>
        %dma_start3A_338 = tpu.memref_squeeze %dma_start3A_337 : memref<1x128xi32, #tpu.memory_space<vmem>> -> memref<128xi32, #tpu.memory_space<vmem>>
        %dma_start3A_339 = arith.constant 0 : i32
        %dma_start3A_340 = arith.constant 0 : i32
        %dma_start3A_341 = tpu.memref_slice %arg2[%scan3A, %dma_start3A_339, %dma_start3A_340] : memref<2x10240x64xbf16, #tpu.memory_space<hbm>> -> memref<1x10240x64xbf16, #tpu.memory_space<hbm>>
        %dma_start3A_342 = tpu.memref_squeeze %dma_start3A_341 : memref<1x10240x64xbf16, #tpu.memory_space<hbm>> -> memref<10240x64xbf16, #tpu.memory_space<hbm>>
        %dma_start3A_343 = arith.constant 0 : i32
        %dma_start3A_344 = arith.constant 0 : i32
        %dma_start3A_345 = tpu.memref_slice %dma_start3A_342[%dma_start3A_343, %dma_start3A_344] : memref<10240x64xbf16, #tpu.memory_space<hbm>> -> memref<10240x64xbf16, #tpu.memory_space<hbm>>
        tpu.enqueue_indirect_dma source(%dma_start3A_345 : memref<10240x64xbf16, #tpu.memory_space<hbm>>) target(%arg12 : memref<128x64xbf16, #tpu.memory_space<vmem>>) offsets(%dma_start3A_338 : memref<128xi32, #tpu.memory_space<vmem>>) semaphore(%arg17 : memref<!tpu.dma_semaphore, #tpu.memory_space<semaphore_mem>>)
        %dma_wait3A_346 = arith.constant 0 : i32
        %dma_wait3A_347 = tpu.memref_slice %arg7[%add3A_326, %dma_wait3A_346] : memref<164x128xi32, #tpu.memory_space<vmem>> -> memref<1x128xi32, #tpu.memory_space<vmem>>
        %dma_wait3A_348 = tpu.memref_squeeze %dma_wait3A_347 : memref<1x128xi32, #tpu.memory_space<vmem>> -> memref<128xi32, #tpu.memory_space<vmem>>
        %dma_wait3A_349 = arith.constant 0 : i32
        %dma_wait3A_350 = arith.constant 0 : i32
        %dma_wait3A_351 = tpu.memref_slice %arg2[%scan3A, %dma_wait3A_349, %dma_wait3A_350] : memref<2x10240x64xbf16, #tpu.memory_space<hbm>> -> memref<1x10240x64xbf16, #tpu.memory_space<hbm>>
        %dma_wait3A_352 = tpu.memref_squeeze %dma_wait3A_351 : memref<1x10240x64xbf16, #tpu.memory_space<hbm>> -> memref<10240x64xbf16, #tpu.memory_space<hbm>>
        %dma_wait3A_353 = arith.constant 0 : i32
        %dma_wait3A_354 = arith.constant 0 : i32
        %dma_wait3A_355 = tpu.memref_slice %dma_wait3A_352[%dma_wait3A_353, %dma_wait3A_354] : memref<10240x64xbf16, #tpu.memory_space<hbm>> -> memref<10240x64xbf16, #tpu.memory_space<hbm>>
        tpu.wait_indirect_dma semaphore(%arg14 : memref<!tpu.dma_semaphore, #tpu.memory_space<semaphore_mem>>) src(%dma_wait3A_355 : memref<10240x64xbf16, #tpu.memory_space<hbm>>) dst(%arg9 : memref<128x64xbf16, #tpu.memory_space<vmem>>)
        %dma_start3A_356 = arith.constant 0 : i32
        %dma_start3A_357 = tpu.memref_slice %arg8[%add3A_326, %dma_start3A_356] : memref<164x128xi32, #tpu.memory_space<vmem>> -> memref<1x128xi32, #tpu.memory_space<vmem>>
        %dma_start3A_358 = tpu.memref_squeeze %dma_start3A_357 : memref<1x128xi32, #tpu.memory_space<vmem>> -> memref<128xi32, #tpu.memory_space<vmem>>
        %dma_start3A_359 = arith.constant 0 : i32
        %dma_start3A_360 = arith.constant 0 : i32
        %dma_start3A_361 = tpu.memref_slice %arg13[%dma_start3A_359, %dma_start3A_360] : memref<10240x64xbf16, #tpu.memory_space<vmem_shared>> -> memref<10240x64xbf16, #tpu.memory_space<vmem_shared>>
        tpu.enqueue_indirect_dma source(%arg9 : memref<128x64xbf16, #tpu.memory_space<vmem>>) target(%dma_start3A_361 : memref<10240x64xbf16, #tpu.memory_space<vmem_shared>>) offsets(%dma_start3A_358 : memref<128xi32, #tpu.memory_space<vmem>>) semaphore(%arg18 : memref<!tpu.dma_semaphore, #tpu.memory_space<semaphore_mem>>) {add = true}
        %mul3A_362 = arith.constant 4 : i32
        %mul3A_363 = arith.muli %mul3A_362, %scan3A_322 : i32
        %add3A_364 = arith.constant 1 : i32
        %add3A_365 = arith.addi %mul3A_363, %add3A_364 : i32
        %sub3A_366 = arith.constant 1 : i32
        %sub3A_367 = arith.subi %add3A_365, %sub3A_366 : i32
        %dma_wait3A_368 = arith.constant 0 : i32
        %dma_wait3A_369 = tpu.memref_slice %arg8[%sub3A_367, %dma_wait3A_368] : memref<164x128xi32, #tpu.memory_space<vmem>> -> memref<1x128xi32, #tpu.memory_space<vmem>>
        %dma_wait3A_370 = tpu.memref_squeeze %dma_wait3A_369 : memref<1x128xi32, #tpu.memory_space<vmem>> -> memref<128xi32, #tpu.memory_space<vmem>>
        %dma_wait3A_371 = arith.constant 0 : i32
        %dma_wait3A_372 = arith.constant 0 : i32
        %dma_wait3A_373 = tpu.memref_slice %arg13[%dma_wait3A_371, %dma_wait3A_372] : memref<10240x64xbf16, #tpu.memory_space<vmem_shared>> -> memref<10240x64xbf16, #tpu.memory_space<vmem_shared>>
        tpu.wait_indirect_dma semaphore(%arg18 : memref<!tpu.dma_semaphore, #tpu.memory_space<semaphore_mem>>) src(%arg9 : memref<128x64xbf16, #tpu.memory_space<vmem>>) dst(%dma_wait3A_373 : memref<10240x64xbf16, #tpu.memory_space<vmem_shared>>)
        %add3A_374 = arith.constant 3 : i32
        %add3A_375 = arith.addi %add3A_365, %add3A_374 : i32
        %dma_start3A_376 = arith.constant 0 : i32
        %dma_start3A_377 = tpu.memref_slice %arg7[%add3A_375, %dma_start3A_376] : memref<164x128xi32, #tpu.memory_space<vmem>> -> memref<1x128xi32, #tpu.memory_space<vmem>>
        %dma_start3A_378 = tpu.memref_squeeze %dma_start3A_377 : memref<1x128xi32, #tpu.memory_space<vmem>> -> memref<128xi32, #tpu.memory_space<vmem>>
        %dma_start3A_379 = arith.constant 0 : i32
        %dma_start3A_380 = arith.constant 0 : i32
        %dma_start3A_381 = tpu.memref_slice %arg2[%scan3A, %dma_start3A_379, %dma_start3A_380] : memref<2x10240x64xbf16, #tpu.memory_space<hbm>> -> memref<1x10240x64xbf16, #tpu.memory_space<hbm>>
        %dma_start3A_382 = tpu.memref_squeeze %dma_start3A_381 : memref<1x10240x64xbf16, #tpu.memory_space<hbm>> -> memref<10240x64xbf16, #tpu.memory_space<hbm>>
        %dma_start3A_383 = arith.constant 0 : i32
        %dma_start3A_384 = arith.constant 0 : i32
        %dma_start3A_385 = tpu.memref_slice %dma_start3A_382[%dma_start3A_383, %dma_start3A_384] : memref<10240x64xbf16, #tpu.memory_space<hbm>> -> memref<10240x64xbf16, #tpu.memory_space<hbm>>
        tpu.enqueue_indirect_dma source(%dma_start3A_385 : memref<10240x64xbf16, #tpu.memory_space<hbm>>) target(%arg9 : memref<128x64xbf16, #tpu.memory_space<vmem>>) offsets(%dma_start3A_378 : memref<128xi32, #tpu.memory_space<vmem>>) semaphore(%arg14 : memref<!tpu.dma_semaphore, #tpu.memory_space<semaphore_mem>>)
        %dma_wait3A_386 = arith.constant 0 : i32
        %dma_wait3A_387 = tpu.memref_slice %arg7[%add3A_365, %dma_wait3A_386] : memref<164x128xi32, #tpu.memory_space<vmem>> -> memref<1x128xi32, #tpu.memory_space<vmem>>
        %dma_wait3A_388 = tpu.memref_squeeze %dma_wait3A_387 : memref<1x128xi32, #tpu.memory_space<vmem>> -> memref<128xi32, #tpu.memory_space<vmem>>
        %dma_wait3A_389 = arith.constant 0 : i32
        %dma_wait3A_390 = arith.constant 0 : i32
        %dma_wait3A_391 = tpu.memref_slice %arg2[%scan3A, %dma_wait3A_389, %dma_wait3A_390] : memref<2x10240x64xbf16, #tpu.memory_space<hbm>> -> memref<1x10240x64xbf16, #tpu.memory_space<hbm>>
        %dma_wait3A_392 = tpu.memref_squeeze %dma_wait3A_391 : memref<1x10240x64xbf16, #tpu.memory_space<hbm>> -> memref<10240x64xbf16, #tpu.memory_space<hbm>>
        %dma_wait3A_393 = arith.constant 0 : i32
        %dma_wait3A_394 = arith.constant 0 : i32
        %dma_wait3A_395 = tpu.memref_slice %dma_wait3A_392[%dma_wait3A_393, %dma_wait3A_394] : memref<10240x64xbf16, #tpu.memory_space<hbm>> -> memref<10240x64xbf16, #tpu.memory_space<hbm>>
        tpu.wait_indirect_dma semaphore(%arg15 : memref<!tpu.dma_semaphore, #tpu.memory_space<semaphore_mem>>) src(%dma_wait3A_395 : memref<10240x64xbf16, #tpu.memory_space<hbm>>) dst(%arg10 : memref<128x64xbf16, #tpu.memory_space<vmem>>)
        %dma_start3A_396 = arith.constant 0 : i32
        %dma_start3A_397 = tpu.memref_slice %arg8[%add3A_365, %dma_start3A_396] : memref<164x128xi32, #tpu.memory_space<vmem>> -> memref<1x128xi32, #tpu.memory_space<vmem>>
        %dma_start3A_398 = tpu.memref_squeeze %dma_start3A_397 : memref<1x128xi32, #tpu.memory_space<vmem>> -> memref<128xi32, #tpu.memory_space<vmem>>
        %dma_start3A_399 = arith.constant 0 : i32
        %dma_start3A_400 = arith.constant 0 : i32
        %dma_start3A_401 = tpu.memref_slice %arg13[%dma_start3A_399, %dma_start3A_400] : memref<10240x64xbf16, #tpu.memory_space<vmem_shared>> -> memref<10240x64xbf16, #tpu.memory_space<vmem_shared>>
        tpu.enqueue_indirect_dma source(%arg10 : memref<128x64xbf16, #tpu.memory_space<vmem>>) target(%dma_start3A_401 : memref<10240x64xbf16, #tpu.memory_space<vmem_shared>>) offsets(%dma_start3A_398 : memref<128xi32, #tpu.memory_space<vmem>>) semaphore(%arg19 : memref<!tpu.dma_semaphore, #tpu.memory_space<semaphore_mem>>) {add = true}
        %mul3A_402 = arith.constant 4 : i32
        %mul3A_403 = arith.muli %mul3A_402, %scan3A_322 : i32
        %add3A_404 = arith.constant 2 : i32
        %add3A_405 = arith.addi %mul3A_403, %add3A_404 : i32
        %sub3A_406 = arith.constant 1 : i32
        %sub3A_407 = arith.subi %add3A_405, %sub3A_406 : i32
        %dma_wait3A_408 = arith.constant 0 : i32
        %dma_wait3A_409 = tpu.memref_slice %arg8[%sub3A_407, %dma_wait3A_408] : memref<164x128xi32, #tpu.memory_space<vmem>> -> memref<1x128xi32, #tpu.memory_space<vmem>>
        %dma_wait3A_410 = tpu.memref_squeeze %dma_wait3A_409 : memref<1x128xi32, #tpu.memory_space<vmem>> -> memref<128xi32, #tpu.memory_space<vmem>>
        %dma_wait3A_411 = arith.constant 0 : i32
        %dma_wait3A_412 = arith.constant 0 : i32
        %dma_wait3A_413 = tpu.memref_slice %arg13[%dma_wait3A_411, %dma_wait3A_412] : memref<10240x64xbf16, #tpu.memory_space<vmem_shared>> -> memref<10240x64xbf16, #tpu.memory_space<vmem_shared>>
        tpu.wait_indirect_dma semaphore(%arg19 : memref<!tpu.dma_semaphore, #tpu.memory_space<semaphore_mem>>) src(%arg10 : memref<128x64xbf16, #tpu.memory_space<vmem>>) dst(%dma_wait3A_413 : memref<10240x64xbf16, #tpu.memory_space<vmem_shared>>)
        %add3A_414 = arith.constant 3 : i32
        %add3A_415 = arith.addi %add3A_405, %add3A_414 : i32
        %dma_start3A_416 = arith.constant 0 : i32
        %dma_start3A_417 = tpu.memref_slice %arg7[%add3A_415, %dma_start3A_416] : memref<164x128xi32, #tpu.memory_space<vmem>> -> memref<1x128xi32, #tpu.memory_space<vmem>>
        %dma_start3A_418 = tpu.memref_squeeze %dma_start3A_417 : memref<1x128xi32, #tpu.memory_space<vmem>> -> memref<128xi32, #tpu.memory_space<vmem>>
        %dma_start3A_419 = arith.constant 0 : i32
        %dma_start3A_420 = arith.constant 0 : i32
        %dma_start3A_421 = tpu.memref_slice %arg2[%scan3A, %dma_start3A_419, %dma_start3A_420] : memref<2x10240x64xbf16, #tpu.memory_space<hbm>> -> memref<1x10240x64xbf16, #tpu.memory_space<hbm>>
        %dma_start3A_422 = tpu.memref_squeeze %dma_start3A_421 : memref<1x10240x64xbf16, #tpu.memory_space<hbm>> -> memref<10240x64xbf16, #tpu.memory_space<hbm>>
        %dma_start3A_423 = arith.constant 0 : i32
        %dma_start3A_424 = arith.constant 0 : i32
        %dma_start3A_425 = tpu.memref_slice %dma_start3A_422[%dma_start3A_423, %dma_start3A_424] : memref<10240x64xbf16, #tpu.memory_space<hbm>> -> memref<10240x64xbf16, #tpu.memory_space<hbm>>
        tpu.enqueue_indirect_dma source(%dma_start3A_425 : memref<10240x64xbf16, #tpu.memory_space<hbm>>) target(%arg10 : memref<128x64xbf16, #tpu.memory_space<vmem>>) offsets(%dma_start3A_418 : memref<128xi32, #tpu.memory_space<vmem>>) semaphore(%arg15 : memref<!tpu.dma_semaphore, #tpu.memory_space<semaphore_mem>>)
        %dma_wait3A_426 = arith.constant 0 : i32
        %dma_wait3A_427 = tpu.memref_slice %arg7[%add3A_405, %dma_wait3A_426] : memref<164x128xi32, #tpu.memory_space<vmem>> -> memref<1x128xi32, #tpu.memory_space<vmem>>
        %dma_wait3A_428 = tpu.memref_squeeze %dma_wait3A_427 : memref<1x128xi32, #tpu.memory_space<vmem>> -> memref<128xi32, #tpu.memory_space<vmem>>
        %dma_wait3A_429 = arith.constant 0 : i32
        %dma_wait3A_430 = arith.constant 0 : i32
        %dma_wait3A_431 = tpu.memref_slice %arg2[%scan3A, %dma_wait3A_429, %dma_wait3A_430] : memref<2x10240x64xbf16, #tpu.memory_space<hbm>> -> memref<1x10240x64xbf16, #tpu.memory_space<hbm>>
        %dma_wait3A_432 = tpu.memref_squeeze %dma_wait3A_431 : memref<1x10240x64xbf16, #tpu.memory_space<hbm>> -> memref<10240x64xbf16, #tpu.memory_space<hbm>>
        %dma_wait3A_433 = arith.constant 0 : i32
        %dma_wait3A_434 = arith.constant 0 : i32
        %dma_wait3A_435 = tpu.memref_slice %dma_wait3A_432[%dma_wait3A_433, %dma_wait3A_434] : memref<10240x64xbf16, #tpu.memory_space<hbm>> -> memref<10240x64xbf16, #tpu.memory_space<hbm>>
        tpu.wait_indirect_dma semaphore(%arg16 : memref<!tpu.dma_semaphore, #tpu.memory_space<semaphore_mem>>) src(%dma_wait3A_435 : memref<10240x64xbf16, #tpu.memory_space<hbm>>) dst(%arg11 : memref<128x64xbf16, #tpu.memory_space<vmem>>)
        %dma_start3A_436 = arith.constant 0 : i32
        %dma_start3A_437 = tpu.memref_slice %arg8[%add3A_405, %dma_start3A_436] : memref<164x128xi32, #tpu.memory_space<vmem>> -> memref<1x128xi32, #tpu.memory_space<vmem>>
        %dma_start3A_438 = tpu.memref_squeeze %dma_start3A_437 : memref<1x128xi32, #tpu.memory_space<vmem>> -> memref<128xi32, #tpu.memory_space<vmem>>
        %dma_start3A_439 = arith.constant 0 : i32
        %dma_start3A_440 = arith.constant 0 : i32
        %dma_start3A_441 = tpu.memref_slice %arg13[%dma_start3A_439, %dma_start3A_440] : memref<10240x64xbf16, #tpu.memory_space<vmem_shared>> -> memref<10240x64xbf16, #tpu.memory_space<vmem_shared>>
        tpu.enqueue_indirect_dma source(%arg11 : memref<128x64xbf16, #tpu.memory_space<vmem>>) target(%dma_start3A_441 : memref<10240x64xbf16, #tpu.memory_space<vmem_shared>>) offsets(%dma_start3A_438 : memref<128xi32, #tpu.memory_space<vmem>>) semaphore(%arg20 : memref<!tpu.dma_semaphore, #tpu.memory_space<semaphore_mem>>) {add = true}
        %mul3A_442 = arith.constant 4 : i32
        %mul3A_443 = arith.muli %mul3A_442, %scan3A_322 : i32
        %add3A_444 = arith.constant 3 : i32
        %add3A_445 = arith.addi %mul3A_443, %add3A_444 : i32
        %sub3A_446 = arith.constant 1 : i32
        %sub3A_447 = arith.subi %add3A_445, %sub3A_446 : i32
        %dma_wait3A_448 = arith.constant 0 : i32
        %dma_wait3A_449 = tpu.memref_slice %arg8[%sub3A_447, %dma_wait3A_448] : memref<164x128xi32, #tpu.memory_space<vmem>> -> memref<1x128xi32, #tpu.memory_space<vmem>>
        %dma_wait3A_450 = tpu.memref_squeeze %dma_wait3A_449 : memref<1x128xi32, #tpu.memory_space<vmem>> -> memref<128xi32, #tpu.memory_space<vmem>>
        %dma_wait3A_451 = arith.constant 0 : i32
        %dma_wait3A_452 = arith.constant 0 : i32
        %dma_wait3A_453 = tpu.memref_slice %arg13[%dma_wait3A_451, %dma_wait3A_452] : memref<10240x64xbf16, #tpu.memory_space<vmem_shared>> -> memref<10240x64xbf16, #tpu.memory_space<vmem_shared>>
        tpu.wait_indirect_dma semaphore(%arg20 : memref<!tpu.dma_semaphore, #tpu.memory_space<semaphore_mem>>) src(%arg11 : memref<128x64xbf16, #tpu.memory_space<vmem>>) dst(%dma_wait3A_453 : memref<10240x64xbf16, #tpu.memory_space<vmem_shared>>)
        %add3A_454 = arith.constant 3 : i32
        %add3A_455 = arith.addi %add3A_445, %add3A_454 : i32
        %dma_start3A_456 = arith.constant 0 : i32
        %dma_start3A_457 = tpu.memref_slice %arg7[%add3A_455, %dma_start3A_456] : memref<164x128xi32, #tpu.memory_space<vmem>> -> memref<1x128xi32, #tpu.memory_space<vmem>>
        %dma_start3A_458 = tpu.memref_squeeze %dma_start3A_457 : memref<1x128xi32, #tpu.memory_space<vmem>> -> memref<128xi32, #tpu.memory_space<vmem>>
        %dma_start3A_459 = arith.constant 0 : i32
        %dma_start3A_460 = arith.constant 0 : i32
        %dma_start3A_461 = tpu.memref_slice %arg2[%scan3A, %dma_start3A_459, %dma_start3A_460] : memref<2x10240x64xbf16, #tpu.memory_space<hbm>> -> memref<1x10240x64xbf16, #tpu.memory_space<hbm>>
        %dma_start3A_462 = tpu.memref_squeeze %dma_start3A_461 : memref<1x10240x64xbf16, #tpu.memory_space<hbm>> -> memref<10240x64xbf16, #tpu.memory_space<hbm>>
        %dma_start3A_463 = arith.constant 0 : i32
        %dma_start3A_464 = arith.constant 0 : i32
        %dma_start3A_465 = tpu.memref_slice %dma_start3A_462[%dma_start3A_463, %dma_start3A_464] : memref<10240x64xbf16, #tpu.memory_space<hbm>> -> memref<10240x64xbf16, #tpu.memory_space<hbm>>
        tpu.enqueue_indirect_dma source(%dma_start3A_465 : memref<10240x64xbf16, #tpu.memory_space<hbm>>) target(%arg11 : memref<128x64xbf16, #tpu.memory_space<vmem>>) offsets(%dma_start3A_458 : memref<128xi32, #tpu.memory_space<vmem>>) semaphore(%arg16 : memref<!tpu.dma_semaphore, #tpu.memory_space<semaphore_mem>>)
        %dma_wait3A_466 = arith.constant 0 : i32
        %dma_wait3A_467 = tpu.memref_slice %arg7[%add3A_445, %dma_wait3A_466] : memref<164x128xi32, #tpu.memory_space<vmem>> -> memref<1x128xi32, #tpu.memory_space<vmem>>
        %dma_wait3A_468 = tpu.memref_squeeze %dma_wait3A_467 : memref<1x128xi32, #tpu.memory_space<vmem>> -> memref<128xi32, #tpu.memory_space<vmem>>
        %dma_wait3A_469 = arith.constant 0 : i32
        %dma_wait3A_470 = arith.constant 0 : i32
        %dma_wait3A_471 = tpu.memref_slice %arg2[%scan3A, %dma_wait3A_469, %dma_wait3A_470] : memref<2x10240x64xbf16, #tpu.memory_space<hbm>> -> memref<1x10240x64xbf16, #tpu.memory_space<hbm>>
        %dma_wait3A_472 = tpu.memref_squeeze %dma_wait3A_471 : memref<1x10240x64xbf16, #tpu.memory_space<hbm>> -> memref<10240x64xbf16, #tpu.memory_space<hbm>>
        %dma_wait3A_473 = arith.constant 0 : i32
        %dma_wait3A_474 = arith.constant 0 : i32
        %dma_wait3A_475 = tpu.memref_slice %dma_wait3A_472[%dma_wait3A_473, %dma_wait3A_474] : memref<10240x64xbf16, #tpu.memory_space<hbm>> -> memref<10240x64xbf16, #tpu.memory_space<hbm>>
        tpu.wait_indirect_dma semaphore(%arg17 : memref<!tpu.dma_semaphore, #tpu.memory_space<semaphore_mem>>) src(%dma_wait3A_475 : memref<10240x64xbf16, #tpu.memory_space<hbm>>) dst(%arg12 : memref<128x64xbf16, #tpu.memory_space<vmem>>)
        %dma_start3A_476 = arith.constant 0 : i32
        %dma_start3A_477 = tpu.memref_slice %arg8[%add3A_445, %dma_start3A_476] : memref<164x128xi32, #tpu.memory_space<vmem>> -> memref<1x128xi32, #tpu.memory_space<vmem>>
        %dma_start3A_478 = tpu.memref_squeeze %dma_start3A_477 : memref<1x128xi32, #tpu.memory_space<vmem>> -> memref<128xi32, #tpu.memory_space<vmem>>
        %dma_start3A_479 = arith.constant 0 : i32
        %dma_start3A_480 = arith.constant 0 : i32
        %dma_start3A_481 = tpu.memref_slice %arg13[%dma_start3A_479, %dma_start3A_480] : memref<10240x64xbf16, #tpu.memory_space<vmem_shared>> -> memref<10240x64xbf16, #tpu.memory_space<vmem_shared>>
        tpu.enqueue_indirect_dma source(%arg12 : memref<128x64xbf16, #tpu.memory_space<vmem>>) target(%dma_start3A_481 : memref<10240x64xbf16, #tpu.memory_space<vmem_shared>>) offsets(%dma_start3A_478 : memref<128xi32, #tpu.memory_space<vmem>>) semaphore(%arg21 : memref<!tpu.dma_semaphore, #tpu.memory_space<semaphore_mem>>) {add = true}
        %scan3A_482 = arith.constant 0 : i32
        scf.yield %scan3A_482 : i32
      }
      %scan3A_198 = arith.constant 39 : i32
      %dma_wait3A_199 = arith.constant 159 : i32
      %dma_wait3A_200 = arith.constant 0 : i32
      %dma_wait3A_201 = tpu.memref_slice %arg8[%dma_wait3A_199, %dma_wait3A_200] : memref<164x128xi32, #tpu.memory_space<vmem>> -> memref<1x128xi32, #tpu.memory_space<vmem>>
      %dma_wait3A_202 = tpu.memref_squeeze %dma_wait3A_201 : memref<1x128xi32, #tpu.memory_space<vmem>> -> memref<128xi32, #tpu.memory_space<vmem>>
      %dma_wait3A_203 = arith.constant 0 : i32
      %dma_wait3A_204 = arith.constant 0 : i32
      %dma_wait3A_205 = tpu.memref_slice %arg13[%dma_wait3A_203, %dma_wait3A_204] : memref<10240x64xbf16, #tpu.memory_space<vmem_shared>> -> memref<10240x64xbf16, #tpu.memory_space<vmem_shared>>
      tpu.wait_indirect_dma semaphore(%arg21 : memref<!tpu.dma_semaphore, #tpu.memory_space<semaphore_mem>>) src(%arg12 : memref<128x64xbf16, #tpu.memory_space<vmem>>) dst(%dma_wait3A_205 : memref<10240x64xbf16, #tpu.memory_space<vmem_shared>>)
      %dma_start3A_206 = arith.constant 0 : i32
      %dma_start3A_207 = arith.constant 163 : i32
      %dma_start3A_208 = arith.constant 0 : i32
      %dma_start3A_209 = tpu.memref_slice %arg7[%dma_start3A_207, %dma_start3A_208] : memref<164x128xi32, #tpu.memory_space<vmem>> -> memref<1x128xi32, #tpu.memory_space<vmem>>
      %dma_start3A_210 = tpu.memref_squeeze %dma_start3A_209 : memref<1x128xi32, #tpu.memory_space<vmem>> -> memref<128xi32, #tpu.memory_space<vmem>>
      %dma_start3A_211 = arith.constant 0 : i32
      %dma_start3A_212 = arith.constant 0 : i32
      %dma_start3A_213 = tpu.memref_slice %arg2[%dma_start3A_206, %dma_start3A_211, %dma_start3A_212] : memref<2x10240x64xbf16, #tpu.memory_space<hbm>> -> memref<1x10240x64xbf16, #tpu.memory_space<hbm>>
      %dma_start3A_214 = tpu.memref_squeeze %dma_start3A_213 : memref<1x10240x64xbf16, #tpu.memory_space<hbm>> -> memref<10240x64xbf16, #tpu.memory_space<hbm>>
      %dma_start3A_215 = arith.constant 0 : i32
      %dma_start3A_216 = arith.constant 0 : i32
      %dma_start3A_217 = tpu.memref_slice %dma_start3A_214[%dma_start3A_215, %dma_start3A_216] : memref<10240x64xbf16, #tpu.memory_space<hbm>> -> memref<10240x64xbf16, #tpu.memory_space<hbm>>
      tpu.enqueue_indirect_dma source(%dma_start3A_217 : memref<10240x64xbf16, #tpu.memory_space<hbm>>) target(%arg12 : memref<128x64xbf16, #tpu.memory_space<vmem>>) offsets(%dma_start3A_210 : memref<128xi32, #tpu.memory_space<vmem>>) semaphore(%arg17 : memref<!tpu.dma_semaphore, #tpu.memory_space<semaphore_mem>>)
      %dma_wait3A_218 = arith.constant 0 : i32
      %dma_wait3A_219 = arith.constant 160 : i32
      %dma_wait3A_220 = arith.constant 0 : i32
      %dma_wait3A_221 = tpu.memref_slice %arg7[%dma_wait3A_219, %dma_wait3A_220] : memref<164x128xi32, #tpu.memory_space<vmem>> -> memref<1x128xi32, #tpu.memory_space<vmem>>
      %dma_wait3A_222 = tpu.memref_squeeze %dma_wait3A_221 : memref<1x128xi32, #tpu.memory_space<vmem>> -> memref<128xi32, #tpu.memory_space<vmem>>
      %dma_wait3A_223 = arith.constant 0 : i32
      %dma_wait3A_224 = arith.constant 0 : i32
      %dma_wait3A_225 = tpu.memref_slice %arg2[%dma_wait3A_218, %dma_wait3A_223, %dma_wait3A_224] : memref<2x10240x64xbf16, #tpu.memory_space<hbm>> -> memref<1x10240x64xbf16, #tpu.memory_space<hbm>>
      %dma_wait3A_226 = tpu.memref_squeeze %dma_wait3A_225 : memref<1x10240x64xbf16, #tpu.memory_space<hbm>> -> memref<10240x64xbf16, #tpu.memory_space<hbm>>
      %dma_wait3A_227 = arith.constant 0 : i32
      %dma_wait3A_228 = arith.constant 0 : i32
      %dma_wait3A_229 = tpu.memref_slice %dma_wait3A_226[%dma_wait3A_227, %dma_wait3A_228] : memref<10240x64xbf16, #tpu.memory_space<hbm>> -> memref<10240x64xbf16, #tpu.memory_space<hbm>>
      tpu.wait_indirect_dma semaphore(%arg14 : memref<!tpu.dma_semaphore, #tpu.memory_space<semaphore_mem>>) src(%dma_wait3A_229 : memref<10240x64xbf16, #tpu.memory_space<hbm>>) dst(%arg9 : memref<128x64xbf16, #tpu.memory_space<vmem>>)
      %dma_start3A_230 = arith.constant 160 : i32
      %dma_start3A_231 = arith.constant 0 : i32
      %dma_start3A_232 = tpu.memref_slice %arg8[%dma_start3A_230, %dma_start3A_231] : memref<164x128xi32, #tpu.memory_space<vmem>> -> memref<1x128xi32, #tpu.memory_space<vmem>>
      %dma_start3A_233 = tpu.memref_squeeze %dma_start3A_232 : memref<1x128xi32, #tpu.memory_space<vmem>> -> memref<128xi32, #tpu.memory_space<vmem>>
      %dma_start3A_234 = arith.constant 0 : i32
      %dma_start3A_235 = arith.constant 0 : i32
      %dma_start3A_236 = tpu.memref_slice %arg13[%dma_start3A_234, %dma_start3A_235] : memref<10240x64xbf16, #tpu.memory_space<vmem_shared>> -> memref<10240x64xbf16, #tpu.memory_space<vmem_shared>>
      tpu.enqueue_indirect_dma source(%arg9 : memref<128x64xbf16, #tpu.memory_space<vmem>>) target(%dma_start3A_236 : memref<10240x64xbf16, #tpu.memory_space<vmem_shared>>) offsets(%dma_start3A_233 : memref<128xi32, #tpu.memory_space<vmem>>) semaphore(%arg18 : memref<!tpu.dma_semaphore, #tpu.memory_space<semaphore_mem>>) {add = true}
      %dma_wait3A_237 = arith.constant 0 : i32
      %dma_wait3A_238 = arith.constant 161 : i32
      %dma_wait3A_239 = arith.constant 0 : i32
      %dma_wait3A_240 = tpu.memref_slice %arg7[%dma_wait3A_238, %dma_wait3A_239] : memref<164x128xi32, #tpu.memory_space<vmem>> -> memref<1x128xi32, #tpu.memory_space<vmem>>
      %dma_wait3A_241 = tpu.memref_squeeze %dma_wait3A_240 : memref<1x128xi32, #tpu.memory_space<vmem>> -> memref<128xi32, #tpu.memory_space<vmem>>
      %dma_wait3A_242 = arith.constant 0 : i32
      %dma_wait3A_243 = arith.constant 0 : i32
      %dma_wait3A_244 = tpu.memref_slice %arg2[%dma_wait3A_237, %dma_wait3A_242, %dma_wait3A_243] : memref<2x10240x64xbf16, #tpu.memory_space<hbm>> -> memref<1x10240x64xbf16, #tpu.memory_space<hbm>>
      %dma_wait3A_245 = tpu.memref_squeeze %dma_wait3A_244 : memref<1x10240x64xbf16, #tpu.memory_space<hbm>> -> memref<10240x64xbf16, #tpu.memory_space<hbm>>
      %dma_wait3A_246 = arith.constant 0 : i32
      %dma_wait3A_247 = arith.constant 0 : i32
      %dma_wait3A_248 = tpu.memref_slice %dma_wait3A_245[%dma_wait3A_246, %dma_wait3A_247] : memref<10240x64xbf16, #tpu.memory_space<hbm>> -> memref<10240x64xbf16, #tpu.memory_space<hbm>>
      tpu.wait_indirect_dma semaphore(%arg15 : memref<!tpu.dma_semaphore, #tpu.memory_space<semaphore_mem>>) src(%dma_wait3A_248 : memref<10240x64xbf16, #tpu.memory_space<hbm>>) dst(%arg10 : memref<128x64xbf16, #tpu.memory_space<vmem>>)
      %dma_start3A_249 = arith.constant 161 : i32
      %dma_start3A_250 = arith.constant 0 : i32
      %dma_start3A_251 = tpu.memref_slice %arg8[%dma_start3A_249, %dma_start3A_250] : memref<164x128xi32, #tpu.memory_space<vmem>> -> memref<1x128xi32, #tpu.memory_space<vmem>>
      %dma_start3A_252 = tpu.memref_squeeze %dma_start3A_251 : memref<1x128xi32, #tpu.memory_space<vmem>> -> memref<128xi32, #tpu.memory_space<vmem>>
      %dma_start3A_253 = arith.constant 0 : i32
      %dma_start3A_254 = arith.constant 0 : i32
      %dma_start3A_255 = tpu.memref_slice %arg13[%dma_start3A_253, %dma_start3A_254] : memref<10240x64xbf16, #tpu.memory_space<vmem_shared>> -> memref<10240x64xbf16, #tpu.memory_space<vmem_shared>>
      tpu.enqueue_indirect_dma source(%arg10 : memref<128x64xbf16, #tpu.memory_space<vmem>>) target(%dma_start3A_255 : memref<10240x64xbf16, #tpu.memory_space<vmem_shared>>) offsets(%dma_start3A_252 : memref<128xi32, #tpu.memory_space<vmem>>) semaphore(%arg19 : memref<!tpu.dma_semaphore, #tpu.memory_space<semaphore_mem>>) {add = true}
      %dma_wait3A_256 = arith.constant 0 : i32
      %dma_wait3A_257 = arith.constant 162 : i32
      %dma_wait3A_258 = arith.constant 0 : i32
      %dma_wait3A_259 = tpu.memref_slice %arg7[%dma_wait3A_257, %dma_wait3A_258] : memref<164x128xi32, #tpu.memory_space<vmem>> -> memref<1x128xi32, #tpu.memory_space<vmem>>
      %dma_wait3A_260 = tpu.memref_squeeze %dma_wait3A_259 : memref<1x128xi32, #tpu.memory_space<vmem>> -> memref<128xi32, #tpu.memory_space<vmem>>
      %dma_wait3A_261 = arith.constant 0 : i32
      %dma_wait3A_262 = arith.constant 0 : i32
      %dma_wait3A_263 = tpu.memref_slice %arg2[%dma_wait3A_256, %dma_wait3A_261, %dma_wait3A_262] : memref<2x10240x64xbf16, #tpu.memory_space<hbm>> -> memref<1x10240x64xbf16, #tpu.memory_space<hbm>>
      %dma_wait3A_264 = tpu.memref_squeeze %dma_wait3A_263 : memref<1x10240x64xbf16, #tpu.memory_space<hbm>> -> memref<10240x64xbf16, #tpu.memory_space<hbm>>
      %dma_wait3A_265 = arith.constant 0 : i32
      %dma_wait3A_266 = arith.constant 0 : i32
      %dma_wait3A_267 = tpu.memref_slice %dma_wait3A_264[%dma_wait3A_265, %dma_wait3A_266] : memref<10240x64xbf16, #tpu.memory_space<hbm>> -> memref<10240x64xbf16, #tpu.memory_space<hbm>>
      tpu.wait_indirect_dma semaphore(%arg16 : memref<!tpu.dma_semaphore, #tpu.memory_space<semaphore_mem>>) src(%dma_wait3A_267 : memref<10240x64xbf16, #tpu.memory_space<hbm>>) dst(%arg11 : memref<128x64xbf16, #tpu.memory_space<vmem>>)
      %dma_start3A_268 = arith.constant 162 : i32
      %dma_start3A_269 = arith.constant 0 : i32
      %dma_start3A_270 = tpu.memref_slice %arg8[%dma_start3A_268, %dma_start3A_269] : memref<164x128xi32, #tpu.memory_space<vmem>> -> memref<1x128xi32, #tpu.memory_space<vmem>>
      %dma_start3A_271 = tpu.memref_squeeze %dma_start3A_270 : memref<1x128xi32, #tpu.memory_space<vmem>> -> memref<128xi32, #tpu.memory_space<vmem>>
      %dma_start3A_272 = arith.constant 0 : i32
      %dma_start3A_273 = arith.constant 0 : i32
      %dma_start3A_274 = tpu.memref_slice %arg13[%dma_start3A_272, %dma_start3A_273] : memref<10240x64xbf16, #tpu.memory_space<vmem_shared>> -> memref<10240x64xbf16, #tpu.memory_space<vmem_shared>>
      tpu.enqueue_indirect_dma source(%arg11 : memref<128x64xbf16, #tpu.memory_space<vmem>>) target(%dma_start3A_274 : memref<10240x64xbf16, #tpu.memory_space<vmem_shared>>) offsets(%dma_start3A_271 : memref<128xi32, #tpu.memory_space<vmem>>) semaphore(%arg20 : memref<!tpu.dma_semaphore, #tpu.memory_space<semaphore_mem>>) {add = true}
      %dma_wait3A_275 = arith.constant 0 : i32
      %dma_wait3A_276 = arith.constant 163 : i32
      %dma_wait3A_277 = arith.constant 0 : i32
      %dma_wait3A_278 = tpu.memref_slice %arg7[%dma_wait3A_276, %dma_wait3A_277] : memref<164x128xi32, #tpu.memory_space<vmem>> -> memref<1x128xi32, #tpu.memory_space<vmem>>
      %dma_wait3A_279 = tpu.memref_squeeze %dma_wait3A_278 : memref<1x128xi32, #tpu.memory_space<vmem>> -> memref<128xi32, #tpu.memory_space<vmem>>
      %dma_wait3A_280 = arith.constant 0 : i32
      %dma_wait3A_281 = arith.constant 0 : i32
      %dma_wait3A_282 = tpu.memref_slice %arg2[%dma_wait3A_275, %dma_wait3A_280, %dma_wait3A_281] : memref<2x10240x64xbf16, #tpu.memory_space<hbm>> -> memref<1x10240x64xbf16, #tpu.memory_space<hbm>>
      %dma_wait3A_283 = tpu.memref_squeeze %dma_wait3A_282 : memref<1x10240x64xbf16, #tpu.memory_space<hbm>> -> memref<10240x64xbf16, #tpu.memory_space<hbm>>
      %dma_wait3A_284 = arith.constant 0 : i32
      %dma_wait3A_285 = arith.constant 0 : i32
      %dma_wait3A_286 = tpu.memref_slice %dma_wait3A_283[%dma_wait3A_284, %dma_wait3A_285] : memref<10240x64xbf16, #tpu.memory_space<hbm>> -> memref<10240x64xbf16, #tpu.memory_space<hbm>>
      tpu.wait_indirect_dma semaphore(%arg17 : memref<!tpu.dma_semaphore, #tpu.memory_space<semaphore_mem>>) src(%dma_wait3A_286 : memref<10240x64xbf16, #tpu.memory_space<hbm>>) dst(%arg12 : memref<128x64xbf16, #tpu.memory_space<vmem>>)
      %dma_start3A_287 = arith.constant 163 : i32
      %dma_start3A_288 = arith.constant 0 : i32
      %dma_start3A_289 = tpu.memref_slice %arg8[%dma_start3A_287, %dma_start3A_288] : memref<164x128xi32, #tpu.memory_space<vmem>> -> memref<1x128xi32, #tpu.memory_space<vmem>>
      %dma_start3A_290 = tpu.memref_squeeze %dma_start3A_289 : memref<1x128xi32, #tpu.memory_space<vmem>> -> memref<128xi32, #tpu.memory_space<vmem>>
      %dma_start3A_291 = arith.constant 0 : i32
      %dma_start3A_292 = arith.constant 0 : i32
      %dma_start3A_293 = tpu.memref_slice %arg13[%dma_start3A_291, %dma_start3A_292] : memref<10240x64xbf16, #tpu.memory_space<vmem_shared>> -> memref<10240x64xbf16, #tpu.memory_space<vmem_shared>>
      tpu.enqueue_indirect_dma source(%arg12 : memref<128x64xbf16, #tpu.memory_space<vmem>>) target(%dma_start3A_293 : memref<10240x64xbf16, #tpu.memory_space<vmem_shared>>) offsets(%dma_start3A_290 : memref<128xi32, #tpu.memory_space<vmem>>) semaphore(%arg21 : memref<!tpu.dma_semaphore, #tpu.memory_space<semaphore_mem>>) {add = true}
      %dma_wait3A_294 = arith.constant 160 : i32
      %dma_wait3A_295 = arith.constant 0 : i32
      %dma_wait3A_296 = tpu.memref_slice %arg8[%dma_wait3A_294, %dma_wait3A_295] : memref<164x128xi32, #tpu.memory_space<vmem>> -> memref<1x128xi32, #tpu.memory_space<vmem>>
      %dma_wait3A_297 = tpu.memref_squeeze %dma_wait3A_296 : memref<1x128xi32, #tpu.memory_space<vmem>> -> memref<128xi32, #tpu.memory_space<vmem>>
      %dma_wait3A_298 = arith.constant 0 : i32
      %dma_wait3A_299 = arith.constant 0 : i32
      %dma_wait3A_300 = tpu.memref_slice %arg13[%dma_wait3A_298, %dma_wait3A_299] : memref<10240x64xbf16, #tpu.memory_space<vmem_shared>> -> memref<10240x64xbf16, #tpu.memory_space<vmem_shared>>
      tpu.wait_indirect_dma semaphore(%arg18 : memref<!tpu.dma_semaphore, #tpu.memory_space<semaphore_mem>>) src(%arg9 : memref<128x64xbf16, #tpu.memory_space<vmem>>) dst(%dma_wait3A_300 : memref<10240x64xbf16, #tpu.memory_space<vmem_shared>>)
      %dma_wait3A_301 = arith.constant 161 : i32
      %dma_wait3A_302 = arith.constant 0 : i32
      %dma_wait3A_303 = tpu.memref_slice %arg8[%dma_wait3A_301, %dma_wait3A_302] : memref<164x128xi32, #tpu.memory_space<vmem>> -> memref<1x128xi32, #tpu.memory_space<vmem>>
      %dma_wait3A_304 = tpu.memref_squeeze %dma_wait3A_303 : memref<1x128xi32, #tpu.memory_space<vmem>> -> memref<128xi32, #tpu.memory_space<vmem>>
      %dma_wait3A_305 = arith.constant 0 : i32
      %dma_wait3A_306 = arith.constant 0 : i32
      %dma_wait3A_307 = tpu.memref_slice %arg13[%dma_wait3A_305, %dma_wait3A_306] : memref<10240x64xbf16, #tpu.memory_space<vmem_shared>> -> memref<10240x64xbf16, #tpu.memory_space<vmem_shared>>
      tpu.wait_indirect_dma semaphore(%arg19 : memref<!tpu.dma_semaphore, #tpu.memory_space<semaphore_mem>>) src(%arg10 : memref<128x64xbf16, #tpu.memory_space<vmem>>) dst(%dma_wait3A_307 : memref<10240x64xbf16, #tpu.memory_space<vmem_shared>>)
      %dma_wait3A_308 = arith.constant 162 : i32
      %dma_wait3A_309 = arith.constant 0 : i32
      %dma_wait3A_310 = tpu.memref_slice %arg8[%dma_wait3A_308, %dma_wait3A_309] : memref<164x128xi32, #tpu.memory_space<vmem>> -> memref<1x128xi32, #tpu.memory_space<vmem>>
      %dma_wait3A_311 = tpu.memref_squeeze %dma_wait3A_310 : memref<1x128xi32, #tpu.memory_space<vmem>> -> memref<128xi32, #tpu.memory_space<vmem>>
      %dma_wait3A_312 = arith.constant 0 : i32
      %dma_wait3A_313 = arith.constant 0 : i32
      %dma_wait3A_314 = tpu.memref_slice %arg13[%dma_wait3A_312, %dma_wait3A_313] : memref<10240x64xbf16, #tpu.memory_space<vmem_shared>> -> memref<10240x64xbf16, #tpu.memory_space<vmem_shared>>
      tpu.wait_indirect_dma semaphore(%arg20 : memref<!tpu.dma_semaphore, #tpu.memory_space<semaphore_mem>>) src(%arg11 : memref<128x64xbf16, #tpu.memory_space<vmem>>) dst(%dma_wait3A_314 : memref<10240x64xbf16, #tpu.memory_space<vmem_shared>>)
      %dma_wait3A_315 = arith.constant 163 : i32
      %dma_wait3A_316 = arith.constant 0 : i32
      %dma_wait3A_317 = tpu.memref_slice %arg8[%dma_wait3A_315, %dma_wait3A_316] : memref<164x128xi32, #tpu.memory_space<vmem>> -> memref<1x128xi32, #tpu.memory_space<vmem>>
      %dma_wait3A_318 = tpu.memref_squeeze %dma_wait3A_317 : memref<1x128xi32, #tpu.memory_space<vmem>> -> memref<128xi32, #tpu.memory_space<vmem>>
      %dma_wait3A_319 = arith.constant 0 : i32
      %dma_wait3A_320 = arith.constant 0 : i32
      %dma_wait3A_321 = tpu.memref_slice %arg13[%dma_wait3A_319, %dma_wait3A_320] : memref<10240x64xbf16, #tpu.memory_space<vmem_shared>> -> memref<10240x64xbf16, #tpu.memory_space<vmem_shared>>
      tpu.wait_indirect_dma semaphore(%arg21 : memref<!tpu.dma_semaphore, #tpu.memory_space<semaphore_mem>>) src(%arg12 : memref<128x64xbf16, #tpu.memory_space<vmem>>) dst(%dma_wait3A_321 : memref<10240x64xbf16, #tpu.memory_space<vmem_shared>>)
    } else {
    }
    %eq3A_3 = arith.constant 1 : i32
    %eq3A_4 = arith.cmpi eq, %arg0, %eq3A_3 : i32
    %convert_element_type3A_5 = arith.extui %eq3A_4 : i1 to i32
    %cond3A_6 = arith.constant 0 : i32
    %cond3A_7 = arith.cmpi ne, %convert_element_type3A_5, %cond3A_6 : i32
    scf.if %cond3A_7 {
      %dma_start3A = arith.constant 1 : i32
      %dma_start3A_13 = arith.constant 0 : i32
      %dma_start3A_14 = arith.constant 0 : i32
      %dma_start3A_15 = tpu.memref_slice %arg7[%dma_start3A_13, %dma_start3A_14] : memref<164x128xi32, #tpu.memory_space<vmem>> -> memref<1x128xi32, #tpu.memory_space<vmem>>
      %dma_start3A_16 = tpu.memref_squeeze %dma_start3A_15 : memref<1x128xi32, #tpu.memory_space<vmem>> -> memref<128xi32, #tpu.memory_space<vmem>>
      %dma_start3A_17 = arith.constant 0 : i32
      %dma_start3A_18 = arith.constant 0 : i32
      %dma_start3A_19 = tpu.memref_slice %arg2[%dma_start3A, %dma_start3A_17, %dma_start3A_18] : memref<2x10240x64xbf16, #tpu.memory_space<hbm>> -> memref<1x10240x64xbf16, #tpu.memory_space<hbm>>
      %dma_start3A_20 = tpu.memref_squeeze %dma_start3A_19 : memref<1x10240x64xbf16, #tpu.memory_space<hbm>> -> memref<10240x64xbf16, #tpu.memory_space<hbm>>
      %dma_start3A_21 = arith.constant 0 : i32
      %dma_start3A_22 = arith.constant 0 : i32
      %dma_start3A_23 = tpu.memref_slice %dma_start3A_20[%dma_start3A_21, %dma_start3A_22] : memref<10240x64xbf16, #tpu.memory_space<hbm>> -> memref<10240x64xbf16, #tpu.memory_space<hbm>>
      tpu.enqueue_indirect_dma source(%dma_start3A_23 : memref<10240x64xbf16, #tpu.memory_space<hbm>>) target(%arg9 : memref<128x64xbf16, #tpu.memory_space<vmem>>) offsets(%dma_start3A_16 : memref<128xi32, #tpu.memory_space<vmem>>) semaphore(%arg14 : memref<!tpu.dma_semaphore, #tpu.memory_space<semaphore_mem>>)
      %dma_start3A_24 = arith.constant 1 : i32
      %dma_start3A_25 = arith.constant 1 : i32
      %dma_start3A_26 = arith.constant 0 : i32
      %dma_start3A_27 = tpu.memref_slice %arg7[%dma_start3A_25, %dma_start3A_26] : memref<164x128xi32, #tpu.memory_space<vmem>> -> memref<1x128xi32, #tpu.memory_space<vmem>>
      %dma_start3A_28 = tpu.memref_squeeze %dma_start3A_27 : memref<1x128xi32, #tpu.memory_space<vmem>> -> memref<128xi32, #tpu.memory_space<vmem>>
      %dma_start3A_29 = arith.constant 0 : i32
      %dma_start3A_30 = arith.constant 0 : i32
      %dma_start3A_31 = tpu.memref_slice %arg2[%dma_start3A_24, %dma_start3A_29, %dma_start3A_30] : memref<2x10240x64xbf16, #tpu.memory_space<hbm>> -> memref<1x10240x64xbf16, #tpu.memory_space<hbm>>
      %dma_start3A_32 = tpu.memref_squeeze %dma_start3A_31 : memref<1x10240x64xbf16, #tpu.memory_space<hbm>> -> memref<10240x64xbf16, #tpu.memory_space<hbm>>
      %dma_start3A_33 = arith.constant 0 : i32
      %dma_start3A_34 = arith.constant 0 : i32
      %dma_start3A_35 = tpu.memref_slice %dma_start3A_32[%dma_start3A_33, %dma_start3A_34] : memref<10240x64xbf16, #tpu.memory_space<hbm>> -> memref<10240x64xbf16, #tpu.memory_space<hbm>>
      tpu.enqueue_indirect_dma source(%dma_start3A_35 : memref<10240x64xbf16, #tpu.memory_space<hbm>>) target(%arg10 : memref<128x64xbf16, #tpu.memory_space<vmem>>) offsets(%dma_start3A_28 : memref<128xi32, #tpu.memory_space<vmem>>) semaphore(%arg15 : memref<!tpu.dma_semaphore, #tpu.memory_space<semaphore_mem>>)
      %dma_start3A_36 = arith.constant 1 : i32
      %dma_start3A_37 = arith.constant 2 : i32
      %dma_start3A_38 = arith.constant 0 : i32
      %dma_start3A_39 = tpu.memref_slice %arg7[%dma_start3A_37, %dma_start3A_38] : memref<164x128xi32, #tpu.memory_space<vmem>> -> memref<1x128xi32, #tpu.memory_space<vmem>>
      %dma_start3A_40 = tpu.memref_squeeze %dma_start3A_39 : memref<1x128xi32, #tpu.memory_space<vmem>> -> memref<128xi32, #tpu.memory_space<vmem>>
      %dma_start3A_41 = arith.constant 0 : i32
      %dma_start3A_42 = arith.constant 0 : i32
      %dma_start3A_43 = tpu.memref_slice %arg2[%dma_start3A_36, %dma_start3A_41, %dma_start3A_42] : memref<2x10240x64xbf16, #tpu.memory_space<hbm>> -> memref<1x10240x64xbf16, #tpu.memory_space<hbm>>
      %dma_start3A_44 = tpu.memref_squeeze %dma_start3A_43 : memref<1x10240x64xbf16, #tpu.memory_space<hbm>> -> memref<10240x64xbf16, #tpu.memory_space<hbm>>
      %dma_start3A_45 = arith.constant 0 : i32
      %dma_start3A_46 = arith.constant 0 : i32
      %dma_start3A_47 = tpu.memref_slice %dma_start3A_44[%dma_start3A_45, %dma_start3A_46] : memref<10240x64xbf16, #tpu.memory_space<hbm>> -> memref<10240x64xbf16, #tpu.memory_space<hbm>>
      tpu.enqueue_indirect_dma source(%dma_start3A_47 : memref<10240x64xbf16, #tpu.memory_space<hbm>>) target(%arg11 : memref<128x64xbf16, #tpu.memory_space<vmem>>) offsets(%dma_start3A_40 : memref<128xi32, #tpu.memory_space<vmem>>) semaphore(%arg16 : memref<!tpu.dma_semaphore, #tpu.memory_space<semaphore_mem>>)
      %dma_start3A_48 = arith.constant 1 : i32
      %dma_start3A_49 = arith.constant 3 : i32
      %dma_start3A_50 = arith.constant 0 : i32
      %dma_start3A_51 = tpu.memref_slice %arg7[%dma_start3A_49, %dma_start3A_50] : memref<164x128xi32, #tpu.memory_space<vmem>> -> memref<1x128xi32, #tpu.memory_space<vmem>>
      %dma_start3A_52 = tpu.memref_squeeze %dma_start3A_51 : memref<1x128xi32, #tpu.memory_space<vmem>> -> memref<128xi32, #tpu.memory_space<vmem>>
      %dma_start3A_53 = arith.constant 0 : i32
      %dma_start3A_54 = arith.constant 0 : i32
      %dma_start3A_55 = tpu.memref_slice %arg2[%dma_start3A_48, %dma_start3A_53, %dma_start3A_54] : memref<2x10240x64xbf16, #tpu.memory_space<hbm>> -> memref<1x10240x64xbf16, #tpu.memory_space<hbm>>
      %dma_start3A_56 = tpu.memref_squeeze %dma_start3A_55 : memref<1x10240x64xbf16, #tpu.memory_space<hbm>> -> memref<10240x64xbf16, #tpu.memory_space<hbm>>
      %dma_start3A_57 = arith.constant 0 : i32
      %dma_start3A_58 = arith.constant 0 : i32
      %dma_start3A_59 = tpu.memref_slice %dma_start3A_56[%dma_start3A_57, %dma_start3A_58] : memref<10240x64xbf16, #tpu.memory_space<hbm>> -> memref<10240x64xbf16, #tpu.memory_space<hbm>>
      tpu.enqueue_indirect_dma source(%dma_start3A_59 : memref<10240x64xbf16, #tpu.memory_space<hbm>>) target(%arg12 : memref<128x64xbf16, #tpu.memory_space<vmem>>) offsets(%dma_start3A_52 : memref<128xi32, #tpu.memory_space<vmem>>) semaphore(%arg17 : memref<!tpu.dma_semaphore, #tpu.memory_space<semaphore_mem>>)
      %dma_wait3A = arith.constant 1 : i32
      %dma_wait3A_60 = arith.constant 0 : i32
      %dma_wait3A_61 = arith.constant 0 : i32
      %dma_wait3A_62 = tpu.memref_slice %arg7[%dma_wait3A_60, %dma_wait3A_61] : memref<164x128xi32, #tpu.memory_space<vmem>> -> memref<1x128xi32, #tpu.memory_space<vmem>>
      %dma_wait3A_63 = tpu.memref_squeeze %dma_wait3A_62 : memref<1x128xi32, #tpu.memory_space<vmem>> -> memref<128xi32, #tpu.memory_space<vmem>>
      %dma_wait3A_64 = arith.constant 0 : i32
      %dma_wait3A_65 = arith.constant 0 : i32
      %dma_wait3A_66 = tpu.memref_slice %arg2[%dma_wait3A, %dma_wait3A_64, %dma_wait3A_65] : memref<2x10240x64xbf16, #tpu.memory_space<hbm>> -> memref<1x10240x64xbf16, #tpu.memory_space<hbm>>
      %dma_wait3A_67 = tpu.memref_squeeze %dma_wait3A_66 : memref<1x10240x64xbf16, #tpu.memory_space<hbm>> -> memref<10240x64xbf16, #tpu.memory_space<hbm>>
      %dma_wait3A_68 = arith.constant 0 : i32
      %dma_wait3A_69 = arith.constant 0 : i32
      %dma_wait3A_70 = tpu.memref_slice %dma_wait3A_67[%dma_wait3A_68, %dma_wait3A_69] : memref<10240x64xbf16, #tpu.memory_space<hbm>> -> memref<10240x64xbf16, #tpu.memory_space<hbm>>
      tpu.wait_indirect_dma semaphore(%arg14 : memref<!tpu.dma_semaphore, #tpu.memory_space<semaphore_mem>>) src(%dma_wait3A_70 : memref<10240x64xbf16, #tpu.memory_space<hbm>>) dst(%arg9 : memref<128x64xbf16, #tpu.memory_space<vmem>>)
      %dma_start3A_71 = arith.constant 0 : i32
      %dma_start3A_72 = arith.constant 0 : i32
      %dma_start3A_73 = tpu.memref_slice %arg8[%dma_start3A_71, %dma_start3A_72] : memref<164x128xi32, #tpu.memory_space<vmem>> -> memref<1x128xi32, #tpu.memory_space<vmem>>
      %dma_start3A_74 = tpu.memref_squeeze %dma_start3A_73 : memref<1x128xi32, #tpu.memory_space<vmem>> -> memref<128xi32, #tpu.memory_space<vmem>>
      %dma_start3A_75 = arith.constant 0 : i32
      %dma_start3A_76 = arith.constant 0 : i32
      %dma_start3A_77 = tpu.memref_slice %arg13[%dma_start3A_75, %dma_start3A_76] : memref<10240x64xbf16, #tpu.memory_space<vmem_shared>> -> memref<10240x64xbf16, #tpu.memory_space<vmem_shared>>
      tpu.enqueue_indirect_dma source(%arg9 : memref<128x64xbf16, #tpu.memory_space<vmem>>) target(%dma_start3A_77 : memref<10240x64xbf16, #tpu.memory_space<vmem_shared>>) offsets(%dma_start3A_74 : memref<128xi32, #tpu.memory_space<vmem>>) semaphore(%arg18 : memref<!tpu.dma_semaphore, #tpu.memory_space<semaphore_mem>>) {add = true}
      %dma_wait3A_78 = arith.constant 0 : i32
      %dma_wait3A_79 = arith.constant 0 : i32
      %dma_wait3A_80 = tpu.memref_slice %arg8[%dma_wait3A_78, %dma_wait3A_79] : memref<164x128xi32, #tpu.memory_space<vmem>> -> memref<1x128xi32, #tpu.memory_space<vmem>>
      %dma_wait3A_81 = tpu.memref_squeeze %dma_wait3A_80 : memref<1x128xi32, #tpu.memory_space<vmem>> -> memref<128xi32, #tpu.memory_space<vmem>>
      %dma_wait3A_82 = arith.constant 0 : i32
      %dma_wait3A_83 = arith.constant 0 : i32
      %dma_wait3A_84 = tpu.memref_slice %arg13[%dma_wait3A_82, %dma_wait3A_83] : memref<10240x64xbf16, #tpu.memory_space<vmem_shared>> -> memref<10240x64xbf16, #tpu.memory_space<vmem_shared>>
      tpu.wait_indirect_dma semaphore(%arg18 : memref<!tpu.dma_semaphore, #tpu.memory_space<semaphore_mem>>) src(%arg9 : memref<128x64xbf16, #tpu.memory_space<vmem>>) dst(%dma_wait3A_84 : memref<10240x64xbf16, #tpu.memory_space<vmem_shared>>)
      %dma_start3A_85 = arith.constant 1 : i32
      %dma_start3A_86 = arith.constant 4 : i32
      %dma_start3A_87 = arith.constant 0 : i32
      %dma_start3A_88 = tpu.memref_slice %arg7[%dma_start3A_86, %dma_start3A_87] : memref<164x128xi32, #tpu.memory_space<vmem>> -> memref<1x128xi32, #tpu.memory_space<vmem>>
      %dma_start3A_89 = tpu.memref_squeeze %dma_start3A_88 : memref<1x128xi32, #tpu.memory_space<vmem>> -> memref<128xi32, #tpu.memory_space<vmem>>
      %dma_start3A_90 = arith.constant 0 : i32
      %dma_start3A_91 = arith.constant 0 : i32
      %dma_start3A_92 = tpu.memref_slice %arg2[%dma_start3A_85, %dma_start3A_90, %dma_start3A_91] : memref<2x10240x64xbf16, #tpu.memory_space<hbm>> -> memref<1x10240x64xbf16, #tpu.memory_space<hbm>>
      %dma_start3A_93 = tpu.memref_squeeze %dma_start3A_92 : memref<1x10240x64xbf16, #tpu.memory_space<hbm>> -> memref<10240x64xbf16, #tpu.memory_space<hbm>>
      %dma_start3A_94 = arith.constant 0 : i32
      %dma_start3A_95 = arith.constant 0 : i32
      %dma_start3A_96 = tpu.memref_slice %dma_start3A_93[%dma_start3A_94, %dma_start3A_95] : memref<10240x64xbf16, #tpu.memory_space<hbm>> -> memref<10240x64xbf16, #tpu.memory_space<hbm>>
      tpu.enqueue_indirect_dma source(%dma_start3A_96 : memref<10240x64xbf16, #tpu.memory_space<hbm>>) target(%arg9 : memref<128x64xbf16, #tpu.memory_space<vmem>>) offsets(%dma_start3A_89 : memref<128xi32, #tpu.memory_space<vmem>>) semaphore(%arg14 : memref<!tpu.dma_semaphore, #tpu.memory_space<semaphore_mem>>)
      %dma_wait3A_97 = arith.constant 1 : i32
      %dma_wait3A_98 = arith.constant 1 : i32
      %dma_wait3A_99 = arith.constant 0 : i32
      %dma_wait3A_100 = tpu.memref_slice %arg7[%dma_wait3A_98, %dma_wait3A_99] : memref<164x128xi32, #tpu.memory_space<vmem>> -> memref<1x128xi32, #tpu.memory_space<vmem>>
      %dma_wait3A_101 = tpu.memref_squeeze %dma_wait3A_100 : memref<1x128xi32, #tpu.memory_space<vmem>> -> memref<128xi32, #tpu.memory_space<vmem>>
      %dma_wait3A_102 = arith.constant 0 : i32
      %dma_wait3A_103 = arith.constant 0 : i32
      %dma_wait3A_104 = tpu.memref_slice %arg2[%dma_wait3A_97, %dma_wait3A_102, %dma_wait3A_103] : memref<2x10240x64xbf16, #tpu.memory_space<hbm>> -> memref<1x10240x64xbf16, #tpu.memory_space<hbm>>
      %dma_wait3A_105 = tpu.memref_squeeze %dma_wait3A_104 : memref<1x10240x64xbf16, #tpu.memory_space<hbm>> -> memref<10240x64xbf16, #tpu.memory_space<hbm>>
      %dma_wait3A_106 = arith.constant 0 : i32
      %dma_wait3A_107 = arith.constant 0 : i32
      %dma_wait3A_108 = tpu.memref_slice %dma_wait3A_105[%dma_wait3A_106, %dma_wait3A_107] : memref<10240x64xbf16, #tpu.memory_space<hbm>> -> memref<10240x64xbf16, #tpu.memory_space<hbm>>
      tpu.wait_indirect_dma semaphore(%arg15 : memref<!tpu.dma_semaphore, #tpu.memory_space<semaphore_mem>>) src(%dma_wait3A_108 : memref<10240x64xbf16, #tpu.memory_space<hbm>>) dst(%arg10 : memref<128x64xbf16, #tpu.memory_space<vmem>>)
      %dma_start3A_109 = arith.constant 1 : i32
      %dma_start3A_110 = arith.constant 0 : i32
      %dma_start3A_111 = tpu.memref_slice %arg8[%dma_start3A_109, %dma_start3A_110] : memref<164x128xi32, #tpu.memory_space<vmem>> -> memref<1x128xi32, #tpu.memory_space<vmem>>
      %dma_start3A_112 = tpu.memref_squeeze %dma_start3A_111 : memref<1x128xi32, #tpu.memory_space<vmem>> -> memref<128xi32, #tpu.memory_space<vmem>>
      %dma_start3A_113 = arith.constant 0 : i32
      %dma_start3A_114 = arith.constant 0 : i32
      %dma_start3A_115 = tpu.memref_slice %arg13[%dma_start3A_113, %dma_start3A_114] : memref<10240x64xbf16, #tpu.memory_space<vmem_shared>> -> memref<10240x64xbf16, #tpu.memory_space<vmem_shared>>
      tpu.enqueue_indirect_dma source(%arg10 : memref<128x64xbf16, #tpu.memory_space<vmem>>) target(%dma_start3A_115 : memref<10240x64xbf16, #tpu.memory_space<vmem_shared>>) offsets(%dma_start3A_112 : memref<128xi32, #tpu.memory_space<vmem>>) semaphore(%arg19 : memref<!tpu.dma_semaphore, #tpu.memory_space<semaphore_mem>>) {add = true}
      %dma_wait3A_116 = arith.constant 1 : i32
      %dma_wait3A_117 = arith.constant 0 : i32
      %dma_wait3A_118 = tpu.memref_slice %arg8[%dma_wait3A_116, %dma_wait3A_117] : memref<164x128xi32, #tpu.memory_space<vmem>> -> memref<1x128xi32, #tpu.memory_space<vmem>>
      %dma_wait3A_119 = tpu.memref_squeeze %dma_wait3A_118 : memref<1x128xi32, #tpu.memory_space<vmem>> -> memref<128xi32, #tpu.memory_space<vmem>>
      %dma_wait3A_120 = arith.constant 0 : i32
      %dma_wait3A_121 = arith.constant 0 : i32
      %dma_wait3A_122 = tpu.memref_slice %arg13[%dma_wait3A_120, %dma_wait3A_121] : memref<10240x64xbf16, #tpu.memory_space<vmem_shared>> -> memref<10240x64xbf16, #tpu.memory_space<vmem_shared>>
      tpu.wait_indirect_dma semaphore(%arg19 : memref<!tpu.dma_semaphore, #tpu.memory_space<semaphore_mem>>) src(%arg10 : memref<128x64xbf16, #tpu.memory_space<vmem>>) dst(%dma_wait3A_122 : memref<10240x64xbf16, #tpu.memory_space<vmem_shared>>)
      %dma_start3A_123 = arith.constant 1 : i32
      %dma_start3A_124 = arith.constant 5 : i32
      %dma_start3A_125 = arith.constant 0 : i32
      %dma_start3A_126 = tpu.memref_slice %arg7[%dma_start3A_124, %dma_start3A_125] : memref<164x128xi32, #tpu.memory_space<vmem>> -> memref<1x128xi32, #tpu.memory_space<vmem>>
      %dma_start3A_127 = tpu.memref_squeeze %dma_start3A_126 : memref<1x128xi32, #tpu.memory_space<vmem>> -> memref<128xi32, #tpu.memory_space<vmem>>
      %dma_start3A_128 = arith.constant 0 : i32
      %dma_start3A_129 = arith.constant 0 : i32
      %dma_start3A_130 = tpu.memref_slice %arg2[%dma_start3A_123, %dma_start3A_128, %dma_start3A_129] : memref<2x10240x64xbf16, #tpu.memory_space<hbm>> -> memref<1x10240x64xbf16, #tpu.memory_space<hbm>>
      %dma_start3A_131 = tpu.memref_squeeze %dma_start3A_130 : memref<1x10240x64xbf16, #tpu.memory_space<hbm>> -> memref<10240x64xbf16, #tpu.memory_space<hbm>>
      %dma_start3A_132 = arith.constant 0 : i32
      %dma_start3A_133 = arith.constant 0 : i32
      %dma_start3A_134 = tpu.memref_slice %dma_start3A_131[%dma_start3A_132, %dma_start3A_133] : memref<10240x64xbf16, #tpu.memory_space<hbm>> -> memref<10240x64xbf16, #tpu.memory_space<hbm>>
      tpu.enqueue_indirect_dma source(%dma_start3A_134 : memref<10240x64xbf16, #tpu.memory_space<hbm>>) target(%arg10 : memref<128x64xbf16, #tpu.memory_space<vmem>>) offsets(%dma_start3A_127 : memref<128xi32, #tpu.memory_space<vmem>>) semaphore(%arg15 : memref<!tpu.dma_semaphore, #tpu.memory_space<semaphore_mem>>)
      %dma_wait3A_135 = arith.constant 1 : i32
      %dma_wait3A_136 = arith.constant 2 : i32
      %dma_wait3A_137 = arith.constant 0 : i32
      %dma_wait3A_138 = tpu.memref_slice %arg7[%dma_wait3A_136, %dma_wait3A_137] : memref<164x128xi32, #tpu.memory_space<vmem>> -> memref<1x128xi32, #tpu.memory_space<vmem>>
      %dma_wait3A_139 = tpu.memref_squeeze %dma_wait3A_138 : memref<1x128xi32, #tpu.memory_space<vmem>> -> memref<128xi32, #tpu.memory_space<vmem>>
      %dma_wait3A_140 = arith.constant 0 : i32
      %dma_wait3A_141 = arith.constant 0 : i32
      %dma_wait3A_142 = tpu.memref_slice %arg2[%dma_wait3A_135, %dma_wait3A_140, %dma_wait3A_141] : memref<2x10240x64xbf16, #tpu.memory_space<hbm>> -> memref<1x10240x64xbf16, #tpu.memory_space<hbm>>
      %dma_wait3A_143 = tpu.memref_squeeze %dma_wait3A_142 : memref<1x10240x64xbf16, #tpu.memory_space<hbm>> -> memref<10240x64xbf16, #tpu.memory_space<hbm>>
      %dma_wait3A_144 = arith.constant 0 : i32
      %dma_wait3A_145 = arith.constant 0 : i32
      %dma_wait3A_146 = tpu.memref_slice %dma_wait3A_143[%dma_wait3A_144, %dma_wait3A_145] : memref<10240x64xbf16, #tpu.memory_space<hbm>> -> memref<10240x64xbf16, #tpu.memory_space<hbm>>
      tpu.wait_indirect_dma semaphore(%arg16 : memref<!tpu.dma_semaphore, #tpu.memory_space<semaphore_mem>>) src(%dma_wait3A_146 : memref<10240x64xbf16, #tpu.memory_space<hbm>>) dst(%arg11 : memref<128x64xbf16, #tpu.memory_space<vmem>>)
      %dma_start3A_147 = arith.constant 2 : i32
      %dma_start3A_148 = arith.constant 0 : i32
      %dma_start3A_149 = tpu.memref_slice %arg8[%dma_start3A_147, %dma_start3A_148] : memref<164x128xi32, #tpu.memory_space<vmem>> -> memref<1x128xi32, #tpu.memory_space<vmem>>
      %dma_start3A_150 = tpu.memref_squeeze %dma_start3A_149 : memref<1x128xi32, #tpu.memory_space<vmem>> -> memref<128xi32, #tpu.memory_space<vmem>>
      %dma_start3A_151 = arith.constant 0 : i32
      %dma_start3A_152 = arith.constant 0 : i32
      %dma_start3A_153 = tpu.memref_slice %arg13[%dma_start3A_151, %dma_start3A_152] : memref<10240x64xbf16, #tpu.memory_space<vmem_shared>> -> memref<10240x64xbf16, #tpu.memory_space<vmem_shared>>
      tpu.enqueue_indirect_dma source(%arg11 : memref<128x64xbf16, #tpu.memory_space<vmem>>) target(%dma_start3A_153 : memref<10240x64xbf16, #tpu.memory_space<vmem_shared>>) offsets(%dma_start3A_150 : memref<128xi32, #tpu.memory_space<vmem>>) semaphore(%arg20 : memref<!tpu.dma_semaphore, #tpu.memory_space<semaphore_mem>>) {add = true}
      %dma_wait3A_154 = arith.constant 2 : i32
      %dma_wait3A_155 = arith.constant 0 : i32
      %dma_wait3A_156 = tpu.memref_slice %arg8[%dma_wait3A_154, %dma_wait3A_155] : memref<164x128xi32, #tpu.memory_space<vmem>> -> memref<1x128xi32, #tpu.memory_space<vmem>>
      %dma_wait3A_157 = tpu.memref_squeeze %dma_wait3A_156 : memref<1x128xi32, #tpu.memory_space<vmem>> -> memref<128xi32, #tpu.memory_space<vmem>>
      %dma_wait3A_158 = arith.constant 0 : i32
      %dma_wait3A_159 = arith.constant 0 : i32
      %dma_wait3A_160 = tpu.memref_slice %arg13[%dma_wait3A_158, %dma_wait3A_159] : memref<10240x64xbf16, #tpu.memory_space<vmem_shared>> -> memref<10240x64xbf16, #tpu.memory_space<vmem_shared>>
      tpu.wait_indirect_dma semaphore(%arg20 : memref<!tpu.dma_semaphore, #tpu.memory_space<semaphore_mem>>) src(%arg11 : memref<128x64xbf16, #tpu.memory_space<vmem>>) dst(%dma_wait3A_160 : memref<10240x64xbf16, #tpu.memory_space<vmem_shared>>)
      %dma_start3A_161 = arith.constant 1 : i32
      %dma_start3A_162 = arith.constant 6 : i32
      %dma_start3A_163 = arith.constant 0 : i32
      %dma_start3A_164 = tpu.memref_slice %arg7[%dma_start3A_162, %dma_start3A_163] : memref<164x128xi32, #tpu.memory_space<vmem>> -> memref<1x128xi32, #tpu.memory_space<vmem>>
      %dma_start3A_165 = tpu.memref_squeeze %dma_start3A_164 : memref<1x128xi32, #tpu.memory_space<vmem>> -> memref<128xi32, #tpu.memory_space<vmem>>
      %dma_start3A_166 = arith.constant 0 : i32
      %dma_start3A_167 = arith.constant 0 : i32
      %dma_start3A_168 = tpu.memref_slice %arg2[%dma_start3A_161, %dma_start3A_166, %dma_start3A_167] : memref<2x10240x64xbf16, #tpu.memory_space<hbm>> -> memref<1x10240x64xbf16, #tpu.memory_space<hbm>>
      %dma_start3A_169 = tpu.memref_squeeze %dma_start3A_168 : memref<1x10240x64xbf16, #tpu.memory_space<hbm>> -> memref<10240x64xbf16, #tpu.memory_space<hbm>>
      %dma_start3A_170 = arith.constant 0 : i32
      %dma_start3A_171 = arith.constant 0 : i32
      %dma_start3A_172 = tpu.memref_slice %dma_start3A_169[%dma_start3A_170, %dma_start3A_171] : memref<10240x64xbf16, #tpu.memory_space<hbm>> -> memref<10240x64xbf16, #tpu.memory_space<hbm>>
      tpu.enqueue_indirect_dma source(%dma_start3A_172 : memref<10240x64xbf16, #tpu.memory_space<hbm>>) target(%arg11 : memref<128x64xbf16, #tpu.memory_space<vmem>>) offsets(%dma_start3A_165 : memref<128xi32, #tpu.memory_space<vmem>>) semaphore(%arg16 : memref<!tpu.dma_semaphore, #tpu.memory_space<semaphore_mem>>)
      %dma_wait3A_173 = arith.constant 1 : i32
      %dma_wait3A_174 = arith.constant 3 : i32
      %dma_wait3A_175 = arith.constant 0 : i32
      %dma_wait3A_176 = tpu.memref_slice %arg7[%dma_wait3A_174, %dma_wait3A_175] : memref<164x128xi32, #tpu.memory_space<vmem>> -> memref<1x128xi32, #tpu.memory_space<vmem>>
      %dma_wait3A_177 = tpu.memref_squeeze %dma_wait3A_176 : memref<1x128xi32, #tpu.memory_space<vmem>> -> memref<128xi32, #tpu.memory_space<vmem>>
      %dma_wait3A_178 = arith.constant 0 : i32
      %dma_wait3A_179 = arith.constant 0 : i32
      %dma_wait3A_180 = tpu.memref_slice %arg2[%dma_wait3A_173, %dma_wait3A_178, %dma_wait3A_179] : memref<2x10240x64xbf16, #tpu.memory_space<hbm>> -> memref<1x10240x64xbf16, #tpu.memory_space<hbm>>
      %dma_wait3A_181 = tpu.memref_squeeze %dma_wait3A_180 : memref<1x10240x64xbf16, #tpu.memory_space<hbm>> -> memref<10240x64xbf16, #tpu.memory_space<hbm>>
      %dma_wait3A_182 = arith.constant 0 : i32
      %dma_wait3A_183 = arith.constant 0 : i32
      %dma_wait3A_184 = tpu.memref_slice %dma_wait3A_181[%dma_wait3A_182, %dma_wait3A_183] : memref<10240x64xbf16, #tpu.memory_space<hbm>> -> memref<10240x64xbf16, #tpu.memory_space<hbm>>
      tpu.wait_indirect_dma semaphore(%arg17 : memref<!tpu.dma_semaphore, #tpu.memory_space<semaphore_mem>>) src(%dma_wait3A_184 : memref<10240x64xbf16, #tpu.memory_space<hbm>>) dst(%arg12 : memref<128x64xbf16, #tpu.memory_space<vmem>>)
      %dma_start3A_185 = arith.constant 3 : i32
      %dma_start3A_186 = arith.constant 0 : i32
      %dma_start3A_187 = tpu.memref_slice %arg8[%dma_start3A_185, %dma_start3A_186] : memref<164x128xi32, #tpu.memory_space<vmem>> -> memref<1x128xi32, #tpu.memory_space<vmem>>
      %dma_start3A_188 = tpu.memref_squeeze %dma_start3A_187 : memref<1x128xi32, #tpu.memory_space<vmem>> -> memref<128xi32, #tpu.memory_space<vmem>>
      %dma_start3A_189 = arith.constant 0 : i32
      %dma_start3A_190 = arith.constant 0 : i32
      %dma_start3A_191 = tpu.memref_slice %arg13[%dma_start3A_189, %dma_start3A_190] : memref<10240x64xbf16, #tpu.memory_space<vmem_shared>> -> memref<10240x64xbf16, #tpu.memory_space<vmem_shared>>
      tpu.enqueue_indirect_dma source(%arg12 : memref<128x64xbf16, #tpu.memory_space<vmem>>) target(%dma_start3A_191 : memref<10240x64xbf16, #tpu.memory_space<vmem_shared>>) offsets(%dma_start3A_188 : memref<128xi32, #tpu.memory_space<vmem>>) semaphore(%arg21 : memref<!tpu.dma_semaphore, #tpu.memory_space<semaphore_mem>>) {add = true}
      %scan3A = arith.constant 1 : i32
      %scan3A_192 = arith.constant 0 : i32
      %scan3A_193 = arith.constant 1 : i32
      %scan3A_194 = arith.constant 39 : i32
      %scan3A_195 = arith.addi %scan3A_193, %scan3A_194 : i32
      %scan3A_196 = arith.constant 1 : i32
      %scan3A_197 = scf.for %scan3A_322 = %scan3A_193 to %scan3A_195 step %scan3A_196 iter_args(%scan3A_323 = %scan3A_192) -> (i32)  : i32 {
        %mul3A_324 = arith.constant 4 : i32
        %mul3A_325 = arith.muli %mul3A_324, %scan3A_322 : i32
        %add3A = arith.constant 0 : i32
        %add3A_326 = arith.addi %mul3A_325, %add3A : i32
        %sub3A = arith.constant 1 : i32
        %sub3A_327 = arith.subi %add3A_326, %sub3A : i32
        %dma_wait3A_328 = arith.constant 0 : i32
        %dma_wait3A_329 = tpu.memref_slice %arg8[%sub3A_327, %dma_wait3A_328] : memref<164x128xi32, #tpu.memory_space<vmem>> -> memref<1x128xi32, #tpu.memory_space<vmem>>
        %dma_wait3A_330 = tpu.memref_squeeze %dma_wait3A_329 : memref<1x128xi32, #tpu.memory_space<vmem>> -> memref<128xi32, #tpu.memory_space<vmem>>
        %dma_wait3A_331 = arith.constant 0 : i32
        %dma_wait3A_332 = arith.constant 0 : i32
        %dma_wait3A_333 = tpu.memref_slice %arg13[%dma_wait3A_331, %dma_wait3A_332] : memref<10240x64xbf16, #tpu.memory_space<vmem_shared>> -> memref<10240x64xbf16, #tpu.memory_space<vmem_shared>>
        tpu.wait_indirect_dma semaphore(%arg21 : memref<!tpu.dma_semaphore, #tpu.memory_space<semaphore_mem>>) src(%arg12 : memref<128x64xbf16, #tpu.memory_space<vmem>>) dst(%dma_wait3A_333 : memref<10240x64xbf16, #tpu.memory_space<vmem_shared>>)
        %add3A_334 = arith.constant 3 : i32
        %add3A_335 = arith.addi %add3A_326, %add3A_334 : i32
        %dma_start3A_336 = arith.constant 0 : i32
        %dma_start3A_337 = tpu.memref_slice %arg7[%add3A_335, %dma_start3A_336] : memref<164x128xi32, #tpu.memory_space<vmem>> -> memref<1x128xi32, #tpu.memory_space<vmem>>
        %dma_start3A_338 = tpu.memref_squeeze %dma_start3A_337 : memref<1x128xi32, #tpu.memory_space<vmem>> -> memref<128xi32, #tpu.memory_space<vmem>>
        %dma_start3A_339 = arith.constant 0 : i32
        %dma_start3A_340 = arith.constant 0 : i32
        %dma_start3A_341 = tpu.memref_slice %arg2[%scan3A, %dma_start3A_339, %dma_start3A_340] : memref<2x10240x64xbf16, #tpu.memory_space<hbm>> -> memref<1x10240x64xbf16, #tpu.memory_space<hbm>>
        %dma_start3A_342 = tpu.memref_squeeze %dma_start3A_341 : memref<1x10240x64xbf16, #tpu.memory_space<hbm>> -> memref<10240x64xbf16, #tpu.memory_space<hbm>>
        %dma_start3A_343 = arith.constant 0 : i32
        %dma_start3A_344 = arith.constant 0 : i32
        %dma_start3A_345 = tpu.memref_slice %dma_start3A_342[%dma_start3A_343, %dma_start3A_344] : memref<10240x64xbf16, #tpu.memory_space<hbm>> -> memref<10240x64xbf16, #tpu.memory_space<hbm>>
        tpu.enqueue_indirect_dma source(%dma_start3A_345 : memref<10240x64xbf16, #tpu.memory_space<hbm>>) target(%arg12 : memref<128x64xbf16, #tpu.memory_space<vmem>>) offsets(%dma_start3A_338 : memref<128xi32, #tpu.memory_space<vmem>>) semaphore(%arg17 : memref<!tpu.dma_semaphore, #tpu.memory_space<semaphore_mem>>)
        %dma_wait3A_346 = arith.constant 0 : i32
        %dma_wait3A_347 = tpu.memref_slice %arg7[%add3A_326, %dma_wait3A_346] : memref<164x128xi32, #tpu.memory_space<vmem>> -> memref<1x128xi32, #tpu.memory_space<vmem>>
        %dma_wait3A_348 = tpu.memref_squeeze %dma_wait3A_347 : memref<1x128xi32, #tpu.memory_space<vmem>> -> memref<128xi32, #tpu.memory_space<vmem>>
        %dma_wait3A_349 = arith.constant 0 : i32
        %dma_wait3A_350 = arith.constant 0 : i32
        %dma_wait3A_351 = tpu.memref_slice %arg2[%scan3A, %dma_wait3A_349, %dma_wait3A_350] : memref<2x10240x64xbf16, #tpu.memory_space<hbm>> -> memref<1x10240x64xbf16, #tpu.memory_space<hbm>>
        %dma_wait3A_352 = tpu.memref_squeeze %dma_wait3A_351 : memref<1x10240x64xbf16, #tpu.memory_space<hbm>> -> memref<10240x64xbf16, #tpu.memory_space<hbm>>
        %dma_wait3A_353 = arith.constant 0 : i32
        %dma_wait3A_354 = arith.constant 0 : i32
        %dma_wait3A_355 = tpu.memref_slice %dma_wait3A_352[%dma_wait3A_353, %dma_wait3A_354] : memref<10240x64xbf16, #tpu.memory_space<hbm>> -> memref<10240x64xbf16, #tpu.memory_space<hbm>>
        tpu.wait_indirect_dma semaphore(%arg14 : memref<!tpu.dma_semaphore, #tpu.memory_space<semaphore_mem>>) src(%dma_wait3A_355 : memref<10240x64xbf16, #tpu.memory_space<hbm>>) dst(%arg9 : memref<128x64xbf16, #tpu.memory_space<vmem>>)
        %dma_start3A_356 = arith.constant 0 : i32
        %dma_start3A_357 = tpu.memref_slice %arg8[%add3A_326, %dma_start3A_356] : memref<164x128xi32, #tpu.memory_space<vmem>> -> memref<1x128xi32, #tpu.memory_space<vmem>>
        %dma_start3A_358 = tpu.memref_squeeze %dma_start3A_357 : memref<1x128xi32, #tpu.memory_space<vmem>> -> memref<128xi32, #tpu.memory_space<vmem>>
        %dma_start3A_359 = arith.constant 0 : i32
        %dma_start3A_360 = arith.constant 0 : i32
        %dma_start3A_361 = tpu.memref_slice %arg13[%dma_start3A_359, %dma_start3A_360] : memref<10240x64xbf16, #tpu.memory_space<vmem_shared>> -> memref<10240x64xbf16, #tpu.memory_space<vmem_shared>>
        tpu.enqueue_indirect_dma source(%arg9 : memref<128x64xbf16, #tpu.memory_space<vmem>>) target(%dma_start3A_361 : memref<10240x64xbf16, #tpu.memory_space<vmem_shared>>) offsets(%dma_start3A_358 : memref<128xi32, #tpu.memory_space<vmem>>) semaphore(%arg18 : memref<!tpu.dma_semaphore, #tpu.memory_space<semaphore_mem>>) {add = true}
        %mul3A_362 = arith.constant 4 : i32
        %mul3A_363 = arith.muli %mul3A_362, %scan3A_322 : i32
        %add3A_364 = arith.constant 1 : i32
        %add3A_365 = arith.addi %mul3A_363, %add3A_364 : i32
        %sub3A_366 = arith.constant 1 : i32
        %sub3A_367 = arith.subi %add3A_365, %sub3A_366 : i32
        %dma_wait3A_368 = arith.constant 0 : i32
        %dma_wait3A_369 = tpu.memref_slice %arg8[%sub3A_367, %dma_wait3A_368] : memref<164x128xi32, #tpu.memory_space<vmem>> -> memref<1x128xi32, #tpu.memory_space<vmem>>
        %dma_wait3A_370 = tpu.memref_squeeze %dma_wait3A_369 : memref<1x128xi32, #tpu.memory_space<vmem>> -> memref<128xi32, #tpu.memory_space<vmem>>
        %dma_wait3A_371 = arith.constant 0 : i32
        %dma_wait3A_372 = arith.constant 0 : i32
        %dma_wait3A_373 = tpu.memref_slice %arg13[%dma_wait3A_371, %dma_wait3A_372] : memref<10240x64xbf16, #tpu.memory_space<vmem_shared>> -> memref<10240x64xbf16, #tpu.memory_space<vmem_shared>>
        tpu.wait_indirect_dma semaphore(%arg18 : memref<!tpu.dma_semaphore, #tpu.memory_space<semaphore_mem>>) src(%arg9 : memref<128x64xbf16, #tpu.memory_space<vmem>>) dst(%dma_wait3A_373 : memref<10240x64xbf16, #tpu.memory_space<vmem_shared>>)
        %add3A_374 = arith.constant 3 : i32
        %add3A_375 = arith.addi %add3A_365, %add3A_374 : i32
        %dma_start3A_376 = arith.constant 0 : i32
        %dma_start3A_377 = tpu.memref_slice %arg7[%add3A_375, %dma_start3A_376] : memref<164x128xi32, #tpu.memory_space<vmem>> -> memref<1x128xi32, #tpu.memory_space<vmem>>
        %dma_start3A_378 = tpu.memref_squeeze %dma_start3A_377 : memref<1x128xi32, #tpu.memory_space<vmem>> -> memref<128xi32, #tpu.memory_space<vmem>>
        %dma_start3A_379 = arith.constant 0 : i32
        %dma_start3A_380 = arith.constant 0 : i32
        %dma_start3A_381 = tpu.memref_slice %arg2[%scan3A, %dma_start3A_379, %dma_start3A_380] : memref<2x10240x64xbf16, #tpu.memory_space<hbm>> -> memref<1x10240x64xbf16, #tpu.memory_space<hbm>>
        %dma_start3A_382 = tpu.memref_squeeze %dma_start3A_381 : memref<1x10240x64xbf16, #tpu.memory_space<hbm>> -> memref<10240x64xbf16, #tpu.memory_space<hbm>>
        %dma_start3A_383 = arith.constant 0 : i32
        %dma_start3A_384 = arith.constant 0 : i32
        %dma_start3A_385 = tpu.memref_slice %dma_start3A_382[%dma_start3A_383, %dma_start3A_384] : memref<10240x64xbf16, #tpu.memory_space<hbm>> -> memref<10240x64xbf16, #tpu.memory_space<hbm>>
        tpu.enqueue_indirect_dma source(%dma_start3A_385 : memref<10240x64xbf16, #tpu.memory_space<hbm>>) target(%arg9 : memref<128x64xbf16, #tpu.memory_space<vmem>>) offsets(%dma_start3A_378 : memref<128xi32, #tpu.memory_space<vmem>>) semaphore(%arg14 : memref<!tpu.dma_semaphore, #tpu.memory_space<semaphore_mem>>)
        %dma_wait3A_386 = arith.constant 0 : i32
        %dma_wait3A_387 = tpu.memref_slice %arg7[%add3A_365, %dma_wait3A_386] : memref<164x128xi32, #tpu.memory_space<vmem>> -> memref<1x128xi32, #tpu.memory_space<vmem>>
        %dma_wait3A_388 = tpu.memref_squeeze %dma_wait3A_387 : memref<1x128xi32, #tpu.memory_space<vmem>> -> memref<128xi32, #tpu.memory_space<vmem>>
        %dma_wait3A_389 = arith.constant 0 : i32
        %dma_wait3A_390 = arith.constant 0 : i32
        %dma_wait3A_391 = tpu.memref_slice %arg2[%scan3A, %dma_wait3A_389, %dma_wait3A_390] : memref<2x10240x64xbf16, #tpu.memory_space<hbm>> -> memref<1x10240x64xbf16, #tpu.memory_space<hbm>>
        %dma_wait3A_392 = tpu.memref_squeeze %dma_wait3A_391 : memref<1x10240x64xbf16, #tpu.memory_space<hbm>> -> memref<10240x64xbf16, #tpu.memory_space<hbm>>
        %dma_wait3A_393 = arith.constant 0 : i32
        %dma_wait3A_394 = arith.constant 0 : i32
        %dma_wait3A_395 = tpu.memref_slice %dma_wait3A_392[%dma_wait3A_393, %dma_wait3A_394] : memref<10240x64xbf16, #tpu.memory_space<hbm>> -> memref<10240x64xbf16, #tpu.memory_space<hbm>>
        tpu.wait_indirect_dma semaphore(%arg15 : memref<!tpu.dma_semaphore, #tpu.memory_space<semaphore_mem>>) src(%dma_wait3A_395 : memref<10240x64xbf16, #tpu.memory_space<hbm>>) dst(%arg10 : memref<128x64xbf16, #tpu.memory_space<vmem>>)
        %dma_start3A_396 = arith.constant 0 : i32
        %dma_start3A_397 = tpu.memref_slice %arg8[%add3A_365, %dma_start3A_396] : memref<164x128xi32, #tpu.memory_space<vmem>> -> memref<1x128xi32, #tpu.memory_space<vmem>>
        %dma_start3A_398 = tpu.memref_squeeze %dma_start3A_397 : memref<1x128xi32, #tpu.memory_space<vmem>> -> memref<128xi32, #tpu.memory_space<vmem>>
        %dma_start3A_399 = arith.constant 0 : i32
        %dma_start3A_400 = arith.constant 0 : i32
        %dma_start3A_401 = tpu.memref_slice %arg13[%dma_start3A_399, %dma_start3A_400] : memref<10240x64xbf16, #tpu.memory_space<vmem_shared>> -> memref<10240x64xbf16, #tpu.memory_space<vmem_shared>>
        tpu.enqueue_indirect_dma source(%arg10 : memref<128x64xbf16, #tpu.memory_space<vmem>>) target(%dma_start3A_401 : memref<10240x64xbf16, #tpu.memory_space<vmem_shared>>) offsets(%dma_start3A_398 : memref<128xi32, #tpu.memory_space<vmem>>) semaphore(%arg19 : memref<!tpu.dma_semaphore, #tpu.memory_space<semaphore_mem>>) {add = true}
        %mul3A_402 = arith.constant 4 : i32
        %mul3A_403 = arith.muli %mul3A_402, %scan3A_322 : i32
        %add3A_404 = arith.constant 2 : i32
        %add3A_405 = arith.addi %mul3A_403, %add3A_404 : i32
        %sub3A_406 = arith.constant 1 : i32
        %sub3A_407 = arith.subi %add3A_405, %sub3A_406 : i32
        %dma_wait3A_408 = arith.constant 0 : i32
        %dma_wait3A_409 = tpu.memref_slice %arg8[%sub3A_407, %dma_wait3A_408] : memref<164x128xi32, #tpu.memory_space<vmem>> -> memref<1x128xi32, #tpu.memory_space<vmem>>
        %dma_wait3A_410 = tpu.memref_squeeze %dma_wait3A_409 : memref<1x128xi32, #tpu.memory_space<vmem>> -> memref<128xi32, #tpu.memory_space<vmem>>
        %dma_wait3A_411 = arith.constant 0 : i32
        %dma_wait3A_412 = arith.constant 0 : i32
        %dma_wait3A_413 = tpu.memref_slice %arg13[%dma_wait3A_411, %dma_wait3A_412] : memref<10240x64xbf16, #tpu.memory_space<vmem_shared>> -> memref<10240x64xbf16, #tpu.memory_space<vmem_shared>>
        tpu.wait_indirect_dma semaphore(%arg19 : memref<!tpu.dma_semaphore, #tpu.memory_space<semaphore_mem>>) src(%arg10 : memref<128x64xbf16, #tpu.memory_space<vmem>>) dst(%dma_wait3A_413 : memref<10240x64xbf16, #tpu.memory_space<vmem_shared>>)
        %add3A_414 = arith.constant 3 : i32
        %add3A_415 = arith.addi %add3A_405, %add3A_414 : i32
        %dma_start3A_416 = arith.constant 0 : i32
        %dma_start3A_417 = tpu.memref_slice %arg7[%add3A_415, %dma_start3A_416] : memref<164x128xi32, #tpu.memory_space<vmem>> -> memref<1x128xi32, #tpu.memory_space<vmem>>
        %dma_start3A_418 = tpu.memref_squeeze %dma_start3A_417 : memref<1x128xi32, #tpu.memory_space<vmem>> -> memref<128xi32, #tpu.memory_space<vmem>>
        %dma_start3A_419 = arith.constant 0 : i32
        %dma_start3A_420 = arith.constant 0 : i32
        %dma_start3A_421 = tpu.memref_slice %arg2[%scan3A, %dma_start3A_419, %dma_start3A_420] : memref<2x10240x64xbf16, #tpu.memory_space<hbm>> -> memref<1x10240x64xbf16, #tpu.memory_space<hbm>>
        %dma_start3A_422 = tpu.memref_squeeze %dma_start3A_421 : memref<1x10240x64xbf16, #tpu.memory_space<hbm>> -> memref<10240x64xbf16, #tpu.memory_space<hbm>>
        %dma_start3A_423 = arith.constant 0 : i32
        %dma_start3A_424 = arith.constant 0 : i32
        %dma_start3A_425 = tpu.memref_slice %dma_start3A_422[%dma_start3A_423, %dma_start3A_424] : memref<10240x64xbf16, #tpu.memory_space<hbm>> -> memref<10240x64xbf16, #tpu.memory_space<hbm>>
        tpu.enqueue_indirect_dma source(%dma_start3A_425 : memref<10240x64xbf16, #tpu.memory_space<hbm>>) target(%arg10 : memref<128x64xbf16, #tpu.memory_space<vmem>>) offsets(%dma_start3A_418 : memref<128xi32, #tpu.memory_space<vmem>>) semaphore(%arg15 : memref<!tpu.dma_semaphore, #tpu.memory_space<semaphore_mem>>)
        %dma_wait3A_426 = arith.constant 0 : i32
        %dma_wait3A_427 = tpu.memref_slice %arg7[%add3A_405, %dma_wait3A_426] : memref<164x128xi32, #tpu.memory_space<vmem>> -> memref<1x128xi32, #tpu.memory_space<vmem>>
        %dma_wait3A_428 = tpu.memref_squeeze %dma_wait3A_427 : memref<1x128xi32, #tpu.memory_space<vmem>> -> memref<128xi32, #tpu.memory_space<vmem>>
        %dma_wait3A_429 = arith.constant 0 : i32
        %dma_wait3A_430 = arith.constant 0 : i32
        %dma_wait3A_431 = tpu.memref_slice %arg2[%scan3A, %dma_wait3A_429, %dma_wait3A_430] : memref<2x10240x64xbf16, #tpu.memory_space<hbm>> -> memref<1x10240x64xbf16, #tpu.memory_space<hbm>>
        %dma_wait3A_432 = tpu.memref_squeeze %dma_wait3A_431 : memref<1x10240x64xbf16, #tpu.memory_space<hbm>> -> memref<10240x64xbf16, #tpu.memory_space<hbm>>
        %dma_wait3A_433 = arith.constant 0 : i32
        %dma_wait3A_434 = arith.constant 0 : i32
        %dma_wait3A_435 = tpu.memref_slice %dma_wait3A_432[%dma_wait3A_433, %dma_wait3A_434] : memref<10240x64xbf16, #tpu.memory_space<hbm>> -> memref<10240x64xbf16, #tpu.memory_space<hbm>>
        tpu.wait_indirect_dma semaphore(%arg16 : memref<!tpu.dma_semaphore, #tpu.memory_space<semaphore_mem>>) src(%dma_wait3A_435 : memref<10240x64xbf16, #tpu.memory_space<hbm>>) dst(%arg11 : memref<128x64xbf16, #tpu.memory_space<vmem>>)
        %dma_start3A_436 = arith.constant 0 : i32
        %dma_start3A_437 = tpu.memref_slice %arg8[%add3A_405, %dma_start3A_436] : memref<164x128xi32, #tpu.memory_space<vmem>> -> memref<1x128xi32, #tpu.memory_space<vmem>>
        %dma_start3A_438 = tpu.memref_squeeze %dma_start3A_437 : memref<1x128xi32, #tpu.memory_space<vmem>> -> memref<128xi32, #tpu.memory_space<vmem>>
        %dma_start3A_439 = arith.constant 0 : i32
        %dma_start3A_440 = arith.constant 0 : i32
        %dma_start3A_441 = tpu.memref_slice %arg13[%dma_start3A_439, %dma_start3A_440] : memref<10240x64xbf16, #tpu.memory_space<vmem_shared>> -> memref<10240x64xbf16, #tpu.memory_space<vmem_shared>>
        tpu.enqueue_indirect_dma source(%arg11 : memref<128x64xbf16, #tpu.memory_space<vmem>>) target(%dma_start3A_441 : memref<10240x64xbf16, #tpu.memory_space<vmem_shared>>) offsets(%dma_start3A_438 : memref<128xi32, #tpu.memory_space<vmem>>) semaphore(%arg20 : memref<!tpu.dma_semaphore, #tpu.memory_space<semaphore_mem>>) {add = true}
        %mul3A_442 = arith.constant 4 : i32
        %mul3A_443 = arith.muli %mul3A_442, %scan3A_322 : i32
        %add3A_444 = arith.constant 3 : i32
        %add3A_445 = arith.addi %mul3A_443, %add3A_444 : i32
        %sub3A_446 = arith.constant 1 : i32
        %sub3A_447 = arith.subi %add3A_445, %sub3A_446 : i32
        %dma_wait3A_448 = arith.constant 0 : i32
        %dma_wait3A_449 = tpu.memref_slice %arg8[%sub3A_447, %dma_wait3A_448] : memref<164x128xi32, #tpu.memory_space<vmem>> -> memref<1x128xi32, #tpu.memory_space<vmem>>
        %dma_wait3A_450 = tpu.memref_squeeze %dma_wait3A_449 : memref<1x128xi32, #tpu.memory_space<vmem>> -> memref<128xi32, #tpu.memory_space<vmem>>
        %dma_wait3A_451 = arith.constant 0 : i32
        %dma_wait3A_452 = arith.constant 0 : i32
        %dma_wait3A_453 = tpu.memref_slice %arg13[%dma_wait3A_451, %dma_wait3A_452] : memref<10240x64xbf16, #tpu.memory_space<vmem_shared>> -> memref<10240x64xbf16, #tpu.memory_space<vmem_shared>>
        tpu.wait_indirect_dma semaphore(%arg20 : memref<!tpu.dma_semaphore, #tpu.memory_space<semaphore_mem>>) src(%arg11 : memref<128x64xbf16, #tpu.memory_space<vmem>>) dst(%dma_wait3A_453 : memref<10240x64xbf16, #tpu.memory_space<vmem_shared>>)
        %add3A_454 = arith.constant 3 : i32
        %add3A_455 = arith.addi %add3A_445, %add3A_454 : i32
        %dma_start3A_456 = arith.constant 0 : i32
        %dma_start3A_457 = tpu.memref_slice %arg7[%add3A_455, %dma_start3A_456] : memref<164x128xi32, #tpu.memory_space<vmem>> -> memref<1x128xi32, #tpu.memory_space<vmem>>
        %dma_start3A_458 = tpu.memref_squeeze %dma_start3A_457 : memref<1x128xi32, #tpu.memory_space<vmem>> -> memref<128xi32, #tpu.memory_space<vmem>>
        %dma_start3A_459 = arith.constant 0 : i32
        %dma_start3A_460 = arith.constant 0 : i32
        %dma_start3A_461 = tpu.memref_slice %arg2[%scan3A, %dma_start3A_459, %dma_start3A_460] : memref<2x10240x64xbf16, #tpu.memory_space<hbm>> -> memref<1x10240x64xbf16, #tpu.memory_space<hbm>>
        %dma_start3A_462 = tpu.memref_squeeze %dma_start3A_461 : memref<1x10240x64xbf16, #tpu.memory_space<hbm>> -> memref<10240x64xbf16, #tpu.memory_space<hbm>>
        %dma_start3A_463 = arith.constant 0 : i32
        %dma_start3A_464 = arith.constant 0 : i32
        %dma_start3A_465 = tpu.memref_slice %dma_start3A_462[%dma_start3A_463, %dma_start3A_464] : memref<10240x64xbf16, #tpu.memory_space<hbm>> -> memref<10240x64xbf16, #tpu.memory_space<hbm>>
        tpu.enqueue_indirect_dma source(%dma_start3A_465 : memref<10240x64xbf16, #tpu.memory_space<hbm>>) target(%arg11 : memref<128x64xbf16, #tpu.memory_space<vmem>>) offsets(%dma_start3A_458 : memref<128xi32, #tpu.memory_space<vmem>>) semaphore(%arg16 : memref<!tpu.dma_semaphore, #tpu.memory_space<semaphore_mem>>)
        %dma_wait3A_466 = arith.constant 0 : i32
        %dma_wait3A_467 = tpu.memref_slice %arg7[%add3A_445, %dma_wait3A_466] : memref<164x128xi32, #tpu.memory_space<vmem>> -> memref<1x128xi32, #tpu.memory_space<vmem>>
        %dma_wait3A_468 = tpu.memref_squeeze %dma_wait3A_467 : memref<1x128xi32, #tpu.memory_space<vmem>> -> memref<128xi32, #tpu.memory_space<vmem>>
        %dma_wait3A_469 = arith.constant 0 : i32
        %dma_wait3A_470 = arith.constant 0 : i32
        %dma_wait3A_471 = tpu.memref_slice %arg2[%scan3A, %dma_wait3A_469, %dma_wait3A_470] : memref<2x10240x64xbf16, #tpu.memory_space<hbm>> -> memref<1x10240x64xbf16, #tpu.memory_space<hbm>>
        %dma_wait3A_472 = tpu.memref_squeeze %dma_wait3A_471 : memref<1x10240x64xbf16, #tpu.memory_space<hbm>> -> memref<10240x64xbf16, #tpu.memory_space<hbm>>
        %dma_wait3A_473 = arith.constant 0 : i32
        %dma_wait3A_474 = arith.constant 0 : i32
        %dma_wait3A_475 = tpu.memref_slice %dma_wait3A_472[%dma_wait3A_473, %dma_wait3A_474] : memref<10240x64xbf16, #tpu.memory_space<hbm>> -> memref<10240x64xbf16, #tpu.memory_space<hbm>>
        tpu.wait_indirect_dma semaphore(%arg17 : memref<!tpu.dma_semaphore, #tpu.memory_space<semaphore_mem>>) src(%dma_wait3A_475 : memref<10240x64xbf16, #tpu.memory_space<hbm>>) dst(%arg12 : memref<128x64xbf16, #tpu.memory_space<vmem>>)
        %dma_start3A_476 = arith.constant 0 : i32
        %dma_start3A_477 = tpu.memref_slice %arg8[%add3A_445, %dma_start3A_476] : memref<164x128xi32, #tpu.memory_space<vmem>> -> memref<1x128xi32, #tpu.memory_space<vmem>>
        %dma_start3A_478 = tpu.memref_squeeze %dma_start3A_477 : memref<1x128xi32, #tpu.memory_space<vmem>> -> memref<128xi32, #tpu.memory_space<vmem>>
        %dma_start3A_479 = arith.constant 0 : i32
        %dma_start3A_480 = arith.constant 0 : i32
        %dma_start3A_481 = tpu.memref_slice %arg13[%dma_start3A_479, %dma_start3A_480] : memref<10240x64xbf16, #tpu.memory_space<vmem_shared>> -> memref<10240x64xbf16, #tpu.memory_space<vmem_shared>>
        tpu.enqueue_indirect_dma source(%arg12 : memref<128x64xbf16, #tpu.memory_space<vmem>>) target(%dma_start3A_481 : memref<10240x64xbf16, #tpu.memory_space<vmem_shared>>) offsets(%dma_start3A_478 : memref<128xi32, #tpu.memory_space<vmem>>) semaphore(%arg21 : memref<!tpu.dma_semaphore, #tpu.memory_space<semaphore_mem>>) {add = true}
        %scan3A_482 = arith.constant 0 : i32
        scf.yield %scan3A_482 : i32
      }
      %scan3A_198 = arith.constant 39 : i32
      %dma_wait3A_199 = arith.constant 159 : i32
      %dma_wait3A_200 = arith.constant 0 : i32
      %dma_wait3A_201 = tpu.memref_slice %arg8[%dma_wait3A_199, %dma_wait3A_200] : memref<164x128xi32, #tpu.memory_space<vmem>> -> memref<1x128xi32, #tpu.memory_space<vmem>>
      %dma_wait3A_202 = tpu.memref_squeeze %dma_wait3A_201 : memref<1x128xi32, #tpu.memory_space<vmem>> -> memref<128xi32, #tpu.memory_space<vmem>>
      %dma_wait3A_203 = arith.constant 0 : i32
      %dma_wait3A_204 = arith.constant 0 : i32
      %dma_wait3A_205 = tpu.memref_slice %arg13[%dma_wait3A_203, %dma_wait3A_204] : memref<10240x64xbf16, #tpu.memory_space<vmem_shared>> -> memref<10240x64xbf16, #tpu.memory_space<vmem_shared>>
      tpu.wait_indirect_dma semaphore(%arg21 : memref<!tpu.dma_semaphore, #tpu.memory_space<semaphore_mem>>) src(%arg12 : memref<128x64xbf16, #tpu.memory_space<vmem>>) dst(%dma_wait3A_205 : memref<10240x64xbf16, #tpu.memory_space<vmem_shared>>)
      %dma_start3A_206 = arith.constant 1 : i32
      %dma_start3A_207 = arith.constant 163 : i32
      %dma_start3A_208 = arith.constant 0 : i32
      %dma_start3A_209 = tpu.memref_slice %arg7[%dma_start3A_207, %dma_start3A_208] : memref<164x128xi32, #tpu.memory_space<vmem>> -> memref<1x128xi32, #tpu.memory_space<vmem>>
      %dma_start3A_210 = tpu.memref_squeeze %dma_start3A_209 : memref<1x128xi32, #tpu.memory_space<vmem>> -> memref<128xi32, #tpu.memory_space<vmem>>
      %dma_start3A_211 = arith.constant 0 : i32
      %dma_start3A_212 = arith.constant 0 : i32
      %dma_start3A_213 = tpu.memref_slice %arg2[%dma_start3A_206, %dma_start3A_211, %dma_start3A_212] : memref<2x10240x64xbf16, #tpu.memory_space<hbm>> -> memref<1x10240x64xbf16, #tpu.memory_space<hbm>>
      %dma_start3A_214 = tpu.memref_squeeze %dma_start3A_213 : memref<1x10240x64xbf16, #tpu.memory_space<hbm>> -> memref<10240x64xbf16, #tpu.memory_space<hbm>>
      %dma_start3A_215 = arith.constant 0 : i32
      %dma_start3A_216 = arith.constant 0 : i32
      %dma_start3A_217 = tpu.memref_slice %dma_start3A_214[%dma_start3A_215, %dma_start3A_216] : memref<10240x64xbf16, #tpu.memory_space<hbm>> -> memref<10240x64xbf16, #tpu.memory_space<hbm>>
      tpu.enqueue_indirect_dma source(%dma_start3A_217 : memref<10240x64xbf16, #tpu.memory_space<hbm>>) target(%arg12 : memref<128x64xbf16, #tpu.memory_space<vmem>>) offsets(%dma_start3A_210 : memref<128xi32, #tpu.memory_space<vmem>>) semaphore(%arg17 : memref<!tpu.dma_semaphore, #tpu.memory_space<semaphore_mem>>)
      %dma_wait3A_218 = arith.constant 1 : i32
      %dma_wait3A_219 = arith.constant 160 : i32
      %dma_wait3A_220 = arith.constant 0 : i32
      %dma_wait3A_221 = tpu.memref_slice %arg7[%dma_wait3A_219, %dma_wait3A_220] : memref<164x128xi32, #tpu.memory_space<vmem>> -> memref<1x128xi32, #tpu.memory_space<vmem>>
      %dma_wait3A_222 = tpu.memref_squeeze %dma_wait3A_221 : memref<1x128xi32, #tpu.memory_space<vmem>> -> memref<128xi32, #tpu.memory_space<vmem>>
      %dma_wait3A_223 = arith.constant 0 : i32
      %dma_wait3A_224 = arith.constant 0 : i32
      %dma_wait3A_225 = tpu.memref_slice %arg2[%dma_wait3A_218, %dma_wait3A_223, %dma_wait3A_224] : memref<2x10240x64xbf16, #tpu.memory_space<hbm>> -> memref<1x10240x64xbf16, #tpu.memory_space<hbm>>
      %dma_wait3A_226 = tpu.memref_squeeze %dma_wait3A_225 : memref<1x10240x64xbf16, #tpu.memory_space<hbm>> -> memref<10240x64xbf16, #tpu.memory_space<hbm>>
      %dma_wait3A_227 = arith.constant 0 : i32
      %dma_wait3A_228 = arith.constant 0 : i32
      %dma_wait3A_229 = tpu.memref_slice %dma_wait3A_226[%dma_wait3A_227, %dma_wait3A_228] : memref<10240x64xbf16, #tpu.memory_space<hbm>> -> memref<10240x64xbf16, #tpu.memory_space<hbm>>
      tpu.wait_indirect_dma semaphore(%arg14 : memref<!tpu.dma_semaphore, #tpu.memory_space<semaphore_mem>>) src(%dma_wait3A_229 : memref<10240x64xbf16, #tpu.memory_space<hbm>>) dst(%arg9 : memref<128x64xbf16, #tpu.memory_space<vmem>>)
      %dma_start3A_230 = arith.constant 160 : i32
      %dma_start3A_231 = arith.constant 0 : i32
      %dma_start3A_232 = tpu.memref_slice %arg8[%dma_start3A_230, %dma_start3A_231] : memref<164x128xi32, #tpu.memory_space<vmem>> -> memref<1x128xi32, #tpu.memory_space<vmem>>
      %dma_start3A_233 = tpu.memref_squeeze %dma_start3A_232 : memref<1x128xi32, #tpu.memory_space<vmem>> -> memref<128xi32, #tpu.memory_space<vmem>>
      %dma_start3A_234 = arith.constant 0 : i32
      %dma_start3A_235 = arith.constant 0 : i32
      %dma_start3A_236 = tpu.memref_slice %arg13[%dma_start3A_234, %dma_start3A_235] : memref<10240x64xbf16, #tpu.memory_space<vmem_shared>> -> memref<10240x64xbf16, #tpu.memory_space<vmem_shared>>
      tpu.enqueue_indirect_dma source(%arg9 : memref<128x64xbf16, #tpu.memory_space<vmem>>) target(%dma_start3A_236 : memref<10240x64xbf16, #tpu.memory_space<vmem_shared>>) offsets(%dma_start3A_233 : memref<128xi32, #tpu.memory_space<vmem>>) semaphore(%arg18 : memref<!tpu.dma_semaphore, #tpu.memory_space<semaphore_mem>>) {add = true}
      %dma_wait3A_237 = arith.constant 1 : i32
      %dma_wait3A_238 = arith.constant 161 : i32
      %dma_wait3A_239 = arith.constant 0 : i32
      %dma_wait3A_240 = tpu.memref_slice %arg7[%dma_wait3A_238, %dma_wait3A_239] : memref<164x128xi32, #tpu.memory_space<vmem>> -> memref<1x128xi32, #tpu.memory_space<vmem>>
      %dma_wait3A_241 = tpu.memref_squeeze %dma_wait3A_240 : memref<1x128xi32, #tpu.memory_space<vmem>> -> memref<128xi32, #tpu.memory_space<vmem>>
      %dma_wait3A_242 = arith.constant 0 : i32
      %dma_wait3A_243 = arith.constant 0 : i32
      %dma_wait3A_244 = tpu.memref_slice %arg2[%dma_wait3A_237, %dma_wait3A_242, %dma_wait3A_243] : memref<2x10240x64xbf16, #tpu.memory_space<hbm>> -> memref<1x10240x64xbf16, #tpu.memory_space<hbm>>
      %dma_wait3A_245 = tpu.memref_squeeze %dma_wait3A_244 : memref<1x10240x64xbf16, #tpu.memory_space<hbm>> -> memref<10240x64xbf16, #tpu.memory_space<hbm>>
      %dma_wait3A_246 = arith.constant 0 : i32
      %dma_wait3A_247 = arith.constant 0 : i32
      %dma_wait3A_248 = tpu.memref_slice %dma_wait3A_245[%dma_wait3A_246, %dma_wait3A_247] : memref<10240x64xbf16, #tpu.memory_space<hbm>> -> memref<10240x64xbf16, #tpu.memory_space<hbm>>
      tpu.wait_indirect_dma semaphore(%arg15 : memref<!tpu.dma_semaphore, #tpu.memory_space<semaphore_mem>>) src(%dma_wait3A_248 : memref<10240x64xbf16, #tpu.memory_space<hbm>>) dst(%arg10 : memref<128x64xbf16, #tpu.memory_space<vmem>>)
      %dma_start3A_249 = arith.constant 161 : i32
      %dma_start3A_250 = arith.constant 0 : i32
      %dma_start3A_251 = tpu.memref_slice %arg8[%dma_start3A_249, %dma_start3A_250] : memref<164x128xi32, #tpu.memory_space<vmem>> -> memref<1x128xi32, #tpu.memory_space<vmem>>
      %dma_start3A_252 = tpu.memref_squeeze %dma_start3A_251 : memref<1x128xi32, #tpu.memory_space<vmem>> -> memref<128xi32, #tpu.memory_space<vmem>>
      %dma_start3A_253 = arith.constant 0 : i32
      %dma_start3A_254 = arith.constant 0 : i32
      %dma_start3A_255 = tpu.memref_slice %arg13[%dma_start3A_253, %dma_start3A_254] : memref<10240x64xbf16, #tpu.memory_space<vmem_shared>> -> memref<10240x64xbf16, #tpu.memory_space<vmem_shared>>
      tpu.enqueue_indirect_dma source(%arg10 : memref<128x64xbf16, #tpu.memory_space<vmem>>) target(%dma_start3A_255 : memref<10240x64xbf16, #tpu.memory_space<vmem_shared>>) offsets(%dma_start3A_252 : memref<128xi32, #tpu.memory_space<vmem>>) semaphore(%arg19 : memref<!tpu.dma_semaphore, #tpu.memory_space<semaphore_mem>>) {add = true}
      %dma_wait3A_256 = arith.constant 1 : i32
      %dma_wait3A_257 = arith.constant 162 : i32
      %dma_wait3A_258 = arith.constant 0 : i32
      %dma_wait3A_259 = tpu.memref_slice %arg7[%dma_wait3A_257, %dma_wait3A_258] : memref<164x128xi32, #tpu.memory_space<vmem>> -> memref<1x128xi32, #tpu.memory_space<vmem>>
      %dma_wait3A_260 = tpu.memref_squeeze %dma_wait3A_259 : memref<1x128xi32, #tpu.memory_space<vmem>> -> memref<128xi32, #tpu.memory_space<vmem>>
      %dma_wait3A_261 = arith.constant 0 : i32
      %dma_wait3A_262 = arith.constant 0 : i32
      %dma_wait3A_263 = tpu.memref_slice %arg2[%dma_wait3A_256, %dma_wait3A_261, %dma_wait3A_262] : memref<2x10240x64xbf16, #tpu.memory_space<hbm>> -> memref<1x10240x64xbf16, #tpu.memory_space<hbm>>
      %dma_wait3A_264 = tpu.memref_squeeze %dma_wait3A_263 : memref<1x10240x64xbf16, #tpu.memory_space<hbm>> -> memref<10240x64xbf16, #tpu.memory_space<hbm>>
      %dma_wait3A_265 = arith.constant 0 : i32
      %dma_wait3A_266 = arith.constant 0 : i32
      %dma_wait3A_267 = tpu.memref_slice %dma_wait3A_264[%dma_wait3A_265, %dma_wait3A_266] : memref<10240x64xbf16, #tpu.memory_space<hbm>> -> memref<10240x64xbf16, #tpu.memory_space<hbm>>
      tpu.wait_indirect_dma semaphore(%arg16 : memref<!tpu.dma_semaphore, #tpu.memory_space<semaphore_mem>>) src(%dma_wait3A_267 : memref<10240x64xbf16, #tpu.memory_space<hbm>>) dst(%arg11 : memref<128x64xbf16, #tpu.memory_space<vmem>>)
      %dma_start3A_268 = arith.constant 162 : i32
      %dma_start3A_269 = arith.constant 0 : i32
      %dma_start3A_270 = tpu.memref_slice %arg8[%dma_start3A_268, %dma_start3A_269] : memref<164x128xi32, #tpu.memory_space<vmem>> -> memref<1x128xi32, #tpu.memory_space<vmem>>
      %dma_start3A_271 = tpu.memref_squeeze %dma_start3A_270 : memref<1x128xi32, #tpu.memory_space<vmem>> -> memref<128xi32, #tpu.memory_space<vmem>>
      %dma_start3A_272 = arith.constant 0 : i32
      %dma_start3A_273 = arith.constant 0 : i32
      %dma_start3A_274 = tpu.memref_slice %arg13[%dma_start3A_272, %dma_start3A_273] : memref<10240x64xbf16, #tpu.memory_space<vmem_shared>> -> memref<10240x64xbf16, #tpu.memory_space<vmem_shared>>
      tpu.enqueue_indirect_dma source(%arg11 : memref<128x64xbf16, #tpu.memory_space<vmem>>) target(%dma_start3A_274 : memref<10240x64xbf16, #tpu.memory_space<vmem_shared>>) offsets(%dma_start3A_271 : memref<128xi32, #tpu.memory_space<vmem>>) semaphore(%arg20 : memref<!tpu.dma_semaphore, #tpu.memory_space<semaphore_mem>>) {add = true}
      %dma_wait3A_275 = arith.constant 1 : i32
      %dma_wait3A_276 = arith.constant 163 : i32
      %dma_wait3A_277 = arith.constant 0 : i32
      %dma_wait3A_278 = tpu.memref_slice %arg7[%dma_wait3A_276, %dma_wait3A_277] : memref<164x128xi32, #tpu.memory_space<vmem>> -> memref<1x128xi32, #tpu.memory_space<vmem>>
      %dma_wait3A_279 = tpu.memref_squeeze %dma_wait3A_278 : memref<1x128xi32, #tpu.memory_space<vmem>> -> memref<128xi32, #tpu.memory_space<vmem>>
      %dma_wait3A_280 = arith.constant 0 : i32
      %dma_wait3A_281 = arith.constant 0 : i32
      %dma_wait3A_282 = tpu.memref_slice %arg2[%dma_wait3A_275, %dma_wait3A_280, %dma_wait3A_281] : memref<2x10240x64xbf16, #tpu.memory_space<hbm>> -> memref<1x10240x64xbf16, #tpu.memory_space<hbm>>
      %dma_wait3A_283 = tpu.memref_squeeze %dma_wait3A_282 : memref<1x10240x64xbf16, #tpu.memory_space<hbm>> -> memref<10240x64xbf16, #tpu.memory_space<hbm>>
      %dma_wait3A_284 = arith.constant 0 : i32
      %dma_wait3A_285 = arith.constant 0 : i32
      %dma_wait3A_286 = tpu.memref_slice %dma_wait3A_283[%dma_wait3A_284, %dma_wait3A_285] : memref<10240x64xbf16, #tpu.memory_space<hbm>> -> memref<10240x64xbf16, #tpu.memory_space<hbm>>
      tpu.wait_indirect_dma semaphore(%arg17 : memref<!tpu.dma_semaphore, #tpu.memory_space<semaphore_mem>>) src(%dma_wait3A_286 : memref<10240x64xbf16, #tpu.memory_space<hbm>>) dst(%arg12 : memref<128x64xbf16, #tpu.memory_space<vmem>>)
      %dma_start3A_287 = arith.constant 163 : i32
      %dma_start3A_288 = arith.constant 0 : i32
      %dma_start3A_289 = tpu.memref_slice %arg8[%dma_start3A_287, %dma_start3A_288] : memref<164x128xi32, #tpu.memory_space<vmem>> -> memref<1x128xi32, #tpu.memory_space<vmem>>
      %dma_start3A_290 = tpu.memref_squeeze %dma_start3A_289 : memref<1x128xi32, #tpu.memory_space<vmem>> -> memref<128xi32, #tpu.memory_space<vmem>>
      %dma_start3A_291 = arith.constant 0 : i32
      %dma_start3A_292 = arith.constant 0 : i32
      %dma_start3A_293 = tpu.memref_slice %arg13[%dma_start3A_291, %dma_start3A_292] : memref<10240x64xbf16, #tpu.memory_space<vmem_shared>> -> memref<10240x64xbf16, #tpu.memory_space<vmem_shared>>
      tpu.enqueue_indirect_dma source(%arg12 : memref<128x64xbf16, #tpu.memory_space<vmem>>) target(%dma_start3A_293 : memref<10240x64xbf16, #tpu.memory_space<vmem_shared>>) offsets(%dma_start3A_290 : memref<128xi32, #tpu.memory_space<vmem>>) semaphore(%arg21 : memref<!tpu.dma_semaphore, #tpu.memory_space<semaphore_mem>>) {add = true}
      %dma_wait3A_294 = arith.constant 160 : i32
      %dma_wait3A_295 = arith.constant 0 : i32
      %dma_wait3A_296 = tpu.memref_slice %arg8[%dma_wait3A_294, %dma_wait3A_295] : memref<164x128xi32, #tpu.memory_space<vmem>> -> memref<1x128xi32, #tpu.memory_space<vmem>>
      %dma_wait3A_297 = tpu.memref_squeeze %dma_wait3A_296 : memref<1x128xi32, #tpu.memory_space<vmem>> -> memref<128xi32, #tpu.memory_space<vmem>>
      %dma_wait3A_298 = arith.constant 0 : i32
      %dma_wait3A_299 = arith.constant 0 : i32
      %dma_wait3A_300 = tpu.memref_slice %arg13[%dma_wait3A_298, %dma_wait3A_299] : memref<10240x64xbf16, #tpu.memory_space<vmem_shared>> -> memref<10240x64xbf16, #tpu.memory_space<vmem_shared>>
      tpu.wait_indirect_dma semaphore(%arg18 : memref<!tpu.dma_semaphore, #tpu.memory_space<semaphore_mem>>) src(%arg9 : memref<128x64xbf16, #tpu.memory_space<vmem>>) dst(%dma_wait3A_300 : memref<10240x64xbf16, #tpu.memory_space<vmem_shared>>)
      %dma_wait3A_301 = arith.constant 161 : i32
      %dma_wait3A_302 = arith.constant 0 : i32
      %dma_wait3A_303 = tpu.memref_slice %arg8[%dma_wait3A_301, %dma_wait3A_302] : memref<164x128xi32, #tpu.memory_space<vmem>> -> memref<1x128xi32, #tpu.memory_space<vmem>>
      %dma_wait3A_304 = tpu.memref_squeeze %dma_wait3A_303 : memref<1x128xi32, #tpu.memory_space<vmem>> -> memref<128xi32, #tpu.memory_space<vmem>>
      %dma_wait3A_305 = arith.constant 0 : i32
      %dma_wait3A_306 = arith.constant 0 : i32
      %dma_wait3A_307 = tpu.memref_slice %arg13[%dma_wait3A_305, %dma_wait3A_306] : memref<10240x64xbf16, #tpu.memory_space<vmem_shared>> -> memref<10240x64xbf16, #tpu.memory_space<vmem_shared>>
      tpu.wait_indirect_dma semaphore(%arg19 : memref<!tpu.dma_semaphore, #tpu.memory_space<semaphore_mem>>) src(%arg10 : memref<128x64xbf16, #tpu.memory_space<vmem>>) dst(%dma_wait3A_307 : memref<10240x64xbf16, #tpu.memory_space<vmem_shared>>)
      %dma_wait3A_308 = arith.constant 162 : i32
      %dma_wait3A_309 = arith.constant 0 : i32
      %dma_wait3A_310 = tpu.memref_slice %arg8[%dma_wait3A_308, %dma_wait3A_309] : memref<164x128xi32, #tpu.memory_space<vmem>> -> memref<1x128xi32, #tpu.memory_space<vmem>>
      %dma_wait3A_311 = tpu.memref_squeeze %dma_wait3A_310 : memref<1x128xi32, #tpu.memory_space<vmem>> -> memref<128xi32, #tpu.memory_space<vmem>>
      %dma_wait3A_312 = arith.constant 0 : i32
      %dma_wait3A_313 = arith.constant 0 : i32
      %dma_wait3A_314 = tpu.memref_slice %arg13[%dma_wait3A_312, %dma_wait3A_313] : memref<10240x64xbf16, #tpu.memory_space<vmem_shared>> -> memref<10240x64xbf16, #tpu.memory_space<vmem_shared>>
      tpu.wait_indirect_dma semaphore(%arg20 : memref<!tpu.dma_semaphore, #tpu.memory_space<semaphore_mem>>) src(%arg11 : memref<128x64xbf16, #tpu.memory_space<vmem>>) dst(%dma_wait3A_314 : memref<10240x64xbf16, #tpu.memory_space<vmem_shared>>)
      %dma_wait3A_315 = arith.constant 163 : i32
      %dma_wait3A_316 = arith.constant 0 : i32
      %dma_wait3A_317 = tpu.memref_slice %arg8[%dma_wait3A_315, %dma_wait3A_316] : memref<164x128xi32, #tpu.memory_space<vmem>> -> memref<1x128xi32, #tpu.memory_space<vmem>>
      %dma_wait3A_318 = tpu.memref_squeeze %dma_wait3A_317 : memref<1x128xi32, #tpu.memory_space<vmem>> -> memref<128xi32, #tpu.memory_space<vmem>>
      %dma_wait3A_319 = arith.constant 0 : i32
      %dma_wait3A_320 = arith.constant 0 : i32
      %dma_wait3A_321 = tpu.memref_slice %arg13[%dma_wait3A_319, %dma_wait3A_320] : memref<10240x64xbf16, #tpu.memory_space<vmem_shared>> -> memref<10240x64xbf16, #tpu.memory_space<vmem_shared>>
      tpu.wait_indirect_dma semaphore(%arg21 : memref<!tpu.dma_semaphore, #tpu.memory_space<semaphore_mem>>) src(%arg12 : memref<128x64xbf16, #tpu.memory_space<vmem>>) dst(%dma_wait3A_321 : memref<10240x64xbf16, #tpu.memory_space<vmem_shared>>)
    } else {
    }
    %barrier3A_8 = arith.constant 0 : index
    tpu.barrier barrier_id(%barrier3A_8)
    %mul3A_9 = arith.constant 640 : i32
    %mul3A_10 = arith.muli %arg1, %mul3A_9 : i32
    %mul3A_11 = arith.constant 640 : i32
    %mul3A_12 = arith.muli %arg1, %mul3A_11 : i32
    "tpu.region"() ({
      %run_scoped3A = tpu.sem_alloc : memref<!tpu.dma_semaphore, #tpu.memory_space<semaphore_mem>>
      %dma_start3A = arith.constant 0 : i32
      %dma_start3A_13 = tpu.memref_slice %arg6[%arg0, %mul3A_12, %dma_start3A] : memref<2x10240x64xbf16, #tpu.memory_space<hbm>> -> memref<1x640x64xbf16, #tpu.memory_space<hbm>>
      %dma_start3A_14 = tpu.memref_squeeze %dma_start3A_13 : memref<1x640x64xbf16, #tpu.memory_space<hbm>> -> memref<640x64xbf16, #tpu.memory_space<hbm>>
      %dma_start3A_15 = arith.constant 0 : i32
      %dma_start3A_16 = tpu.memref_slice %arg13[%mul3A_10, %dma_start3A_15] : memref<10240x64xbf16, #tpu.memory_space<vmem_shared>> -> memref<640x64xbf16, #tpu.memory_space<vmem_shared>>
      tpu.enqueue_dma source(%dma_start3A_16 : memref<640x64xbf16, #tpu.memory_space<vmem_shared>>) target(%dma_start3A_14 : memref<640x64xbf16, #tpu.memory_space<hbm>>) target_semaphore(%run_scoped3A : memref<!tpu.dma_semaphore, #tpu.memory_space<semaphore_mem>>)
      %dma_wait3A = arith.constant 0 : i32
      %dma_wait3A_17 = tpu.memref_slice %arg6[%arg0, %mul3A_12, %dma_wait3A] : memref<2x10240x64xbf16, #tpu.memory_space<hbm>> -> memref<1x640x64xbf16, #tpu.memory_space<hbm>>
      %dma_wait3A_18 = tpu.memref_squeeze %dma_wait3A_17 : memref<1x640x64xbf16, #tpu.memory_space<hbm>> -> memref<640x64xbf16, #tpu.memory_space<hbm>>
      %dma_wait3A_19 = arith.constant 0 : i32
      %dma_wait3A_20 = tpu.memref_slice %arg13[%mul3A_10, %dma_wait3A_19] : memref<10240x64xbf16, #tpu.memory_space<vmem_shared>> -> memref<640x64xbf16, #tpu.memory_space<vmem_shared>>
      tpu.wait_dma2 semaphore(%run_scoped3A : memref<!tpu.dma_semaphore, #tpu.memory_space<semaphore_mem>>) src(%dma_wait3A_20 : memref<640x64xbf16, #tpu.memory_space<vmem_shared>>) dst(%dma_wait3A_18 : memref<640x64xbf16, #tpu.memory_space<hbm>>)
      tpu.yield
    }) : () -> ()
    return
  }
}

#map = affine_map<(d0, d1) -> (0, 0, 0)>
#map1 = affine_map<(d0, d1) -> (0, 0)>
module attributes {stable_mosaic.version = 14 : i64} {
  func.func @body(%arg0: i32, %arg1: i32, %arg2: memref<2x10240x64xbf16, #tpu.memory_space<hbm>>, %arg3: memref<16x164x128xi32, #tpu.memory_space<hbm>>, %arg4: memref<16x164x128xi32, #tpu.memory_space<hbm>>, %arg5: memref<640x64xbf16, #tpu.memory_space<hbm>>, %arg6: memref<2x10240x64xbf16, #tpu.memory_space<hbm>>, %arg7: memref<164x128xi32, #tpu.memory_space<vmem>>, %arg8: memref<164x128xi32, #tpu.memory_space<vmem>>, %arg9: memref<128x64xbf16, #tpu.memory_space<vmem>>, %arg10: memref<128x64xbf16, #tpu.memory_space<vmem>>, %arg11: memref<128x64xbf16, #tpu.memory_space<vmem>>, %arg12: memref<128x64xbf16, #tpu.memory_space<vmem>>, %arg13: memref<10240x64xbf16, #tpu.memory_space<vmem_shared>>, %arg14: memref<!tpu.dma_semaphore, #tpu.memory_space<semaphore_mem>>, %arg15: memref<!tpu.dma_semaphore, #tpu.memory_space<semaphore_mem>>, %arg16: memref<!tpu.dma_semaphore, #tpu.memory_space<semaphore_mem>>, %arg17: memref<!tpu.dma_semaphore, #tpu.memory_space<semaphore_mem>>, %arg18: memref<!tpu.dma_semaphore, #tpu.memory_space<semaphore_mem>>, %arg19: memref<!tpu.dma_semaphore, #tpu.memory_space<semaphore_mem>>, %arg20: memref<!tpu.dma_semaphore, #tpu.memory_space<semaphore_mem>>, %arg21: memref<!tpu.dma_semaphore, #tpu.memory_space<semaphore_mem>>) attributes {dimension_semantics = [#tpu.dimension_semantics<core_parallel>, #tpu.dimension_semantics<subcore_parallel>], iteration_bounds = array<i64: 2, 16>, scalar_prefetch = 0 : i64, scratch_operands = 15 : i64, tpu.core_type = #tpu.core_type<sc_vector_subcore>, window_params = [{transform_indices = #map}, {transform_indices = #map}, {transform_indices = #map}, {transform_indices = #map1}, {transform_indices = #map}]} {
    %mul3A = arith.constant 640 : i32
    %mul3A_0 = arith.muli %arg1, %mul3A : i32
    "tpu.region"() ({
      %run_scoped3A = tpu.sem_alloc : memref<!tpu.dma_semaphore, #tpu.memory_space<semaphore_mem>>
      %dma_start3A = arith.constant 0 : i32
      %dma_start3A_13 = tpu.memref_slice %arg13[%mul3A_0, %dma_start3A] : memref<10240x64xbf16, #tpu.memory_space<vmem_shared>> -> memref<640x64xbf16, #tpu.memory_space<vmem_shared>>
      tpu.enqueue_dma source(%arg5 : memref<640x64xbf16, #tpu.memory_space<hbm>>) target(%dma_start3A_13 : memref<640x64xbf16, #tpu.memory_space<vmem_shared>>) target_semaphore(%run_scoped3A : memref<!tpu.dma_semaphore, #tpu.memory_space<semaphore_mem>>)
      %dma_wait3A = arith.constant 0 : i32
      %dma_wait3A_14 = tpu.memref_slice %arg13[%mul3A_0, %dma_wait3A] : memref<10240x64xbf16, #tpu.memory_space<vmem_shared>> -> memref<640x64xbf16, #tpu.memory_space<vmem_shared>>
      tpu.wait_dma2 semaphore(%run_scoped3A : memref<!tpu.dma_semaphore, #tpu.memory_space<semaphore_mem>>) src(%arg5 : memref<640x64xbf16, #tpu.memory_space<hbm>>) dst(%dma_wait3A_14 : memref<640x64xbf16, #tpu.memory_space<vmem_shared>>)
      tpu.yield
    }) : () -> ()
    "tpu.region"() ({
      %run_scoped3A = tpu.sem_alloc : memref<!tpu.dma_semaphore, #tpu.memory_space<semaphore_mem>>
      %dma_start3A = arith.constant 0 : i32
      %dma_start3A_13 = arith.constant 0 : i32
      %dma_start3A_14 = tpu.memref_slice %arg3[%arg1, %dma_start3A, %dma_start3A_13] : memref<16x164x128xi32, #tpu.memory_space<hbm>> -> memref<1x164x128xi32, #tpu.memory_space<hbm>>
      %dma_start3A_15 = tpu.memref_squeeze %dma_start3A_14 : memref<1x164x128xi32, #tpu.memory_space<hbm>> -> memref<164x128xi32, #tpu.memory_space<hbm>>
      %dma_start3A_16 = arith.constant 0 : i32
      %dma_start3A_17 = arith.constant 0 : i32
      %dma_start3A_18 = tpu.memref_slice %arg3[%arg1, %dma_start3A_16, %dma_start3A_17] : memref<16x164x128xi32, #tpu.memory_space<hbm>> -> memref<1x164x128xi32, #tpu.memory_space<hbm>>
      %dma_start3A_19 = tpu.memref_squeeze %dma_start3A_18 : memref<1x164x128xi32, #tpu.memory_space<hbm>> -> memref<164x128xi32, #tpu.memory_space<hbm>>
      tpu.enqueue_dma source(%dma_start3A_19 : memref<164x128xi32, #tpu.memory_space<hbm>>) target(%arg7 : memref<164x128xi32, #tpu.memory_space<vmem>>) target_semaphore(%run_scoped3A : memref<!tpu.dma_semaphore, #tpu.memory_space<semaphore_mem>>)
      %dma_wait3A = arith.constant 0 : i32
      %dma_wait3A_20 = arith.constant 0 : i32
      %dma_wait3A_21 = tpu.memref_slice %arg3[%arg1, %dma_wait3A, %dma_wait3A_20] : memref<16x164x128xi32, #tpu.memory_space<hbm>> -> memref<1x164x128xi32, #tpu.memory_space<hbm>>
      %dma_wait3A_22 = tpu.memref_squeeze %dma_wait3A_21 : memref<1x164x128xi32, #tpu.memory_space<hbm>> -> memref<164x128xi32, #tpu.memory_space<hbm>>
      %dma_wait3A_23 = arith.constant 0 : i32
      %dma_wait3A_24 = arith.constant 0 : i32
      %dma_wait3A_25 = tpu.memref_slice %arg3[%arg1, %dma_wait3A_23, %dma_wait3A_24] : memref<16x164x128xi32, #tpu.memory_space<hbm>> -> memref<1x164x128xi32, #tpu.memory_space<hbm>>
      %dma_wait3A_26 = tpu.memref_squeeze %dma_wait3A_25 : memref<1x164x128xi32, #tpu.memory_space<hbm>> -> memref<164x128xi32, #tpu.memory_space<hbm>>
      tpu.wait_dma2 semaphore(%run_scoped3A : memref<!tpu.dma_semaphore, #tpu.memory_space<semaphore_mem>>) src(%dma_wait3A_26 : memref<164x128xi32, #tpu.memory_space<hbm>>) dst(%arg7 : memref<164x128xi32, #tpu.memory_space<vmem>>)
      tpu.yield
    }) : () -> ()
    "tpu.region"() ({
      %run_scoped3A = tpu.sem_alloc : memref<!tpu.dma_semaphore, #tpu.memory_space<semaphore_mem>>
      %dma_start3A = arith.constant 0 : i32
      %dma_start3A_13 = arith.constant 0 : i32
      %dma_start3A_14 = tpu.memref_slice %arg4[%arg1, %dma_start3A, %dma_start3A_13] : memref<16x164x128xi32, #tpu.memory_space<hbm>> -> memref<1x164x128xi32, #tpu.memory_space<hbm>>
      %dma_start3A_15 = tpu.memref_squeeze %dma_start3A_14 : memref<1x164x128xi32, #tpu.memory_space<hbm>> -> memref<164x128xi32, #tpu.memory_space<hbm>>
      %dma_start3A_16 = arith.constant 0 : i32
      %dma_start3A_17 = arith.constant 0 : i32
      %dma_start3A_18 = tpu.memref_slice %arg4[%arg1, %dma_start3A_16, %dma_start3A_17] : memref<16x164x128xi32, #tpu.memory_space<hbm>> -> memref<1x164x128xi32, #tpu.memory_space<hbm>>
      %dma_start3A_19 = tpu.memref_squeeze %dma_start3A_18 : memref<1x164x128xi32, #tpu.memory_space<hbm>> -> memref<164x128xi32, #tpu.memory_space<hbm>>
      tpu.enqueue_dma source(%dma_start3A_19 : memref<164x128xi32, #tpu.memory_space<hbm>>) target(%arg8 : memref<164x128xi32, #tpu.memory_space<vmem>>) target_semaphore(%run_scoped3A : memref<!tpu.dma_semaphore, #tpu.memory_space<semaphore_mem>>)
      %dma_wait3A = arith.constant 0 : i32
      %dma_wait3A_20 = arith.constant 0 : i32
      %dma_wait3A_21 = tpu.memref_slice %arg4[%arg1, %dma_wait3A, %dma_wait3A_20] : memref<16x164x128xi32, #tpu.memory_space<hbm>> -> memref<1x164x128xi32, #tpu.memory_space<hbm>>
      %dma_wait3A_22 = tpu.memref_squeeze %dma_wait3A_21 : memref<1x164x128xi32, #tpu.memory_space<hbm>> -> memref<164x128xi32, #tpu.memory_space<hbm>>
      %dma_wait3A_23 = arith.constant 0 : i32
      %dma_wait3A_24 = arith.constant 0 : i32
      %dma_wait3A_25 = tpu.memref_slice %arg4[%arg1, %dma_wait3A_23, %dma_wait3A_24] : memref<16x164x128xi32, #tpu.memory_space<hbm>> -> memref<1x164x128xi32, #tpu.memory_space<hbm>>
      %dma_wait3A_26 = tpu.memref_squeeze %dma_wait3A_25 : memref<1x164x128xi32, #tpu.memory_space<hbm>> -> memref<164x128xi32, #tpu.memory_space<hbm>>
      tpu.wait_dma2 semaphore(%run_scoped3A : memref<!tpu.dma_semaphore, #tpu.memory_space<semaphore_mem>>) src(%dma_wait3A_26 : memref<164x128xi32, #tpu.memory_space<hbm>>) dst(%arg8 : memref<164x128xi32, #tpu.memory_space<vmem>>)
      tpu.yield
    }) : () -> ()
    %barrier3A = arith.constant 0 : index
    tpu.barrier barrier_id(%barrier3A)
    %eq3A = arith.constant 0 : i32
    %eq3A_1 = arith.cmpi eq, %arg0, %eq3A : i32
    %convert_element_type3A = arith.extui %eq3A_1 : i1 to i32
    %cond3A = arith.constant 0 : i32
    %cond3A_2 = arith.cmpi ne, %convert_element_type3A, %cond3A : i32
    scf.if %cond3A_2 {
      %dma_start3A = arith.constant 0 : i32
      %dma_start3A_13 = arith.constant 0 : i32
      %dma_start3A_14 = arith.constant 0 : i32
      %dma_start3A_15 = tpu.memref_slice %arg7[%dma_start3A_13, %dma_start3A_14] : memref<164x128xi32, #tpu.memory_space<vmem>> -> memref<1x128xi32, #tpu.memory_space<vmem>>
      %dma_start3A_16 = tpu.memref_squeeze %dma_start3A_15 : memref<1x128xi32, #tpu.memory_space<vmem>> -> memref<128xi32, #tpu.memory_space<vmem>>
      %dma_start3A_17 = arith.constant 0 : i32
      %dma_start3A_18 = arith.constant 0 : i32
      %dma_start3A_19 = tpu.memref_slice %arg2[%dma_start3A, %dma_start3A_17, %dma_start3A_18] : memref<2x10240x64xbf16, #tpu.memory_space<hbm>> -> memref<1x10240x64xbf16, #tpu.memory_space<hbm>>
      %dma_start3A_20 = tpu.memref_squeeze %dma_start3A_19 : memref<1x10240x64xbf16, #tpu.memory_space<hbm>> -> memref<10240x64xbf16, #tpu.memory_space<hbm>>
      %dma_start3A_21 = arith.constant 0 : i32
      %dma_start3A_22 = arith.constant 0 : i32
      %dma_start3A_23 = tpu.memref_slice %dma_start3A_20[%dma_start3A_21, %dma_start3A_22] : memref<10240x64xbf16, #tpu.memory_space<hbm>> -> memref<10240x64xbf16, #tpu.memory_space<hbm>>
      tpu.enqueue_indirect_dma source(%dma_start3A_23 : memref<10240x64xbf16, #tpu.memory_space<hbm>>) target(%arg9 : memref<128x64xbf16, #tpu.memory_space<vmem>>) offsets(%dma_start3A_16 : memref<128xi32, #tpu.memory_space<vmem>>) semaphore(%arg14 : memref<!tpu.dma_semaphore, #tpu.memory_space<semaphore_mem>>)
      %dma_start3A_24 = arith.constant 0 : i32
      %dma_start3A_25 = arith.constant 1 : i32
      %dma_start3A_26 = arith.constant 0 : i32
      %dma_start3A_27 = tpu.memref_slice %arg7[%dma_start3A_25, %dma_start3A_26] : memref<164x128xi32, #tpu.memory_space<vmem>> -> memref<1x128xi32, #tpu.memory_space<vmem>>
      %dma_start3A_28 = tpu.memref_squeeze %dma_start3A_27 : memref<1x128xi32, #tpu.memory_space<vmem>> -> memref<128xi32, #tpu.memory_space<vmem>>
      %dma_start3A_29 = arith.constant 0 : i32
      %dma_start3A_30 = arith.constant 0 : i32
      %dma_start3A_31 = tpu.memref_slice %arg2[%dma_start3A_24, %dma_start3A_29, %dma_start3A_30] : memref<2x10240x64xbf16, #tpu.memory_space<hbm>> -> memref<1x10240x64xbf16, #tpu.memory_space<hbm>>
      %dma_start3A_32 = tpu.memref_squeeze %dma_start3A_31 : memref<1x10240x64xbf16, #tpu.memory_space<hbm>> -> memref<10240x64xbf16, #tpu.memory_space<hbm>>
      %dma_start3A_33 = arith.constant 0 : i32
      %dma_start3A_34 = arith.constant 0 : i32
      %dma_start3A_35 = tpu.memref_slice %dma_start3A_32[%dma_start3A_33, %dma_start3A_34] : memref<10240x64xbf16, #tpu.memory_space<hbm>> -> memref<10240x64xbf16, #tpu.memory_space<hbm>>
      tpu.enqueue_indirect_dma source(%dma_start3A_35 : memref<10240x64xbf16, #tpu.memory_space<hbm>>) target(%arg10 : memref<128x64xbf16, #tpu.memory_space<vmem>>) offsets(%dma_start3A_28 : memref<128xi32, #tpu.memory_space<vmem>>) semaphore(%arg15 : memref<!tpu.dma_semaphore, #tpu.memory_space<semaphore_mem>>)
      %dma_start3A_36 = arith.constant 0 : i32
      %dma_start3A_37 = arith.constant 2 : i32
      %dma_start3A_38 = arith.constant 0 : i32
      %dma_start3A_39 = tpu.memref_slice %arg7[%dma_start3A_37, %dma_start3A_38] : memref<164x128xi32, #tpu.memory_space<vmem>> -> memref<1x128xi32, #tpu.memory_space<vmem>>
      %dma_start3A_40 = tpu.memref_squeeze %dma_start3A_39 : memref<1x128xi32, #tpu.memory_space<vmem>> -> memref<128xi32, #tpu.memory_space<vmem>>
      %dma_start3A_41 = arith.constant 0 : i32
      %dma_start3A_42 = arith.constant 0 : i32
      %dma_start3A_43 = tpu.memref_slice %arg2[%dma_start3A_36, %dma_start3A_41, %dma_start3A_42] : memref<2x10240x64xbf16, #tpu.memory_space<hbm>> -> memref<1x10240x64xbf16, #tpu.memory_space<hbm>>
      %dma_start3A_44 = tpu.memref_squeeze %dma_start3A_43 : memref<1x10240x64xbf16, #tpu.memory_space<hbm>> -> memref<10240x64xbf16, #tpu.memory_space<hbm>>
      %dma_start3A_45 = arith.constant 0 : i32
      %dma_start3A_46 = arith.constant 0 : i32
      %dma_start3A_47 = tpu.memref_slice %dma_start3A_44[%dma_start3A_45, %dma_start3A_46] : memref<10240x64xbf16, #tpu.memory_space<hbm>> -> memref<10240x64xbf16, #tpu.memory_space<hbm>>
      tpu.enqueue_indirect_dma source(%dma_start3A_47 : memref<10240x64xbf16, #tpu.memory_space<hbm>>) target(%arg11 : memref<128x64xbf16, #tpu.memory_space<vmem>>) offsets(%dma_start3A_40 : memref<128xi32, #tpu.memory_space<vmem>>) semaphore(%arg16 : memref<!tpu.dma_semaphore, #tpu.memory_space<semaphore_mem>>)
      %dma_start3A_48 = arith.constant 0 : i32
      %dma_start3A_49 = arith.constant 3 : i32
      %dma_start3A_50 = arith.constant 0 : i32
      %dma_start3A_51 = tpu.memref_slice %arg7[%dma_start3A_49, %dma_start3A_50] : memref<164x128xi32, #tpu.memory_space<vmem>> -> memref<1x128xi32, #tpu.memory_space<vmem>>
      %dma_start3A_52 = tpu.memref_squeeze %dma_start3A_51 : memref<1x128xi32, #tpu.memory_space<vmem>> -> memref<128xi32, #tpu.memory_space<vmem>>
      %dma_start3A_53 = arith.constant 0 : i32
      %dma_start3A_54 = arith.constant 0 : i32
      %dma_start3A_55 = tpu.memref_slice %arg2[%dma_start3A_48, %dma_start3A_53, %dma_start3A_54] : memref<2x10240x64xbf16, #tpu.memory_space<hbm>> -> memref<1x10240x64xbf16, #tpu.memory_space<hbm>>
      %dma_start3A_56 = tpu.memref_squeeze %dma_start3A_55 : memref<1x10240x64xbf16, #tpu.memory_space<hbm>> -> memref<10240x64xbf16, #tpu.memory_space<hbm>>
      %dma_start3A_57 = arith.constant 0 : i32
      %dma_start3A_58 = arith.constant 0 : i32
      %dma_start3A_59 = tpu.memref_slice %dma_start3A_56[%dma_start3A_57, %dma_start3A_58] : memref<10240x64xbf16, #tpu.memory_space<hbm>> -> memref<10240x64xbf16, #tpu.memory_space<hbm>>
      tpu.enqueue_indirect_dma source(%dma_start3A_59 : memref<10240x64xbf16, #tpu.memory_space<hbm>>) target(%arg12 : memref<128x64xbf16, #tpu.memory_space<vmem>>) offsets(%dma_start3A_52 : memref<128xi32, #tpu.memory_space<vmem>>) semaphore(%arg17 : memref<!tpu.dma_semaphore, #tpu.memory_space<semaphore_mem>>)
      %dma_wait3A = arith.constant 0 : i32
      %dma_wait3A_60 = arith.constant 0 : i32
      %dma_wait3A_61 = arith.constant 0 : i32
      %dma_wait3A_62 = tpu.memref_slice %arg7[%dma_wait3A_60, %dma_wait3A_61] : memref<164x128xi32, #tpu.memory_space<vmem>> -> memref<1x128xi32, #tpu.memory_space<vmem>>
      %dma_wait3A_63 = tpu.memref_squeeze %dma_wait3A_62 : memref<1x128xi32, #tpu.memory_space<vmem>> -> memref<128xi32, #tpu.memory_space<vmem>>
      %dma_wait3A_64 = arith.constant 0 : i32
      %dma_wait3A_65 = arith.constant 0 : i32
      %dma_wait3A_66 = tpu.memref_slice %arg2[%dma_wait3A, %dma_wait3A_64, %dma_wait3A_65] : memref<2x10240x64xbf16, #tpu.memory_space<hbm>> -> memref<1x10240x64xbf16, #tpu.memory_space<hbm>>
      %dma_wait3A_67 = tpu.memref_squeeze %dma_wait3A_66 : memref<1x10240x64xbf16, #tpu.memory_space<hbm>> -> memref<10240x64xbf16, #tpu.memory_space<hbm>>
      %dma_wait3A_68 = arith.constant 0 : i32
      %dma_wait3A_69 = arith.constant 0 : i32
      %dma_wait3A_70 = tpu.memref_slice %dma_wait3A_67[%dma_wait3A_68, %dma_wait3A_69] : memref<10240x64xbf16, #tpu.memory_space<hbm>> -> memref<10240x64xbf16, #tpu.memory_space<hbm>>
      tpu.wait_indirect_dma semaphore(%arg14 : memref<!tpu.dma_semaphore, #tpu.memory_space<semaphore_mem>>) src(%dma_wait3A_70 : memref<10240x64xbf16, #tpu.memory_space<hbm>>) dst(%arg9 : memref<128x64xbf16, #tpu.memory_space<vmem>>)
      %dma_start3A_71 = arith.constant 0 : i32
      %dma_start3A_72 = arith.constant 0 : i32
      %dma_start3A_73 = tpu.memref_slice %arg8[%dma_start3A_71, %dma_start3A_72] : memref<164x128xi32, #tpu.memory_space<vmem>> -> memref<1x128xi32, #tpu.memory_space<vmem>>
      %dma_start3A_74 = tpu.memref_squeeze %dma_start3A_73 : memref<1x128xi32, #tpu.memory_space<vmem>> -> memref<128xi32, #tpu.memory_space<vmem>>
      %dma_start3A_75 = arith.constant 0 : i32
      %dma_start3A_76 = arith.constant 0 : i32
      %dma_start3A_77 = tpu.memref_slice %arg13[%dma_start3A_75, %dma_start3A_76] : memref<10240x64xbf16, #tpu.memory_space<vmem_shared>> -> memref<10240x64xbf16, #tpu.memory_space<vmem_shared>>
      tpu.enqueue_indirect_dma source(%arg9 : memref<128x64xbf16, #tpu.memory_space<vmem>>) target(%dma_start3A_77 : memref<10240x64xbf16, #tpu.memory_space<vmem_shared>>) offsets(%dma_start3A_74 : memref<128xi32, #tpu.memory_space<vmem>>) semaphore(%arg18 : memref<!tpu.dma_semaphore, #tpu.memory_space<semaphore_mem>>) {add = true}
      %dma_wait3A_78 = arith.constant 0 : i32
      %dma_wait3A_79 = arith.constant 0 : i32
      %dma_wait3A_80 = tpu.memref_slice %arg8[%dma_wait3A_78, %dma_wait3A_79] : memref<164x128xi32, #tpu.memory_space<vmem>> -> memref<1x128xi32, #tpu.memory_space<vmem>>
      %dma_wait3A_81 = tpu.memref_squeeze %dma_wait3A_80 : memref<1x128xi32, #tpu.memory_space<vmem>> -> memref<128xi32, #tpu.memory_space<vmem>>
      %dma_wait3A_82 = arith.constant 0 : i32
      %dma_wait3A_83 = arith.constant 0 : i32
      %dma_wait3A_84 = tpu.memref_slice %arg13[%dma_wait3A_82, %dma_wait3A_83] : memref<10240x64xbf16, #tpu.memory_space<vmem_shared>> -> memref<10240x64xbf16, #tpu.memory_space<vmem_shared>>
      tpu.wait_indirect_dma semaphore(%arg18 : memref<!tpu.dma_semaphore, #tpu.memory_space<semaphore_mem>>) src(%arg9 : memref<128x64xbf16, #tpu.memory_space<vmem>>) dst(%dma_wait3A_84 : memref<10240x64xbf16, #tpu.memory_space<vmem_shared>>)
      %dma_start3A_85 = arith.constant 0 : i32
      %dma_start3A_86 = arith.constant 4 : i32
      %dma_start3A_87 = arith.constant 0 : i32
      %dma_start3A_88 = tpu.memref_slice %arg7[%dma_start3A_86, %dma_start3A_87] : memref<164x128xi32, #tpu.memory_space<vmem>> -> memref<1x128xi32, #tpu.memory_space<vmem>>
      %dma_start3A_89 = tpu.memref_squeeze %dma_start3A_88 : memref<1x128xi32, #tpu.memory_space<vmem>> -> memref<128xi32, #tpu.memory_space<vmem>>
      %dma_start3A_90 = arith.constant 0 : i32
      %dma_start3A_91 = arith.constant 0 : i32
      %dma_start3A_92 = tpu.memref_slice %arg2[%dma_start3A_85, %dma_start3A_90, %dma_start3A_91] : memref<2x10240x64xbf16, #tpu.memory_space<hbm>> -> memref<1x10240x64xbf16, #tpu.memory_space<hbm>>
      %dma_start3A_93 = tpu.memref_squeeze %dma_start3A_92 : memref<1x10240x64xbf16, #tpu.memory_space<hbm>> -> memref<10240x64xbf16, #tpu.memory_space<hbm>>
      %dma_start3A_94 = arith.constant 0 : i32
      %dma_start3A_95 = arith.constant 0 : i32
      %dma_start3A_96 = tpu.memref_slice %dma_start3A_93[%dma_start3A_94, %dma_start3A_95] : memref<10240x64xbf16, #tpu.memory_space<hbm>> -> memref<10240x64xbf16, #tpu.memory_space<hbm>>
      tpu.enqueue_indirect_dma source(%dma_start3A_96 : memref<10240x64xbf16, #tpu.memory_space<hbm>>) target(%arg9 : memref<128x64xbf16, #tpu.memory_space<vmem>>) offsets(%dma_start3A_89 : memref<128xi32, #tpu.memory_space<vmem>>) semaphore(%arg14 : memref<!tpu.dma_semaphore, #tpu.memory_space<semaphore_mem>>)
      %dma_wait3A_97 = arith.constant 0 : i32
      %dma_wait3A_98 = arith.constant 1 : i32
      %dma_wait3A_99 = arith.constant 0 : i32
      %dma_wait3A_100 = tpu.memref_slice %arg7[%dma_wait3A_98, %dma_wait3A_99] : memref<164x128xi32, #tpu.memory_space<vmem>> -> memref<1x128xi32, #tpu.memory_space<vmem>>
      %dma_wait3A_101 = tpu.memref_squeeze %dma_wait3A_100 : memref<1x128xi32, #tpu.memory_space<vmem>> -> memref<128xi32, #tpu.memory_space<vmem>>
      %dma_wait3A_102 = arith.constant 0 : i32
      %dma_wait3A_103 = arith.constant 0 : i32
      %dma_wait3A_104 = tpu.memref_slice %arg2[%dma_wait3A_97, %dma_wait3A_102, %dma_wait3A_103] : memref<2x10240x64xbf16, #tpu.memory_space<hbm>> -> memref<1x10240x64xbf16, #tpu.memory_space<hbm>>
      %dma_wait3A_105 = tpu.memref_squeeze %dma_wait3A_104 : memref<1x10240x64xbf16, #tpu.memory_space<hbm>> -> memref<10240x64xbf16, #tpu.memory_space<hbm>>
      %dma_wait3A_106 = arith.constant 0 : i32
      %dma_wait3A_107 = arith.constant 0 : i32
      %dma_wait3A_108 = tpu.memref_slice %dma_wait3A_105[%dma_wait3A_106, %dma_wait3A_107] : memref<10240x64xbf16, #tpu.memory_space<hbm>> -> memref<10240x64xbf16, #tpu.memory_space<hbm>>
      tpu.wait_indirect_dma semaphore(%arg15 : memref<!tpu.dma_semaphore, #tpu.memory_space<semaphore_mem>>) src(%dma_wait3A_108 : memref<10240x64xbf16, #tpu.memory_space<hbm>>) dst(%arg10 : memref<128x64xbf16, #tpu.memory_space<vmem>>)
      %dma_start3A_109 = arith.constant 1 : i32
      %dma_start3A_110 = arith.constant 0 : i32
      %dma_start3A_111 = tpu.memref_slice %arg8[%dma_start3A_109, %dma_start3A_110] : memref<164x128xi32, #tpu.memory_space<vmem>> -> memref<1x128xi32, #tpu.memory_space<vmem>>
      %dma_start3A_112 = tpu.memref_squeeze %dma_start3A_111 : memref<1x128xi32, #tpu.memory_space<vmem>> -> memref<128xi32, #tpu.memory_space<vmem>>
      %dma_start3A_113 = arith.constant 0 : i32
      %dma_start3A_114 = arith.constant 0 : i32
      %dma_start3A_115 = tpu.memref_slice %arg13[%dma_start3A_113, %dma_start3A_114] : memref<10240x64xbf16, #tpu.memory_space<vmem_shared>> -> memref<10240x64xbf16, #tpu.memory_space<vmem_shared>>
      tpu.enqueue_indirect_dma source(%arg10 : memref<128x64xbf16, #tpu.memory_space<vmem>>) target(%dma_start3A_115 : memref<10240x64xbf16, #tpu.memory_space<vmem_shared>>) offsets(%dma_start3A_112 : memref<128xi32, #tpu.memory_space<vmem>>) semaphore(%arg19 : memref<!tpu.dma_semaphore, #tpu.memory_space<semaphore_mem>>) {add = true}
      %dma_wait3A_116 = arith.constant 1 : i32
      %dma_wait3A_117 = arith.constant 0 : i32
      %dma_wait3A_118 = tpu.memref_slice %arg8[%dma_wait3A_116, %dma_wait3A_117] : memref<164x128xi32, #tpu.memory_space<vmem>> -> memref<1x128xi32, #tpu.memory_space<vmem>>
      %dma_wait3A_119 = tpu.memref_squeeze %dma_wait3A_118 : memref<1x128xi32, #tpu.memory_space<vmem>> -> memref<128xi32, #tpu.memory_space<vmem>>
      %dma_wait3A_120 = arith.constant 0 : i32
      %dma_wait3A_121 = arith.constant 0 : i32
      %dma_wait3A_122 = tpu.memref_slice %arg13[%dma_wait3A_120, %dma_wait3A_121] : memref<10240x64xbf16, #tpu.memory_space<vmem_shared>> -> memref<10240x64xbf16, #tpu.memory_space<vmem_shared>>
      tpu.wait_indirect_dma semaphore(%arg19 : memref<!tpu.dma_semaphore, #tpu.memory_space<semaphore_mem>>) src(%arg10 : memref<128x64xbf16, #tpu.memory_space<vmem>>) dst(%dma_wait3A_122 : memref<10240x64xbf16, #tpu.memory_space<vmem_shared>>)
      %dma_start3A_123 = arith.constant 0 : i32
      %dma_start3A_124 = arith.constant 5 : i32
      %dma_start3A_125 = arith.constant 0 : i32
      %dma_start3A_126 = tpu.memref_slice %arg7[%dma_start3A_124, %dma_start3A_125] : memref<164x128xi32, #tpu.memory_space<vmem>> -> memref<1x128xi32, #tpu.memory_space<vmem>>
      %dma_start3A_127 = tpu.memref_squeeze %dma_start3A_126 : memref<1x128xi32, #tpu.memory_space<vmem>> -> memref<128xi32, #tpu.memory_space<vmem>>
      %dma_start3A_128 = arith.constant 0 : i32
      %dma_start3A_129 = arith.constant 0 : i32
      %dma_start3A_130 = tpu.memref_slice %arg2[%dma_start3A_123, %dma_start3A_128, %dma_start3A_129] : memref<2x10240x64xbf16, #tpu.memory_space<hbm>> -> memref<1x10240x64xbf16, #tpu.memory_space<hbm>>
      %dma_start3A_131 = tpu.memref_squeeze %dma_start3A_130 : memref<1x10240x64xbf16, #tpu.memory_space<hbm>> -> memref<10240x64xbf16, #tpu.memory_space<hbm>>
      %dma_start3A_132 = arith.constant 0 : i32
      %dma_start3A_133 = arith.constant 0 : i32
      %dma_start3A_134 = tpu.memref_slice %dma_start3A_131[%dma_start3A_132, %dma_start3A_133] : memref<10240x64xbf16, #tpu.memory_space<hbm>> -> memref<10240x64xbf16, #tpu.memory_space<hbm>>
      tpu.enqueue_indirect_dma source(%dma_start3A_134 : memref<10240x64xbf16, #tpu.memory_space<hbm>>) target(%arg10 : memref<128x64xbf16, #tpu.memory_space<vmem>>) offsets(%dma_start3A_127 : memref<128xi32, #tpu.memory_space<vmem>>) semaphore(%arg15 : memref<!tpu.dma_semaphore, #tpu.memory_space<semaphore_mem>>)
      %dma_wait3A_135 = arith.constant 0 : i32
      %dma_wait3A_136 = arith.constant 2 : i32
      %dma_wait3A_137 = arith.constant 0 : i32
      %dma_wait3A_138 = tpu.memref_slice %arg7[%dma_wait3A_136, %dma_wait3A_137] : memref<164x128xi32, #tpu.memory_space<vmem>> -> memref<1x128xi32, #tpu.memory_space<vmem>>
      %dma_wait3A_139 = tpu.memref_squeeze %dma_wait3A_138 : memref<1x128xi32, #tpu.memory_space<vmem>> -> memref<128xi32, #tpu.memory_space<vmem>>
      %dma_wait3A_140 = arith.constant 0 : i32
      %dma_wait3A_141 = arith.constant 0 : i32
      %dma_wait3A_142 = tpu.memref_slice %arg2[%dma_wait3A_135, %dma_wait3A_140, %dma_wait3A_141] : memref<2x10240x64xbf16, #tpu.memory_space<hbm>> -> memref<1x10240x64xbf16, #tpu.memory_space<hbm>>
      %dma_wait3A_143 = tpu.memref_squeeze %dma_wait3A_142 : memref<1x10240x64xbf16, #tpu.memory_space<hbm>> -> memref<10240x64xbf16, #tpu.memory_space<hbm>>
      %dma_wait3A_144 = arith.constant 0 : i32
      %dma_wait3A_145 = arith.constant 0 : i32
      %dma_wait3A_146 = tpu.memref_slice %dma_wait3A_143[%dma_wait3A_144, %dma_wait3A_145] : memref<10240x64xbf16, #tpu.memory_space<hbm>> -> memref<10240x64xbf16, #tpu.memory_space<hbm>>
      tpu.wait_indirect_dma semaphore(%arg16 : memref<!tpu.dma_semaphore, #tpu.memory_space<semaphore_mem>>) src(%dma_wait3A_146 : memref<10240x64xbf16, #tpu.memory_space<hbm>>) dst(%arg11 : memref<128x64xbf16, #tpu.memory_space<vmem>>)
      %dma_start3A_147 = arith.constant 2 : i32
      %dma_start3A_148 = arith.constant 0 : i32
      %dma_start3A_149 = tpu.memref_slice %arg8[%dma_start3A_147, %dma_start3A_148] : memref<164x128xi32, #tpu.memory_space<vmem>> -> memref<1x128xi32, #tpu.memory_space<vmem>>
      %dma_start3A_150 = tpu.memref_squeeze %dma_start3A_149 : memref<1x128xi32, #tpu.memory_space<vmem>> -> memref<128xi32, #tpu.memory_space<vmem>>
      %dma_start3A_151 = arith.constant 0 : i32
      %dma_start3A_152 = arith.constant 0 : i32
      %dma_start3A_153 = tpu.memref_slice %arg13[%dma_start3A_151, %dma_start3A_152] : memref<10240x64xbf16, #tpu.memory_space<vmem_shared>> -> memref<10240x64xbf16, #tpu.memory_space<vmem_shared>>
      tpu.enqueue_indirect_dma source(%arg11 : memref<128x64xbf16, #tpu.memory_space<vmem>>) target(%dma_start3A_153 : memref<10240x64xbf16, #tpu.memory_space<vmem_shared>>) offsets(%dma_start3A_150 : memref<128xi32, #tpu.memory_space<vmem>>) semaphore(%arg20 : memref<!tpu.dma_semaphore, #tpu.memory_space<semaphore_mem>>) {add = true}
      %dma_wait3A_154 = arith.constant 2 : i32
      %dma_wait3A_155 = arith.constant 0 : i32
      %dma_wait3A_156 = tpu.memref_slice %arg8[%dma_wait3A_154, %dma_wait3A_155] : memref<164x128xi32, #tpu.memory_space<vmem>> -> memref<1x128xi32, #tpu.memory_space<vmem>>
      %dma_wait3A_157 = tpu.memref_squeeze %dma_wait3A_156 : memref<1x128xi32, #tpu.memory_space<vmem>> -> memref<128xi32, #tpu.memory_space<vmem>>
      %dma_wait3A_158 = arith.constant 0 : i32
      %dma_wait3A_159 = arith.constant 0 : i32
      %dma_wait3A_160 = tpu.memref_slice %arg13[%dma_wait3A_158, %dma_wait3A_159] : memref<10240x64xbf16, #tpu.memory_space<vmem_shared>> -> memref<10240x64xbf16, #tpu.memory_space<vmem_shared>>
      tpu.wait_indirect_dma semaphore(%arg20 : memref<!tpu.dma_semaphore, #tpu.memory_space<semaphore_mem>>) src(%arg11 : memref<128x64xbf16, #tpu.memory_space<vmem>>) dst(%dma_wait3A_160 : memref<10240x64xbf16, #tpu.memory_space<vmem_shared>>)
      %dma_start3A_161 = arith.constant 0 : i32
      %dma_start3A_162 = arith.constant 6 : i32
      %dma_start3A_163 = arith.constant 0 : i32
      %dma_start3A_164 = tpu.memref_slice %arg7[%dma_start3A_162, %dma_start3A_163] : memref<164x128xi32, #tpu.memory_space<vmem>> -> memref<1x128xi32, #tpu.memory_space<vmem>>
      %dma_start3A_165 = tpu.memref_squeeze %dma_start3A_164 : memref<1x128xi32, #tpu.memory_space<vmem>> -> memref<128xi32, #tpu.memory_space<vmem>>
      %dma_start3A_166 = arith.constant 0 : i32
      %dma_start3A_167 = arith.constant 0 : i32
      %dma_start3A_168 = tpu.memref_slice %arg2[%dma_start3A_161, %dma_start3A_166, %dma_start3A_167] : memref<2x10240x64xbf16, #tpu.memory_space<hbm>> -> memref<1x10240x64xbf16, #tpu.memory_space<hbm>>
      %dma_start3A_169 = tpu.memref_squeeze %dma_start3A_168 : memref<1x10240x64xbf16, #tpu.memory_space<hbm>> -> memref<10240x64xbf16, #tpu.memory_space<hbm>>
      %dma_start3A_170 = arith.constant 0 : i32
      %dma_start3A_171 = arith.constant 0 : i32
      %dma_start3A_172 = tpu.memref_slice %dma_start3A_169[%dma_start3A_170, %dma_start3A_171] : memref<10240x64xbf16, #tpu.memory_space<hbm>> -> memref<10240x64xbf16, #tpu.memory_space<hbm>>
      tpu.enqueue_indirect_dma source(%dma_start3A_172 : memref<10240x64xbf16, #tpu.memory_space<hbm>>) target(%arg11 : memref<128x64xbf16, #tpu.memory_space<vmem>>) offsets(%dma_start3A_165 : memref<128xi32, #tpu.memory_space<vmem>>) semaphore(%arg16 : memref<!tpu.dma_semaphore, #tpu.memory_space<semaphore_mem>>)
      %dma_wait3A_173 = arith.constant 0 : i32
      %dma_wait3A_174 = arith.constant 3 : i32
      %dma_wait3A_175 = arith.constant 0 : i32
      %dma_wait3A_176 = tpu.memref_slice %arg7[%dma_wait3A_174, %dma_wait3A_175] : memref<164x128xi32, #tpu.memory_space<vmem>> -> memref<1x128xi32, #tpu.memory_space<vmem>>
      %dma_wait3A_177 = tpu.memref_squeeze %dma_wait3A_176 : memref<1x128xi32, #tpu.memory_space<vmem>> -> memref<128xi32, #tpu.memory_space<vmem>>
      %dma_wait3A_178 = arith.constant 0 : i32
      %dma_wait3A_179 = arith.constant 0 : i32
      %dma_wait3A_180 = tpu.memref_slice %arg2[%dma_wait3A_173, %dma_wait3A_178, %dma_wait3A_179] : memref<2x10240x64xbf16, #tpu.memory_space<hbm>> -> memref<1x10240x64xbf16, #tpu.memory_space<hbm>>
      %dma_wait3A_181 = tpu.memref_squeeze %dma_wait3A_180 : memref<1x10240x64xbf16, #tpu.memory_space<hbm>> -> memref<10240x64xbf16, #tpu.memory_space<hbm>>
      %dma_wait3A_182 = arith.constant 0 : i32
      %dma_wait3A_183 = arith.constant 0 : i32
      %dma_wait3A_184 = tpu.memref_slice %dma_wait3A_181[%dma_wait3A_182, %dma_wait3A_183] : memref<10240x64xbf16, #tpu.memory_space<hbm>> -> memref<10240x64xbf16, #tpu.memory_space<hbm>>
      tpu.wait_indirect_dma semaphore(%arg17 : memref<!tpu.dma_semaphore, #tpu.memory_space<semaphore_mem>>) src(%dma_wait3A_184 : memref<10240x64xbf16, #tpu.memory_space<hbm>>) dst(%arg12 : memref<128x64xbf16, #tpu.memory_space<vmem>>)
      %dma_start3A_185 = arith.constant 3 : i32
      %dma_start3A_186 = arith.constant 0 : i32
      %dma_start3A_187 = tpu.memref_slice %arg8[%dma_start3A_185, %dma_start3A_186] : memref<164x128xi32, #tpu.memory_space<vmem>> -> memref<1x128xi32, #tpu.memory_space<vmem>>
      %dma_start3A_188 = tpu.memref_squeeze %dma_start3A_187 : memref<1x128xi32, #tpu.memory_space<vmem>> -> memref<128xi32, #tpu.memory_space<vmem>>
      %dma_start3A_189 = arith.constant 0 : i32
      %dma_start3A_190 = arith.constant 0 : i32
      %dma_start3A_191 = tpu.memref_slice %arg13[%dma_start3A_189, %dma_start3A_190] : memref<10240x64xbf16, #tpu.memory_space<vmem_shared>> -> memref<10240x64xbf16, #tpu.memory_space<vmem_shared>>
      tpu.enqueue_indirect_dma source(%arg12 : memref<128x64xbf16, #tpu.memory_space<vmem>>) target(%dma_start3A_191 : memref<10240x64xbf16, #tpu.memory_space<vmem_shared>>) offsets(%dma_start3A_188 : memref<128xi32, #tpu.memory_space<vmem>>) semaphore(%arg21 : memref<!tpu.dma_semaphore, #tpu.memory_space<semaphore_mem>>) {add = true}
      %scan3A = arith.constant 0 : i32
      %scan3A_192 = arith.constant 0 : i32
      %scan3A_193 = arith.constant 1 : i32
      %scan3A_194 = arith.constant 39 : i32
      %scan3A_195 = arith.addi %scan3A_193, %scan3A_194 : i32
      %scan3A_196 = arith.constant 1 : i32
      %scan3A_197 = scf.for %scan3A_322 = %scan3A_193 to %scan3A_195 step %scan3A_196 iter_args(%scan3A_323 = %scan3A_192) -> (i32)  : i32 {
        %mul3A_324 = arith.constant 4 : i32
        %mul3A_325 = arith.muli %mul3A_324, %scan3A_322 : i32
        %add3A = arith.constant 0 : i32
        %add3A_326 = arith.addi %mul3A_325, %add3A : i32
        %sub3A = arith.constant 1 : i32
        %sub3A_327 = arith.subi %add3A_326, %sub3A : i32
        %dma_wait3A_328 = arith.constant 0 : i32
        %dma_wait3A_329 = tpu.memref_slice %arg8[%sub3A_327, %dma_wait3A_328] : memref<164x128xi32, #tpu.memory_space<vmem>> -> memref<1x128xi32, #tpu.memory_space<vmem>>
        %dma_wait3A_330 = tpu.memref_squeeze %dma_wait3A_329 : memref<1x128xi32, #tpu.memory_space<vmem>> -> memref<128xi32, #tpu.memory_space<vmem>>
        %dma_wait3A_331 = arith.constant 0 : i32
        %dma_wait3A_332 = arith.constant 0 : i32
        %dma_wait3A_333 = tpu.memref_slice %arg13[%dma_wait3A_331, %dma_wait3A_332] : memref<10240x64xbf16, #tpu.memory_space<vmem_shared>> -> memref<10240x64xbf16, #tpu.memory_space<vmem_shared>>
        tpu.wait_indirect_dma semaphore(%arg21 : memref<!tpu.dma_semaphore, #tpu.memory_space<semaphore_mem>>) src(%arg12 : memref<128x64xbf16, #tpu.memory_space<vmem>>) dst(%dma_wait3A_333 : memref<10240x64xbf16, #tpu.memory_space<vmem_shared>>)
        %add3A_334 = arith.constant 3 : i32
        %add3A_335 = arith.addi %add3A_326, %add3A_334 : i32
        %dma_start3A_336 = arith.constant 0 : i32
        %dma_start3A_337 = tpu.memref_slice %arg7[%add3A_335, %dma_start3A_336] : memref<164x128xi32, #tpu.memory_space<vmem>> -> memref<1x128xi32, #tpu.memory_space<vmem>>
        %dma_start3A_338 = tpu.memref_squeeze %dma_start3A_337 : memref<1x128xi32, #tpu.memory_space<vmem>> -> memref<128xi32, #tpu.memory_space<vmem>>
        %dma_start3A_339 = arith.constant 0 : i32
        %dma_start3A_340 = arith.constant 0 : i32
        %dma_start3A_341 = tpu.memref_slice %arg2[%scan3A, %dma_start3A_339, %dma_start3A_340] : memref<2x10240x64xbf16, #tpu.memory_space<hbm>> -> memref<1x10240x64xbf16, #tpu.memory_space<hbm>>
        %dma_start3A_342 = tpu.memref_squeeze %dma_start3A_341 : memref<1x10240x64xbf16, #tpu.memory_space<hbm>> -> memref<10240x64xbf16, #tpu.memory_space<hbm>>
        %dma_start3A_343 = arith.constant 0 : i32
        %dma_start3A_344 = arith.constant 0 : i32
        %dma_start3A_345 = tpu.memref_slice %dma_start3A_342[%dma_start3A_343, %dma_start3A_344] : memref<10240x64xbf16, #tpu.memory_space<hbm>> -> memref<10240x64xbf16, #tpu.memory_space<hbm>>
        tpu.enqueue_indirect_dma source(%dma_start3A_345 : memref<10240x64xbf16, #tpu.memory_space<hbm>>) target(%arg12 : memref<128x64xbf16, #tpu.memory_space<vmem>>) offsets(%dma_start3A_338 : memref<128xi32, #tpu.memory_space<vmem>>) semaphore(%arg17 : memref<!tpu.dma_semaphore, #tpu.memory_space<semaphore_mem>>)
        %dma_wait3A_346 = arith.constant 0 : i32
        %dma_wait3A_347 = tpu.memref_slice %arg7[%add3A_326, %dma_wait3A_346] : memref<164x128xi32, #tpu.memory_space<vmem>> -> memref<1x128xi32, #tpu.memory_space<vmem>>
        %dma_wait3A_348 = tpu.memref_squeeze %dma_wait3A_347 : memref<1x128xi32, #tpu.memory_space<vmem>> -> memref<128xi32, #tpu.memory_space<vmem>>
        %dma_wait3A_349 = arith.constant 0 : i32
        %dma_wait3A_350 = arith.constant 0 : i32
        %dma_wait3A_351 = tpu.memref_slice %arg2[%scan3A, %dma_wait3A_349, %dma_wait3A_350] : memref<2x10240x64xbf16, #tpu.memory_space<hbm>> -> memref<1x10240x64xbf16, #tpu.memory_space<hbm>>
        %dma_wait3A_352 = tpu.memref_squeeze %dma_wait3A_351 : memref<1x10240x64xbf16, #tpu.memory_space<hbm>> -> memref<10240x64xbf16, #tpu.memory_space<hbm>>
        %dma_wait3A_353 = arith.constant 0 : i32
        %dma_wait3A_354 = arith.constant 0 : i32
        %dma_wait3A_355 = tpu.memref_slice %dma_wait3A_352[%dma_wait3A_353, %dma_wait3A_354] : memref<10240x64xbf16, #tpu.memory_space<hbm>> -> memref<10240x64xbf16, #tpu.memory_space<hbm>>
        tpu.wait_indirect_dma semaphore(%arg14 : memref<!tpu.dma_semaphore, #tpu.memory_space<semaphore_mem>>) src(%dma_wait3A_355 : memref<10240x64xbf16, #tpu.memory_space<hbm>>) dst(%arg9 : memref<128x64xbf16, #tpu.memory_space<vmem>>)
        %dma_start3A_356 = arith.constant 0 : i32
        %dma_start3A_357 = tpu.memref_slice %arg8[%add3A_326, %dma_start3A_356] : memref<164x128xi32, #tpu.memory_space<vmem>> -> memref<1x128xi32, #tpu.memory_space<vmem>>
        %dma_start3A_358 = tpu.memref_squeeze %dma_start3A_357 : memref<1x128xi32, #tpu.memory_space<vmem>> -> memref<128xi32, #tpu.memory_space<vmem>>
        %dma_start3A_359 = arith.constant 0 : i32
        %dma_start3A_360 = arith.constant 0 : i32
        %dma_start3A_361 = tpu.memref_slice %arg13[%dma_start3A_359, %dma_start3A_360] : memref<10240x64xbf16, #tpu.memory_space<vmem_shared>> -> memref<10240x64xbf16, #tpu.memory_space<vmem_shared>>
        tpu.enqueue_indirect_dma source(%arg9 : memref<128x64xbf16, #tpu.memory_space<vmem>>) target(%dma_start3A_361 : memref<10240x64xbf16, #tpu.memory_space<vmem_shared>>) offsets(%dma_start3A_358 : memref<128xi32, #tpu.memory_space<vmem>>) semaphore(%arg18 : memref<!tpu.dma_semaphore, #tpu.memory_space<semaphore_mem>>) {add = true}
        %mul3A_362 = arith.constant 4 : i32
        %mul3A_363 = arith.muli %mul3A_362, %scan3A_322 : i32
        %add3A_364 = arith.constant 1 : i32
        %add3A_365 = arith.addi %mul3A_363, %add3A_364 : i32
        %sub3A_366 = arith.constant 1 : i32
        %sub3A_367 = arith.subi %add3A_365, %sub3A_366 : i32
        %dma_wait3A_368 = arith.constant 0 : i32
        %dma_wait3A_369 = tpu.memref_slice %arg8[%sub3A_367, %dma_wait3A_368] : memref<164x128xi32, #tpu.memory_space<vmem>> -> memref<1x128xi32, #tpu.memory_space<vmem>>
        %dma_wait3A_370 = tpu.memref_squeeze %dma_wait3A_369 : memref<1x128xi32, #tpu.memory_space<vmem>> -> memref<128xi32, #tpu.memory_space<vmem>>
        %dma_wait3A_371 = arith.constant 0 : i32
        %dma_wait3A_372 = arith.constant 0 : i32
        %dma_wait3A_373 = tpu.memref_slice %arg13[%dma_wait3A_371, %dma_wait3A_372] : memref<10240x64xbf16, #tpu.memory_space<vmem_shared>> -> memref<10240x64xbf16, #tpu.memory_space<vmem_shared>>
        tpu.wait_indirect_dma semaphore(%arg18 : memref<!tpu.dma_semaphore, #tpu.memory_space<semaphore_mem>>) src(%arg9 : memref<128x64xbf16, #tpu.memory_space<vmem>>) dst(%dma_wait3A_373 : memref<10240x64xbf16, #tpu.memory_space<vmem_shared>>)
        %add3A_374 = arith.constant 3 : i32
        %add3A_375 = arith.addi %add3A_365, %add3A_374 : i32
        %dma_start3A_376 = arith.constant 0 : i32
        %dma_start3A_377 = tpu.memref_slice %arg7[%add3A_375, %dma_start3A_376] : memref<164x128xi32, #tpu.memory_space<vmem>> -> memref<1x128xi32, #tpu.memory_space<vmem>>
        %dma_start3A_378 = tpu.memref_squeeze %dma_start3A_377 : memref<1x128xi32, #tpu.memory_space<vmem>> -> memref<128xi32, #tpu.memory_space<vmem>>
        %dma_start3A_379 = arith.constant 0 : i32
        %dma_start3A_380 = arith.constant 0 : i32
        %dma_start3A_381 = tpu.memref_slice %arg2[%scan3A, %dma_start3A_379, %dma_start3A_380] : memref<2x10240x64xbf16, #tpu.memory_space<hbm>> -> memref<1x10240x64xbf16, #tpu.memory_space<hbm>>
        %dma_start3A_382 = tpu.memref_squeeze %dma_start3A_381 : memref<1x10240x64xbf16, #tpu.memory_space<hbm>> -> memref<10240x64xbf16, #tpu.memory_space<hbm>>
        %dma_start3A_383 = arith.constant 0 : i32
        %dma_start3A_384 = arith.constant 0 : i32
        %dma_start3A_385 = tpu.memref_slice %dma_start3A_382[%dma_start3A_383, %dma_start3A_384] : memref<10240x64xbf16, #tpu.memory_space<hbm>> -> memref<10240x64xbf16, #tpu.memory_space<hbm>>
        tpu.enqueue_indirect_dma source(%dma_start3A_385 : memref<10240x64xbf16, #tpu.memory_space<hbm>>) target(%arg9 : memref<128x64xbf16, #tpu.memory_space<vmem>>) offsets(%dma_start3A_378 : memref<128xi32, #tpu.memory_space<vmem>>) semaphore(%arg14 : memref<!tpu.dma_semaphore, #tpu.memory_space<semaphore_mem>>)
        %dma_wait3A_386 = arith.constant 0 : i32
        %dma_wait3A_387 = tpu.memref_slice %arg7[%add3A_365, %dma_wait3A_386] : memref<164x128xi32, #tpu.memory_space<vmem>> -> memref<1x128xi32, #tpu.memory_space<vmem>>
        %dma_wait3A_388 = tpu.memref_squeeze %dma_wait3A_387 : memref<1x128xi32, #tpu.memory_space<vmem>> -> memref<128xi32, #tpu.memory_space<vmem>>
        %dma_wait3A_389 = arith.constant 0 : i32
        %dma_wait3A_390 = arith.constant 0 : i32
        %dma_wait3A_391 = tpu.memref_slice %arg2[%scan3A, %dma_wait3A_389, %dma_wait3A_390] : memref<2x10240x64xbf16, #tpu.memory_space<hbm>> -> memref<1x10240x64xbf16, #tpu.memory_space<hbm>>
        %dma_wait3A_392 = tpu.memref_squeeze %dma_wait3A_391 : memref<1x10240x64xbf16, #tpu.memory_space<hbm>> -> memref<10240x64xbf16, #tpu.memory_space<hbm>>
        %dma_wait3A_393 = arith.constant 0 : i32
        %dma_wait3A_394 = arith.constant 0 : i32
        %dma_wait3A_395 = tpu.memref_slice %dma_wait3A_392[%dma_wait3A_393, %dma_wait3A_394] : memref<10240x64xbf16, #tpu.memory_space<hbm>> -> memref<10240x64xbf16, #tpu.memory_space<hbm>>
        tpu.wait_indirect_dma semaphore(%arg15 : memref<!tpu.dma_semaphore, #tpu.memory_space<semaphore_mem>>) src(%dma_wait3A_395 : memref<10240x64xbf16, #tpu.memory_space<hbm>>) dst(%arg10 : memref<128x64xbf16, #tpu.memory_space<vmem>>)
        %dma_start3A_396 = arith.constant 0 : i32
        %dma_start3A_397 = tpu.memref_slice %arg8[%add3A_365, %dma_start3A_396] : memref<164x128xi32, #tpu.memory_space<vmem>> -> memref<1x128xi32, #tpu.memory_space<vmem>>
        %dma_start3A_398 = tpu.memref_squeeze %dma_start3A_397 : memref<1x128xi32, #tpu.memory_space<vmem>> -> memref<128xi32, #tpu.memory_space<vmem>>
        %dma_start3A_399 = arith.constant 0 : i32
        %dma_start3A_400 = arith.constant 0 : i32
        %dma_start3A_401 = tpu.memref_slice %arg13[%dma_start3A_399, %dma_start3A_400] : memref<10240x64xbf16, #tpu.memory_space<vmem_shared>> -> memref<10240x64xbf16, #tpu.memory_space<vmem_shared>>
        tpu.enqueue_indirect_dma source(%arg10 : memref<128x64xbf16, #tpu.memory_space<vmem>>) target(%dma_start3A_401 : memref<10240x64xbf16, #tpu.memory_space<vmem_shared>>) offsets(%dma_start3A_398 : memref<128xi32, #tpu.memory_space<vmem>>) semaphore(%arg19 : memref<!tpu.dma_semaphore, #tpu.memory_space<semaphore_mem>>) {add = true}
        %mul3A_402 = arith.constant 4 : i32
        %mul3A_403 = arith.muli %mul3A_402, %scan3A_322 : i32
        %add3A_404 = arith.constant 2 : i32
        %add3A_405 = arith.addi %mul3A_403, %add3A_404 : i32
        %sub3A_406 = arith.constant 1 : i32
        %sub3A_407 = arith.subi %add3A_405, %sub3A_406 : i32
        %dma_wait3A_408 = arith.constant 0 : i32
        %dma_wait3A_409 = tpu.memref_slice %arg8[%sub3A_407, %dma_wait3A_408] : memref<164x128xi32, #tpu.memory_space<vmem>> -> memref<1x128xi32, #tpu.memory_space<vmem>>
        %dma_wait3A_410 = tpu.memref_squeeze %dma_wait3A_409 : memref<1x128xi32, #tpu.memory_space<vmem>> -> memref<128xi32, #tpu.memory_space<vmem>>
        %dma_wait3A_411 = arith.constant 0 : i32
        %dma_wait3A_412 = arith.constant 0 : i32
        %dma_wait3A_413 = tpu.memref_slice %arg13[%dma_wait3A_411, %dma_wait3A_412] : memref<10240x64xbf16, #tpu.memory_space<vmem_shared>> -> memref<10240x64xbf16, #tpu.memory_space<vmem_shared>>
        tpu.wait_indirect_dma semaphore(%arg19 : memref<!tpu.dma_semaphore, #tpu.memory_space<semaphore_mem>>) src(%arg10 : memref<128x64xbf16, #tpu.memory_space<vmem>>) dst(%dma_wait3A_413 : memref<10240x64xbf16, #tpu.memory_space<vmem_shared>>)
        %add3A_414 = arith.constant 3 : i32
        %add3A_415 = arith.addi %add3A_405, %add3A_414 : i32
        %dma_start3A_416 = arith.constant 0 : i32
        %dma_start3A_417 = tpu.memref_slice %arg7[%add3A_415, %dma_start3A_416] : memref<164x128xi32, #tpu.memory_space<vmem>> -> memref<1x128xi32, #tpu.memory_space<vmem>>
        %dma_start3A_418 = tpu.memref_squeeze %dma_start3A_417 : memref<1x128xi32, #tpu.memory_space<vmem>> -> memref<128xi32, #tpu.memory_space<vmem>>
        %dma_start3A_419 = arith.constant 0 : i32
        %dma_start3A_420 = arith.constant 0 : i32
        %dma_start3A_421 = tpu.memref_slice %arg2[%scan3A, %dma_start3A_419, %dma_start3A_420] : memref<2x10240x64xbf16, #tpu.memory_space<hbm>> -> memref<1x10240x64xbf16, #tpu.memory_space<hbm>>
        %dma_start3A_422 = tpu.memref_squeeze %dma_start3A_421 : memref<1x10240x64xbf16, #tpu.memory_space<hbm>> -> memref<10240x64xbf16, #tpu.memory_space<hbm>>
        %dma_start3A_423 = arith.constant 0 : i32
        %dma_start3A_424 = arith.constant 0 : i32
        %dma_start3A_425 = tpu.memref_slice %dma_start3A_422[%dma_start3A_423, %dma_start3A_424] : memref<10240x64xbf16, #tpu.memory_space<hbm>> -> memref<10240x64xbf16, #tpu.memory_space<hbm>>
        tpu.enqueue_indirect_dma source(%dma_start3A_425 : memref<10240x64xbf16, #tpu.memory_space<hbm>>) target(%arg10 : memref<128x64xbf16, #tpu.memory_space<vmem>>) offsets(%dma_start3A_418 : memref<128xi32, #tpu.memory_space<vmem>>) semaphore(%arg15 : memref<!tpu.dma_semaphore, #tpu.memory_space<semaphore_mem>>)
        %dma_wait3A_426 = arith.constant 0 : i32
        %dma_wait3A_427 = tpu.memref_slice %arg7[%add3A_405, %dma_wait3A_426] : memref<164x128xi32, #tpu.memory_space<vmem>> -> memref<1x128xi32, #tpu.memory_space<vmem>>
        %dma_wait3A_428 = tpu.memref_squeeze %dma_wait3A_427 : memref<1x128xi32, #tpu.memory_space<vmem>> -> memref<128xi32, #tpu.memory_space<vmem>>
        %dma_wait3A_429 = arith.constant 0 : i32
        %dma_wait3A_430 = arith.constant 0 : i32
        %dma_wait3A_431 = tpu.memref_slice %arg2[%scan3A, %dma_wait3A_429, %dma_wait3A_430] : memref<2x10240x64xbf16, #tpu.memory_space<hbm>> -> memref<1x10240x64xbf16, #tpu.memory_space<hbm>>
        %dma_wait3A_432 = tpu.memref_squeeze %dma_wait3A_431 : memref<1x10240x64xbf16, #tpu.memory_space<hbm>> -> memref<10240x64xbf16, #tpu.memory_space<hbm>>
        %dma_wait3A_433 = arith.constant 0 : i32
        %dma_wait3A_434 = arith.constant 0 : i32
        %dma_wait3A_435 = tpu.memref_slice %dma_wait3A_432[%dma_wait3A_433, %dma_wait3A_434] : memref<10240x64xbf16, #tpu.memory_space<hbm>> -> memref<10240x64xbf16, #tpu.memory_space<hbm>>
        tpu.wait_indirect_dma semaphore(%arg16 : memref<!tpu.dma_semaphore, #tpu.memory_space<semaphore_mem>>) src(%dma_wait3A_435 : memref<10240x64xbf16, #tpu.memory_space<hbm>>) dst(%arg11 : memref<128x64xbf16, #tpu.memory_space<vmem>>)
        %dma_start3A_436 = arith.constant 0 : i32
        %dma_start3A_437 = tpu.memref_slice %arg8[%add3A_405, %dma_start3A_436] : memref<164x128xi32, #tpu.memory_space<vmem>> -> memref<1x128xi32, #tpu.memory_space<vmem>>
        %dma_start3A_438 = tpu.memref_squeeze %dma_start3A_437 : memref<1x128xi32, #tpu.memory_space<vmem>> -> memref<128xi32, #tpu.memory_space<vmem>>
        %dma_start3A_439 = arith.constant 0 : i32
        %dma_start3A_440 = arith.constant 0 : i32
        %dma_start3A_441 = tpu.memref_slice %arg13[%dma_start3A_439, %dma_start3A_440] : memref<10240x64xbf16, #tpu.memory_space<vmem_shared>> -> memref<10240x64xbf16, #tpu.memory_space<vmem_shared>>
        tpu.enqueue_indirect_dma source(%arg11 : memref<128x64xbf16, #tpu.memory_space<vmem>>) target(%dma_start3A_441 : memref<10240x64xbf16, #tpu.memory_space<vmem_shared>>) offsets(%dma_start3A_438 : memref<128xi32, #tpu.memory_space<vmem>>) semaphore(%arg20 : memref<!tpu.dma_semaphore, #tpu.memory_space<semaphore_mem>>) {add = true}
        %mul3A_442 = arith.constant 4 : i32
        %mul3A_443 = arith.muli %mul3A_442, %scan3A_322 : i32
        %add3A_444 = arith.constant 3 : i32
        %add3A_445 = arith.addi %mul3A_443, %add3A_444 : i32
        %sub3A_446 = arith.constant 1 : i32
        %sub3A_447 = arith.subi %add3A_445, %sub3A_446 : i32
        %dma_wait3A_448 = arith.constant 0 : i32
        %dma_wait3A_449 = tpu.memref_slice %arg8[%sub3A_447, %dma_wait3A_448] : memref<164x128xi32, #tpu.memory_space<vmem>> -> memref<1x128xi32, #tpu.memory_space<vmem>>
        %dma_wait3A_450 = tpu.memref_squeeze %dma_wait3A_449 : memref<1x128xi32, #tpu.memory_space<vmem>> -> memref<128xi32, #tpu.memory_space<vmem>>
        %dma_wait3A_451 = arith.constant 0 : i32
        %dma_wait3A_452 = arith.constant 0 : i32
        %dma_wait3A_453 = tpu.memref_slice %arg13[%dma_wait3A_451, %dma_wait3A_452] : memref<10240x64xbf16, #tpu.memory_space<vmem_shared>> -> memref<10240x64xbf16, #tpu.memory_space<vmem_shared>>
        tpu.wait_indirect_dma semaphore(%arg20 : memref<!tpu.dma_semaphore, #tpu.memory_space<semaphore_mem>>) src(%arg11 : memref<128x64xbf16, #tpu.memory_space<vmem>>) dst(%dma_wait3A_453 : memref<10240x64xbf16, #tpu.memory_space<vmem_shared>>)
        %add3A_454 = arith.constant 3 : i32
        %add3A_455 = arith.addi %add3A_445, %add3A_454 : i32
        %dma_start3A_456 = arith.constant 0 : i32
        %dma_start3A_457 = tpu.memref_slice %arg7[%add3A_455, %dma_start3A_456] : memref<164x128xi32, #tpu.memory_space<vmem>> -> memref<1x128xi32, #tpu.memory_space<vmem>>
        %dma_start3A_458 = tpu.memref_squeeze %dma_start3A_457 : memref<1x128xi32, #tpu.memory_space<vmem>> -> memref<128xi32, #tpu.memory_space<vmem>>
        %dma_start3A_459 = arith.constant 0 : i32
        %dma_start3A_460 = arith.constant 0 : i32
        %dma_start3A_461 = tpu.memref_slice %arg2[%scan3A, %dma_start3A_459, %dma_start3A_460] : memref<2x10240x64xbf16, #tpu.memory_space<hbm>> -> memref<1x10240x64xbf16, #tpu.memory_space<hbm>>
        %dma_start3A_462 = tpu.memref_squeeze %dma_start3A_461 : memref<1x10240x64xbf16, #tpu.memory_space<hbm>> -> memref<10240x64xbf16, #tpu.memory_space<hbm>>
        %dma_start3A_463 = arith.constant 0 : i32
        %dma_start3A_464 = arith.constant 0 : i32
        %dma_start3A_465 = tpu.memref_slice %dma_start3A_462[%dma_start3A_463, %dma_start3A_464] : memref<10240x64xbf16, #tpu.memory_space<hbm>> -> memref<10240x64xbf16, #tpu.memory_space<hbm>>
        tpu.enqueue_indirect_dma source(%dma_start3A_465 : memref<10240x64xbf16, #tpu.memory_space<hbm>>) target(%arg11 : memref<128x64xbf16, #tpu.memory_space<vmem>>) offsets(%dma_start3A_458 : memref<128xi32, #tpu.memory_space<vmem>>) semaphore(%arg16 : memref<!tpu.dma_semaphore, #tpu.memory_space<semaphore_mem>>)
        %dma_wait3A_466 = arith.constant 0 : i32
        %dma_wait3A_467 = tpu.memref_slice %arg7[%add3A_445, %dma_wait3A_466] : memref<164x128xi32, #tpu.memory_space<vmem>> -> memref<1x128xi32, #tpu.memory_space<vmem>>
        %dma_wait3A_468 = tpu.memref_squeeze %dma_wait3A_467 : memref<1x128xi32, #tpu.memory_space<vmem>> -> memref<128xi32, #tpu.memory_space<vmem>>
        %dma_wait3A_469 = arith.constant 0 : i32
        %dma_wait3A_470 = arith.constant 0 : i32
        %dma_wait3A_471 = tpu.memref_slice %arg2[%scan3A, %dma_wait3A_469, %dma_wait3A_470] : memref<2x10240x64xbf16, #tpu.memory_space<hbm>> -> memref<1x10240x64xbf16, #tpu.memory_space<hbm>>
        %dma_wait3A_472 = tpu.memref_squeeze %dma_wait3A_471 : memref<1x10240x64xbf16, #tpu.memory_space<hbm>> -> memref<10240x64xbf16, #tpu.memory_space<hbm>>
        %dma_wait3A_473 = arith.constant 0 : i32
        %dma_wait3A_474 = arith.constant 0 : i32
        %dma_wait3A_475 = tpu.memref_slice %dma_wait3A_472[%dma_wait3A_473, %dma_wait3A_474] : memref<10240x64xbf16, #tpu.memory_space<hbm>> -> memref<10240x64xbf16, #tpu.memory_space<hbm>>
        tpu.wait_indirect_dma semaphore(%arg17 : memref<!tpu.dma_semaphore, #tpu.memory_space<semaphore_mem>>) src(%dma_wait3A_475 : memref<10240x64xbf16, #tpu.memory_space<hbm>>) dst(%arg12 : memref<128x64xbf16, #tpu.memory_space<vmem>>)
        %dma_start3A_476 = arith.constant 0 : i32
        %dma_start3A_477 = tpu.memref_slice %arg8[%add3A_445, %dma_start3A_476] : memref<164x128xi32, #tpu.memory_space<vmem>> -> memref<1x128xi32, #tpu.memory_space<vmem>>
        %dma_start3A_478 = tpu.memref_squeeze %dma_start3A_477 : memref<1x128xi32, #tpu.memory_space<vmem>> -> memref<128xi32, #tpu.memory_space<vmem>>
        %dma_start3A_479 = arith.constant 0 : i32
        %dma_start3A_480 = arith.constant 0 : i32
        %dma_start3A_481 = tpu.memref_slice %arg13[%dma_start3A_479, %dma_start3A_480] : memref<10240x64xbf16, #tpu.memory_space<vmem_shared>> -> memref<10240x64xbf16, #tpu.memory_space<vmem_shared>>
        tpu.enqueue_indirect_dma source(%arg12 : memref<128x64xbf16, #tpu.memory_space<vmem>>) target(%dma_start3A_481 : memref<10240x64xbf16, #tpu.memory_space<vmem_shared>>) offsets(%dma_start3A_478 : memref<128xi32, #tpu.memory_space<vmem>>) semaphore(%arg21 : memref<!tpu.dma_semaphore, #tpu.memory_space<semaphore_mem>>) {add = true}
        %scan3A_482 = arith.constant 0 : i32
        scf.yield %scan3A_482 : i32
      }
      %scan3A_198 = arith.constant 39 : i32
      %dma_wait3A_199 = arith.constant 159 : i32
      %dma_wait3A_200 = arith.constant 0 : i32
      %dma_wait3A_201 = tpu.memref_slice %arg8[%dma_wait3A_199, %dma_wait3A_200] : memref<164x128xi32, #tpu.memory_space<vmem>> -> memref<1x128xi32, #tpu.memory_space<vmem>>
      %dma_wait3A_202 = tpu.memref_squeeze %dma_wait3A_201 : memref<1x128xi32, #tpu.memory_space<vmem>> -> memref<128xi32, #tpu.memory_space<vmem>>
      %dma_wait3A_203 = arith.constant 0 : i32
      %dma_wait3A_204 = arith.constant 0 : i32
      %dma_wait3A_205 = tpu.memref_slice %arg13[%dma_wait3A_203, %dma_wait3A_204] : memref<10240x64xbf16, #tpu.memory_space<vmem_shared>> -> memref<10240x64xbf16, #tpu.memory_space<vmem_shared>>
      tpu.wait_indirect_dma semaphore(%arg21 : memref<!tpu.dma_semaphore, #tpu.memory_space<semaphore_mem>>) src(%arg12 : memref<128x64xbf16, #tpu.memory_space<vmem>>) dst(%dma_wait3A_205 : memref<10240x64xbf16, #tpu.memory_space<vmem_shared>>)
      %dma_start3A_206 = arith.constant 0 : i32
      %dma_start3A_207 = arith.constant 163 : i32
      %dma_start3A_208 = arith.constant 0 : i32
      %dma_start3A_209 = tpu.memref_slice %arg7[%dma_start3A_207, %dma_start3A_208] : memref<164x128xi32, #tpu.memory_space<vmem>> -> memref<1x128xi32, #tpu.memory_space<vmem>>
      %dma_start3A_210 = tpu.memref_squeeze %dma_start3A_209 : memref<1x128xi32, #tpu.memory_space<vmem>> -> memref<128xi32, #tpu.memory_space<vmem>>
      %dma_start3A_211 = arith.constant 0 : i32
      %dma_start3A_212 = arith.constant 0 : i32
      %dma_start3A_213 = tpu.memref_slice %arg2[%dma_start3A_206, %dma_start3A_211, %dma_start3A_212] : memref<2x10240x64xbf16, #tpu.memory_space<hbm>> -> memref<1x10240x64xbf16, #tpu.memory_space<hbm>>
      %dma_start3A_214 = tpu.memref_squeeze %dma_start3A_213 : memref<1x10240x64xbf16, #tpu.memory_space<hbm>> -> memref<10240x64xbf16, #tpu.memory_space<hbm>>
      %dma_start3A_215 = arith.constant 0 : i32
      %dma_start3A_216 = arith.constant 0 : i32
      %dma_start3A_217 = tpu.memref_slice %dma_start3A_214[%dma_start3A_215, %dma_start3A_216] : memref<10240x64xbf16, #tpu.memory_space<hbm>> -> memref<10240x64xbf16, #tpu.memory_space<hbm>>
      tpu.enqueue_indirect_dma source(%dma_start3A_217 : memref<10240x64xbf16, #tpu.memory_space<hbm>>) target(%arg12 : memref<128x64xbf16, #tpu.memory_space<vmem>>) offsets(%dma_start3A_210 : memref<128xi32, #tpu.memory_space<vmem>>) semaphore(%arg17 : memref<!tpu.dma_semaphore, #tpu.memory_space<semaphore_mem>>)
      %dma_wait3A_218 = arith.constant 0 : i32
      %dma_wait3A_219 = arith.constant 160 : i32
      %dma_wait3A_220 = arith.constant 0 : i32
      %dma_wait3A_221 = tpu.memref_slice %arg7[%dma_wait3A_219, %dma_wait3A_220] : memref<164x128xi32, #tpu.memory_space<vmem>> -> memref<1x128xi32, #tpu.memory_space<vmem>>
      %dma_wait3A_222 = tpu.memref_squeeze %dma_wait3A_221 : memref<1x128xi32, #tpu.memory_space<vmem>> -> memref<128xi32, #tpu.memory_space<vmem>>
      %dma_wait3A_223 = arith.constant 0 : i32
      %dma_wait3A_224 = arith.constant 0 : i32
      %dma_wait3A_225 = tpu.memref_slice %arg2[%dma_wait3A_218, %dma_wait3A_223, %dma_wait3A_224] : memref<2x10240x64xbf16, #tpu.memory_space<hbm>> -> memref<1x10240x64xbf16, #tpu.memory_space<hbm>>
      %dma_wait3A_226 = tpu.memref_squeeze %dma_wait3A_225 : memref<1x10240x64xbf16, #tpu.memory_space<hbm>> -> memref<10240x64xbf16, #tpu.memory_space<hbm>>
      %dma_wait3A_227 = arith.constant 0 : i32
      %dma_wait3A_228 = arith.constant 0 : i32
      %dma_wait3A_229 = tpu.memref_slice %dma_wait3A_226[%dma_wait3A_227, %dma_wait3A_228] : memref<10240x64xbf16, #tpu.memory_space<hbm>> -> memref<10240x64xbf16, #tpu.memory_space<hbm>>
      tpu.wait_indirect_dma semaphore(%arg14 : memref<!tpu.dma_semaphore, #tpu.memory_space<semaphore_mem>>) src(%dma_wait3A_229 : memref<10240x64xbf16, #tpu.memory_space<hbm>>) dst(%arg9 : memref<128x64xbf16, #tpu.memory_space<vmem>>)
      %dma_start3A_230 = arith.constant 160 : i32
      %dma_start3A_231 = arith.constant 0 : i32
      %dma_start3A_232 = tpu.memref_slice %arg8[%dma_start3A_230, %dma_start3A_231] : memref<164x128xi32, #tpu.memory_space<vmem>> -> memref<1x128xi32, #tpu.memory_space<vmem>>
      %dma_start3A_233 = tpu.memref_squeeze %dma_start3A_232 : memref<1x128xi32, #tpu.memory_space<vmem>> -> memref<128xi32, #tpu.memory_space<vmem>>
      %dma_start3A_234 = arith.constant 0 : i32
      %dma_start3A_235 = arith.constant 0 : i32
      %dma_start3A_236 = tpu.memref_slice %arg13[%dma_start3A_234, %dma_start3A_235] : memref<10240x64xbf16, #tpu.memory_space<vmem_shared>> -> memref<10240x64xbf16, #tpu.memory_space<vmem_shared>>
      tpu.enqueue_indirect_dma source(%arg9 : memref<128x64xbf16, #tpu.memory_space<vmem>>) target(%dma_start3A_236 : memref<10240x64xbf16, #tpu.memory_space<vmem_shared>>) offsets(%dma_start3A_233 : memref<128xi32, #tpu.memory_space<vmem>>) semaphore(%arg18 : memref<!tpu.dma_semaphore, #tpu.memory_space<semaphore_mem>>) {add = true}
      %dma_wait3A_237 = arith.constant 0 : i32
      %dma_wait3A_238 = arith.constant 161 : i32
      %dma_wait3A_239 = arith.constant 0 : i32
      %dma_wait3A_240 = tpu.memref_slice %arg7[%dma_wait3A_238, %dma_wait3A_239] : memref<164x128xi32, #tpu.memory_space<vmem>> -> memref<1x128xi32, #tpu.memory_space<vmem>>
      %dma_wait3A_241 = tpu.memref_squeeze %dma_wait3A_240 : memref<1x128xi32, #tpu.memory_space<vmem>> -> memref<128xi32, #tpu.memory_space<vmem>>
      %dma_wait3A_242 = arith.constant 0 : i32
      %dma_wait3A_243 = arith.constant 0 : i32
      %dma_wait3A_244 = tpu.memref_slice %arg2[%dma_wait3A_237, %dma_wait3A_242, %dma_wait3A_243] : memref<2x10240x64xbf16, #tpu.memory_space<hbm>> -> memref<1x10240x64xbf16, #tpu.memory_space<hbm>>
      %dma_wait3A_245 = tpu.memref_squeeze %dma_wait3A_244 : memref<1x10240x64xbf16, #tpu.memory_space<hbm>> -> memref<10240x64xbf16, #tpu.memory_space<hbm>>
      %dma_wait3A_246 = arith.constant 0 : i32
      %dma_wait3A_247 = arith.constant 0 : i32
      %dma_wait3A_248 = tpu.memref_slice %dma_wait3A_245[%dma_wait3A_246, %dma_wait3A_247] : memref<10240x64xbf16, #tpu.memory_space<hbm>> -> memref<10240x64xbf16, #tpu.memory_space<hbm>>
      tpu.wait_indirect_dma semaphore(%arg15 : memref<!tpu.dma_semaphore, #tpu.memory_space<semaphore_mem>>) src(%dma_wait3A_248 : memref<10240x64xbf16, #tpu.memory_space<hbm>>) dst(%arg10 : memref<128x64xbf16, #tpu.memory_space<vmem>>)
      %dma_start3A_249 = arith.constant 161 : i32
      %dma_start3A_250 = arith.constant 0 : i32
      %dma_start3A_251 = tpu.memref_slice %arg8[%dma_start3A_249, %dma_start3A_250] : memref<164x128xi32, #tpu.memory_space<vmem>> -> memref<1x128xi32, #tpu.memory_space<vmem>>
      %dma_start3A_252 = tpu.memref_squeeze %dma_start3A_251 : memref<1x128xi32, #tpu.memory_space<vmem>> -> memref<128xi32, #tpu.memory_space<vmem>>
      %dma_start3A_253 = arith.constant 0 : i32
      %dma_start3A_254 = arith.constant 0 : i32
      %dma_start3A_255 = tpu.memref_slice %arg13[%dma_start3A_253, %dma_start3A_254] : memref<10240x64xbf16, #tpu.memory_space<vmem_shared>> -> memref<10240x64xbf16, #tpu.memory_space<vmem_shared>>
      tpu.enqueue_indirect_dma source(%arg10 : memref<128x64xbf16, #tpu.memory_space<vmem>>) target(%dma_start3A_255 : memref<10240x64xbf16, #tpu.memory_space<vmem_shared>>) offsets(%dma_start3A_252 : memref<128xi32, #tpu.memory_space<vmem>>) semaphore(%arg19 : memref<!tpu.dma_semaphore, #tpu.memory_space<semaphore_mem>>) {add = true}
      %dma_wait3A_256 = arith.constant 0 : i32
      %dma_wait3A_257 = arith.constant 162 : i32
      %dma_wait3A_258 = arith.constant 0 : i32
      %dma_wait3A_259 = tpu.memref_slice %arg7[%dma_wait3A_257, %dma_wait3A_258] : memref<164x128xi32, #tpu.memory_space<vmem>> -> memref<1x128xi32, #tpu.memory_space<vmem>>
      %dma_wait3A_260 = tpu.memref_squeeze %dma_wait3A_259 : memref<1x128xi32, #tpu.memory_space<vmem>> -> memref<128xi32, #tpu.memory_space<vmem>>
      %dma_wait3A_261 = arith.constant 0 : i32
      %dma_wait3A_262 = arith.constant 0 : i32
      %dma_wait3A_263 = tpu.memref_slice %arg2[%dma_wait3A_256, %dma_wait3A_261, %dma_wait3A_262] : memref<2x10240x64xbf16, #tpu.memory_space<hbm>> -> memref<1x10240x64xbf16, #tpu.memory_space<hbm>>
      %dma_wait3A_264 = tpu.memref_squeeze %dma_wait3A_263 : memref<1x10240x64xbf16, #tpu.memory_space<hbm>> -> memref<10240x64xbf16, #tpu.memory_space<hbm>>
      %dma_wait3A_265 = arith.constant 0 : i32
      %dma_wait3A_266 = arith.constant 0 : i32
      %dma_wait3A_267 = tpu.memref_slice %dma_wait3A_264[%dma_wait3A_265, %dma_wait3A_266] : memref<10240x64xbf16, #tpu.memory_space<hbm>> -> memref<10240x64xbf16, #tpu.memory_space<hbm>>
      tpu.wait_indirect_dma semaphore(%arg16 : memref<!tpu.dma_semaphore, #tpu.memory_space<semaphore_mem>>) src(%dma_wait3A_267 : memref<10240x64xbf16, #tpu.memory_space<hbm>>) dst(%arg11 : memref<128x64xbf16, #tpu.memory_space<vmem>>)
      %dma_start3A_268 = arith.constant 162 : i32
      %dma_start3A_269 = arith.constant 0 : i32
      %dma_start3A_270 = tpu.memref_slice %arg8[%dma_start3A_268, %dma_start3A_269] : memref<164x128xi32, #tpu.memory_space<vmem>> -> memref<1x128xi32, #tpu.memory_space<vmem>>
      %dma_start3A_271 = tpu.memref_squeeze %dma_start3A_270 : memref<1x128xi32, #tpu.memory_space<vmem>> -> memref<128xi32, #tpu.memory_space<vmem>>
      %dma_start3A_272 = arith.constant 0 : i32
      %dma_start3A_273 = arith.constant 0 : i32
      %dma_start3A_274 = tpu.memref_slice %arg13[%dma_start3A_272, %dma_start3A_273] : memref<10240x64xbf16, #tpu.memory_space<vmem_shared>> -> memref<10240x64xbf16, #tpu.memory_space<vmem_shared>>
      tpu.enqueue_indirect_dma source(%arg11 : memref<128x64xbf16, #tpu.memory_space<vmem>>) target(%dma_start3A_274 : memref<10240x64xbf16, #tpu.memory_space<vmem_shared>>) offsets(%dma_start3A_271 : memref<128xi32, #tpu.memory_space<vmem>>) semaphore(%arg20 : memref<!tpu.dma_semaphore, #tpu.memory_space<semaphore_mem>>) {add = true}
      %dma_wait3A_275 = arith.constant 0 : i32
      %dma_wait3A_276 = arith.constant 163 : i32
      %dma_wait3A_277 = arith.constant 0 : i32
      %dma_wait3A_278 = tpu.memref_slice %arg7[%dma_wait3A_276, %dma_wait3A_277] : memref<164x128xi32, #tpu.memory_space<vmem>> -> memref<1x128xi32, #tpu.memory_space<vmem>>
      %dma_wait3A_279 = tpu.memref_squeeze %dma_wait3A_278 : memref<1x128xi32, #tpu.memory_space<vmem>> -> memref<128xi32, #tpu.memory_space<vmem>>
      %dma_wait3A_280 = arith.constant 0 : i32
      %dma_wait3A_281 = arith.constant 0 : i32
      %dma_wait3A_282 = tpu.memref_slice %arg2[%dma_wait3A_275, %dma_wait3A_280, %dma_wait3A_281] : memref<2x10240x64xbf16, #tpu.memory_space<hbm>> -> memref<1x10240x64xbf16, #tpu.memory_space<hbm>>
      %dma_wait3A_283 = tpu.memref_squeeze %dma_wait3A_282 : memref<1x10240x64xbf16, #tpu.memory_space<hbm>> -> memref<10240x64xbf16, #tpu.memory_space<hbm>>
      %dma_wait3A_284 = arith.constant 0 : i32
      %dma_wait3A_285 = arith.constant 0 : i32
      %dma_wait3A_286 = tpu.memref_slice %dma_wait3A_283[%dma_wait3A_284, %dma_wait3A_285] : memref<10240x64xbf16, #tpu.memory_space<hbm>> -> memref<10240x64xbf16, #tpu.memory_space<hbm>>
      tpu.wait_indirect_dma semaphore(%arg17 : memref<!tpu.dma_semaphore, #tpu.memory_space<semaphore_mem>>) src(%dma_wait3A_286 : memref<10240x64xbf16, #tpu.memory_space<hbm>>) dst(%arg12 : memref<128x64xbf16, #tpu.memory_space<vmem>>)
      %dma_start3A_287 = arith.constant 163 : i32
      %dma_start3A_288 = arith.constant 0 : i32
      %dma_start3A_289 = tpu.memref_slice %arg8[%dma_start3A_287, %dma_start3A_288] : memref<164x128xi32, #tpu.memory_space<vmem>> -> memref<1x128xi32, #tpu.memory_space<vmem>>
      %dma_start3A_290 = tpu.memref_squeeze %dma_start3A_289 : memref<1x128xi32, #tpu.memory_space<vmem>> -> memref<128xi32, #tpu.memory_space<vmem>>
      %dma_start3A_291 = arith.constant 0 : i32
      %dma_start3A_292 = arith.constant 0 : i32
      %dma_start3A_293 = tpu.memref_slice %arg13[%dma_start3A_291, %dma_start3A_292] : memref<10240x64xbf16, #tpu.memory_space<vmem_shared>> -> memref<10240x64xbf16, #tpu.memory_space<vmem_shared>>
      tpu.enqueue_indirect_dma source(%arg12 : memref<128x64xbf16, #tpu.memory_space<vmem>>) target(%dma_start3A_293 : memref<10240x64xbf16, #tpu.memory_space<vmem_shared>>) offsets(%dma_start3A_290 : memref<128xi32, #tpu.memory_space<vmem>>) semaphore(%arg21 : memref<!tpu.dma_semaphore, #tpu.memory_space<semaphore_mem>>) {add = true}
      %dma_wait3A_294 = arith.constant 160 : i32
      %dma_wait3A_295 = arith.constant 0 : i32
      %dma_wait3A_296 = tpu.memref_slice %arg8[%dma_wait3A_294, %dma_wait3A_295] : memref<164x128xi32, #tpu.memory_space<vmem>> -> memref<1x128xi32, #tpu.memory_space<vmem>>
      %dma_wait3A_297 = tpu.memref_squeeze %dma_wait3A_296 : memref<1x128xi32, #tpu.memory_space<vmem>> -> memref<128xi32, #tpu.memory_space<vmem>>
      %dma_wait3A_298 = arith.constant 0 : i32
      %dma_wait3A_299 = arith.constant 0 : i32
      %dma_wait3A_300 = tpu.memref_slice %arg13[%dma_wait3A_298, %dma_wait3A_299] : memref<10240x64xbf16, #tpu.memory_space<vmem_shared>> -> memref<10240x64xbf16, #tpu.memory_space<vmem_shared>>
      tpu.wait_indirect_dma semaphore(%arg18 : memref<!tpu.dma_semaphore, #tpu.memory_space<semaphore_mem>>) src(%arg9 : memref<128x64xbf16, #tpu.memory_space<vmem>>) dst(%dma_wait3A_300 : memref<10240x64xbf16, #tpu.memory_space<vmem_shared>>)
      %dma_wait3A_301 = arith.constant 161 : i32
      %dma_wait3A_302 = arith.constant 0 : i32
      %dma_wait3A_303 = tpu.memref_slice %arg8[%dma_wait3A_301, %dma_wait3A_302] : memref<164x128xi32, #tpu.memory_space<vmem>> -> memref<1x128xi32, #tpu.memory_space<vmem>>
      %dma_wait3A_304 = tpu.memref_squeeze %dma_wait3A_303 : memref<1x128xi32, #tpu.memory_space<vmem>> -> memref<128xi32, #tpu.memory_space<vmem>>
      %dma_wait3A_305 = arith.constant 0 : i32
      %dma_wait3A_306 = arith.constant 0 : i32
      %dma_wait3A_307 = tpu.memref_slice %arg13[%dma_wait3A_305, %dma_wait3A_306] : memref<10240x64xbf16, #tpu.memory_space<vmem_shared>> -> memref<10240x64xbf16, #tpu.memory_space<vmem_shared>>
      tpu.wait_indirect_dma semaphore(%arg19 : memref<!tpu.dma_semaphore, #tpu.memory_space<semaphore_mem>>) src(%arg10 : memref<128x64xbf16, #tpu.memory_space<vmem>>) dst(%dma_wait3A_307 : memref<10240x64xbf16, #tpu.memory_space<vmem_shared>>)
      %dma_wait3A_308 = arith.constant 162 : i32
      %dma_wait3A_309 = arith.constant 0 : i32
      %dma_wait3A_310 = tpu.memref_slice %arg8[%dma_wait3A_308, %dma_wait3A_309] : memref<164x128xi32, #tpu.memory_space<vmem>> -> memref<1x128xi32, #tpu.memory_space<vmem>>
      %dma_wait3A_311 = tpu.memref_squeeze %dma_wait3A_310 : memref<1x128xi32, #tpu.memory_space<vmem>> -> memref<128xi32, #tpu.memory_space<vmem>>
      %dma_wait3A_312 = arith.constant 0 : i32
      %dma_wait3A_313 = arith.constant 0 : i32
      %dma_wait3A_314 = tpu.memref_slice %arg13[%dma_wait3A_312, %dma_wait3A_313] : memref<10240x64xbf16, #tpu.memory_space<vmem_shared>> -> memref<10240x64xbf16, #tpu.memory_space<vmem_shared>>
      tpu.wait_indirect_dma semaphore(%arg20 : memref<!tpu.dma_semaphore, #tpu.memory_space<semaphore_mem>>) src(%arg11 : memref<128x64xbf16, #tpu.memory_space<vmem>>) dst(%dma_wait3A_314 : memref<10240x64xbf16, #tpu.memory_space<vmem_shared>>)
      %dma_wait3A_315 = arith.constant 163 : i32
      %dma_wait3A_316 = arith.constant 0 : i32
      %dma_wait3A_317 = tpu.memref_slice %arg8[%dma_wait3A_315, %dma_wait3A_316] : memref<164x128xi32, #tpu.memory_space<vmem>> -> memref<1x128xi32, #tpu.memory_space<vmem>>
      %dma_wait3A_318 = tpu.memref_squeeze %dma_wait3A_317 : memref<1x128xi32, #tpu.memory_space<vmem>> -> memref<128xi32, #tpu.memory_space<vmem>>
      %dma_wait3A_319 = arith.constant 0 : i32
      %dma_wait3A_320 = arith.constant 0 : i32
      %dma_wait3A_321 = tpu.memref_slice %arg13[%dma_wait3A_319, %dma_wait3A_320] : memref<10240x64xbf16, #tpu.memory_space<vmem_shared>> -> memref<10240x64xbf16, #tpu.memory_space<vmem_shared>>
      tpu.wait_indirect_dma semaphore(%arg21 : memref<!tpu.dma_semaphore, #tpu.memory_space<semaphore_mem>>) src(%arg12 : memref<128x64xbf16, #tpu.memory_space<vmem>>) dst(%dma_wait3A_321 : memref<10240x64xbf16, #tpu.memory_space<vmem_shared>>)
    } else {
    }
    %eq3A_3 = arith.constant 1 : i32
    %eq3A_4 = arith.cmpi eq, %arg0, %eq3A_3 : i32
    %convert_element_type3A_5 = arith.extui %eq3A_4 : i1 to i32
    %cond3A_6 = arith.constant 0 : i32
    %cond3A_7 = arith.cmpi ne, %convert_element_type3A_5, %cond3A_6 : i32
    scf.if %cond3A_7 {
      %dma_start3A = arith.constant 1 : i32
      %dma_start3A_13 = arith.constant 0 : i32
      %dma_start3A_14 = arith.constant 0 : i32
      %dma_start3A_15 = tpu.memref_slice %arg7[%dma_start3A_13, %dma_start3A_14] : memref<164x128xi32, #tpu.memory_space<vmem>> -> memref<1x128xi32, #tpu.memory_space<vmem>>
      %dma_start3A_16 = tpu.memref_squeeze %dma_start3A_15 : memref<1x128xi32, #tpu.memory_space<vmem>> -> memref<128xi32, #tpu.memory_space<vmem>>
      %dma_start3A_17 = arith.constant 0 : i32
      %dma_start3A_18 = arith.constant 0 : i32
      %dma_start3A_19 = tpu.memref_slice %arg2[%dma_start3A, %dma_start3A_17, %dma_start3A_18] : memref<2x10240x64xbf16, #tpu.memory_space<hbm>> -> memref<1x10240x64xbf16, #tpu.memory_space<hbm>>
      %dma_start3A_20 = tpu.memref_squeeze %dma_start3A_19 : memref<1x10240x64xbf16, #tpu.memory_space<hbm>> -> memref<10240x64xbf16, #tpu.memory_space<hbm>>
      %dma_start3A_21 = arith.constant 0 : i32
      %dma_start3A_22 = arith.constant 0 : i32
      %dma_start3A_23 = tpu.memref_slice %dma_start3A_20[%dma_start3A_21, %dma_start3A_22] : memref<10240x64xbf16, #tpu.memory_space<hbm>> -> memref<10240x64xbf16, #tpu.memory_space<hbm>>
      tpu.enqueue_indirect_dma source(%dma_start3A_23 : memref<10240x64xbf16, #tpu.memory_space<hbm>>) target(%arg9 : memref<128x64xbf16, #tpu.memory_space<vmem>>) offsets(%dma_start3A_16 : memref<128xi32, #tpu.memory_space<vmem>>) semaphore(%arg14 : memref<!tpu.dma_semaphore, #tpu.memory_space<semaphore_mem>>)
      %dma_start3A_24 = arith.constant 1 : i32
      %dma_start3A_25 = arith.constant 1 : i32
      %dma_start3A_26 = arith.constant 0 : i32
      %dma_start3A_27 = tpu.memref_slice %arg7[%dma_start3A_25, %dma_start3A_26] : memref<164x128xi32, #tpu.memory_space<vmem>> -> memref<1x128xi32, #tpu.memory_space<vmem>>
      %dma_start3A_28 = tpu.memref_squeeze %dma_start3A_27 : memref<1x128xi32, #tpu.memory_space<vmem>> -> memref<128xi32, #tpu.memory_space<vmem>>
      %dma_start3A_29 = arith.constant 0 : i32
      %dma_start3A_30 = arith.constant 0 : i32
      %dma_start3A_31 = tpu.memref_slice %arg2[%dma_start3A_24, %dma_start3A_29, %dma_start3A_30] : memref<2x10240x64xbf16, #tpu.memory_space<hbm>> -> memref<1x10240x64xbf16, #tpu.memory_space<hbm>>
      %dma_start3A_32 = tpu.memref_squeeze %dma_start3A_31 : memref<1x10240x64xbf16, #tpu.memory_space<hbm>> -> memref<10240x64xbf16, #tpu.memory_space<hbm>>
      %dma_start3A_33 = arith.constant 0 : i32
      %dma_start3A_34 = arith.constant 0 : i32
      %dma_start3A_35 = tpu.memref_slice %dma_start3A_32[%dma_start3A_33, %dma_start3A_34] : memref<10240x64xbf16, #tpu.memory_space<hbm>> -> memref<10240x64xbf16, #tpu.memory_space<hbm>>
      tpu.enqueue_indirect_dma source(%dma_start3A_35 : memref<10240x64xbf16, #tpu.memory_space<hbm>>) target(%arg10 : memref<128x64xbf16, #tpu.memory_space<vmem>>) offsets(%dma_start3A_28 : memref<128xi32, #tpu.memory_space<vmem>>) semaphore(%arg15 : memref<!tpu.dma_semaphore, #tpu.memory_space<semaphore_mem>>)
      %dma_start3A_36 = arith.constant 1 : i32
      %dma_start3A_37 = arith.constant 2 : i32
      %dma_start3A_38 = arith.constant 0 : i32
      %dma_start3A_39 = tpu.memref_slice %arg7[%dma_start3A_37, %dma_start3A_38] : memref<164x128xi32, #tpu.memory_space<vmem>> -> memref<1x128xi32, #tpu.memory_space<vmem>>
      %dma_start3A_40 = tpu.memref_squeeze %dma_start3A_39 : memref<1x128xi32, #tpu.memory_space<vmem>> -> memref<128xi32, #tpu.memory_space<vmem>>
      %dma_start3A_41 = arith.constant 0 : i32
      %dma_start3A_42 = arith.constant 0 : i32
      %dma_start3A_43 = tpu.memref_slice %arg2[%dma_start3A_36, %dma_start3A_41, %dma_start3A_42] : memref<2x10240x64xbf16, #tpu.memory_space<hbm>> -> memref<1x10240x64xbf16, #tpu.memory_space<hbm>>
      %dma_start3A_44 = tpu.memref_squeeze %dma_start3A_43 : memref<1x10240x64xbf16, #tpu.memory_space<hbm>> -> memref<10240x64xbf16, #tpu.memory_space<hbm>>
      %dma_start3A_45 = arith.constant 0 : i32
      %dma_start3A_46 = arith.constant 0 : i32
      %dma_start3A_47 = tpu.memref_slice %dma_start3A_44[%dma_start3A_45, %dma_start3A_46] : memref<10240x64xbf16, #tpu.memory_space<hbm>> -> memref<10240x64xbf16, #tpu.memory_space<hbm>>
      tpu.enqueue_indirect_dma source(%dma_start3A_47 : memref<10240x64xbf16, #tpu.memory_space<hbm>>) target(%arg11 : memref<128x64xbf16, #tpu.memory_space<vmem>>) offsets(%dma_start3A_40 : memref<128xi32, #tpu.memory_space<vmem>>) semaphore(%arg16 : memref<!tpu.dma_semaphore, #tpu.memory_space<semaphore_mem>>)
      %dma_start3A_48 = arith.constant 1 : i32
      %dma_start3A_49 = arith.constant 3 : i32
      %dma_start3A_50 = arith.constant 0 : i32
      %dma_start3A_51 = tpu.memref_slice %arg7[%dma_start3A_49, %dma_start3A_50] : memref<164x128xi32, #tpu.memory_space<vmem>> -> memref<1x128xi32, #tpu.memory_space<vmem>>
      %dma_start3A_52 = tpu.memref_squeeze %dma_start3A_51 : memref<1x128xi32, #tpu.memory_space<vmem>> -> memref<128xi32, #tpu.memory_space<vmem>>
      %dma_start3A_53 = arith.constant 0 : i32
      %dma_start3A_54 = arith.constant 0 : i32
      %dma_start3A_55 = tpu.memref_slice %arg2[%dma_start3A_48, %dma_start3A_53, %dma_start3A_54] : memref<2x10240x64xbf16, #tpu.memory_space<hbm>> -> memref<1x10240x64xbf16, #tpu.memory_space<hbm>>
      %dma_start3A_56 = tpu.memref_squeeze %dma_start3A_55 : memref<1x10240x64xbf16, #tpu.memory_space<hbm>> -> memref<10240x64xbf16, #tpu.memory_space<hbm>>
      %dma_start3A_57 = arith.constant 0 : i32
      %dma_start3A_58 = arith.constant 0 : i32
      %dma_start3A_59 = tpu.memref_slice %dma_start3A_56[%dma_start3A_57, %dma_start3A_58] : memref<10240x64xbf16, #tpu.memory_space<hbm>> -> memref<10240x64xbf16, #tpu.memory_space<hbm>>
      tpu.enqueue_indirect_dma source(%dma_start3A_59 : memref<10240x64xbf16, #tpu.memory_space<hbm>>) target(%arg12 : memref<128x64xbf16, #tpu.memory_space<vmem>>) offsets(%dma_start3A_52 : memref<128xi32, #tpu.memory_space<vmem>>) semaphore(%arg17 : memref<!tpu.dma_semaphore, #tpu.memory_space<semaphore_mem>>)
      %dma_wait3A = arith.constant 1 : i32
      %dma_wait3A_60 = arith.constant 0 : i32
      %dma_wait3A_61 = arith.constant 0 : i32
      %dma_wait3A_62 = tpu.memref_slice %arg7[%dma_wait3A_60, %dma_wait3A_61] : memref<164x128xi32, #tpu.memory_space<vmem>> -> memref<1x128xi32, #tpu.memory_space<vmem>>
      %dma_wait3A_63 = tpu.memref_squeeze %dma_wait3A_62 : memref<1x128xi32, #tpu.memory_space<vmem>> -> memref<128xi32, #tpu.memory_space<vmem>>
      %dma_wait3A_64 = arith.constant 0 : i32
      %dma_wait3A_65 = arith.constant 0 : i32
      %dma_wait3A_66 = tpu.memref_slice %arg2[%dma_wait3A, %dma_wait3A_64, %dma_wait3A_65] : memref<2x10240x64xbf16, #tpu.memory_space<hbm>> -> memref<1x10240x64xbf16, #tpu.memory_space<hbm>>
      %dma_wait3A_67 = tpu.memref_squeeze %dma_wait3A_66 : memref<1x10240x64xbf16, #tpu.memory_space<hbm>> -> memref<10240x64xbf16, #tpu.memory_space<hbm>>
      %dma_wait3A_68 = arith.constant 0 : i32
      %dma_wait3A_69 = arith.constant 0 : i32
      %dma_wait3A_70 = tpu.memref_slice %dma_wait3A_67[%dma_wait3A_68, %dma_wait3A_69] : memref<10240x64xbf16, #tpu.memory_space<hbm>> -> memref<10240x64xbf16, #tpu.memory_space<hbm>>
      tpu.wait_indirect_dma semaphore(%arg14 : memref<!tpu.dma_semaphore, #tpu.memory_space<semaphore_mem>>) src(%dma_wait3A_70 : memref<10240x64xbf16, #tpu.memory_space<hbm>>) dst(%arg9 : memref<128x64xbf16, #tpu.memory_space<vmem>>)
      %dma_start3A_71 = arith.constant 0 : i32
      %dma_start3A_72 = arith.constant 0 : i32
      %dma_start3A_73 = tpu.memref_slice %arg8[%dma_start3A_71, %dma_start3A_72] : memref<164x128xi32, #tpu.memory_space<vmem>> -> memref<1x128xi32, #tpu.memory_space<vmem>>
      %dma_start3A_74 = tpu.memref_squeeze %dma_start3A_73 : memref<1x128xi32, #tpu.memory_space<vmem>> -> memref<128xi32, #tpu.memory_space<vmem>>
      %dma_start3A_75 = arith.constant 0 : i32
      %dma_start3A_76 = arith.constant 0 : i32
      %dma_start3A_77 = tpu.memref_slice %arg13[%dma_start3A_75, %dma_start3A_76] : memref<10240x64xbf16, #tpu.memory_space<vmem_shared>> -> memref<10240x64xbf16, #tpu.memory_space<vmem_shared>>
      tpu.enqueue_indirect_dma source(%arg9 : memref<128x64xbf16, #tpu.memory_space<vmem>>) target(%dma_start3A_77 : memref<10240x64xbf16, #tpu.memory_space<vmem_shared>>) offsets(%dma_start3A_74 : memref<128xi32, #tpu.memory_space<vmem>>) semaphore(%arg18 : memref<!tpu.dma_semaphore, #tpu.memory_space<semaphore_mem>>) {add = true}
      %dma_wait3A_78 = arith.constant 0 : i32
      %dma_wait3A_79 = arith.constant 0 : i32
      %dma_wait3A_80 = tpu.memref_slice %arg8[%dma_wait3A_78, %dma_wait3A_79] : memref<164x128xi32, #tpu.memory_space<vmem>> -> memref<1x128xi32, #tpu.memory_space<vmem>>
      %dma_wait3A_81 = tpu.memref_squeeze %dma_wait3A_80 : memref<1x128xi32, #tpu.memory_space<vmem>> -> memref<128xi32, #tpu.memory_space<vmem>>
      %dma_wait3A_82 = arith.constant 0 : i32
      %dma_wait3A_83 = arith.constant 0 : i32
      %dma_wait3A_84 = tpu.memref_slice %arg13[%dma_wait3A_82, %dma_wait3A_83] : memref<10240x64xbf16, #tpu.memory_space<vmem_shared>> -> memref<10240x64xbf16, #tpu.memory_space<vmem_shared>>
      tpu.wait_indirect_dma semaphore(%arg18 : memref<!tpu.dma_semaphore, #tpu.memory_space<semaphore_mem>>) src(%arg9 : memref<128x64xbf16, #tpu.memory_space<vmem>>) dst(%dma_wait3A_84 : memref<10240x64xbf16, #tpu.memory_space<vmem_shared>>)
      %dma_start3A_85 = arith.constant 1 : i32
      %dma_start3A_86 = arith.constant 4 : i32
      %dma_start3A_87 = arith.constant 0 : i32
      %dma_start3A_88 = tpu.memref_slice %arg7[%dma_start3A_86, %dma_start3A_87] : memref<164x128xi32, #tpu.memory_space<vmem>> -> memref<1x128xi32, #tpu.memory_space<vmem>>
      %dma_start3A_89 = tpu.memref_squeeze %dma_start3A_88 : memref<1x128xi32, #tpu.memory_space<vmem>> -> memref<128xi32, #tpu.memory_space<vmem>>
      %dma_start3A_90 = arith.constant 0 : i32
      %dma_start3A_91 = arith.constant 0 : i32
      %dma_start3A_92 = tpu.memref_slice %arg2[%dma_start3A_85, %dma_start3A_90, %dma_start3A_91] : memref<2x10240x64xbf16, #tpu.memory_space<hbm>> -> memref<1x10240x64xbf16, #tpu.memory_space<hbm>>
      %dma_start3A_93 = tpu.memref_squeeze %dma_start3A_92 : memref<1x10240x64xbf16, #tpu.memory_space<hbm>> -> memref<10240x64xbf16, #tpu.memory_space<hbm>>
      %dma_start3A_94 = arith.constant 0 : i32
      %dma_start3A_95 = arith.constant 0 : i32
      %dma_start3A_96 = tpu.memref_slice %dma_start3A_93[%dma_start3A_94, %dma_start3A_95] : memref<10240x64xbf16, #tpu.memory_space<hbm>> -> memref<10240x64xbf16, #tpu.memory_space<hbm>>
      tpu.enqueue_indirect_dma source(%dma_start3A_96 : memref<10240x64xbf16, #tpu.memory_space<hbm>>) target(%arg9 : memref<128x64xbf16, #tpu.memory_space<vmem>>) offsets(%dma_start3A_89 : memref<128xi32, #tpu.memory_space<vmem>>) semaphore(%arg14 : memref<!tpu.dma_semaphore, #tpu.memory_space<semaphore_mem>>)
      %dma_wait3A_97 = arith.constant 1 : i32
      %dma_wait3A_98 = arith.constant 1 : i32
      %dma_wait3A_99 = arith.constant 0 : i32
      %dma_wait3A_100 = tpu.memref_slice %arg7[%dma_wait3A_98, %dma_wait3A_99] : memref<164x128xi32, #tpu.memory_space<vmem>> -> memref<1x128xi32, #tpu.memory_space<vmem>>
      %dma_wait3A_101 = tpu.memref_squeeze %dma_wait3A_100 : memref<1x128xi32, #tpu.memory_space<vmem>> -> memref<128xi32, #tpu.memory_space<vmem>>
      %dma_wait3A_102 = arith.constant 0 : i32
      %dma_wait3A_103 = arith.constant 0 : i32
      %dma_wait3A_104 = tpu.memref_slice %arg2[%dma_wait3A_97, %dma_wait3A_102, %dma_wait3A_103] : memref<2x10240x64xbf16, #tpu.memory_space<hbm>> -> memref<1x10240x64xbf16, #tpu.memory_space<hbm>>
      %dma_wait3A_105 = tpu.memref_squeeze %dma_wait3A_104 : memref<1x10240x64xbf16, #tpu.memory_space<hbm>> -> memref<10240x64xbf16, #tpu.memory_space<hbm>>
      %dma_wait3A_106 = arith.constant 0 : i32
      %dma_wait3A_107 = arith.constant 0 : i32
      %dma_wait3A_108 = tpu.memref_slice %dma_wait3A_105[%dma_wait3A_106, %dma_wait3A_107] : memref<10240x64xbf16, #tpu.memory_space<hbm>> -> memref<10240x64xbf16, #tpu.memory_space<hbm>>
      tpu.wait_indirect_dma semaphore(%arg15 : memref<!tpu.dma_semaphore, #tpu.memory_space<semaphore_mem>>) src(%dma_wait3A_108 : memref<10240x64xbf16, #tpu.memory_space<hbm>>) dst(%arg10 : memref<128x64xbf16, #tpu.memory_space<vmem>>)
      %dma_start3A_109 = arith.constant 1 : i32
      %dma_start3A_110 = arith.constant 0 : i32
      %dma_start3A_111 = tpu.memref_slice %arg8[%dma_start3A_109, %dma_start3A_110] : memref<164x128xi32, #tpu.memory_space<vmem>> -> memref<1x128xi32, #tpu.memory_space<vmem>>
      %dma_start3A_112 = tpu.memref_squeeze %dma_start3A_111 : memref<1x128xi32, #tpu.memory_space<vmem>> -> memref<128xi32, #tpu.memory_space<vmem>>
      %dma_start3A_113 = arith.constant 0 : i32
      %dma_start3A_114 = arith.constant 0 : i32
      %dma_start3A_115 = tpu.memref_slice %arg13[%dma_start3A_113, %dma_start3A_114] : memref<10240x64xbf16, #tpu.memory_space<vmem_shared>> -> memref<10240x64xbf16, #tpu.memory_space<vmem_shared>>
      tpu.enqueue_indirect_dma source(%arg10 : memref<128x64xbf16, #tpu.memory_space<vmem>>) target(%dma_start3A_115 : memref<10240x64xbf16, #tpu.memory_space<vmem_shared>>) offsets(%dma_start3A_112 : memref<128xi32, #tpu.memory_space<vmem>>) semaphore(%arg19 : memref<!tpu.dma_semaphore, #tpu.memory_space<semaphore_mem>>) {add = true}
      %dma_wait3A_116 = arith.constant 1 : i32
      %dma_wait3A_117 = arith.constant 0 : i32
      %dma_wait3A_118 = tpu.memref_slice %arg8[%dma_wait3A_116, %dma_wait3A_117] : memref<164x128xi32, #tpu.memory_space<vmem>> -> memref<1x128xi32, #tpu.memory_space<vmem>>
      %dma_wait3A_119 = tpu.memref_squeeze %dma_wait3A_118 : memref<1x128xi32, #tpu.memory_space<vmem>> -> memref<128xi32, #tpu.memory_space<vmem>>
      %dma_wait3A_120 = arith.constant 0 : i32
      %dma_wait3A_121 = arith.constant 0 : i32
      %dma_wait3A_122 = tpu.memref_slice %arg13[%dma_wait3A_120, %dma_wait3A_121] : memref<10240x64xbf16, #tpu.memory_space<vmem_shared>> -> memref<10240x64xbf16, #tpu.memory_space<vmem_shared>>
      tpu.wait_indirect_dma semaphore(%arg19 : memref<!tpu.dma_semaphore, #tpu.memory_space<semaphore_mem>>) src(%arg10 : memref<128x64xbf16, #tpu.memory_space<vmem>>) dst(%dma_wait3A_122 : memref<10240x64xbf16, #tpu.memory_space<vmem_shared>>)
      %dma_start3A_123 = arith.constant 1 : i32
      %dma_start3A_124 = arith.constant 5 : i32
      %dma_start3A_125 = arith.constant 0 : i32
      %dma_start3A_126 = tpu.memref_slice %arg7[%dma_start3A_124, %dma_start3A_125] : memref<164x128xi32, #tpu.memory_space<vmem>> -> memref<1x128xi32, #tpu.memory_space<vmem>>
      %dma_start3A_127 = tpu.memref_squeeze %dma_start3A_126 : memref<1x128xi32, #tpu.memory_space<vmem>> -> memref<128xi32, #tpu.memory_space<vmem>>
      %dma_start3A_128 = arith.constant 0 : i32
      %dma_start3A_129 = arith.constant 0 : i32
      %dma_start3A_130 = tpu.memref_slice %arg2[%dma_start3A_123, %dma_start3A_128, %dma_start3A_129] : memref<2x10240x64xbf16, #tpu.memory_space<hbm>> -> memref<1x10240x64xbf16, #tpu.memory_space<hbm>>
      %dma_start3A_131 = tpu.memref_squeeze %dma_start3A_130 : memref<1x10240x64xbf16, #tpu.memory_space<hbm>> -> memref<10240x64xbf16, #tpu.memory_space<hbm>>
      %dma_start3A_132 = arith.constant 0 : i32
      %dma_start3A_133 = arith.constant 0 : i32
      %dma_start3A_134 = tpu.memref_slice %dma_start3A_131[%dma_start3A_132, %dma_start3A_133] : memref<10240x64xbf16, #tpu.memory_space<hbm>> -> memref<10240x64xbf16, #tpu.memory_space<hbm>>
      tpu.enqueue_indirect_dma source(%dma_start3A_134 : memref<10240x64xbf16, #tpu.memory_space<hbm>>) target(%arg10 : memref<128x64xbf16, #tpu.memory_space<vmem>>) offsets(%dma_start3A_127 : memref<128xi32, #tpu.memory_space<vmem>>) semaphore(%arg15 : memref<!tpu.dma_semaphore, #tpu.memory_space<semaphore_mem>>)
      %dma_wait3A_135 = arith.constant 1 : i32
      %dma_wait3A_136 = arith.constant 2 : i32
      %dma_wait3A_137 = arith.constant 0 : i32
      %dma_wait3A_138 = tpu.memref_slice %arg7[%dma_wait3A_136, %dma_wait3A_137] : memref<164x128xi32, #tpu.memory_space<vmem>> -> memref<1x128xi32, #tpu.memory_space<vmem>>
      %dma_wait3A_139 = tpu.memref_squeeze %dma_wait3A_138 : memref<1x128xi32, #tpu.memory_space<vmem>> -> memref<128xi32, #tpu.memory_space<vmem>>
      %dma_wait3A_140 = arith.constant 0 : i32
      %dma_wait3A_141 = arith.constant 0 : i32
      %dma_wait3A_142 = tpu.memref_slice %arg2[%dma_wait3A_135, %dma_wait3A_140, %dma_wait3A_141] : memref<2x10240x64xbf16, #tpu.memory_space<hbm>> -> memref<1x10240x64xbf16, #tpu.memory_space<hbm>>
      %dma_wait3A_143 = tpu.memref_squeeze %dma_wait3A_142 : memref<1x10240x64xbf16, #tpu.memory_space<hbm>> -> memref<10240x64xbf16, #tpu.memory_space<hbm>>
      %dma_wait3A_144 = arith.constant 0 : i32
      %dma_wait3A_145 = arith.constant 0 : i32
      %dma_wait3A_146 = tpu.memref_slice %dma_wait3A_143[%dma_wait3A_144, %dma_wait3A_145] : memref<10240x64xbf16, #tpu.memory_space<hbm>> -> memref<10240x64xbf16, #tpu.memory_space<hbm>>
      tpu.wait_indirect_dma semaphore(%arg16 : memref<!tpu.dma_semaphore, #tpu.memory_space<semaphore_mem>>) src(%dma_wait3A_146 : memref<10240x64xbf16, #tpu.memory_space<hbm>>) dst(%arg11 : memref<128x64xbf16, #tpu.memory_space<vmem>>)
      %dma_start3A_147 = arith.constant 2 : i32
      %dma_start3A_148 = arith.constant 0 : i32
      %dma_start3A_149 = tpu.memref_slice %arg8[%dma_start3A_147, %dma_start3A_148] : memref<164x128xi32, #tpu.memory_space<vmem>> -> memref<1x128xi32, #tpu.memory_space<vmem>>
      %dma_start3A_150 = tpu.memref_squeeze %dma_start3A_149 : memref<1x128xi32, #tpu.memory_space<vmem>> -> memref<128xi32, #tpu.memory_space<vmem>>
      %dma_start3A_151 = arith.constant 0 : i32
      %dma_start3A_152 = arith.constant 0 : i32
      %dma_start3A_153 = tpu.memref_slice %arg13[%dma_start3A_151, %dma_start3A_152] : memref<10240x64xbf16, #tpu.memory_space<vmem_shared>> -> memref<10240x64xbf16, #tpu.memory_space<vmem_shared>>
      tpu.enqueue_indirect_dma source(%arg11 : memref<128x64xbf16, #tpu.memory_space<vmem>>) target(%dma_start3A_153 : memref<10240x64xbf16, #tpu.memory_space<vmem_shared>>) offsets(%dma_start3A_150 : memref<128xi32, #tpu.memory_space<vmem>>) semaphore(%arg20 : memref<!tpu.dma_semaphore, #tpu.memory_space<semaphore_mem>>) {add = true}
      %dma_wait3A_154 = arith.constant 2 : i32
      %dma_wait3A_155 = arith.constant 0 : i32
      %dma_wait3A_156 = tpu.memref_slice %arg8[%dma_wait3A_154, %dma_wait3A_155] : memref<164x128xi32, #tpu.memory_space<vmem>> -> memref<1x128xi32, #tpu.memory_space<vmem>>
      %dma_wait3A_157 = tpu.memref_squeeze %dma_wait3A_156 : memref<1x128xi32, #tpu.memory_space<vmem>> -> memref<128xi32, #tpu.memory_space<vmem>>
      %dma_wait3A_158 = arith.constant 0 : i32
      %dma_wait3A_159 = arith.constant 0 : i32
      %dma_wait3A_160 = tpu.memref_slice %arg13[%dma_wait3A_158, %dma_wait3A_159] : memref<10240x64xbf16, #tpu.memory_space<vmem_shared>> -> memref<10240x64xbf16, #tpu.memory_space<vmem_shared>>
      tpu.wait_indirect_dma semaphore(%arg20 : memref<!tpu.dma_semaphore, #tpu.memory_space<semaphore_mem>>) src(%arg11 : memref<128x64xbf16, #tpu.memory_space<vmem>>) dst(%dma_wait3A_160 : memref<10240x64xbf16, #tpu.memory_space<vmem_shared>>)
      %dma_start3A_161 = arith.constant 1 : i32
      %dma_start3A_162 = arith.constant 6 : i32
      %dma_start3A_163 = arith.constant 0 : i32
      %dma_start3A_164 = tpu.memref_slice %arg7[%dma_start3A_162, %dma_start3A_163] : memref<164x128xi32, #tpu.memory_space<vmem>> -> memref<1x128xi32, #tpu.memory_space<vmem>>
      %dma_start3A_165 = tpu.memref_squeeze %dma_start3A_164 : memref<1x128xi32, #tpu.memory_space<vmem>> -> memref<128xi32, #tpu.memory_space<vmem>>
      %dma_start3A_166 = arith.constant 0 : i32
      %dma_start3A_167 = arith.constant 0 : i32
      %dma_start3A_168 = tpu.memref_slice %arg2[%dma_start3A_161, %dma_start3A_166, %dma_start3A_167] : memref<2x10240x64xbf16, #tpu.memory_space<hbm>> -> memref<1x10240x64xbf16, #tpu.memory_space<hbm>>
      %dma_start3A_169 = tpu.memref_squeeze %dma_start3A_168 : memref<1x10240x64xbf16, #tpu.memory_space<hbm>> -> memref<10240x64xbf16, #tpu.memory_space<hbm>>
      %dma_start3A_170 = arith.constant 0 : i32
      %dma_start3A_171 = arith.constant 0 : i32
      %dma_start3A_172 = tpu.memref_slice %dma_start3A_169[%dma_start3A_170, %dma_start3A_171] : memref<10240x64xbf16, #tpu.memory_space<hbm>> -> memref<10240x64xbf16, #tpu.memory_space<hbm>>
      tpu.enqueue_indirect_dma source(%dma_start3A_172 : memref<10240x64xbf16, #tpu.memory_space<hbm>>) target(%arg11 : memref<128x64xbf16, #tpu.memory_space<vmem>>) offsets(%dma_start3A_165 : memref<128xi32, #tpu.memory_space<vmem>>) semaphore(%arg16 : memref<!tpu.dma_semaphore, #tpu.memory_space<semaphore_mem>>)
      %dma_wait3A_173 = arith.constant 1 : i32
      %dma_wait3A_174 = arith.constant 3 : i32
      %dma_wait3A_175 = arith.constant 0 : i32
      %dma_wait3A_176 = tpu.memref_slice %arg7[%dma_wait3A_174, %dma_wait3A_175] : memref<164x128xi32, #tpu.memory_space<vmem>> -> memref<1x128xi32, #tpu.memory_space<vmem>>
      %dma_wait3A_177 = tpu.memref_squeeze %dma_wait3A_176 : memref<1x128xi32, #tpu.memory_space<vmem>> -> memref<128xi32, #tpu.memory_space<vmem>>
      %dma_wait3A_178 = arith.constant 0 : i32
      %dma_wait3A_179 = arith.constant 0 : i32
      %dma_wait3A_180 = tpu.memref_slice %arg2[%dma_wait3A_173, %dma_wait3A_178, %dma_wait3A_179] : memref<2x10240x64xbf16, #tpu.memory_space<hbm>> -> memref<1x10240x64xbf16, #tpu.memory_space<hbm>>
      %dma_wait3A_181 = tpu.memref_squeeze %dma_wait3A_180 : memref<1x10240x64xbf16, #tpu.memory_space<hbm>> -> memref<10240x64xbf16, #tpu.memory_space<hbm>>
      %dma_wait3A_182 = arith.constant 0 : i32
      %dma_wait3A_183 = arith.constant 0 : i32
      %dma_wait3A_184 = tpu.memref_slice %dma_wait3A_181[%dma_wait3A_182, %dma_wait3A_183] : memref<10240x64xbf16, #tpu.memory_space<hbm>> -> memref<10240x64xbf16, #tpu.memory_space<hbm>>
      tpu.wait_indirect_dma semaphore(%arg17 : memref<!tpu.dma_semaphore, #tpu.memory_space<semaphore_mem>>) src(%dma_wait3A_184 : memref<10240x64xbf16, #tpu.memory_space<hbm>>) dst(%arg12 : memref<128x64xbf16, #tpu.memory_space<vmem>>)
      %dma_start3A_185 = arith.constant 3 : i32
      %dma_start3A_186 = arith.constant 0 : i32
      %dma_start3A_187 = tpu.memref_slice %arg8[%dma_start3A_185, %dma_start3A_186] : memref<164x128xi32, #tpu.memory_space<vmem>> -> memref<1x128xi32, #tpu.memory_space<vmem>>
      %dma_start3A_188 = tpu.memref_squeeze %dma_start3A_187 : memref<1x128xi32, #tpu.memory_space<vmem>> -> memref<128xi32, #tpu.memory_space<vmem>>
      %dma_start3A_189 = arith.constant 0 : i32
      %dma_start3A_190 = arith.constant 0 : i32
      %dma_start3A_191 = tpu.memref_slice %arg13[%dma_start3A_189, %dma_start3A_190] : memref<10240x64xbf16, #tpu.memory_space<vmem_shared>> -> memref<10240x64xbf16, #tpu.memory_space<vmem_shared>>
      tpu.enqueue_indirect_dma source(%arg12 : memref<128x64xbf16, #tpu.memory_space<vmem>>) target(%dma_start3A_191 : memref<10240x64xbf16, #tpu.memory_space<vmem_shared>>) offsets(%dma_start3A_188 : memref<128xi32, #tpu.memory_space<vmem>>) semaphore(%arg21 : memref<!tpu.dma_semaphore, #tpu.memory_space<semaphore_mem>>) {add = true}
      %scan3A = arith.constant 1 : i32
      %scan3A_192 = arith.constant 0 : i32
      %scan3A_193 = arith.constant 1 : i32
      %scan3A_194 = arith.constant 39 : i32
      %scan3A_195 = arith.addi %scan3A_193, %scan3A_194 : i32
      %scan3A_196 = arith.constant 1 : i32
      %scan3A_197 = scf.for %scan3A_322 = %scan3A_193 to %scan3A_195 step %scan3A_196 iter_args(%scan3A_323 = %scan3A_192) -> (i32)  : i32 {
        %mul3A_324 = arith.constant 4 : i32
        %mul3A_325 = arith.muli %mul3A_324, %scan3A_322 : i32
        %add3A = arith.constant 0 : i32
        %add3A_326 = arith.addi %mul3A_325, %add3A : i32
        %sub3A = arith.constant 1 : i32
        %sub3A_327 = arith.subi %add3A_326, %sub3A : i32
        %dma_wait3A_328 = arith.constant 0 : i32
        %dma_wait3A_329 = tpu.memref_slice %arg8[%sub3A_327, %dma_wait3A_328] : memref<164x128xi32, #tpu.memory_space<vmem>> -> memref<1x128xi32, #tpu.memory_space<vmem>>
        %dma_wait3A_330 = tpu.memref_squeeze %dma_wait3A_329 : memref<1x128xi32, #tpu.memory_space<vmem>> -> memref<128xi32, #tpu.memory_space<vmem>>
        %dma_wait3A_331 = arith.constant 0 : i32
        %dma_wait3A_332 = arith.constant 0 : i32
        %dma_wait3A_333 = tpu.memref_slice %arg13[%dma_wait3A_331, %dma_wait3A_332] : memref<10240x64xbf16, #tpu.memory_space<vmem_shared>> -> memref<10240x64xbf16, #tpu.memory_space<vmem_shared>>
        tpu.wait_indirect_dma semaphore(%arg21 : memref<!tpu.dma_semaphore, #tpu.memory_space<semaphore_mem>>) src(%arg12 : memref<128x64xbf16, #tpu.memory_space<vmem>>) dst(%dma_wait3A_333 : memref<10240x64xbf16, #tpu.memory_space<vmem_shared>>)
        %add3A_334 = arith.constant 3 : i32
        %add3A_335 = arith.addi %add3A_326, %add3A_334 : i32
        %dma_start3A_336 = arith.constant 0 : i32
        %dma_start3A_337 = tpu.memref_slice %arg7[%add3A_335, %dma_start3A_336] : memref<164x128xi32, #tpu.memory_space<vmem>> -> memref<1x128xi32, #tpu.memory_space<vmem>>
        %dma_start3A_338 = tpu.memref_squeeze %dma_start3A_337 : memref<1x128xi32, #tpu.memory_space<vmem>> -> memref<128xi32, #tpu.memory_space<vmem>>
        %dma_start3A_339 = arith.constant 0 : i32
        %dma_start3A_340 = arith.constant 0 : i32
        %dma_start3A_341 = tpu.memref_slice %arg2[%scan3A, %dma_start3A_339, %dma_start3A_340] : memref<2x10240x64xbf16, #tpu.memory_space<hbm>> -> memref<1x10240x64xbf16, #tpu.memory_space<hbm>>
        %dma_start3A_342 = tpu.memref_squeeze %dma_start3A_341 : memref<1x10240x64xbf16, #tpu.memory_space<hbm>> -> memref<10240x64xbf16, #tpu.memory_space<hbm>>
        %dma_start3A_343 = arith.constant 0 : i32
        %dma_start3A_344 = arith.constant 0 : i32
        %dma_start3A_345 = tpu.memref_slice %dma_start3A_342[%dma_start3A_343, %dma_start3A_344] : memref<10240x64xbf16, #tpu.memory_space<hbm>> -> memref<10240x64xbf16, #tpu.memory_space<hbm>>
        tpu.enqueue_indirect_dma source(%dma_start3A_345 : memref<10240x64xbf16, #tpu.memory_space<hbm>>) target(%arg12 : memref<128x64xbf16, #tpu.memory_space<vmem>>) offsets(%dma_start3A_338 : memref<128xi32, #tpu.memory_space<vmem>>) semaphore(%arg17 : memref<!tpu.dma_semaphore, #tpu.memory_space<semaphore_mem>>)
        %dma_wait3A_346 = arith.constant 0 : i32
        %dma_wait3A_347 = tpu.memref_slice %arg7[%add3A_326, %dma_wait3A_346] : memref<164x128xi32, #tpu.memory_space<vmem>> -> memref<1x128xi32, #tpu.memory_space<vmem>>
        %dma_wait3A_348 = tpu.memref_squeeze %dma_wait3A_347 : memref<1x128xi32, #tpu.memory_space<vmem>> -> memref<128xi32, #tpu.memory_space<vmem>>
        %dma_wait3A_349 = arith.constant 0 : i32
        %dma_wait3A_350 = arith.constant 0 : i32
        %dma_wait3A_351 = tpu.memref_slice %arg2[%scan3A, %dma_wait3A_349, %dma_wait3A_350] : memref<2x10240x64xbf16, #tpu.memory_space<hbm>> -> memref<1x10240x64xbf16, #tpu.memory_space<hbm>>
        %dma_wait3A_352 = tpu.memref_squeeze %dma_wait3A_351 : memref<1x10240x64xbf16, #tpu.memory_space<hbm>> -> memref<10240x64xbf16, #tpu.memory_space<hbm>>
        %dma_wait3A_353 = arith.constant 0 : i32
        %dma_wait3A_354 = arith.constant 0 : i32
        %dma_wait3A_355 = tpu.memref_slice %dma_wait3A_352[%dma_wait3A_353, %dma_wait3A_354] : memref<10240x64xbf16, #tpu.memory_space<hbm>> -> memref<10240x64xbf16, #tpu.memory_space<hbm>>
        tpu.wait_indirect_dma semaphore(%arg14 : memref<!tpu.dma_semaphore, #tpu.memory_space<semaphore_mem>>) src(%dma_wait3A_355 : memref<10240x64xbf16, #tpu.memory_space<hbm>>) dst(%arg9 : memref<128x64xbf16, #tpu.memory_space<vmem>>)
        %dma_start3A_356 = arith.constant 0 : i32
        %dma_start3A_357 = tpu.memref_slice %arg8[%add3A_326, %dma_start3A_356] : memref<164x128xi32, #tpu.memory_space<vmem>> -> memref<1x128xi32, #tpu.memory_space<vmem>>
        %dma_start3A_358 = tpu.memref_squeeze %dma_start3A_357 : memref<1x128xi32, #tpu.memory_space<vmem>> -> memref<128xi32, #tpu.memory_space<vmem>>
        %dma_start3A_359 = arith.constant 0 : i32
        %dma_start3A_360 = arith.constant 0 : i32
        %dma_start3A_361 = tpu.memref_slice %arg13[%dma_start3A_359, %dma_start3A_360] : memref<10240x64xbf16, #tpu.memory_space<vmem_shared>> -> memref<10240x64xbf16, #tpu.memory_space<vmem_shared>>
        tpu.enqueue_indirect_dma source(%arg9 : memref<128x64xbf16, #tpu.memory_space<vmem>>) target(%dma_start3A_361 : memref<10240x64xbf16, #tpu.memory_space<vmem_shared>>) offsets(%dma_start3A_358 : memref<128xi32, #tpu.memory_space<vmem>>) semaphore(%arg18 : memref<!tpu.dma_semaphore, #tpu.memory_space<semaphore_mem>>) {add = true}
        %mul3A_362 = arith.constant 4 : i32
        %mul3A_363 = arith.muli %mul3A_362, %scan3A_322 : i32
        %add3A_364 = arith.constant 1 : i32
        %add3A_365 = arith.addi %mul3A_363, %add3A_364 : i32
        %sub3A_366 = arith.constant 1 : i32
        %sub3A_367 = arith.subi %add3A_365, %sub3A_366 : i32
        %dma_wait3A_368 = arith.constant 0 : i32
        %dma_wait3A_369 = tpu.memref_slice %arg8[%sub3A_367, %dma_wait3A_368] : memref<164x128xi32, #tpu.memory_space<vmem>> -> memref<1x128xi32, #tpu.memory_space<vmem>>
        %dma_wait3A_370 = tpu.memref_squeeze %dma_wait3A_369 : memref<1x128xi32, #tpu.memory_space<vmem>> -> memref<128xi32, #tpu.memory_space<vmem>>
        %dma_wait3A_371 = arith.constant 0 : i32
        %dma_wait3A_372 = arith.constant 0 : i32
        %dma_wait3A_373 = tpu.memref_slice %arg13[%dma_wait3A_371, %dma_wait3A_372] : memref<10240x64xbf16, #tpu.memory_space<vmem_shared>> -> memref<10240x64xbf16, #tpu.memory_space<vmem_shared>>
        tpu.wait_indirect_dma semaphore(%arg18 : memref<!tpu.dma_semaphore, #tpu.memory_space<semaphore_mem>>) src(%arg9 : memref<128x64xbf16, #tpu.memory_space<vmem>>) dst(%dma_wait3A_373 : memref<10240x64xbf16, #tpu.memory_space<vmem_shared>>)
        %add3A_374 = arith.constant 3 : i32
        %add3A_375 = arith.addi %add3A_365, %add3A_374 : i32
        %dma_start3A_376 = arith.constant 0 : i32
        %dma_start3A_377 = tpu.memref_slice %arg7[%add3A_375, %dma_start3A_376] : memref<164x128xi32, #tpu.memory_space<vmem>> -> memref<1x128xi32, #tpu.memory_space<vmem>>
        %dma_start3A_378 = tpu.memref_squeeze %dma_start3A_377 : memref<1x128xi32, #tpu.memory_space<vmem>> -> memref<128xi32, #tpu.memory_space<vmem>>
        %dma_start3A_379 = arith.constant 0 : i32
        %dma_start3A_380 = arith.constant 0 : i32
        %dma_start3A_381 = tpu.memref_slice %arg2[%scan3A, %dma_start3A_379, %dma_start3A_380] : memref<2x10240x64xbf16, #tpu.memory_space<hbm>> -> memref<1x10240x64xbf16, #tpu.memory_space<hbm>>
        %dma_start3A_382 = tpu.memref_squeeze %dma_start3A_381 : memref<1x10240x64xbf16, #tpu.memory_space<hbm>> -> memref<10240x64xbf16, #tpu.memory_space<hbm>>
        %dma_start3A_383 = arith.constant 0 : i32
        %dma_start3A_384 = arith.constant 0 : i32
        %dma_start3A_385 = tpu.memref_slice %dma_start3A_382[%dma_start3A_383, %dma_start3A_384] : memref<10240x64xbf16, #tpu.memory_space<hbm>> -> memref<10240x64xbf16, #tpu.memory_space<hbm>>
        tpu.enqueue_indirect_dma source(%dma_start3A_385 : memref<10240x64xbf16, #tpu.memory_space<hbm>>) target(%arg9 : memref<128x64xbf16, #tpu.memory_space<vmem>>) offsets(%dma_start3A_378 : memref<128xi32, #tpu.memory_space<vmem>>) semaphore(%arg14 : memref<!tpu.dma_semaphore, #tpu.memory_space<semaphore_mem>>)
        %dma_wait3A_386 = arith.constant 0 : i32
        %dma_wait3A_387 = tpu.memref_slice %arg7[%add3A_365, %dma_wait3A_386] : memref<164x128xi32, #tpu.memory_space<vmem>> -> memref<1x128xi32, #tpu.memory_space<vmem>>
        %dma_wait3A_388 = tpu.memref_squeeze %dma_wait3A_387 : memref<1x128xi32, #tpu.memory_space<vmem>> -> memref<128xi32, #tpu.memory_space<vmem>>
        %dma_wait3A_389 = arith.constant 0 : i32
        %dma_wait3A_390 = arith.constant 0 : i32
        %dma_wait3A_391 = tpu.memref_slice %arg2[%scan3A, %dma_wait3A_389, %dma_wait3A_390] : memref<2x10240x64xbf16, #tpu.memory_space<hbm>> -> memref<1x10240x64xbf16, #tpu.memory_space<hbm>>
        %dma_wait3A_392 = tpu.memref_squeeze %dma_wait3A_391 : memref<1x10240x64xbf16, #tpu.memory_space<hbm>> -> memref<10240x64xbf16, #tpu.memory_space<hbm>>
        %dma_wait3A_393 = arith.constant 0 : i32
        %dma_wait3A_394 = arith.constant 0 : i32
        %dma_wait3A_395 = tpu.memref_slice %dma_wait3A_392[%dma_wait3A_393, %dma_wait3A_394] : memref<10240x64xbf16, #tpu.memory_space<hbm>> -> memref<10240x64xbf16, #tpu.memory_space<hbm>>
        tpu.wait_indirect_dma semaphore(%arg15 : memref<!tpu.dma_semaphore, #tpu.memory_space<semaphore_mem>>) src(%dma_wait3A_395 : memref<10240x64xbf16, #tpu.memory_space<hbm>>) dst(%arg10 : memref<128x64xbf16, #tpu.memory_space<vmem>>)
        %dma_start3A_396 = arith.constant 0 : i32
        %dma_start3A_397 = tpu.memref_slice %arg8[%add3A_365, %dma_start3A_396] : memref<164x128xi32, #tpu.memory_space<vmem>> -> memref<1x128xi32, #tpu.memory_space<vmem>>
        %dma_start3A_398 = tpu.memref_squeeze %dma_start3A_397 : memref<1x128xi32, #tpu.memory_space<vmem>> -> memref<128xi32, #tpu.memory_space<vmem>>
        %dma_start3A_399 = arith.constant 0 : i32
        %dma_start3A_400 = arith.constant 0 : i32
        %dma_start3A_401 = tpu.memref_slice %arg13[%dma_start3A_399, %dma_start3A_400] : memref<10240x64xbf16, #tpu.memory_space<vmem_shared>> -> memref<10240x64xbf16, #tpu.memory_space<vmem_shared>>
        tpu.enqueue_indirect_dma source(%arg10 : memref<128x64xbf16, #tpu.memory_space<vmem>>) target(%dma_start3A_401 : memref<10240x64xbf16, #tpu.memory_space<vmem_shared>>) offsets(%dma_start3A_398 : memref<128xi32, #tpu.memory_space<vmem>>) semaphore(%arg19 : memref<!tpu.dma_semaphore, #tpu.memory_space<semaphore_mem>>) {add = true}
        %mul3A_402 = arith.constant 4 : i32
        %mul3A_403 = arith.muli %mul3A_402, %scan3A_322 : i32
        %add3A_404 = arith.constant 2 : i32
        %add3A_405 = arith.addi %mul3A_403, %add3A_404 : i32
        %sub3A_406 = arith.constant 1 : i32
        %sub3A_407 = arith.subi %add3A_405, %sub3A_406 : i32
        %dma_wait3A_408 = arith.constant 0 : i32
        %dma_wait3A_409 = tpu.memref_slice %arg8[%sub3A_407, %dma_wait3A_408] : memref<164x128xi32, #tpu.memory_space<vmem>> -> memref<1x128xi32, #tpu.memory_space<vmem>>
        %dma_wait3A_410 = tpu.memref_squeeze %dma_wait3A_409 : memref<1x128xi32, #tpu.memory_space<vmem>> -> memref<128xi32, #tpu.memory_space<vmem>>
        %dma_wait3A_411 = arith.constant 0 : i32
        %dma_wait3A_412 = arith.constant 0 : i32
        %dma_wait3A_413 = tpu.memref_slice %arg13[%dma_wait3A_411, %dma_wait3A_412] : memref<10240x64xbf16, #tpu.memory_space<vmem_shared>> -> memref<10240x64xbf16, #tpu.memory_space<vmem_shared>>
        tpu.wait_indirect_dma semaphore(%arg19 : memref<!tpu.dma_semaphore, #tpu.memory_space<semaphore_mem>>) src(%arg10 : memref<128x64xbf16, #tpu.memory_space<vmem>>) dst(%dma_wait3A_413 : memref<10240x64xbf16, #tpu.memory_space<vmem_shared>>)
        %add3A_414 = arith.constant 3 : i32
        %add3A_415 = arith.addi %add3A_405, %add3A_414 : i32
        %dma_start3A_416 = arith.constant 0 : i32
        %dma_start3A_417 = tpu.memref_slice %arg7[%add3A_415, %dma_start3A_416] : memref<164x128xi32, #tpu.memory_space<vmem>> -> memref<1x128xi32, #tpu.memory_space<vmem>>
        %dma_start3A_418 = tpu.memref_squeeze %dma_start3A_417 : memref<1x128xi32, #tpu.memory_space<vmem>> -> memref<128xi32, #tpu.memory_space<vmem>>
        %dma_start3A_419 = arith.constant 0 : i32
        %dma_start3A_420 = arith.constant 0 : i32
        %dma_start3A_421 = tpu.memref_slice %arg2[%scan3A, %dma_start3A_419, %dma_start3A_420] : memref<2x10240x64xbf16, #tpu.memory_space<hbm>> -> memref<1x10240x64xbf16, #tpu.memory_space<hbm>>
        %dma_start3A_422 = tpu.memref_squeeze %dma_start3A_421 : memref<1x10240x64xbf16, #tpu.memory_space<hbm>> -> memref<10240x64xbf16, #tpu.memory_space<hbm>>
        %dma_start3A_423 = arith.constant 0 : i32
        %dma_start3A_424 = arith.constant 0 : i32
        %dma_start3A_425 = tpu.memref_slice %dma_start3A_422[%dma_start3A_423, %dma_start3A_424] : memref<10240x64xbf16, #tpu.memory_space<hbm>> -> memref<10240x64xbf16, #tpu.memory_space<hbm>>
        tpu.enqueue_indirect_dma source(%dma_start3A_425 : memref<10240x64xbf16, #tpu.memory_space<hbm>>) target(%arg10 : memref<128x64xbf16, #tpu.memory_space<vmem>>) offsets(%dma_start3A_418 : memref<128xi32, #tpu.memory_space<vmem>>) semaphore(%arg15 : memref<!tpu.dma_semaphore, #tpu.memory_space<semaphore_mem>>)
        %dma_wait3A_426 = arith.constant 0 : i32
        %dma_wait3A_427 = tpu.memref_slice %arg7[%add3A_405, %dma_wait3A_426] : memref<164x128xi32, #tpu.memory_space<vmem>> -> memref<1x128xi32, #tpu.memory_space<vmem>>
        %dma_wait3A_428 = tpu.memref_squeeze %dma_wait3A_427 : memref<1x128xi32, #tpu.memory_space<vmem>> -> memref<128xi32, #tpu.memory_space<vmem>>
        %dma_wait3A_429 = arith.constant 0 : i32
        %dma_wait3A_430 = arith.constant 0 : i32
        %dma_wait3A_431 = tpu.memref_slice %arg2[%scan3A, %dma_wait3A_429, %dma_wait3A_430] : memref<2x10240x64xbf16, #tpu.memory_space<hbm>> -> memref<1x10240x64xbf16, #tpu.memory_space<hbm>>
        %dma_wait3A_432 = tpu.memref_squeeze %dma_wait3A_431 : memref<1x10240x64xbf16, #tpu.memory_space<hbm>> -> memref<10240x64xbf16, #tpu.memory_space<hbm>>
        %dma_wait3A_433 = arith.constant 0 : i32
        %dma_wait3A_434 = arith.constant 0 : i32
        %dma_wait3A_435 = tpu.memref_slice %dma_wait3A_432[%dma_wait3A_433, %dma_wait3A_434] : memref<10240x64xbf16, #tpu.memory_space<hbm>> -> memref<10240x64xbf16, #tpu.memory_space<hbm>>
        tpu.wait_indirect_dma semaphore(%arg16 : memref<!tpu.dma_semaphore, #tpu.memory_space<semaphore_mem>>) src(%dma_wait3A_435 : memref<10240x64xbf16, #tpu.memory_space<hbm>>) dst(%arg11 : memref<128x64xbf16, #tpu.memory_space<vmem>>)
        %dma_start3A_436 = arith.constant 0 : i32
        %dma_start3A_437 = tpu.memref_slice %arg8[%add3A_405, %dma_start3A_436] : memref<164x128xi32, #tpu.memory_space<vmem>> -> memref<1x128xi32, #tpu.memory_space<vmem>>
        %dma_start3A_438 = tpu.memref_squeeze %dma_start3A_437 : memref<1x128xi32, #tpu.memory_space<vmem>> -> memref<128xi32, #tpu.memory_space<vmem>>
        %dma_start3A_439 = arith.constant 0 : i32
        %dma_start3A_440 = arith.constant 0 : i32
        %dma_start3A_441 = tpu.memref_slice %arg13[%dma_start3A_439, %dma_start3A_440] : memref<10240x64xbf16, #tpu.memory_space<vmem_shared>> -> memref<10240x64xbf16, #tpu.memory_space<vmem_shared>>
        tpu.enqueue_indirect_dma source(%arg11 : memref<128x64xbf16, #tpu.memory_space<vmem>>) target(%dma_start3A_441 : memref<10240x64xbf16, #tpu.memory_space<vmem_shared>>) offsets(%dma_start3A_438 : memref<128xi32, #tpu.memory_space<vmem>>) semaphore(%arg20 : memref<!tpu.dma_semaphore, #tpu.memory_space<semaphore_mem>>) {add = true}
        %mul3A_442 = arith.constant 4 : i32
        %mul3A_443 = arith.muli %mul3A_442, %scan3A_322 : i32
        %add3A_444 = arith.constant 3 : i32
        %add3A_445 = arith.addi %mul3A_443, %add3A_444 : i32
        %sub3A_446 = arith.constant 1 : i32
        %sub3A_447 = arith.subi %add3A_445, %sub3A_446 : i32
        %dma_wait3A_448 = arith.constant 0 : i32
        %dma_wait3A_449 = tpu.memref_slice %arg8[%sub3A_447, %dma_wait3A_448] : memref<164x128xi32, #tpu.memory_space<vmem>> -> memref<1x128xi32, #tpu.memory_space<vmem>>
        %dma_wait3A_450 = tpu.memref_squeeze %dma_wait3A_449 : memref<1x128xi32, #tpu.memory_space<vmem>> -> memref<128xi32, #tpu.memory_space<vmem>>
        %dma_wait3A_451 = arith.constant 0 : i32
        %dma_wait3A_452 = arith.constant 0 : i32
        %dma_wait3A_453 = tpu.memref_slice %arg13[%dma_wait3A_451, %dma_wait3A_452] : memref<10240x64xbf16, #tpu.memory_space<vmem_shared>> -> memref<10240x64xbf16, #tpu.memory_space<vmem_shared>>
        tpu.wait_indirect_dma semaphore(%arg20 : memref<!tpu.dma_semaphore, #tpu.memory_space<semaphore_mem>>) src(%arg11 : memref<128x64xbf16, #tpu.memory_space<vmem>>) dst(%dma_wait3A_453 : memref<10240x64xbf16, #tpu.memory_space<vmem_shared>>)
        %add3A_454 = arith.constant 3 : i32
        %add3A_455 = arith.addi %add3A_445, %add3A_454 : i32
        %dma_start3A_456 = arith.constant 0 : i32
        %dma_start3A_457 = tpu.memref_slice %arg7[%add3A_455, %dma_start3A_456] : memref<164x128xi32, #tpu.memory_space<vmem>> -> memref<1x128xi32, #tpu.memory_space<vmem>>
        %dma_start3A_458 = tpu.memref_squeeze %dma_start3A_457 : memref<1x128xi32, #tpu.memory_space<vmem>> -> memref<128xi32, #tpu.memory_space<vmem>>
        %dma_start3A_459 = arith.constant 0 : i32
        %dma_start3A_460 = arith.constant 0 : i32
        %dma_start3A_461 = tpu.memref_slice %arg2[%scan3A, %dma_start3A_459, %dma_start3A_460] : memref<2x10240x64xbf16, #tpu.memory_space<hbm>> -> memref<1x10240x64xbf16, #tpu.memory_space<hbm>>
        %dma_start3A_462 = tpu.memref_squeeze %dma_start3A_461 : memref<1x10240x64xbf16, #tpu.memory_space<hbm>> -> memref<10240x64xbf16, #tpu.memory_space<hbm>>
        %dma_start3A_463 = arith.constant 0 : i32
        %dma_start3A_464 = arith.constant 0 : i32
        %dma_start3A_465 = tpu.memref_slice %dma_start3A_462[%dma_start3A_463, %dma_start3A_464] : memref<10240x64xbf16, #tpu.memory_space<hbm>> -> memref<10240x64xbf16, #tpu.memory_space<hbm>>
        tpu.enqueue_indirect_dma source(%dma_start3A_465 : memref<10240x64xbf16, #tpu.memory_space<hbm>>) target(%arg11 : memref<128x64xbf16, #tpu.memory_space<vmem>>) offsets(%dma_start3A_458 : memref<128xi32, #tpu.memory_space<vmem>>) semaphore(%arg16 : memref<!tpu.dma_semaphore, #tpu.memory_space<semaphore_mem>>)
        %dma_wait3A_466 = arith.constant 0 : i32
        %dma_wait3A_467 = tpu.memref_slice %arg7[%add3A_445, %dma_wait3A_466] : memref<164x128xi32, #tpu.memory_space<vmem>> -> memref<1x128xi32, #tpu.memory_space<vmem>>
        %dma_wait3A_468 = tpu.memref_squeeze %dma_wait3A_467 : memref<1x128xi32, #tpu.memory_space<vmem>> -> memref<128xi32, #tpu.memory_space<vmem>>
        %dma_wait3A_469 = arith.constant 0 : i32
        %dma_wait3A_470 = arith.constant 0 : i32
        %dma_wait3A_471 = tpu.memref_slice %arg2[%scan3A, %dma_wait3A_469, %dma_wait3A_470] : memref<2x10240x64xbf16, #tpu.memory_space<hbm>> -> memref<1x10240x64xbf16, #tpu.memory_space<hbm>>
        %dma_wait3A_472 = tpu.memref_squeeze %dma_wait3A_471 : memref<1x10240x64xbf16, #tpu.memory_space<hbm>> -> memref<10240x64xbf16, #tpu.memory_space<hbm>>
        %dma_wait3A_473 = arith.constant 0 : i32
        %dma_wait3A_474 = arith.constant 0 : i32
        %dma_wait3A_475 = tpu.memref_slice %dma_wait3A_472[%dma_wait3A_473, %dma_wait3A_474] : memref<10240x64xbf16, #tpu.memory_space<hbm>> -> memref<10240x64xbf16, #tpu.memory_space<hbm>>
        tpu.wait_indirect_dma semaphore(%arg17 : memref<!tpu.dma_semaphore, #tpu.memory_space<semaphore_mem>>) src(%dma_wait3A_475 : memref<10240x64xbf16, #tpu.memory_space<hbm>>) dst(%arg12 : memref<128x64xbf16, #tpu.memory_space<vmem>>)
        %dma_start3A_476 = arith.constant 0 : i32
        %dma_start3A_477 = tpu.memref_slice %arg8[%add3A_445, %dma_start3A_476] : memref<164x128xi32, #tpu.memory_space<vmem>> -> memref<1x128xi32, #tpu.memory_space<vmem>>
        %dma_start3A_478 = tpu.memref_squeeze %dma_start3A_477 : memref<1x128xi32, #tpu.memory_space<vmem>> -> memref<128xi32, #tpu.memory_space<vmem>>
        %dma_start3A_479 = arith.constant 0 : i32
        %dma_start3A_480 = arith.constant 0 : i32
        %dma_start3A_481 = tpu.memref_slice %arg13[%dma_start3A_479, %dma_start3A_480] : memref<10240x64xbf16, #tpu.memory_space<vmem_shared>> -> memref<10240x64xbf16, #tpu.memory_space<vmem_shared>>
        tpu.enqueue_indirect_dma source(%arg12 : memref<128x64xbf16, #tpu.memory_space<vmem>>) target(%dma_start3A_481 : memref<10240x64xbf16, #tpu.memory_space<vmem_shared>>) offsets(%dma_start3A_478 : memref<128xi32, #tpu.memory_space<vmem>>) semaphore(%arg21 : memref<!tpu.dma_semaphore, #tpu.memory_space<semaphore_mem>>) {add = true}
        %scan3A_482 = arith.constant 0 : i32
        scf.yield %scan3A_482 : i32
      }
      %scan3A_198 = arith.constant 39 : i32
      %dma_wait3A_199 = arith.constant 159 : i32
      %dma_wait3A_200 = arith.constant 0 : i32
      %dma_wait3A_201 = tpu.memref_slice %arg8[%dma_wait3A_199, %dma_wait3A_200] : memref<164x128xi32, #tpu.memory_space<vmem>> -> memref<1x128xi32, #tpu.memory_space<vmem>>
      %dma_wait3A_202 = tpu.memref_squeeze %dma_wait3A_201 : memref<1x128xi32, #tpu.memory_space<vmem>> -> memref<128xi32, #tpu.memory_space<vmem>>
      %dma_wait3A_203 = arith.constant 0 : i32
      %dma_wait3A_204 = arith.constant 0 : i32
      %dma_wait3A_205 = tpu.memref_slice %arg13[%dma_wait3A_203, %dma_wait3A_204] : memref<10240x64xbf16, #tpu.memory_space<vmem_shared>> -> memref<10240x64xbf16, #tpu.memory_space<vmem_shared>>
      tpu.wait_indirect_dma semaphore(%arg21 : memref<!tpu.dma_semaphore, #tpu.memory_space<semaphore_mem>>) src(%arg12 : memref<128x64xbf16, #tpu.memory_space<vmem>>) dst(%dma_wait3A_205 : memref<10240x64xbf16, #tpu.memory_space<vmem_shared>>)
      %dma_start3A_206 = arith.constant 1 : i32
      %dma_start3A_207 = arith.constant 163 : i32
      %dma_start3A_208 = arith.constant 0 : i32
      %dma_start3A_209 = tpu.memref_slice %arg7[%dma_start3A_207, %dma_start3A_208] : memref<164x128xi32, #tpu.memory_space<vmem>> -> memref<1x128xi32, #tpu.memory_space<vmem>>
      %dma_start3A_210 = tpu.memref_squeeze %dma_start3A_209 : memref<1x128xi32, #tpu.memory_space<vmem>> -> memref<128xi32, #tpu.memory_space<vmem>>
      %dma_start3A_211 = arith.constant 0 : i32
      %dma_start3A_212 = arith.constant 0 : i32
      %dma_start3A_213 = tpu.memref_slice %arg2[%dma_start3A_206, %dma_start3A_211, %dma_start3A_212] : memref<2x10240x64xbf16, #tpu.memory_space<hbm>> -> memref<1x10240x64xbf16, #tpu.memory_space<hbm>>
      %dma_start3A_214 = tpu.memref_squeeze %dma_start3A_213 : memref<1x10240x64xbf16, #tpu.memory_space<hbm>> -> memref<10240x64xbf16, #tpu.memory_space<hbm>>
      %dma_start3A_215 = arith.constant 0 : i32
      %dma_start3A_216 = arith.constant 0 : i32
      %dma_start3A_217 = tpu.memref_slice %dma_start3A_214[%dma_start3A_215, %dma_start3A_216] : memref<10240x64xbf16, #tpu.memory_space<hbm>> -> memref<10240x64xbf16, #tpu.memory_space<hbm>>
      tpu.enqueue_indirect_dma source(%dma_start3A_217 : memref<10240x64xbf16, #tpu.memory_space<hbm>>) target(%arg12 : memref<128x64xbf16, #tpu.memory_space<vmem>>) offsets(%dma_start3A_210 : memref<128xi32, #tpu.memory_space<vmem>>) semaphore(%arg17 : memref<!tpu.dma_semaphore, #tpu.memory_space<semaphore_mem>>)
      %dma_wait3A_218 = arith.constant 1 : i32
      %dma_wait3A_219 = arith.constant 160 : i32
      %dma_wait3A_220 = arith.constant 0 : i32
      %dma_wait3A_221 = tpu.memref_slice %arg7[%dma_wait3A_219, %dma_wait3A_220] : memref<164x128xi32, #tpu.memory_space<vmem>> -> memref<1x128xi32, #tpu.memory_space<vmem>>
      %dma_wait3A_222 = tpu.memref_squeeze %dma_wait3A_221 : memref<1x128xi32, #tpu.memory_space<vmem>> -> memref<128xi32, #tpu.memory_space<vmem>>
      %dma_wait3A_223 = arith.constant 0 : i32
      %dma_wait3A_224 = arith.constant 0 : i32
      %dma_wait3A_225 = tpu.memref_slice %arg2[%dma_wait3A_218, %dma_wait3A_223, %dma_wait3A_224] : memref<2x10240x64xbf16, #tpu.memory_space<hbm>> -> memref<1x10240x64xbf16, #tpu.memory_space<hbm>>
      %dma_wait3A_226 = tpu.memref_squeeze %dma_wait3A_225 : memref<1x10240x64xbf16, #tpu.memory_space<hbm>> -> memref<10240x64xbf16, #tpu.memory_space<hbm>>
      %dma_wait3A_227 = arith.constant 0 : i32
      %dma_wait3A_228 = arith.constant 0 : i32
      %dma_wait3A_229 = tpu.memref_slice %dma_wait3A_226[%dma_wait3A_227, %dma_wait3A_228] : memref<10240x64xbf16, #tpu.memory_space<hbm>> -> memref<10240x64xbf16, #tpu.memory_space<hbm>>
      tpu.wait_indirect_dma semaphore(%arg14 : memref<!tpu.dma_semaphore, #tpu.memory_space<semaphore_mem>>) src(%dma_wait3A_229 : memref<10240x64xbf16, #tpu.memory_space<hbm>>) dst(%arg9 : memref<128x64xbf16, #tpu.memory_space<vmem>>)
      %dma_start3A_230 = arith.constant 160 : i32
      %dma_start3A_231 = arith.constant 0 : i32
      %dma_start3A_232 = tpu.memref_slice %arg8[%dma_start3A_230, %dma_start3A_231] : memref<164x128xi32, #tpu.memory_space<vmem>> -> memref<1x128xi32, #tpu.memory_space<vmem>>
      %dma_start3A_233 = tpu.memref_squeeze %dma_start3A_232 : memref<1x128xi32, #tpu.memory_space<vmem>> -> memref<128xi32, #tpu.memory_space<vmem>>
      %dma_start3A_234 = arith.constant 0 : i32
      %dma_start3A_235 = arith.constant 0 : i32
      %dma_start3A_236 = tpu.memref_slice %arg13[%dma_start3A_234, %dma_start3A_235] : memref<10240x64xbf16, #tpu.memory_space<vmem_shared>> -> memref<10240x64xbf16, #tpu.memory_space<vmem_shared>>
      tpu.enqueue_indirect_dma source(%arg9 : memref<128x64xbf16, #tpu.memory_space<vmem>>) target(%dma_start3A_236 : memref<10240x64xbf16, #tpu.memory_space<vmem_shared>>) offsets(%dma_start3A_233 : memref<128xi32, #tpu.memory_space<vmem>>) semaphore(%arg18 : memref<!tpu.dma_semaphore, #tpu.memory_space<semaphore_mem>>) {add = true}
      %dma_wait3A_237 = arith.constant 1 : i32
      %dma_wait3A_238 = arith.constant 161 : i32
      %dma_wait3A_239 = arith.constant 0 : i32
      %dma_wait3A_240 = tpu.memref_slice %arg7[%dma_wait3A_238, %dma_wait3A_239] : memref<164x128xi32, #tpu.memory_space<vmem>> -> memref<1x128xi32, #tpu.memory_space<vmem>>
      %dma_wait3A_241 = tpu.memref_squeeze %dma_wait3A_240 : memref<1x128xi32, #tpu.memory_space<vmem>> -> memref<128xi32, #tpu.memory_space<vmem>>
      %dma_wait3A_242 = arith.constant 0 : i32
      %dma_wait3A_243 = arith.constant 0 : i32
      %dma_wait3A_244 = tpu.memref_slice %arg2[%dma_wait3A_237, %dma_wait3A_242, %dma_wait3A_243] : memref<2x10240x64xbf16, #tpu.memory_space<hbm>> -> memref<1x10240x64xbf16, #tpu.memory_space<hbm>>
      %dma_wait3A_245 = tpu.memref_squeeze %dma_wait3A_244 : memref<1x10240x64xbf16, #tpu.memory_space<hbm>> -> memref<10240x64xbf16, #tpu.memory_space<hbm>>
      %dma_wait3A_246 = arith.constant 0 : i32
      %dma_wait3A_247 = arith.constant 0 : i32
      %dma_wait3A_248 = tpu.memref_slice %dma_wait3A_245[%dma_wait3A_246, %dma_wait3A_247] : memref<10240x64xbf16, #tpu.memory_space<hbm>> -> memref<10240x64xbf16, #tpu.memory_space<hbm>>
      tpu.wait_indirect_dma semaphore(%arg15 : memref<!tpu.dma_semaphore, #tpu.memory_space<semaphore_mem>>) src(%dma_wait3A_248 : memref<10240x64xbf16, #tpu.memory_space<hbm>>) dst(%arg10 : memref<128x64xbf16, #tpu.memory_space<vmem>>)
      %dma_start3A_249 = arith.constant 161 : i32
      %dma_start3A_250 = arith.constant 0 : i32
      %dma_start3A_251 = tpu.memref_slice %arg8[%dma_start3A_249, %dma_start3A_250] : memref<164x128xi32, #tpu.memory_space<vmem>> -> memref<1x128xi32, #tpu.memory_space<vmem>>
      %dma_start3A_252 = tpu.memref_squeeze %dma_start3A_251 : memref<1x128xi32, #tpu.memory_space<vmem>> -> memref<128xi32, #tpu.memory_space<vmem>>
      %dma_start3A_253 = arith.constant 0 : i32
      %dma_start3A_254 = arith.constant 0 : i32
      %dma_start3A_255 = tpu.memref_slice %arg13[%dma_start3A_253, %dma_start3A_254] : memref<10240x64xbf16, #tpu.memory_space<vmem_shared>> -> memref<10240x64xbf16, #tpu.memory_space<vmem_shared>>
      tpu.enqueue_indirect_dma source(%arg10 : memref<128x64xbf16, #tpu.memory_space<vmem>>) target(%dma_start3A_255 : memref<10240x64xbf16, #tpu.memory_space<vmem_shared>>) offsets(%dma_start3A_252 : memref<128xi32, #tpu.memory_space<vmem>>) semaphore(%arg19 : memref<!tpu.dma_semaphore, #tpu.memory_space<semaphore_mem>>) {add = true}
      %dma_wait3A_256 = arith.constant 1 : i32
      %dma_wait3A_257 = arith.constant 162 : i32
      %dma_wait3A_258 = arith.constant 0 : i32
      %dma_wait3A_259 = tpu.memref_slice %arg7[%dma_wait3A_257, %dma_wait3A_258] : memref<164x128xi32, #tpu.memory_space<vmem>> -> memref<1x128xi32, #tpu.memory_space<vmem>>
      %dma_wait3A_260 = tpu.memref_squeeze %dma_wait3A_259 : memref<1x128xi32, #tpu.memory_space<vmem>> -> memref<128xi32, #tpu.memory_space<vmem>>
      %dma_wait3A_261 = arith.constant 0 : i32
      %dma_wait3A_262 = arith.constant 0 : i32
      %dma_wait3A_263 = tpu.memref_slice %arg2[%dma_wait3A_256, %dma_wait3A_261, %dma_wait3A_262] : memref<2x10240x64xbf16, #tpu.memory_space<hbm>> -> memref<1x10240x64xbf16, #tpu.memory_space<hbm>>
      %dma_wait3A_264 = tpu.memref_squeeze %dma_wait3A_263 : memref<1x10240x64xbf16, #tpu.memory_space<hbm>> -> memref<10240x64xbf16, #tpu.memory_space<hbm>>
      %dma_wait3A_265 = arith.constant 0 : i32
      %dma_wait3A_266 = arith.constant 0 : i32
      %dma_wait3A_267 = tpu.memref_slice %dma_wait3A_264[%dma_wait3A_265, %dma_wait3A_266] : memref<10240x64xbf16, #tpu.memory_space<hbm>> -> memref<10240x64xbf16, #tpu.memory_space<hbm>>
      tpu.wait_indirect_dma semaphore(%arg16 : memref<!tpu.dma_semaphore, #tpu.memory_space<semaphore_mem>>) src(%dma_wait3A_267 : memref<10240x64xbf16, #tpu.memory_space<hbm>>) dst(%arg11 : memref<128x64xbf16, #tpu.memory_space<vmem>>)
      %dma_start3A_268 = arith.constant 162 : i32
      %dma_start3A_269 = arith.constant 0 : i32
      %dma_start3A_270 = tpu.memref_slice %arg8[%dma_start3A_268, %dma_start3A_269] : memref<164x128xi32, #tpu.memory_space<vmem>> -> memref<1x128xi32, #tpu.memory_space<vmem>>
      %dma_start3A_271 = tpu.memref_squeeze %dma_start3A_270 : memref<1x128xi32, #tpu.memory_space<vmem>> -> memref<128xi32, #tpu.memory_space<vmem>>
      %dma_start3A_272 = arith.constant 0 : i32
      %dma_start3A_273 = arith.constant 0 : i32
      %dma_start3A_274 = tpu.memref_slice %arg13[%dma_start3A_272, %dma_start3A_273] : memref<10240x64xbf16, #tpu.memory_space<vmem_shared>> -> memref<10240x64xbf16, #tpu.memory_space<vmem_shared>>
      tpu.enqueue_indirect_dma source(%arg11 : memref<128x64xbf16, #tpu.memory_space<vmem>>) target(%dma_start3A_274 : memref<10240x64xbf16, #tpu.memory_space<vmem_shared>>) offsets(%dma_start3A_271 : memref<128xi32, #tpu.memory_space<vmem>>) semaphore(%arg20 : memref<!tpu.dma_semaphore, #tpu.memory_space<semaphore_mem>>) {add = true}
      %dma_wait3A_275 = arith.constant 1 : i32
      %dma_wait3A_276 = arith.constant 163 : i32
      %dma_wait3A_277 = arith.constant 0 : i32
      %dma_wait3A_278 = tpu.memref_slice %arg7[%dma_wait3A_276, %dma_wait3A_277] : memref<164x128xi32, #tpu.memory_space<vmem>> -> memref<1x128xi32, #tpu.memory_space<vmem>>
      %dma_wait3A_279 = tpu.memref_squeeze %dma_wait3A_278 : memref<1x128xi32, #tpu.memory_space<vmem>> -> memref<128xi32, #tpu.memory_space<vmem>>
      %dma_wait3A_280 = arith.constant 0 : i32
      %dma_wait3A_281 = arith.constant 0 : i32
      %dma_wait3A_282 = tpu.memref_slice %arg2[%dma_wait3A_275, %dma_wait3A_280, %dma_wait3A_281] : memref<2x10240x64xbf16, #tpu.memory_space<hbm>> -> memref<1x10240x64xbf16, #tpu.memory_space<hbm>>
      %dma_wait3A_283 = tpu.memref_squeeze %dma_wait3A_282 : memref<1x10240x64xbf16, #tpu.memory_space<hbm>> -> memref<10240x64xbf16, #tpu.memory_space<hbm>>
      %dma_wait3A_284 = arith.constant 0 : i32
      %dma_wait3A_285 = arith.constant 0 : i32
      %dma_wait3A_286 = tpu.memref_slice %dma_wait3A_283[%dma_wait3A_284, %dma_wait3A_285] : memref<10240x64xbf16, #tpu.memory_space<hbm>> -> memref<10240x64xbf16, #tpu.memory_space<hbm>>
      tpu.wait_indirect_dma semaphore(%arg17 : memref<!tpu.dma_semaphore, #tpu.memory_space<semaphore_mem>>) src(%dma_wait3A_286 : memref<10240x64xbf16, #tpu.memory_space<hbm>>) dst(%arg12 : memref<128x64xbf16, #tpu.memory_space<vmem>>)
      %dma_start3A_287 = arith.constant 163 : i32
      %dma_start3A_288 = arith.constant 0 : i32
      %dma_start3A_289 = tpu.memref_slice %arg8[%dma_start3A_287, %dma_start3A_288] : memref<164x128xi32, #tpu.memory_space<vmem>> -> memref<1x128xi32, #tpu.memory_space<vmem>>
      %dma_start3A_290 = tpu.memref_squeeze %dma_start3A_289 : memref<1x128xi32, #tpu.memory_space<vmem>> -> memref<128xi32, #tpu.memory_space<vmem>>
      %dma_start3A_291 = arith.constant 0 : i32
      %dma_start3A_292 = arith.constant 0 : i32
      %dma_start3A_293 = tpu.memref_slice %arg13[%dma_start3A_291, %dma_start3A_292] : memref<10240x64xbf16, #tpu.memory_space<vmem_shared>> -> memref<10240x64xbf16, #tpu.memory_space<vmem_shared>>
      tpu.enqueue_indirect_dma source(%arg12 : memref<128x64xbf16, #tpu.memory_space<vmem>>) target(%dma_start3A_293 : memref<10240x64xbf16, #tpu.memory_space<vmem_shared>>) offsets(%dma_start3A_290 : memref<128xi32, #tpu.memory_space<vmem>>) semaphore(%arg21 : memref<!tpu.dma_semaphore, #tpu.memory_space<semaphore_mem>>) {add = true}
      %dma_wait3A_294 = arith.constant 160 : i32
      %dma_wait3A_295 = arith.constant 0 : i32
      %dma_wait3A_296 = tpu.memref_slice %arg8[%dma_wait3A_294, %dma_wait3A_295] : memref<164x128xi32, #tpu.memory_space<vmem>> -> memref<1x128xi32, #tpu.memory_space<vmem>>
      %dma_wait3A_297 = tpu.memref_squeeze %dma_wait3A_296 : memref<1x128xi32, #tpu.memory_space<vmem>> -> memref<128xi32, #tpu.memory_space<vmem>>
      %dma_wait3A_298 = arith.constant 0 : i32
      %dma_wait3A_299 = arith.constant 0 : i32
      %dma_wait3A_300 = tpu.memref_slice %arg13[%dma_wait3A_298, %dma_wait3A_299] : memref<10240x64xbf16, #tpu.memory_space<vmem_shared>> -> memref<10240x64xbf16, #tpu.memory_space<vmem_shared>>
      tpu.wait_indirect_dma semaphore(%arg18 : memref<!tpu.dma_semaphore, #tpu.memory_space<semaphore_mem>>) src(%arg9 : memref<128x64xbf16, #tpu.memory_space<vmem>>) dst(%dma_wait3A_300 : memref<10240x64xbf16, #tpu.memory_space<vmem_shared>>)
      %dma_wait3A_301 = arith.constant 161 : i32
      %dma_wait3A_302 = arith.constant 0 : i32
      %dma_wait3A_303 = tpu.memref_slice %arg8[%dma_wait3A_301, %dma_wait3A_302] : memref<164x128xi32, #tpu.memory_space<vmem>> -> memref<1x128xi32, #tpu.memory_space<vmem>>
      %dma_wait3A_304 = tpu.memref_squeeze %dma_wait3A_303 : memref<1x128xi32, #tpu.memory_space<vmem>> -> memref<128xi32, #tpu.memory_space<vmem>>
      %dma_wait3A_305 = arith.constant 0 : i32
      %dma_wait3A_306 = arith.constant 0 : i32
      %dma_wait3A_307 = tpu.memref_slice %arg13[%dma_wait3A_305, %dma_wait3A_306] : memref<10240x64xbf16, #tpu.memory_space<vmem_shared>> -> memref<10240x64xbf16, #tpu.memory_space<vmem_shared>>
      tpu.wait_indirect_dma semaphore(%arg19 : memref<!tpu.dma_semaphore, #tpu.memory_space<semaphore_mem>>) src(%arg10 : memref<128x64xbf16, #tpu.memory_space<vmem>>) dst(%dma_wait3A_307 : memref<10240x64xbf16, #tpu.memory_space<vmem_shared>>)
      %dma_wait3A_308 = arith.constant 162 : i32
      %dma_wait3A_309 = arith.constant 0 : i32
      %dma_wait3A_310 = tpu.memref_slice %arg8[%dma_wait3A_308, %dma_wait3A_309] : memref<164x128xi32, #tpu.memory_space<vmem>> -> memref<1x128xi32, #tpu.memory_space<vmem>>
      %dma_wait3A_311 = tpu.memref_squeeze %dma_wait3A_310 : memref<1x128xi32, #tpu.memory_space<vmem>> -> memref<128xi32, #tpu.memory_space<vmem>>
      %dma_wait3A_312 = arith.constant 0 : i32
      %dma_wait3A_313 = arith.constant 0 : i32
      %dma_wait3A_314 = tpu.memref_slice %arg13[%dma_wait3A_312, %dma_wait3A_313] : memref<10240x64xbf16, #tpu.memory_space<vmem_shared>> -> memref<10240x64xbf16, #tpu.memory_space<vmem_shared>>
      tpu.wait_indirect_dma semaphore(%arg20 : memref<!tpu.dma_semaphore, #tpu.memory_space<semaphore_mem>>) src(%arg11 : memref<128x64xbf16, #tpu.memory_space<vmem>>) dst(%dma_wait3A_314 : memref<10240x64xbf16, #tpu.memory_space<vmem_shared>>)
      %dma_wait3A_315 = arith.constant 163 : i32
      %dma_wait3A_316 = arith.constant 0 : i32
      %dma_wait3A_317 = tpu.memref_slice %arg8[%dma_wait3A_315, %dma_wait3A_316] : memref<164x128xi32, #tpu.memory_space<vmem>> -> memref<1x128xi32, #tpu.memory_space<vmem>>
      %dma_wait3A_318 = tpu.memref_squeeze %dma_wait3A_317 : memref<1x128xi32, #tpu.memory_space<vmem>> -> memref<128xi32, #tpu.memory_space<vmem>>
      %dma_wait3A_319 = arith.constant 0 : i32
      %dma_wait3A_320 = arith.constant 0 : i32
      %dma_wait3A_321 = tpu.memref_slice %arg13[%dma_wait3A_319, %dma_wait3A_320] : memref<10240x64xbf16, #tpu.memory_space<vmem_shared>> -> memref<10240x64xbf16, #tpu.memory_space<vmem_shared>>
      tpu.wait_indirect_dma semaphore(%arg21 : memref<!tpu.dma_semaphore, #tpu.memory_space<semaphore_mem>>) src(%arg12 : memref<128x64xbf16, #tpu.memory_space<vmem>>) dst(%dma_wait3A_321 : memref<10240x64xbf16, #tpu.memory_space<vmem_shared>>)
    } else {
    }
    %barrier3A_8 = arith.constant 0 : index
    tpu.barrier barrier_id(%barrier3A_8)
    %mul3A_9 = arith.constant 640 : i32
    %mul3A_10 = arith.muli %arg1, %mul3A_9 : i32
    %mul3A_11 = arith.constant 640 : i32
    %mul3A_12 = arith.muli %arg1, %mul3A_11 : i32
    "tpu.region"() ({
      %run_scoped3A = tpu.sem_alloc : memref<!tpu.dma_semaphore, #tpu.memory_space<semaphore_mem>>
      %dma_start3A = arith.constant 0 : i32
      %dma_start3A_13 = tpu.memref_slice %arg6[%arg0, %mul3A_12, %dma_start3A] : memref<2x10240x64xbf16, #tpu.memory_space<hbm>> -> memref<1x640x64xbf16, #tpu.memory_space<hbm>>
      %dma_start3A_14 = tpu.memref_squeeze %dma_start3A_13 : memref<1x640x64xbf16, #tpu.memory_space<hbm>> -> memref<640x64xbf16, #tpu.memory_space<hbm>>
      %dma_start3A_15 = arith.constant 0 : i32
      %dma_start3A_16 = tpu.memref_slice %arg13[%mul3A_10, %dma_start3A_15] : memref<10240x64xbf16, #tpu.memory_space<vmem_shared>> -> memref<640x64xbf16, #tpu.memory_space<vmem_shared>>
      tpu.enqueue_dma source(%dma_start3A_16 : memref<640x64xbf16, #tpu.memory_space<vmem_shared>>) target(%dma_start3A_14 : memref<640x64xbf16, #tpu.memory_space<hbm>>) target_semaphore(%run_scoped3A : memref<!tpu.dma_semaphore, #tpu.memory_space<semaphore_mem>>)
      %dma_wait3A = arith.constant 0 : i32
      %dma_wait3A_17 = tpu.memref_slice %arg6[%arg0, %mul3A_12, %dma_wait3A] : memref<2x10240x64xbf16, #tpu.memory_space<hbm>> -> memref<1x640x64xbf16, #tpu.memory_space<hbm>>
      %dma_wait3A_18 = tpu.memref_squeeze %dma_wait3A_17 : memref<1x640x64xbf16, #tpu.memory_space<hbm>> -> memref<640x64xbf16, #tpu.memory_space<hbm>>
      %dma_wait3A_19 = arith.constant 0 : i32
      %dma_wait3A_20 = tpu.memref_slice %arg13[%mul3A_10, %dma_wait3A_19] : memref<10240x64xbf16, #tpu.memory_space<vmem_shared>> -> memref<640x64xbf16, #tpu.memory_space<vmem_shared>>
      tpu.wait_dma2 semaphore(%run_scoped3A : memref<!tpu.dma_semaphore, #tpu.memory_space<semaphore_mem>>) src(%dma_wait3A_20 : memref<640x64xbf16, #tpu.memory_space<vmem_shared>>) dst(%dma_wait3A_18 : memref<640x64xbf16, #tpu.memory_space<hbm>>)
      tpu.yield
    }) : () -> ()
    return
  }
}

module attributes {stable_mosaic.version = 14 : i64} {
  func.func @body(%arg0: i32, %arg1: memref<1024x128xf32, #tpu.memory_space<vmem>>, %arg2: memref<128x128xf32, #tpu.memory_space<vmem>>, %arg3: memref<1024x2xf32, #tpu.memory_space<vmem>>, %arg4: memref<2x1024x64xbf16, #tpu.memory_space<vmem>>) attributes {dimension_semantics = [#tpu.dimension_semantics<arbitrary>], iteration_bounds = array<i64: 10>, scalar_prefetch = 0 : i64, scratch_operands = 0 : i64, tpu.core_type = #tpu.core_type<tc>, window_params = [{transform_indices = @transform_0, window_bounds = array<i64: 1024, 128>}, {pipeline_mode = #tpu.pipeline_mode<synchronous>, transform_indices = @transform_1, window_bounds = array<i64: 128, 128>}, {transform_indices = @transform_2, window_bounds = array<i64: 1024, 2>}, {transform_indices = @transform_3, window_bounds = array<i64: 2, 1024, 64>}]} {
    %get3A = arith.constant 0 : index
    %get3A_0 = arith.constant 0 : index
    %get3A_1 = vector.load %arg1[%get3A, %get3A_0] : memref<1024x128xf32, #tpu.memory_space<vmem>>, vector<1024x128xf32>
    %get3A_2 = arith.constant 0 : index
    %get3A_3 = arith.constant 0 : index
    %get3A_4 = vector.load %arg2[%get3A_2, %get3A_3] : memref<128x128xf32, #tpu.memory_space<vmem>>, vector<128x128xf32>
    %dot_general3A = arith.constant dense<0.000000e+00> : vector<1024x128xf32>
    %dot_general3A_5 = tpu.matmul %get3A_1, %get3A_4, %dot_general3A {dimension_numbers = #tpu.dot_dimension_numbers<[1], [0], [0], [1], [0, 0, 1, 1], [], []>, transpose_lhs_hint = false} : vector<1024x128xf32>, vector<128x128xf32>, vector<1024x128xf32> -> vector<1024x128xf32>
    %get3A_6 = arith.constant 0 : index
    %get3A_7 = arith.constant 0 : index
    %get3A_8 = vector.load %arg3[%get3A_6, %get3A_7] : memref<1024x2xf32, #tpu.memory_space<vmem>>, vector<1024x1xf32>
    %get3A_9 = arith.constant 0 : index
    %get3A_10 = arith.constant 1 : index
    %get3A_11 = vector.load %arg3[%get3A_9, %get3A_10] : memref<1024x2xf32, #tpu.memory_space<vmem>>, vector<1024x1xf32>
    %add3A = arith.addf %get3A_8, %get3A_11 : vector<1024x1xf32>
    %rsqrt3A = math.rsqrt %add3A : vector<1024x1xf32>
    %mul3A = vector.broadcast %rsqrt3A : vector<1024x1xf32> to vector<1024x128xf32>
    %mul3A_12 = arith.mulf %dot_general3A_5, %mul3A : vector<1024x128xf32>
    %convert_element_type3A = arith.truncf %mul3A_12 : vector<1024x128xf32> to vector<1024x128xbf16>
    %slice3A = vector.extract_strided_slice %convert_element_type3A {offsets = [0, 0], sizes = [1024, 64], strides = [1, 1]} : vector<1024x128xbf16> to vector<1024x64xbf16>
    %swap3A = arith.constant 0 : index
    %swap3A_13 = arith.constant 0 : index
    %swap3A_14 = arith.constant 0 : index
    %swap3A_15 = vector.load %arg4[%swap3A, %swap3A_13, %swap3A_14] : memref<2x1024x64xbf16, #tpu.memory_space<vmem>>, vector<1x1024x64xbf16>
    %swap3A_16 = vector.shape_cast %swap3A_15 : vector<1x1024x64xbf16> to vector<1024x64xbf16>
    %swap3A_17 = vector.shape_cast %slice3A : vector<1024x64xbf16> to vector<1x1024x64xbf16>
    tpu.vector_store %arg4[%swap3A, %swap3A_13, %swap3A_14], %swap3A_17 {strides = array<i32>} : memref<2x1024x64xbf16, #tpu.memory_space<vmem>>, vector<1x1024x64xbf16>,
    %slice3A_18 = vector.extract_strided_slice %convert_element_type3A {offsets = [0, 64], sizes = [1024, 64], strides = [1, 1]} : vector<1024x128xbf16> to vector<1024x64xbf16>
    %swap3A_19 = arith.constant 1 : index
    %swap3A_20 = arith.constant 0 : index
    %swap3A_21 = arith.constant 0 : index
    %swap3A_22 = vector.load %arg4[%swap3A_19, %swap3A_20, %swap3A_21] : memref<2x1024x64xbf16, #tpu.memory_space<vmem>>, vector<1x1024x64xbf16>
    %swap3A_23 = vector.shape_cast %swap3A_22 : vector<1x1024x64xbf16> to vector<1024x64xbf16>
    %swap3A_24 = vector.shape_cast %slice3A_18 : vector<1024x64xbf16> to vector<1x1024x64xbf16>
    tpu.vector_store %arg4[%swap3A_19, %swap3A_20, %swap3A_21], %swap3A_24 {strides = array<i32>} : memref<2x1024x64xbf16, #tpu.memory_space<vmem>>, vector<1x1024x64xbf16>,
    return
  }
  func.func @transform_0(%arg0: i32) -> (i32, i32) {
    %c0_i32 = arith.constant 0 : i32
    %c0_i32_0 = arith.constant 0 : i32
    return %arg0, %c0_i32 : i32, i32
  }
  func.func @transform_1(%arg0: i32) -> (i32, i32) {
    %c0_i32 = arith.constant 0 : i32
    %c0_i32_0 = arith.constant 0 : i32
    %c0_i32_1 = arith.constant 0 : i32
    return %c0_i32, %c0_i32_0 : i32, i32
  }
  func.func @transform_2(%arg0: i32) -> (i32, i32) {
    %c0_i32 = arith.constant 0 : i32
    %c0_i32_0 = arith.constant 0 : i32
    return %arg0, %c0_i32 : i32, i32
  }
  func.func @transform_3(%arg0: i32) -> (i32, i32, i32) {
    %c0_i32 = arith.constant 0 : i32
    %c0_i32_0 = arith.constant 0 : i32
    %c0_i32_1 = arith.constant 0 : i32
    return %c0_i32, %arg0, %c0_i32_0 : i32, i32, i32
  }
}

module attributes {stable_mosaic.version = 14 : i64} {
  func.func @body(%arg0: i32, %arg1: memref<2x1024x64xbf16, #tpu.memory_space<vmem>>, %arg2: memref<1024x2xf32, #tpu.memory_space<vmem>>, %arg3: memref<1x128xf32, #tpu.memory_space<vmem>>, %arg4: memref<128x128xf32, #tpu.memory_space<vmem>>, %arg5: memref<2x1024x64xbf16, #tpu.memory_space<vmem>>) attributes {dimension_semantics = [#tpu.dimension_semantics<arbitrary>], iteration_bounds = array<i64: 10>, scalar_prefetch = 0 : i64, scratch_operands = 0 : i64, tpu.core_type = #tpu.core_type<tc>, window_params = [{transform_indices = @transform_0, window_bounds = array<i64: 2, 1024, 64>}, {transform_indices = @transform_1, window_bounds = array<i64: 1024, 2>}, {pipeline_mode = #tpu.pipeline_mode<synchronous>, transform_indices = @transform_2, window_bounds = array<i64: 1, 128>}, {pipeline_mode = #tpu.pipeline_mode<synchronous>, transform_indices = @transform_3, window_bounds = array<i64: 128, 128>}, {transform_indices = @transform_4, window_bounds = array<i64: 2, 1024, 64>}]} {
    %get3A = arith.constant 0 : index
    %get3A_0 = arith.constant 0 : index
    %get3A_1 = vector.load %arg2[%get3A, %get3A_0] : memref<1024x2xf32, #tpu.memory_space<vmem>>, vector<1024x1xf32>
    %get3A_2 = arith.constant 0 : index
    %get3A_3 = arith.constant 1 : index
    %get3A_4 = vector.load %arg2[%get3A_2, %get3A_3] : memref<1024x2xf32, #tpu.memory_space<vmem>>, vector<1024x1xf32>
    %add3A = arith.addf %get3A_1, %get3A_4 : vector<1024x1xf32>
    %rsqrt3A = math.rsqrt %add3A : vector<1024x1xf32>
    %get3A_5 = arith.constant 0 : index
    %get3A_6 = arith.constant 0 : index
    %get3A_7 = arith.constant 0 : index
    %get3A_8 = vector.load %arg1[%get3A_5, %get3A_6, %get3A_7] : memref<2x1024x64xbf16, #tpu.memory_space<vmem>>, vector<1x1024x64xbf16>
    %get3A_9 = vector.shape_cast %get3A_8 : vector<1x1024x64xbf16> to vector<1024x64xbf16>
    %get3A_10 = arith.constant 1 : index
    %get3A_11 = arith.constant 0 : index
    %get3A_12 = arith.constant 0 : index
    %get3A_13 = vector.load %arg1[%get3A_10, %get3A_11, %get3A_12] : memref<2x1024x64xbf16, #tpu.memory_space<vmem>>, vector<1x1024x64xbf16>
    %get3A_14 = vector.shape_cast %get3A_13 : vector<1x1024x64xbf16> to vector<1024x64xbf16>
    %concatenate3A = tpu.concatenate %get3A_9, %get3A_14 in 1 : vector<1024x64xbf16>, vector<1024x64xbf16> -> vector<1024x128xbf16>
    %convert_element_type3A = arith.extf %concatenate3A : vector<1024x128xbf16> to vector<1024x128xf32>
    %mul3A = vector.broadcast %rsqrt3A : vector<1024x1xf32> to vector<1024x128xf32>
    %mul3A_15 = arith.mulf %mul3A, %convert_element_type3A : vector<1024x128xf32>
    %get3A_16 = arith.constant 0 : index
    %get3A_17 = arith.constant 0 : index
    %get3A_18 = vector.load %arg3[%get3A_16, %get3A_17] : memref<1x128xf32, #tpu.memory_space<vmem>>, vector<1x128xf32>
    %add3A_19 = vector.broadcast %get3A_18 : vector<1x128xf32> to vector<1024x128xf32>
    %add3A_20 = arith.addf %mul3A_15, %add3A_19 : vector<1024x128xf32>
    %logistic3A = arith.negf %add3A_20 : vector<1024x128xf32>
    %logistic3A_21 = math.exp %logistic3A : vector<1024x128xf32>
    %logistic3A_22 = arith.constant 1.000000e+00 : f32
    %logistic3A_23 = vector.broadcast %logistic3A_22 : f32 to vector<1024x128xf32>
    %logistic3A_24 = arith.addf %logistic3A_23, %logistic3A_21 : vector<1024x128xf32>
    %logistic3A_25 = arith.divf %logistic3A_23, %logistic3A_24 : vector<1024x128xf32>
    %get3A_26 = arith.constant 0 : index
    %get3A_27 = arith.constant 0 : index
    %get3A_28 = vector.load %arg4[%get3A_26, %get3A_27] : memref<128x128xf32, #tpu.memory_space<vmem>>, vector<128x128xf32>
    %dot_general3A = arith.constant dense<0.000000e+00> : vector<1024x128xf32>
    %dot_general3A_29 = tpu.matmul %logistic3A_25, %get3A_28, %dot_general3A {dimension_numbers = #tpu.dot_dimension_numbers<[1], [0], [0], [1], [0, 0, 1, 1], [], []>, transpose_lhs_hint = false} : vector<1024x128xf32>, vector<128x128xf32>, vector<1024x128xf32> -> vector<1024x128xf32>
    %mul3A_30 = vector.broadcast %rsqrt3A : vector<1024x1xf32> to vector<1024x128xf32>
    %mul3A_31 = arith.mulf %dot_general3A_29, %mul3A_30 : vector<1024x128xf32>
    %convert_element_type3A_32 = arith.truncf %mul3A_31 : vector<1024x128xf32> to vector<1024x128xbf16>
    %slice3A = vector.extract_strided_slice %convert_element_type3A_32 {offsets = [0, 0], sizes = [1024, 64], strides = [1, 1]} : vector<1024x128xbf16> to vector<1024x64xbf16>
    %swap3A = arith.constant 0 : index
    %swap3A_33 = arith.constant 0 : index
    %swap3A_34 = arith.constant 0 : index
    %swap3A_35 = vector.load %arg5[%swap3A, %swap3A_33, %swap3A_34] : memref<2x1024x64xbf16, #tpu.memory_space<vmem>>, vector<1x1024x64xbf16>
    %swap3A_36 = vector.shape_cast %swap3A_35 : vector<1x1024x64xbf16> to vector<1024x64xbf16>
    %swap3A_37 = vector.shape_cast %slice3A : vector<1024x64xbf16> to vector<1x1024x64xbf16>
    tpu.vector_store %arg5[%swap3A, %swap3A_33, %swap3A_34], %swap3A_37 {strides = array<i32>} : memref<2x1024x64xbf16, #tpu.memory_space<vmem>>, vector<1x1024x64xbf16>,
    %slice3A_38 = vector.extract_strided_slice %convert_element_type3A_32 {offsets = [0, 64], sizes = [1024, 64], strides = [1, 1]} : vector<1024x128xbf16> to vector<1024x64xbf16>
    %swap3A_39 = arith.constant 1 : index
    %swap3A_40 = arith.constant 0 : index
    %swap3A_41 = arith.constant 0 : index
    %swap3A_42 = vector.load %arg5[%swap3A_39, %swap3A_40, %swap3A_41] : memref<2x1024x64xbf16, #tpu.memory_space<vmem>>, vector<1x1024x64xbf16>
    %swap3A_43 = vector.shape_cast %swap3A_42 : vector<1x1024x64xbf16> to vector<1024x64xbf16>
    %swap3A_44 = vector.shape_cast %slice3A_38 : vector<1024x64xbf16> to vector<1x1024x64xbf16>
    tpu.vector_store %arg5[%swap3A_39, %swap3A_40, %swap3A_41], %swap3A_44 {strides = array<i32>} : memref<2x1024x64xbf16, #tpu.memory_space<vmem>>, vector<1x1024x64xbf16>,
    return
  }
  func.func @transform_0(%arg0: i32) -> (i32, i32, i32) {
    %c0_i32 = arith.constant 0 : i32
    %c0_i32_0 = arith.constant 0 : i32
    %c0_i32_1 = arith.constant 0 : i32
    return %c0_i32, %arg0, %c0_i32_0 : i32, i32, i32
  }
  func.func @transform_1(%arg0: i32) -> (i32, i32) {
    %c0_i32 = arith.constant 0 : i32
    %c0_i32_0 = arith.constant 0 : i32
    return %arg0, %c0_i32 : i32, i32
  }
  func.func @transform_2(%arg0: i32) -> (i32, i32) {
    %c0_i32 = arith.constant 0 : i32
    %c0_i32_0 = arith.constant 0 : i32
    %c0_i32_1 = arith.constant 0 : i32
    return %c0_i32, %c0_i32_0 : i32, i32
  }
  func.func @transform_3(%arg0: i32) -> (i32, i32) {
    %c0_i32 = arith.constant 0 : i32
    %c0_i32_0 = arith.constant 0 : i32
    %c0_i32_1 = arith.constant 0 : i32
    return %c0_i32, %c0_i32_0 : i32, i32
  }
  func.func @transform_4(%arg0: i32) -> (i32, i32, i32) {
    %c0_i32 = arith.constant 0 : i32
    %c0_i32_0 = arith.constant 0 : i32
    %c0_i32_1 = arith.constant 0 : i32
    return %c0_i32, %arg0, %c0_i32_0 : i32, i32, i32
  }
}

module attributes {stable_mosaic.version = 14 : i64} {
  func.func @body(%arg0: i32, %arg1: memref<2x1024x64xbf16, #tpu.memory_space<vmem>>, %arg2: memref<1024x2xf32, #tpu.memory_space<vmem>>, %arg3: memref<1x128xf32, #tpu.memory_space<vmem>>, %arg4: memref<1024x128xf32, #tpu.memory_space<vmem>>) attributes {dimension_semantics = [#tpu.dimension_semantics<arbitrary>], iteration_bounds = array<i64: 10>, scalar_prefetch = 0 : i64, scratch_operands = 0 : i64, tpu.core_type = #tpu.core_type<tc>, window_params = [{transform_indices = @transform_0, window_bounds = array<i64: 2, 1024, 64>}, {transform_indices = @transform_1, window_bounds = array<i64: 1024, 2>}, {pipeline_mode = #tpu.pipeline_mode<synchronous>, transform_indices = @transform_2, window_bounds = array<i64: 1, 128>}, {transform_indices = @transform_3, window_bounds = array<i64: 1024, 128>}]} {
    %get3A = arith.constant 0 : index
    %get3A_0 = arith.constant 0 : index
    %get3A_1 = vector.load %arg2[%get3A, %get3A_0] : memref<1024x2xf32, #tpu.memory_space<vmem>>, vector<1024x1xf32>
    %get3A_2 = arith.constant 0 : index
    %get3A_3 = arith.constant 1 : index
    %get3A_4 = vector.load %arg2[%get3A_2, %get3A_3] : memref<1024x2xf32, #tpu.memory_space<vmem>>, vector<1024x1xf32>
    %add3A = arith.addf %get3A_1, %get3A_4 : vector<1024x1xf32>
    %rsqrt3A = math.rsqrt %add3A : vector<1024x1xf32>
    %get3A_5 = arith.constant 0 : index
    %get3A_6 = arith.constant 0 : index
    %get3A_7 = arith.constant 0 : index
    %get3A_8 = vector.load %arg1[%get3A_5, %get3A_6, %get3A_7] : memref<2x1024x64xbf16, #tpu.memory_space<vmem>>, vector<1x1024x64xbf16>
    %get3A_9 = vector.shape_cast %get3A_8 : vector<1x1024x64xbf16> to vector<1024x64xbf16>
    %get3A_10 = arith.constant 1 : index
    %get3A_11 = arith.constant 0 : index
    %get3A_12 = arith.constant 0 : index
    %get3A_13 = vector.load %arg1[%get3A_10, %get3A_11, %get3A_12] : memref<2x1024x64xbf16, #tpu.memory_space<vmem>>, vector<1x1024x64xbf16>
    %get3A_14 = vector.shape_cast %get3A_13 : vector<1x1024x64xbf16> to vector<1024x64xbf16>
    %concatenate3A = tpu.concatenate %get3A_9, %get3A_14 in 1 : vector<1024x64xbf16>, vector<1024x64xbf16> -> vector<1024x128xbf16>
    %convert_element_type3A = arith.extf %concatenate3A : vector<1024x128xbf16> to vector<1024x128xf32>
    %mul3A = vector.broadcast %rsqrt3A : vector<1024x1xf32> to vector<1024x128xf32>
    %mul3A_15 = arith.mulf %mul3A, %convert_element_type3A : vector<1024x128xf32>
    %get3A_16 = arith.constant 0 : index
    %get3A_17 = arith.constant 0 : index
    %get3A_18 = vector.load %arg3[%get3A_16, %get3A_17] : memref<1x128xf32, #tpu.memory_space<vmem>>, vector<1x128xf32>
    %add3A_19 = vector.broadcast %get3A_18 : vector<1x128xf32> to vector<1024x128xf32>
    %add3A_20 = arith.addf %mul3A_15, %add3A_19 : vector<1024x128xf32>
    %logistic3A = arith.negf %add3A_20 : vector<1024x128xf32>
    %logistic3A_21 = math.exp %logistic3A : vector<1024x128xf32>
    %logistic3A_22 = arith.constant 1.000000e+00 : f32
    %logistic3A_23 = vector.broadcast %logistic3A_22 : f32 to vector<1024x128xf32>
    %logistic3A_24 = arith.addf %logistic3A_23, %logistic3A_21 : vector<1024x128xf32>
    %logistic3A_25 = arith.divf %logistic3A_23, %logistic3A_24 : vector<1024x128xf32>
    %swap3A = arith.constant 0 : index
    %swap3A_26 = arith.constant 0 : index
    %swap3A_27 = vector.load %arg4[%swap3A, %swap3A_26] : memref<1024x128xf32, #tpu.memory_space<vmem>>, vector<1024x128xf32>
    tpu.vector_store %arg4[%swap3A, %swap3A_26], %logistic3A_25 {strides = array<i32>} : memref<1024x128xf32, #tpu.memory_space<vmem>>, vector<1024x128xf32>,
    return
  }
  func.func @transform_0(%arg0: i32) -> (i32, i32, i32) {
    %c0_i32 = arith.constant 0 : i32
    %c0_i32_0 = arith.constant 0 : i32
    %c0_i32_1 = arith.constant 0 : i32
    return %c0_i32, %arg0, %c0_i32_0 : i32, i32, i32
  }
  func.func @transform_1(%arg0: i32) -> (i32, i32) {
    %c0_i32 = arith.constant 0 : i32
    %c0_i32_0 = arith.constant 0 : i32
    return %arg0, %c0_i32 : i32, i32
  }
  func.func @transform_2(%arg0: i32) -> (i32, i32) {
    %c0_i32 = arith.constant 0 : i32
    %c0_i32_0 = arith.constant 0 : i32
    %c0_i32_1 = arith.constant 0 : i32
    return %c0_i32, %c0_i32_0 : i32, i32
  }
  func.func @transform_3(%arg0: i32) -> (i32, i32) {
    %c0_i32 = arith.constant 0 : i32
    %c0_i32_0 = arith.constant 0 : i32
    return %arg0, %c0_i32 : i32, i32
  }
}

</mosaic_0001>

<sc_bundles>
// kernel: kernel.11.cloned.1.call-start
scs
__scs_entry_jumppad:
0x0: {  	(pc) =	sbr.rel $0x88, $3  }
0x1: {  	(tag) =	ssettag $0x0;
	lr =	simm.s32 $0x1  }
0x2: {  	[smem:$0x3F9B] =	sst lr;
	_ =	strace $0xD0000000  }
0x3: {  	_ = 	snop  }
0x4: {  	_ = 	snop  }
0x5: {  	_ = 	snop  }
0x6: {  	_ = 	snop  }
0x7: {  	_ = 	snop  }
__scs_overlays_trampoline_lowered:
0x8: {  	[smem:$0x3FAA] =	sst s0  }
0x9: {  	[smem:$0x3FAB] =	sst s1  }
0xa: {  	[smem:$0x3FAC] =	sst s2  }
0xb: {  	[smem:$0x3FAD] =	sst s3  }
0xc: {  	[smem:$0x3FAE] =	sst s4  }
0xd: {  	[smem:$0x3FAF] =	sst s5  }
0xe: {  	[smem:$0x3FB0] =	sst s6  }
0xf: {  	[smem:$0x3FB1] =	sst s7  }
0x10: {  	[smem:$0x3FB2] =	sst s8  }
0x11: {  	[smem:$0x3FB3] =	sst s9;
	s0 =	simm.s32 @!p0 $0x0  }
0x12: {  	s1 =	sld [smem:$0x3F99];
	s0 =	simm.s32 @p0 $0x1  }
0x13: {  	[smem:$0x3FB4] =	sst s0;
	s0 =	simm.s32 @!p1 $0x0  }
0x14: {  	s2 =	sld [smem:$0x3F98];
	s0 =	simm.s32 @p1 $0x1  }
0x15: {  	[smem:$0x3FB5] =	sst s0;
	s0 =	simm.s32 @!p2 $0x0  }
0x16: {  	s3 =	sld [smem:$0x3FDB];
	s0 =	simm.s32 @p2 $0x1  }
0x17: {  	s4 =	simm.s32 $0x1BF5;
	[smem:$0x3FB7] =	sst s0  }
0x18: {  	s0 =	sld [smem:$0x3F9A];
	_ =	swait.ge [sflag:s4], $0x0  }
0x19: {  	s7 =	sld [smem:$0x3F9B]  }
0x1a: {  	s8 =	sadd.s32 $0xFFFFE003, lr  }
0x1b: {  	s9 =	sadd.s32 $0xFFFFFEF7, lr;
	s5 =	simm.s32 $0xFFFFFFFF;
	p2 =	slt.u32 s8, $0xFFFFF086  }
0x1c: {  	p1 =	slt.u32 s9, $0xF7A;
	s5 =	simm.s32 @!p2 $0x0  }
0x1d: {  	s5 =	simm.s32 @p1 $0x1;
	p0 =	seq.s32 s7, s2  }
0x1e: {  	s7 =	smul.u32 @!p0 $0xF7A, s2;
	p2 =	seq.s32 @!p0 s5, $0x0  }
0x1f: {  	s9 =	smul.u32 $0xF7A, s1;
	s8 =	simm.s32 @!p0 $0x1BF5;
	p2 =	por !p2, p0  }
0x20: {  	[sflag:s8] =	ssyncset.s32 @!p0 $0xFFFFF086;
	s6 =	sadd.s32 @!p0 s3, s7;
	s7 =	simm.s32 @!p0 $0x108  }
0x21: {  	s3 =	sadd.s32 s3, s9;
	s6 =	sadd.s32 @!p0 $0x88, s6;
	s7 =	simm.s32 @p2 $0x1082  }
0x22: {  	[simem:s7], [sflag:s8] =	dma.local @!p0 [hbm:s6], $0xF7A  }
0x23: {  	s9 =	sor.u32 $0xD0000000, s2;
	s6 =	simm.s32 $0x108;
	_ =	swait.ge @!p0 [sflag:s8], $0x0  }
0x24: {  	s3 =	sadd.s32 $0x88, s3;
	s6 =	simm.s32 @!p1 $0x1082;
	[sflag:s4] =	ssyncset.s32 $0xFFFFF086  }
0x25: {  	[simem:s6], [sflag:s4] =	dma.local [hbm:s3], $0xF7A  }
0x26: {  	[smem:$0x3F9B] =	sst s1;
	(tag) =	ssettag s2;
	_ =	strace s9  }
0x27: {  	s1 =	sld [smem:$0x3FAB]  }
0x28: {  	s2 =	sld [smem:$0x3FAC]  }
0x29: {  	s4 =	sld [smem:$0x3FAE]  }
0x2a: {  	p0 =	seq.s32 s5, $0x0;
	s5 =	sld [smem:$0x3FAF]  }
0x2b: {  	s6 =	sld [smem:$0x3FB0]  }
0x2c: {  	s7 =	sld [smem:$0x3FB1]  }
0x2d: {  	s3 =	simm.s32 $0x108;
	s8 =	sld [smem:$0x3FB2]  }
0x2e: {  	s3 =	simm.s32 @!p0 $0x1082;
	s9 =	sld [smem:$0x3FB3]  }
0x2f: {  	lr =	sadd.s32 s0, s3;
	s0 =	sld [smem:$0x3FAA]  }
0x30: {  	s3 =	sld [smem:$0x3FAD]  }
0x31: {  	[smem:$0x3FB6] =	sst s10  }
0x32: {  	s10 =	sld [smem:$0x3FB4];
	_ =	sdelay $0x3  }
0x33: {  	p0 =	seq.s32 s10, $0x1;
	s10 =	sld [smem:$0x3FB6];
	_ =	sdelay $0x3  }
0x34: {  	[smem:$0x3FB6] =	sst s10  }
0x35: {  	s10 =	sld [smem:$0x3FB5];
	_ =	sdelay $0x3  }
0x36: {  	p1 =	seq.s32 s10, $0x1;
	s10 =	sld [smem:$0x3FB6];
	_ =	sdelay $0x3  }
0x37: {  	[smem:$0x3FB6] =	sst s10  }
0x38: {  	s10 =	sld [smem:$0x3FB7]  }
0x39: {  	_ = 	snop;
	(pc) =	sbr.ind lr, $3  }
0x3a: {  	_ = 	snop  }
0x3b: {  	_ = 	snop  }
0x3c: {  	p2 =	seq.s32 s10, $0x1;
	s10 =	sld [smem:$0x3FB6]  }
0x3d: {  	_ =	shalt  }
0x3e: {  	_ =	shalt  }
0x3f: {  	_ =	shalt  }
0x40: {  	_ =	shalt  }
0x41: {  	_ =	shalt  }
0x42: {  	_ =	shalt  }
0x43: {  	_ =	shalt  }
0x44: {  	_ =	shalt  }
0x45: {  	_ =	shalt  }
0x46: {  	_ =	shalt  }
0x47: {  	_ =	shalt  }
0x48: {  	_ =	shalt  }
0x49: {  	_ =	shalt  }
0x4a: {  	_ =	shalt  }
0x4b: {  	_ =	shalt  }
0x4c: {  	_ =	shalt  }
0x4d: {  	_ =	shalt  }
0x4e: {  	_ =	shalt  }
0x4f: {  	_ =	shalt  }
0x50: {  	_ =	shalt  }
0x51: {  	_ =	shalt  }
0x52: {  	_ =	shalt  }
0x53: {  	_ =	shalt  }
0x54: {  	_ =	shalt  }
0x55: {  	_ =	shalt  }
0x56: {  	_ =	shalt  }
0x57: {  	_ =	shalt  }
0x58: {  	_ =	shalt  }
0x59: {  	_ =	shalt  }
0x5a: {  	_ =	shalt  }
0x5b: {  	_ =	shalt  }
0x5c: {  	_ =	shalt  }
0x5d: {  	_ =	shalt  }
0x5e: {  	_ =	shalt  }
0x5f: {  	_ =	shalt  }
0x60: {  	_ =	shalt  }
0x61: {  	_ =	shalt  }
0x62: {  	_ =	shalt  }
0x63: {  	_ =	shalt  }
0x64: {  	_ =	shalt  }
0x65: {  	_ =	shalt  }
0x66: {  	_ =	shalt  }
0x67: {  	_ =	shalt  }
0x68: {  	_ =	shalt  }
0x69: {  	_ =	shalt  }
0x6a: {  	_ =	shalt  }
0x6b: {  	_ =	shalt  }
0x6c: {  	_ =	shalt  }
0x6d: {  	_ =	shalt  }
0x6e: {  	_ =	shalt  }
0x6f: {  	_ =	shalt  }
0x70: {  	_ =	shalt  }
0x71: {  	_ =	shalt  }
0x72: {  	_ =	shalt  }
0x73: {  	_ =	shalt  }
0x74: {  	_ =	shalt  }
0x75: {  	_ =	shalt  }
0x76: {  	_ =	shalt  }
0x77: {  	_ =	shalt  }
0x78: {  	_ =	shalt  }
0x79: {  	_ =	shalt  }
0x7a: {  	_ =	shalt  }
0x7b: {  	_ =	shalt  }
0x7c: {  	_ =	shalt  }
0x7d: {  	_ =	shalt  }
0x7e: {  	_ =	shalt  }
0x7f: {  	_ =	shalt  }
0x80: {  	_ =	shalt  }
0x81: {  	_ =	shalt  }
0x82: {  	_ =	shalt  }
0x83: {  	_ =	shalt  }
0x84: {  	_ =	shalt  }
0x85: {  	_ =	shalt  }
0x86: {  	_ =	shalt  }
0x87: {  	_ =	shalt  }
.Lfunc_end0:
.L_simem_size_0:
called_computation.1_lowered:
.L_overlay_start_0:
0x88: {  	s2 =	sld [smem:$0x3FD9]  }
0x89: {  	s3 =	sld [smem:$0x3FFE];
	_ =	sdelay $0x1  }
0x8a: {  	s1 =	srdreg.scid  }
0x8b: {  	s0 =	sand.u32 $0x1, s1  }
0x8c: {  	s17 =	sshll.u32 s0, $0xA;
	s2 =	sadd.s32 s3, s2  }
0x8d: {  	s2 =	sadd.s32 s2, s17  }
0x8e: {  	[smem:$0x3FC2] =	sst s2  }
0x8f: {  	_ = 	snop  }
0x90: {  	s2 =	sld [smem:$0x3FD0];
	(tm) =	ssettm $0x1  }
0x91: {  	s18 =	sld [smem:$0x3FFB];
	_ =	sdelay $0x3  }
0x92: {  	_ =	strace s18  }
0x93: {  	s3 =	sld [smem:$0x3FFC];
	_ =	sdelay $0x3  }
0x94: {  	_ =	strace s3  }
0x95: {  	s3 =	sld [smem:$0x3FFD];
	_ =	sdelay $0x3  }
0x96: {  	_ =	strace s3  }
0x97: {  	_ =	strace $0x8FFFFFFF  }
0x98: {  	s19 =	sld [smem:$0x3FDB];
	_ =	sdelay $0x1  }
0x99: {  	s4 =	simm.s32 $_scs_section_size  }
0x9a: {  	s5 =	simm.s32 $_size__tile_overlayer_lowered;
	s6 =	simm.s32 $_tile_overlayer_lowered  }
0x9b: {  	s22 =	simm.s32 $0x1BFF;
	s21 =	sshll.u32 s6, $0x1;
	s3 =	sadd.s32 s4, s19  }
0x9c: {  	s7 =	simm.s32 $0x0;
	s20 =	sshll.u32 s5, $0x1;
	s5 =	sadd.s32 s21, s3  }
0x9d: {  	[timem:s7], [sflag:s22] =	dma.local [hbm:s5], s20  }
0x9e: {  	_ =	swait.ge [sflag:s22], s20  }
0x9f: {  	s4 =	ssub.s32 $0x0, s20;
	[sflag:s22] =	ssyncset.done $0x0  }
0xa0: {  	[sflag:s22] =	ssyncadd.s32 s4;
	_ =	sdelay $0x1  }
0xa1: {  	s23 =	simm.s32 $0x1B8B  }
0xa2: {  	_ =	swait.ge [sflag:s23], $0x1  }
0xa3: {  	[sflag:s23] =	ssyncset.done $0x0  }
0xa4: {  	s25 =	simm.s32 $0x1B8E;
	s24 =	sld [smem:$0x3FFE];
	[sflag:s23] =	ssyncadd.s32 $0xFFFFFFFF  }
0xa5: {  	s26 =	simm.s32 $execute0_lowered;
	[smem:$0x3FD2] =	sst s25  }
0xa6: {  	s5 =	sshll.u32 s26, $0x1;
	_ =	strace $0x80000049;
	[dreg:$0x1] =	wrdreg $0xFFFFFFFF  }
0xa7: {  	s28 =	simm.s32 $_size_execute0_lowered;
	s3 =	sadd.s32 s3, s5;
	[dreg:$0x0] =	wrdreg $0x0  }
0xa8: {  	s5 =	sshll.u32 s28, $0x1;
	[dreg:$0x2] =	wrdreg s3  }
0xa9: {  	[dreg:$0x3] =	wrdreg s5  }
0xaa: {  	[dreg:$0x4] =	wrdreg $0xC0  }
0xab: {  	_ =	task [dreg:s7], $0x5FFFF  }
0xac: {  	[dreg:$0x1] =	wrdreg $0xFFFFFFFF  }
0xad: {  	[dreg:$0x0] =	wrdreg $0x60  }
0xae: {  	[dreg:$0x2] =	wrdreg s2  }
0xaf: {  	[dreg:$0x3] =	wrdreg s24  }
0xb0: {  	[dreg:$0x4] =	wrdreg $0xE4000  }
0xb1: {  	[dreg:$0x5] =	wrdreg $0x9  }
0xb2: {  	_ =	task.clear_ibuf [dreg:s7], $0x6FFFF;
	_ =	strace $0x90000049  }
0xb3: {  	s29 =	simm.s32 $0x9;
	_ =	strace $0x8000004B  }
0xb4: {  	_ =	swait.ge [sflag:s29], $0x1  }
0xb5: {  	[sflag:s29] =	ssyncadd.s32 $0xFFFFFFFF  }
0xb6: {  	_ =	strace $0x9000004B  }
0xb7: {  	_ =	sfence  }
0xb8: {  	s30 =	sld [smem:$0x0];
	_ =	sdelay $0x2  }
0xb9: {  	s31 =	sshll.u32 s1, $0xD;
	s1 =	sshrl.u32 s1, $0x2  }
0xba: {  	s3 =	sand.u32 $0x4000, s31;
	s1 =	sadd.s32 s1, s30  }
0xbb: {  	s0 =	sor.u32 s3, s0;
	s1 =	sshll.u32 s1, $0x11  }
0xbc: {  	s0 =	sor.u32 s1, s0  }
0xbd: {  	s0 =	sadd.s32 $0x8F2B, s0  }
0xbe: {  	[sflag:s0] =	ssyncadd.remote.s32 $0x1  }
0xbf: {  	_ =	sfence.sel $0xFFFF  }
0xc0: {  	[dreg:$0x0] =	wrdreg $0xFFFFFFFF;
	(pc) =	sbr.abs _section_cstart, $3  }
0xc1: {  	[dreg:$0x1] =	wrdreg $0xFFFFFFFF  }
0xc2: {  	_ =	task.clear_ibuf [dreg:s7], $0x2FFFF;
	_ =	strace $0x9FFFFFFF  }
0xc3: {  	(tm) =	ssettm $0x7FFFFFFF  }
tec
execute0_lowered:
.L_overlay_start_1:
0x0: {  	(tag) =	ssettag $0x1  }
0x1: {  	s1 =	rddreg [dreg:$0x0];
	s10 =	stileid.u32  }
0x2: {  	s0 =	srdreg.scid;
	s2 =	rddreg [dreg:$0x1]  }
0x3: {  	s3 =	rddreg [dreg:$0x2];
	s4 =	simm.s32 $0x0;
	s13 =	simm.s32 $0x9  }
0x4: {  	s14 =	simm.s32 $0x5200;
	s15 =	simm.s32 $0x80;
	s16 =	simm.s32 $0xA400  }
0x5: {  	s17 =	simm.s32 $0xB400;
	s19 =	simm.s32 $0xC400;
	s21 =	simm.s32 $0xD400  }
0x6: {  	s22 =	simm.s32 $0x1;
	s23 =	simm.s32 $0x5;
	s25 =	simm.s32 $0x2  }
0x7: {  	s28 =	simm.s32 $0x6;
	s30 =	simm.s32 $0x3;
	s18 =	simm.s32 $0x4  }
0x8: {  	s24 =	simm.s32 $0x8;
	s20 =	simm.s32 $0xA380;
	s6 =	smul.u32 $0xA000, s10  }
0x9: {  	s26 =	simm.s32 $0x0;
	s0 =	sand.u32 $0x1, s0;
	s7 =	smul.u32 $0xA40, s10  }
0xa: {  	[smem:$0x7FF] =	sst s4;
	s10 =	sshll.u32 s10, $0x6;
	s5 =	smul.u32 $0xA0000, s0  }
0xb: {  	_ =	strace $0x8000004A;
	s31 =	ssub.s32 $0x2, s0;
	p0 =	seq.s32 s0, $0x1  }
0xc: {  	s8 =	sadd.s32 s7, s2;
	s9 =	sshrl.u32 s31, $0x1;
	s5 =	sadd.s32 s6, s5  }
.Ltmp0:
0xd: {  	s6 =	sshrl.u32 s6, $0x1;
	s11 =	ssub.s32 s31, s9;
	(pc) =	sbr.rel .LBB2_1-.Ltmp0, $4  }
0xe: {  	s7 =	sadd.s32 $0xCC00, s8;
	s8 =	sadd.s32 $0x1E00, s8;
	s9 =	sadd.s32 $0xA000, s1  }
0xf: {  	s29 =	sshrl.u32 s5, $0x4;
	s5 =	sadd.s32 $0xC200, s2;
	s12 =	sadd.s32 s6, s3  }
0x10: {  	s6 =	sor.u32 $0x1C09, s10;
	s11 =	smax.u32 s11, $0x1;
	s2 =	sadd.s32 s29, s2  }
0x11: {  	s12 =	sshrl.u32 s12, $0x3;
	s10 =	sadd.s32 $0x17000, s2;
	s2 =	simm.s32 $0x7  }
.LBB2_7:
0x12: {  	[spmem:s3] =	stream.indirect.scatter.add.bf16 [tilespmem:s21], [sflag:$0x8], $0x20, s31, s15, $0xb8;
	[tilespmem:$0x13400] =	vst v63  }
0x13: {  	s29 =	smov.u32 s9  }
.LBB2_8:
0x14: {  	_ =	swait.ge [sflag:s24], $0x1000  }
0x15: {  	[sflag:s24] =	ssyncset.done $0x0  }
0x16: {  	s0 =	simm.s32 $0x5180;
	[sflag:s24] =	ssyncadd.s32 $0xFFFFF000  }
0x17: {  	[tilespmem:s21], [sflag:$0x4] =	stream.indirect.gather [hbm4b:s29+s15], $0x20, s0, s15, $0xb8;
	[tilespmem:$0x13400] =	vst v63  }
0x18: {  	_ =	swait.ge [sflag:s22], $0x1000  }
0x19: {  	[sflag:s22] =	ssyncset.done $0x0  }
0x1a: {  	s31 =	simm.s32 $0xA200;
	[sflag:s22] =	ssyncadd.s32 $0xFFFFF000  }
0x1b: {  	[spmem:s3] =	stream.indirect.scatter.add.bf16 [tilespmem:s16], [sflag:$0x5], $0x20, s31, s15, $0xb8;
	[tilespmem:$0x13400] =	vst v63  }
0x1c: {  	_ =	swait.ge [sflag:s25], $0x1000  }
0x1d: {  	[sflag:s25] =	ssyncset.done $0x0  }
0x1e: {  	s29 =	simm.s32 $0xA280;
	[sflag:s25] =	ssyncadd.s32 $0xFFFFF000  }
0x1f: {  	[spmem:s3] =	stream.indirect.scatter.add.bf16 [tilespmem:s17], [sflag:$0x6], $0x20, s29, s15, $0xb8;
	[tilespmem:$0x13400] =	vst v63  }
0x20: {  	_ =	swait.ge [sflag:s30], $0x1000  }
0x21: {  	[sflag:s30] =	ssyncset.done $0x0  }
0x22: {  	s31 =	simm.s32 $0xA300;
	[sflag:s30] =	ssyncadd.s32 $0xFFFFF000  }
0x23: {  	[spmem:s3] =	stream.indirect.scatter.add.bf16 [tilespmem:s19], [sflag:$0x7], $0x20, s31, s15, $0xb8;
	[tilespmem:$0x13400] =	vst v63  }
0x24: {  	_ =	swait.ge [sflag:s18], $0x1000  }
0x25: {  	[sflag:s18] =	ssyncset.done $0x0  }
0x26: {  	[sflag:s18] =	ssyncadd.s32 $0xFFFFF000  }
0x27: {  	[spmem:s3] =	stream.indirect.scatter.add.bf16 [tilespmem:s21], [sflag:$0x8], $0x20, s20, s15, $0xb8;
	[tilespmem:$0x13400] =	vst v63  }
0x28: {  	_ =	swait.ge [sflag:s23], $0x1000  }
0x29: {  	[sflag:s23] =	ssyncset.done $0x0  }
0x2a: {  	[sflag:s23] =	ssyncadd.s32 $0xFFFFF000  }
0x2b: {  	_ =	swait.ge [sflag:s28], $0x1000  }
0x2c: {  	[sflag:s28] =	ssyncset.done $0x0  }
0x2d: {  	[sflag:s28] =	ssyncadd.s32 $0xFFFFF000  }
0x2e: {  	_ =	swait.ge [sflag:s2], $0x1000  }
0x2f: {  	[sflag:s2] =	ssyncset.done $0x0  }
0x30: {  	[sflag:s2] =	ssyncadd.s32 $0xFFFFF000  }
0x31: {  	_ =	swait.ge [sflag:s24], $0x1000  }
0x32: {  	s26 =	sadd.s32 $0x1, s26;
	[sflag:s24] =	ssyncset.done $0x0  }
0x33: {  	p1 =	sne.s32 s26, s11;
	[sflag:s24] =	ssyncadd.s32 $0xFFFFF000  }
.Ltmp1:
0x34: {  	[bflag:$0x0] =	sbarrier.arrive $0xFFFF;
	(pc) =	sbr.rel @!p1 .LBB2_9-.Ltmp1, $4  }
0x35: {  	[hbm:s10], [sflag:s6] =	dma.local [spmem:s12], $0xA00  }
0x36: {  	_ =	swait.ge [sflag:s13], $0xA00  }
0x37: {  	[sflag:s13] =	ssyncset.done $0x0  }
0x38: {  	[sflag:s13] =	ssyncadd.s32 $0xFFFFF600  }
.LBB2_1:
0x39: {  	[spmem:s12], [sflag:s6] =	dma.local [hbm:s5], $0xA00  }
0x3a: {  	_ =	swait.ge [sflag:s13], $0xA00  }
0x3b: {  	[sflag:s13] =	ssyncset.done $0x0  }
0x3c: {  	[sflag:s13] =	ssyncadd.s32 $0xFFFFF600  }
0x3d: {  	[tilespmem:s4], [sflag:$0x9] =	stream.linear.gather [hbm4b:s7+s4], $0x5200, $0x38;
	[tilespmem:$0x13400] =	vst v63  }
0x3e: {  	_ =	swait.ge [sflag:s13], $0x5200  }
0x3f: {  	[sflag:s13] =	ssyncset.done $0x0  }
0x40: {  	[sflag:s13] =	ssyncadd.s32 $0xFFFFAE00  }
0x41: {  	[tilespmem:s14], [sflag:$0x9] =	stream.linear.gather [hbm4b:s8+s4], $0x5200, $0x38;
	[tilespmem:$0x13400] =	vst v63  }
.Ltmp2:
0x42: {  	_ =	swait.ge [sflag:s13], $0x5200;
	(pc) =	sbr.rel @!p0 .LBB2_2-.Ltmp2, $3  }
0x43: {  	[sflag:s13] =	ssyncset.done $0x0  }
0x44: {  	[sflag:s13] =	ssyncadd.s32 $0xFFFFAE00  }
0x45: {  	[bflag:$0x0] =	sbarrier.arrive $0xFFFF;
	_ =	sdelay $0x1  }
0x46: {  	s0 =	simm.s32 $0x0  }
0x47: {  	[tilespmem:s16], [sflag:$0x1] =	stream.indirect.gather [hbm4b:s9+s15], $0x20, s0, s15, $0xb8;
	[tilespmem:$0x13400] =	vst v63  }
0x48: {  	_ = 	snop  }
0x49: {  	[tilespmem:s17], [sflag:$0x2] =	stream.indirect.gather [hbm4b:s9+s15], $0x20, s15, s15, $0xb8;
	[tilespmem:$0x13400] =	vst v63  }
0x4a: {  	s0 =	simm.s32 $0x100  }
0x4b: {  	[tilespmem:s19], [sflag:$0x3] =	stream.indirect.gather [hbm4b:s9+s15], $0x20, s0, s15, $0xb8;
	[tilespmem:$0x13400] =	vst v63  }
0x4c: {  	s0 =	simm.s32 $0x180  }
0x4d: {  	[tilespmem:s21], [sflag:$0x4] =	stream.indirect.gather [hbm4b:s9+s15], $0x20, s0, s15, $0xb8;
	[tilespmem:$0x13400] =	vst v63  }
0x4e: {  	_ =	swait.ge [sflag:s22], $0x1000  }
0x4f: {  	[sflag:s22] =	ssyncset.done $0x0  }
0x50: {  	[sflag:s22] =	ssyncadd.s32 $0xFFFFF000  }
0x51: {  	[spmem:s3] =	stream.indirect.scatter.add.bf16 [tilespmem:s16], [sflag:$0x5], $0x20, s14, s15, $0xb8;
	[tilespmem:$0x13400] =	vst v63  }
0x52: {  	_ =	swait.ge [sflag:s23], $0x1000  }
0x53: {  	[sflag:s23] =	ssyncset.done $0x0  }
0x54: {  	s0 =	simm.s32 $0x200;
	[sflag:s23] =	ssyncadd.s32 $0xFFFFF000  }
0x55: {  	[tilespmem:s16], [sflag:$0x1] =	stream.indirect.gather [hbm4b:s9+s15], $0x20, s0, s15, $0xb8;
	[tilespmem:$0x13400] =	vst v63  }
0x56: {  	_ =	swait.ge [sflag:s25], $0x1000  }
0x57: {  	[sflag:s25] =	ssyncset.done $0x0  }
0x58: {  	s0 =	simm.s32 $0x5280;
	[sflag:s25] =	ssyncadd.s32 $0xFFFFF000  }
0x59: {  	[spmem:s3] =	stream.indirect.scatter.add.bf16 [tilespmem:s17], [sflag:$0x6], $0x20, s0, s15, $0xb8;
	[tilespmem:$0x13400] =	vst v63  }
0x5a: {  	_ =	swait.ge [sflag:s28], $0x1000  }
0x5b: {  	[sflag:s28] =	ssyncset.done $0x0  }
0x5c: {  	s0 =	simm.s32 $0x280;
	[sflag:s28] =	ssyncadd.s32 $0xFFFFF000  }
0x5d: {  	[tilespmem:s17], [sflag:$0x2] =	stream.indirect.gather [hbm4b:s9+s15], $0x20, s0, s15, $0xb8;
	[tilespmem:$0x13400] =	vst v63  }
0x5e: {  	_ =	swait.ge [sflag:s30], $0x1000  }
0x5f: {  	[sflag:s30] =	ssyncset.done $0x0  }
0x60: {  	s0 =	simm.s32 $0x5300;
	[sflag:s30] =	ssyncadd.s32 $0xFFFFF000  }
0x61: {  	[spmem:s3] =	stream.indirect.scatter.add.bf16 [tilespmem:s19], [sflag:$0x7], $0x20, s0, s15, $0xb8;
	[tilespmem:$0x13400] =	vst v63  }
0x62: {  	_ =	swait.ge [sflag:s2], $0x1000  }
0x63: {  	[sflag:s2] =	ssyncset.done $0x0  }
0x64: {  	s0 =	simm.s32 $0x300;
	[sflag:s2] =	ssyncadd.s32 $0xFFFFF000  }
0x65: {  	[tilespmem:s19], [sflag:$0x3] =	stream.indirect.gather [hbm4b:s9+s15], $0x20, s0, s15, $0xb8;
	[tilespmem:$0x13400] =	vst v63  }
0x66: {  	_ =	swait.ge [sflag:s18], $0x1000  }
0x67: {  	[sflag:s18] =	ssyncset.done $0x0  }
0x68: {  	s0 =	simm.s32 $0x5380;
	[sflag:s18] =	ssyncadd.s32 $0xFFFFF000  }
0x69: {  	[spmem:s3] =	stream.indirect.scatter.add.bf16 [tilespmem:s21], [sflag:$0x8], $0x20, s0, s15, $0xb8;
	[tilespmem:$0x13400] =	vst v63  }
0x6a: {  	_ =	swait.ge [sflag:s24], $0x1000  }
0x6b: {  	[sflag:s24] =	ssyncset.done $0x0  }
0x6c: {  	s0 =	simm.s32 $0x380;
	[sflag:s24] =	ssyncadd.s32 $0xFFFFF000  }
0x6d: {  	[tilespmem:s21], [sflag:$0x4] =	stream.indirect.gather [hbm4b:s9+s15], $0x20, s0, s15, $0xb8;
	[tilespmem:$0x13400] =	vst v63  }
0x6e: {  	_ =	swait.ge [sflag:s22], $0x1000  }
0x6f: {  	[sflag:s22] =	ssyncset.done $0x0  }
0x70: {  	s0 =	simm.s32 $0x5400;
	[sflag:s22] =	ssyncadd.s32 $0xFFFFF000  }
0x71: {  	[spmem:s3] =	stream.indirect.scatter.add.bf16 [tilespmem:s16], [sflag:$0x5], $0x20, s0, s15, $0xb8;
	[tilespmem:$0x13400] =	vst v63  }
0x72: {  	_ =	swait.ge [sflag:s23], $0x1000  }
0x73: {  	[sflag:s23] =	ssyncset.done $0x0  }
0x74: {  	s0 =	simm.s32 $0x400;
	[sflag:s23] =	ssyncadd.s32 $0xFFFFF000  }
0x75: {  	[tilespmem:s16], [sflag:$0x1] =	stream.indirect.gather [hbm4b:s9+s15], $0x20, s0, s15, $0xb8;
	[tilespmem:$0x13400] =	vst v63  }
0x76: {  	_ =	swait.ge [sflag:s25], $0x1000  }
0x77: {  	[sflag:s25] =	ssyncset.done $0x0  }
0x78: {  	s0 =	simm.s32 $0x5480;
	[sflag:s25] =	ssyncadd.s32 $0xFFFFF000  }
0x79: {  	[spmem:s3] =	stream.indirect.scatter.add.bf16 [tilespmem:s17], [sflag:$0x6], $0x20, s0, s15, $0xb8;
	[tilespmem:$0x13400] =	vst v63  }
0x7a: {  	_ =	swait.ge [sflag:s28], $0x1000  }
0x7b: {  	[sflag:s28] =	ssyncset.done $0x0  }
0x7c: {  	s0 =	simm.s32 $0x480;
	[sflag:s28] =	ssyncadd.s32 $0xFFFFF000  }
0x7d: {  	[tilespmem:s17], [sflag:$0x2] =	stream.indirect.gather [hbm4b:s9+s15], $0x20, s0, s15, $0xb8;
	[tilespmem:$0x13400] =	vst v63  }
0x7e: {  	_ =	swait.ge [sflag:s30], $0x1000  }
0x7f: {  	[sflag:s30] =	ssyncset.done $0x0  }
0x80: {  	s0 =	simm.s32 $0x5500;
	[sflag:s30] =	ssyncadd.s32 $0xFFFFF000  }
0x81: {  	[spmem:s3] =	stream.indirect.scatter.add.bf16 [tilespmem:s19], [sflag:$0x7], $0x20, s0, s15, $0xb8;
	[tilespmem:$0x13400] =	vst v63  }
0x82: {  	_ =	swait.ge [sflag:s2], $0x1000  }
0x83: {  	[sflag:s2] =	ssyncset.done $0x0  }
0x84: {  	s0 =	simm.s32 $0x500;
	[sflag:s2] =	ssyncadd.s32 $0xFFFFF000  }
0x85: {  	[tilespmem:s19], [sflag:$0x3] =	stream.indirect.gather [hbm4b:s9+s15], $0x20, s0, s15, $0xb8;
	[tilespmem:$0x13400] =	vst v63  }
0x86: {  	_ =	swait.ge [sflag:s18], $0x1000  }
0x87: {  	[sflag:s18] =	ssyncset.done $0x0  }
0x88: {  	s29 =	simm.s32 $0x800;
	s31 =	simm.s32 $0x5580;
	[sflag:s18] =	ssyncadd.s32 $0xFFFFF000  }
.LBB2_6:
0x89: {  	[spmem:s3] =	stream.indirect.scatter.add.bf16 [tilespmem:s21], [sflag:$0x8], $0x20, s31, s15, $0xb8;
	[tilespmem:$0x13400] =	vst v63  }
0x8a: {  	s0 =	smov.u32 s29  }
0x8b: {  	p1 =	sne.s32 s29, $0x13000;
	s29 =	sadd.s32 $0x800, s29;
	_ =	swait.ge [sflag:s24], $0x1000  }
0x8c: {  	s31 =	sshra.s32 s0, $0x2;
	[sflag:s24] =	ssyncset.done $0x0  }
0x8d: {  	s0 =	sadd.s32 $0x380, s31;
	[sflag:s24] =	ssyncadd.s32 $0xFFFFF000  }
0x8e: {  	[tilespmem:s21], [sflag:$0x4] =	stream.indirect.gather [hbm4b:s9+s15], $0x20, s0, s15, $0xb8;
	[tilespmem:$0x13400] =	vst v63  }
0x8f: {  	_ =	swait.ge [sflag:s22], $0x1000  }
0x90: {  	[sflag:s22] =	ssyncset.done $0x0  }
0x91: {  	s0 =	sadd.s32 $0x5400, s31;
	[sflag:s22] =	ssyncadd.s32 $0xFFFFF000  }
0x92: {  	[spmem:s3] =	stream.indirect.scatter.add.bf16 [tilespmem:s16], [sflag:$0x5], $0x20, s0, s15, $0xb8;
	[tilespmem:$0x13400] =	vst v63  }
0x93: {  	_ =	swait.ge [sflag:s23], $0x1000  }
0x94: {  	[sflag:s23] =	ssyncset.done $0x0  }
0x95: {  	s0 =	sadd.s32 $0x400, s31;
	[sflag:s23] =	ssyncadd.s32 $0xFFFFF000  }
0x96: {  	[tilespmem:s16], [sflag:$0x1] =	stream.indirect.gather [hbm4b:s9+s15], $0x20, s0, s15, $0xb8;
	[tilespmem:$0x13400] =	vst v63  }
0x97: {  	_ =	swait.ge [sflag:s25], $0x1000  }
0x98: {  	[sflag:s25] =	ssyncset.done $0x0  }
0x99: {  	s0 =	sadd.s32 $0x5480, s31;
	[sflag:s25] =	ssyncadd.s32 $0xFFFFF000  }
0x9a: {  	[spmem:s3] =	stream.indirect.scatter.add.bf16 [tilespmem:s17], [sflag:$0x6], $0x20, s0, s15, $0xb8;
	[tilespmem:$0x13400] =	vst v63  }
0x9b: {  	_ =	swait.ge [sflag:s28], $0x1000  }
0x9c: {  	[sflag:s28] =	ssyncset.done $0x0  }
0x9d: {  	s0 =	sadd.s32 $0x480, s31;
	[sflag:s28] =	ssyncadd.s32 $0xFFFFF000  }
0x9e: {  	[tilespmem:s17], [sflag:$0x2] =	stream.indirect.gather [hbm4b:s9+s15], $0x20, s0, s15, $0xb8;
	[tilespmem:$0x13400] =	vst v63  }
0x9f: {  	_ =	swait.ge [sflag:s30], $0x1000  }
0xa0: {  	[sflag:s30] =	ssyncset.done $0x0  }
0xa1: {  	s0 =	sadd.s32 $0x5500, s31;
	[sflag:s30] =	ssyncadd.s32 $0xFFFFF000  }
0xa2: {  	[spmem:s3] =	stream.indirect.scatter.add.bf16 [tilespmem:s19], [sflag:$0x7], $0x20, s0, s15, $0xb8;
	[tilespmem:$0x13400] =	vst v63  }
0xa3: {  	_ =	swait.ge [sflag:s2], $0x1000  }
0xa4: {  	[sflag:s2] =	ssyncset.done $0x0  }
.Ltmp3:
0xa5: {  	s0 =	sadd.s32 $0x500, s31;
	[sflag:s2] =	ssyncadd.s32 $0xFFFFF000;
	(pc) =	sbr.rel @p1 .LBB2_6-.Ltmp3, $4  }
0xa6: {  	[tilespmem:s19], [sflag:$0x3] =	stream.indirect.gather [hbm4b:s9+s15], $0x20, s0, s15, $0xb8;
	[tilespmem:$0x13400] =	vst v63  }
0xa7: {  	_ =	swait.ge [sflag:s18], $0x1000  }
0xa8: {  	[sflag:s18] =	ssyncset.done $0x0  }
0xa9: {  	s31 =	sadd.s32 $0x5580, s31;
	[sflag:s18] =	ssyncadd.s32 $0xFFFFF000  }
.Ltmp4:
0xaa: {  	_ = 	snop;
	(pc) =	sbr.rel .LBB2_7-.Ltmp4, $1  }
0xab: {  	_ =	sdelay $0x3  }
.LBB2_2:
0xac: {  	s29 =	simm.s32 $0x0  }
0xad: {  	[tilespmem:s16], [sflag:$0x1] =	stream.indirect.gather [hbm4b:s1+s15], $0x20, s29, s15, $0xb8;
	[tilespmem:$0x13400] =	vst v63  }
0xae: {  	_ = 	snop  }
0xaf: {  	[tilespmem:s17], [sflag:$0x2] =	stream.indirect.gather [hbm4b:s1+s15], $0x20, s15, s15, $0xb8;
	[tilespmem:$0x13400] =	vst v63  }
0xb0: {  	s0 =	simm.s32 $0x100  }
0xb1: {  	[tilespmem:s19], [sflag:$0x3] =	stream.indirect.gather [hbm4b:s1+s15], $0x20, s0, s15, $0xb8;
	[tilespmem:$0x13400] =	vst v63  }
0xb2: {  	s0 =	simm.s32 $0x180  }
0xb3: {  	[tilespmem:s21], [sflag:$0x4] =	stream.indirect.gather [hbm4b:s1+s15], $0x20, s0, s15, $0xb8;
	[tilespmem:$0x13400] =	vst v63  }
0xb4: {  	_ =	swait.ge [sflag:s22], $0x1000  }
0xb5: {  	[sflag:s22] =	ssyncset.done $0x0  }
0xb6: {  	[sflag:s22] =	ssyncadd.s32 $0xFFFFF000  }
0xb7: {  	[spmem:s3] =	stream.indirect.scatter.add.bf16 [tilespmem:s16], [sflag:$0x5], $0x20, s14, s15, $0xb8;
	[tilespmem:$0x13400] =	vst v63  }
0xb8: {  	_ =	swait.ge [sflag:s23], $0x1000  }
0xb9: {  	[sflag:s23] =	ssyncset.done $0x0  }
0xba: {  	s0 =	simm.s32 $0x200;
	[sflag:s23] =	ssyncadd.s32 $0xFFFFF000  }
0xbb: {  	[tilespmem:s16], [sflag:$0x1] =	stream.indirect.gather [hbm4b:s1+s15], $0x20, s0, s15, $0xb8;
	[tilespmem:$0x13400] =	vst v63  }
0xbc: {  	_ =	swait.ge [sflag:s25], $0x1000  }
0xbd: {  	[sflag:s25] =	ssyncset.done $0x0  }
0xbe: {  	s0 =	simm.s32 $0x5280;
	[sflag:s25] =	ssyncadd.s32 $0xFFFFF000  }
0xbf: {  	[spmem:s3] =	stream.indirect.scatter.add.bf16 [tilespmem:s17], [sflag:$0x6], $0x20, s0, s15, $0xb8;
	[tilespmem:$0x13400] =	vst v63  }
0xc0: {  	_ =	swait.ge [sflag:s28], $0x1000  }
0xc1: {  	[sflag:s28] =	ssyncset.done $0x0  }
0xc2: {  	s0 =	simm.s32 $0x280;
	[sflag:s28] =	ssyncadd.s32 $0xFFFFF000  }
0xc3: {  	[tilespmem:s17], [sflag:$0x2] =	stream.indirect.gather [hbm4b:s1+s15], $0x20, s0, s15, $0xb8;
	[tilespmem:$0x13400] =	vst v63  }
0xc4: {  	_ =	swait.ge [sflag:s30], $0x1000  }
0xc5: {  	[sflag:s30] =	ssyncset.done $0x0  }
0xc6: {  	s0 =	simm.s32 $0x5300;
	[sflag:s30] =	ssyncadd.s32 $0xFFFFF000  }
0xc7: {  	[spmem:s3] =	stream.indirect.scatter.add.bf16 [tilespmem:s19], [sflag:$0x7], $0x20, s0, s15, $0xb8;
	[tilespmem:$0x13400] =	vst v63  }
0xc8: {  	_ =	swait.ge [sflag:s2], $0x1000  }
0xc9: {  	[sflag:s2] =	ssyncset.done $0x0  }
0xca: {  	s0 =	simm.s32 $0x300;
	[sflag:s2] =	ssyncadd.s32 $0xFFFFF000  }
0xcb: {  	[tilespmem:s19], [sflag:$0x3] =	stream.indirect.gather [hbm4b:s1+s15], $0x20, s0, s15, $0xb8;
	[tilespmem:$0x13400] =	vst v63  }
0xcc: {  	_ =	swait.ge [sflag:s18], $0x1000  }
0xcd: {  	[sflag:s18] =	ssyncset.done $0x0  }
0xce: {  	s0 =	simm.s32 $0x5380;
	[sflag:s18] =	ssyncadd.s32 $0xFFFFF000  }
0xcf: {  	[spmem:s3] =	stream.indirect.scatter.add.bf16 [tilespmem:s21], [sflag:$0x8], $0x20, s0, s15, $0xb8;
	[tilespmem:$0x13400] =	vst v63  }
0xd0: {  	_ =	swait.ge [sflag:s24], $0x1000  }
0xd1: {  	[sflag:s24] =	ssyncset.done $0x0  }
0xd2: {  	s29 =	simm.s32 $0x380;
	[sflag:s24] =	ssyncadd.s32 $0xFFFFF000  }
0xd3: {  	[tilespmem:s21], [sflag:$0x4] =	stream.indirect.gather [hbm4b:s1+s15], $0x20, s29, s15, $0xb8;
	[tilespmem:$0x13400] =	vst v63  }
0xd4: {  	_ =	swait.ge [sflag:s22], $0x1000  }
0xd5: {  	[sflag:s22] =	ssyncset.done $0x0  }
0xd6: {  	s29 =	simm.s32 $0x5400;
	[sflag:s22] =	ssyncadd.s32 $0xFFFFF000  }
0xd7: {  	[spmem:s3] =	stream.indirect.scatter.add.bf16 [tilespmem:s16], [sflag:$0x5], $0x20, s29, s15, $0xb8;
	[tilespmem:$0x13400] =	vst v63  }
0xd8: {  	_ =	swait.ge [sflag:s23], $0x1000  }
0xd9: {  	[sflag:s23] =	ssyncset.done $0x0  }
0xda: {  	s29 =	simm.s32 $0x400;
	[sflag:s23] =	ssyncadd.s32 $0xFFFFF000  }
0xdb: {  	[tilespmem:s16], [sflag:$0x1] =	stream.indirect.gather [hbm4b:s1+s15], $0x20, s29, s15, $0xb8;
	[tilespmem:$0x13400] =	vst v63  }
0xdc: {  	_ =	swait.ge [sflag:s25], $0x1000  }
0xdd: {  	[sflag:s25] =	ssyncset.done $0x0  }
0xde: {  	s29 =	simm.s32 $0x5480;
	[sflag:s25] =	ssyncadd.s32 $0xFFFFF000  }
0xdf: {  	[spmem:s3] =	stream.indirect.scatter.add.bf16 [tilespmem:s17], [sflag:$0x6], $0x20, s29, s15, $0xb8;
	[tilespmem:$0x13400] =	vst v63  }
0xe0: {  	_ =	swait.ge [sflag:s28], $0x1000  }
0xe1: {  	[sflag:s28] =	ssyncset.done $0x0  }
0xe2: {  	s29 =	simm.s32 $0x480;
	[sflag:s28] =	ssyncadd.s32 $0xFFFFF000  }
0xe3: {  	[tilespmem:s17], [sflag:$0x2] =	stream.indirect.gather [hbm4b:s1+s15], $0x20, s29, s15, $0xb8;
	[tilespmem:$0x13400] =	vst v63  }
0xe4: {  	_ =	swait.ge [sflag:s30], $0x1000  }
0xe5: {  	[sflag:s30] =	ssyncset.done $0x0  }
0xe6: {  	s29 =	simm.s32 $0x5500;
	[sflag:s30] =	ssyncadd.s32 $0xFFFFF000  }
0xe7: {  	[spmem:s3] =	stream.indirect.scatter.add.bf16 [tilespmem:s19], [sflag:$0x7], $0x20, s29, s15, $0xb8;
	[tilespmem:$0x13400] =	vst v63  }
0xe8: {  	_ =	swait.ge [sflag:s2], $0x1000  }
0xe9: {  	[sflag:s2] =	ssyncset.done $0x0  }
0xea: {  	s29 =	simm.s32 $0x500;
	[sflag:s2] =	ssyncadd.s32 $0xFFFFF000  }
0xeb: {  	[tilespmem:s19], [sflag:$0x3] =	stream.indirect.gather [hbm4b:s1+s15], $0x20, s29, s15, $0xb8;
	[tilespmem:$0x13400] =	vst v63  }
0xec: {  	_ =	swait.ge [sflag:s18], $0x1000  }
0xed: {  	[sflag:s18] =	ssyncset.done $0x0  }
0xee: {  	s31 =	simm.s32 $0x5580;
	s29 =	simm.s32 $0x800;
	[sflag:s18] =	ssyncadd.s32 $0xFFFFF000  }
.LBB2_3:
0xef: {  	[spmem:s3] =	stream.indirect.scatter.add.bf16 [tilespmem:s21], [sflag:$0x8], $0x20, s31, s15, $0xb8;
	[tilespmem:$0x13400] =	vst v63  }
0xf0: {  	s31 =	smov.u32 s29  }
0xf1: {  	p1 =	seq.s32 s29, $0x13000;
	s29 =	sadd.s32 $0x800, s29;
	_ =	swait.ge [sflag:s24], $0x1000  }
0xf2: {  	s31 =	sshra.s32 s31, $0x2;
	[sflag:s24] =	ssyncset.done $0x0  }
0xf3: {  	s0 =	sadd.s32 $0x380, s31;
	[sflag:s24] =	ssyncadd.s32 $0xFFFFF000  }
0xf4: {  	[tilespmem:s21], [sflag:$0x4] =	stream.indirect.gather [hbm4b:s1+s15], $0x20, s0, s15, $0xb8;
	[tilespmem:$0x13400] =	vst v63  }
0xf5: {  	_ =	swait.ge [sflag:s22], $0x1000  }
0xf6: {  	[sflag:s22] =	ssyncset.done $0x0  }
0xf7: {  	s0 =	sadd.s32 $0x5400, s31;
	[sflag:s22] =	ssyncadd.s32 $0xFFFFF000  }
0xf8: {  	[spmem:s3] =	stream.indirect.scatter.add.bf16 [tilespmem:s16], [sflag:$0x5], $0x20, s0, s15, $0xb8;
	[tilespmem:$0x13400] =	vst v63  }
0xf9: {  	_ =	swait.ge [sflag:s23], $0x1000  }
0xfa: {  	[sflag:s23] =	ssyncset.done $0x0  }
0xfb: {  	s0 =	sadd.s32 $0x400, s31;
	[sflag:s23] =	ssyncadd.s32 $0xFFFFF000  }
0xfc: {  	[tilespmem:s16], [sflag:$0x1] =	stream.indirect.gather [hbm4b:s1+s15], $0x20, s0, s15, $0xb8;
	[tilespmem:$0x13400] =	vst v63  }
0xfd: {  	_ =	swait.ge [sflag:s25], $0x1000  }
0xfe: {  	[sflag:s25] =	ssyncset.done $0x0  }
0xff: {  	s0 =	sadd.s32 $0x5480, s31;
	[sflag:s25] =	ssyncadd.s32 $0xFFFFF000  }
0x100: {  	[spmem:s3] =	stream.indirect.scatter.add.bf16 [tilespmem:s17], [sflag:$0x6], $0x20, s0, s15, $0xb8;
	[tilespmem:$0x13400] =	vst v63  }
0x101: {  	_ =	swait.ge [sflag:s28], $0x1000  }
0x102: {  	[sflag:s28] =	ssyncset.done $0x0  }
0x103: {  	s0 =	sadd.s32 $0x480, s31;
	[sflag:s28] =	ssyncadd.s32 $0xFFFFF000  }
0x104: {  	[tilespmem:s17], [sflag:$0x2] =	stream.indirect.gather [hbm4b:s1+s15], $0x20, s0, s15, $0xb8;
	[tilespmem:$0x13400] =	vst v63  }
0x105: {  	_ =	swait.ge [sflag:s30], $0x1000  }
0x106: {  	[sflag:s30] =	ssyncset.done $0x0  }
0x107: {  	s0 =	sadd.s32 $0x5500, s31;
	[sflag:s30] =	ssyncadd.s32 $0xFFFFF000  }
0x108: {  	[spmem:s3] =	stream.indirect.scatter.add.bf16 [tilespmem:s19], [sflag:$0x7], $0x20, s0, s15, $0xb8;
	[tilespmem:$0x13400] =	vst v63  }
0x109: {  	_ =	swait.ge [sflag:s2], $0x1000  }
0x10a: {  	[sflag:s2] =	ssyncset.done $0x0  }
.Ltmp5:
0x10b: {  	s0 =	sadd.s32 $0x500, s31;
	[sflag:s2] =	ssyncadd.s32 $0xFFFFF000;
	(pc) =	sbr.rel @!p1 .LBB2_3-.Ltmp5, $4  }
0x10c: {  	[tilespmem:s19], [sflag:$0x3] =	stream.indirect.gather [hbm4b:s1+s15], $0x20, s0, s15, $0xb8;
	[tilespmem:$0x13400] =	vst v63  }
0x10d: {  	_ =	swait.ge [sflag:s18], $0x1000  }
0x10e: {  	[sflag:s18] =	ssyncset.done $0x0  }
0x10f: {  	s31 =	sadd.s32 $0x5580, s31;
	[sflag:s18] =	ssyncadd.s32 $0xFFFFF000  }
.Ltmp6:
0x110: {  	(pc) =	sbr.rel .LBB2_8-.Ltmp6, $3  }
0x111: {  	_ =	sdelay $0x1  }
0x112: {  	[spmem:s3] =	stream.indirect.scatter.add.bf16 [tilespmem:s21], [sflag:$0x8], $0x20, s31, s15, $0xb8;
	[tilespmem:$0x13400] =	vst v63  }
0x113: {  	s29 =	smov.u32 s1  }
.LBB2_9:
0x114: {  	_ =	sfence.sel $0x180000  }
0x115: {  	[bflag:$0x0] =	sbarrier.arrive $0xFFFF  }
0x116: {  	_ =	strace $0x9000004A  }
0x117: {  	s0 =	stileid.u32;
	[bflag:$0x2] =	sbarrier.arrive $0xFFFF  }
0x118: {  	p0 =	sne.s32 s0, $0x0;
	s0 =	rddreg [dreg:$0x3]  }
0x119: {  	s0 =	sadd.s32 @!p0 $0x100000, s0  }
0x11a: {  	[sflag:s0] =	ssyncadd.tile.s32 @!p0 $0x1;
	_ =	shalt  }
.Lfunc_end2:
_tile_overlayer_lowered:
.L_overlay_start_2:
0x11b: {  	(tag) =	ssettag $0x2  }
0x11c: {  	s0 =	rddreg [dreg:$0x0];
	s2 =	stileid.u32  }
0x11d: {  	s1 =	rddreg [dreg:$0x1];
	p0 =	sne.s32 s2, $0x0  }
0x11e: {  	s3 =	rddreg [dreg:$0x2];
	[bflag:$0x3] =	sbarrier.arrive $0xFFFF;
	s2 =	simm.s32 @!p0 $0x1C09  }
0x11f: {  	[timem:s3], [sflag:s2] =	dma.local @!p0 [hbm:s0], s1  }
0x120: {  	s0 =	simm.s32 @!p0 $0x9  }
0x121: {  	_ =	swait.ge @!p0 [sflag:s0], s1  }
0x122: {  	s1 =	ssub.s32 @!p0 $0x0, s1;
	[sflag:s0] =	ssyncset.done @!p0 $0x0  }
0x123: {  	[sflag:s0] =	ssyncadd.s32 @!p0 s1  }
0x124: {  	[bflag:$0x3] =	sbarrier.arrive $0xFFFF  }
0x125: {  	_ =	shalt  }

// kernel: kernel.14.cloned.1.call-start
scs
__scs_entry_jumppad:
0x0: {  	(pc) =	sbr.rel $0x88, $3  }
0x1: {  	(tag) =	ssettag $0x0;
	lr =	simm.s32 $0x1  }
0x2: {  	[smem:$0x3F9B] =	sst lr;
	_ =	strace $0xD0000000  }
0x3: {  	_ = 	snop  }
0x4: {  	_ = 	snop  }
0x5: {  	_ = 	snop  }
0x6: {  	_ = 	snop  }
0x7: {  	_ = 	snop  }
__scs_overlays_trampoline_lowered:
0x8: {  	[smem:$0x3FAA] =	sst s0  }
0x9: {  	[smem:$0x3FAB] =	sst s1  }
0xa: {  	[smem:$0x3FAC] =	sst s2  }
0xb: {  	[smem:$0x3FAD] =	sst s3  }
0xc: {  	[smem:$0x3FAE] =	sst s4  }
0xd: {  	[smem:$0x3FAF] =	sst s5  }
0xe: {  	[smem:$0x3FB0] =	sst s6  }
0xf: {  	[smem:$0x3FB1] =	sst s7  }
0x10: {  	[smem:$0x3FB2] =	sst s8  }
0x11: {  	[smem:$0x3FB3] =	sst s9;
	s0 =	simm.s32 @!p0 $0x0  }
0x12: {  	s1 =	sld [smem:$0x3F99];
	s0 =	simm.s32 @p0 $0x1  }
0x13: {  	[smem:$0x3FB4] =	sst s0;
	s0 =	simm.s32 @!p1 $0x0  }
0x14: {  	s2 =	sld [smem:$0x3F98];
	s0 =	simm.s32 @p1 $0x1  }
0x15: {  	[smem:$0x3FB5] =	sst s0;
	s0 =	simm.s32 @!p2 $0x0  }
0x16: {  	s3 =	sld [smem:$0x3FDB];
	s0 =	simm.s32 @p2 $0x1  }
0x17: {  	s4 =	simm.s32 $0x1BF5;
	[smem:$0x3FB7] =	sst s0  }
0x18: {  	s0 =	sld [smem:$0x3F9A];
	_ =	swait.ge [sflag:s4], $0x0  }
0x19: {  	s7 =	sld [smem:$0x3F9B]  }
0x1a: {  	s8 =	sadd.s32 $0xFFFFE003, lr  }
0x1b: {  	s9 =	sadd.s32 $0xFFFFFEF7, lr;
	s5 =	simm.s32 $0xFFFFFFFF;
	p2 =	slt.u32 s8, $0xFFFFF086  }
0x1c: {  	p1 =	slt.u32 s9, $0xF7A;
	s5 =	simm.s32 @!p2 $0x0  }
0x1d: {  	s5 =	simm.s32 @p1 $0x1;
	p0 =	seq.s32 s7, s2  }
0x1e: {  	s7 =	smul.u32 @!p0 $0xF7A, s2;
	p2 =	seq.s32 @!p0 s5, $0x0  }
0x1f: {  	s9 =	smul.u32 $0xF7A, s1;
	s8 =	simm.s32 @!p0 $0x1BF5;
	p2 =	por !p2, p0  }
0x20: {  	[sflag:s8] =	ssyncset.s32 @!p0 $0xFFFFF086;
	s6 =	sadd.s32 @!p0 s3, s7;
	s7 =	simm.s32 @!p0 $0x108  }
0x21: {  	s3 =	sadd.s32 s3, s9;
	s6 =	sadd.s32 @!p0 $0x88, s6;
	s7 =	simm.s32 @p2 $0x1082  }
0x22: {  	[simem:s7], [sflag:s8] =	dma.local @!p0 [hbm:s6], $0xF7A  }
0x23: {  	s9 =	sor.u32 $0xD0000000, s2;
	s6 =	simm.s32 $0x108;
	_ =	swait.ge @!p0 [sflag:s8], $0x0  }
0x24: {  	s3 =	sadd.s32 $0x88, s3;
	s6 =	simm.s32 @!p1 $0x1082;
	[sflag:s4] =	ssyncset.s32 $0xFFFFF086  }
0x25: {  	[simem:s6], [sflag:s4] =	dma.local [hbm:s3], $0xF7A  }
0x26: {  	[smem:$0x3F9B] =	sst s1;
	(tag) =	ssettag s2;
	_ =	strace s9  }
0x27: {  	s1 =	sld [smem:$0x3FAB]  }
0x28: {  	s2 =	sld [smem:$0x3FAC]  }
0x29: {  	s4 =	sld [smem:$0x3FAE]  }
0x2a: {  	p0 =	seq.s32 s5, $0x0;
	s5 =	sld [smem:$0x3FAF]  }
0x2b: {  	s6 =	sld [smem:$0x3FB0]  }
0x2c: {  	s7 =	sld [smem:$0x3FB1]  }
0x2d: {  	s3 =	simm.s32 $0x108;
	s8 =	sld [smem:$0x3FB2]  }
0x2e: {  	s3 =	simm.s32 @!p0 $0x1082;
	s9 =	sld [smem:$0x3FB3]  }
0x2f: {  	lr =	sadd.s32 s0, s3;
	s0 =	sld [smem:$0x3FAA]  }
0x30: {  	s3 =	sld [smem:$0x3FAD]  }
0x31: {  	[smem:$0x3FB6] =	sst s10  }
0x32: {  	s10 =	sld [smem:$0x3FB4];
	_ =	sdelay $0x3  }
0x33: {  	p0 =	seq.s32 s10, $0x1;
	s10 =	sld [smem:$0x3FB6];
	_ =	sdelay $0x3  }
0x34: {  	[smem:$0x3FB6] =	sst s10  }
0x35: {  	s10 =	sld [smem:$0x3FB5];
	_ =	sdelay $0x3  }
0x36: {  	p1 =	seq.s32 s10, $0x1;
	s10 =	sld [smem:$0x3FB6];
	_ =	sdelay $0x3  }
0x37: {  	[smem:$0x3FB6] =	sst s10  }
0x38: {  	s10 =	sld [smem:$0x3FB7]  }
0x39: {  	_ = 	snop;
	(pc) =	sbr.ind lr, $3  }
0x3a: {  	_ = 	snop  }
0x3b: {  	_ = 	snop  }
0x3c: {  	p2 =	seq.s32 s10, $0x1;
	s10 =	sld [smem:$0x3FB6]  }
0x3d: {  	_ =	shalt  }
0x3e: {  	_ =	shalt  }
0x3f: {  	_ =	shalt  }
0x40: {  	_ =	shalt  }
0x41: {  	_ =	shalt  }
0x42: {  	_ =	shalt  }
0x43: {  	_ =	shalt  }
0x44: {  	_ =	shalt  }
0x45: {  	_ =	shalt  }
0x46: {  	_ =	shalt  }
0x47: {  	_ =	shalt  }
0x48: {  	_ =	shalt  }
0x49: {  	_ =	shalt  }
0x4a: {  	_ =	shalt  }
0x4b: {  	_ =	shalt  }
0x4c: {  	_ =	shalt  }
0x4d: {  	_ =	shalt  }
0x4e: {  	_ =	shalt  }
0x4f: {  	_ =	shalt  }
0x50: {  	_ =	shalt  }
0x51: {  	_ =	shalt  }
0x52: {  	_ =	shalt  }
0x53: {  	_ =	shalt  }
0x54: {  	_ =	shalt  }
0x55: {  	_ =	shalt  }
0x56: {  	_ =	shalt  }
0x57: {  	_ =	shalt  }
0x58: {  	_ =	shalt  }
0x59: {  	_ =	shalt  }
0x5a: {  	_ =	shalt  }
0x5b: {  	_ =	shalt  }
0x5c: {  	_ =	shalt  }
0x5d: {  	_ =	shalt  }
0x5e: {  	_ =	shalt  }
0x5f: {  	_ =	shalt  }
0x60: {  	_ =	shalt  }
0x61: {  	_ =	shalt  }
0x62: {  	_ =	shalt  }
0x63: {  	_ =	shalt  }
0x64: {  	_ =	shalt  }
0x65: {  	_ =	shalt  }
0x66: {  	_ =	shalt  }
0x67: {  	_ =	shalt  }
0x68: {  	_ =	shalt  }
0x69: {  	_ =	shalt  }
0x6a: {  	_ =	shalt  }
0x6b: {  	_ =	shalt  }
0x6c: {  	_ =	shalt  }
0x6d: {  	_ =	shalt  }
0x6e: {  	_ =	shalt  }
0x6f: {  	_ =	shalt  }
0x70: {  	_ =	shalt  }
0x71: {  	_ =	shalt  }
0x72: {  	_ =	shalt  }
0x73: {  	_ =	shalt  }
0x74: {  	_ =	shalt  }
0x75: {  	_ =	shalt  }
0x76: {  	_ =	shalt  }
0x77: {  	_ =	shalt  }
0x78: {  	_ =	shalt  }
0x79: {  	_ =	shalt  }
0x7a: {  	_ =	shalt  }
0x7b: {  	_ =	shalt  }
0x7c: {  	_ =	shalt  }
0x7d: {  	_ =	shalt  }
0x7e: {  	_ =	shalt  }
0x7f: {  	_ =	shalt  }
0x80: {  	_ =	shalt  }
0x81: {  	_ =	shalt  }
0x82: {  	_ =	shalt  }
0x83: {  	_ =	shalt  }
0x84: {  	_ =	shalt  }
0x85: {  	_ =	shalt  }
0x86: {  	_ =	shalt  }
0x87: {  	_ =	shalt  }
.Lfunc_end0:
.L_simem_size_0:
called_computation.2_lowered:
.L_overlay_start_0:
0x88: {  	s2 =	sld [smem:$0x3FD9]  }
0x89: {  	s3 =	sld [smem:$0x3FFE];
	_ =	sdelay $0x1  }
0x8a: {  	s1 =	srdreg.scid  }
0x8b: {  	s0 =	sand.u32 $0x1, s1  }
0x8c: {  	s17 =	sshll.u32 s0, $0xA;
	s2 =	sadd.s32 s3, s2  }
0x8d: {  	s2 =	sadd.s32 s2, s17  }
0x8e: {  	[smem:$0x3FC2] =	sst s2  }
0x8f: {  	_ = 	snop  }
0x90: {  	s2 =	sld [smem:$0x3FD0];
	(tm) =	ssettm $0x1  }
0x91: {  	s18 =	sld [smem:$0x3FFB];
	_ =	sdelay $0x3  }
0x92: {  	_ =	strace s18  }
0x93: {  	s3 =	sld [smem:$0x3FFC];
	_ =	sdelay $0x3  }
0x94: {  	_ =	strace s3  }
0x95: {  	s3 =	sld [smem:$0x3FFD];
	_ =	sdelay $0x3  }
0x96: {  	_ =	strace s3  }
0x97: {  	_ =	strace $0x8FFFFFFF  }
0x98: {  	s19 =	sld [smem:$0x3FDB];
	_ =	sdelay $0x1  }
0x99: {  	s4 =	simm.s32 $_scs_section_size  }
0x9a: {  	s5 =	simm.s32 $_size__tile_overlayer_lowered;
	s6 =	simm.s32 $_tile_overlayer_lowered  }
0x9b: {  	s22 =	simm.s32 $0x1BFF;
	s21 =	sshll.u32 s6, $0x1;
	s3 =	sadd.s32 s4, s19  }
0x9c: {  	s7 =	simm.s32 $0x0;
	s20 =	sshll.u32 s5, $0x1;
	s5 =	sadd.s32 s21, s3  }
0x9d: {  	[timem:s7], [sflag:s22] =	dma.local [hbm:s5], s20  }
0x9e: {  	_ =	swait.ge [sflag:s22], s20  }
0x9f: {  	s4 =	ssub.s32 $0x0, s20;
	[sflag:s22] =	ssyncset.done $0x0  }
0xa0: {  	[sflag:s22] =	ssyncadd.s32 s4;
	_ =	sdelay $0x1  }
0xa1: {  	s23 =	simm.s32 $0x1B8B  }
0xa2: {  	_ =	swait.ge [sflag:s23], $0x1  }
0xa3: {  	[sflag:s23] =	ssyncset.done $0x0  }
0xa4: {  	s25 =	simm.s32 $0x1B8E;
	s24 =	sld [smem:$0x3FFE];
	[sflag:s23] =	ssyncadd.s32 $0xFFFFFFFF  }
0xa5: {  	s26 =	simm.s32 $execute0_lowered;
	[smem:$0x3FD2] =	sst s25  }
0xa6: {  	s5 =	sshll.u32 s26, $0x1;
	_ =	strace $0x8000004C;
	[dreg:$0x1] =	wrdreg $0xFFFFFFFF  }
0xa7: {  	s28 =	simm.s32 $_size_execute0_lowered;
	s3 =	sadd.s32 s3, s5;
	[dreg:$0x0] =	wrdreg $0x0  }
0xa8: {  	s5 =	sshll.u32 s28, $0x1;
	[dreg:$0x2] =	wrdreg s3  }
0xa9: {  	[dreg:$0x3] =	wrdreg s5  }
0xaa: {  	[dreg:$0x4] =	wrdreg $0xC0  }
0xab: {  	_ =	task [dreg:s7], $0x5FFFF  }
0xac: {  	[dreg:$0x1] =	wrdreg $0xFFFFFFFF  }
0xad: {  	[dreg:$0x0] =	wrdreg $0x60  }
0xae: {  	[dreg:$0x2] =	wrdreg s2  }
0xaf: {  	[dreg:$0x3] =	wrdreg s24  }
0xb0: {  	[dreg:$0x4] =	wrdreg $0xE4000  }
0xb1: {  	[dreg:$0x5] =	wrdreg $0x9  }
0xb2: {  	_ =	task.clear_ibuf [dreg:s7], $0x6FFFF;
	_ =	strace $0x9000004C  }
0xb3: {  	s29 =	simm.s32 $0x9;
	_ =	strace $0x8000004E  }
0xb4: {  	_ =	swait.ge [sflag:s29], $0x1  }
0xb5: {  	[sflag:s29] =	ssyncadd.s32 $0xFFFFFFFF  }
0xb6: {  	_ =	strace $0x9000004E  }
0xb7: {  	_ =	sfence  }
0xb8: {  	s30 =	sld [smem:$0x0];
	_ =	sdelay $0x2  }
0xb9: {  	s31 =	sshll.u32 s1, $0xD;
	s1 =	sshrl.u32 s1, $0x2  }
0xba: {  	s3 =	sand.u32 $0x4000, s31;
	s1 =	sadd.s32 s1, s30  }
0xbb: {  	s0 =	sor.u32 s3, s0;
	s1 =	sshll.u32 s1, $0x11  }
0xbc: {  	s0 =	sor.u32 s1, s0  }
0xbd: {  	s0 =	sadd.s32 $0x8F2B, s0  }
0xbe: {  	[sflag:s0] =	ssyncadd.remote.s32 $0x1  }
0xbf: {  	_ =	sfence.sel $0xFFFF  }
0xc0: {  	[dreg:$0x0] =	wrdreg $0xFFFFFFFF;
	(pc) =	sbr.abs _section_cstart, $3  }
0xc1: {  	[dreg:$0x1] =	wrdreg $0xFFFFFFFF  }
0xc2: {  	_ =	task.clear_ibuf [dreg:s7], $0x2FFFF;
	_ =	strace $0x9FFFFFFF  }
0xc3: {  	(tm) =	ssettm $0x7FFFFFFF  }
tec
execute0_lowered:
.L_overlay_start_1:
0x0: {  	(tag) =	ssettag $0x1  }
0x1: {  	s1 =	rddreg [dreg:$0x0];
	s10 =	stileid.u32  }
0x2: {  	s0 =	srdreg.scid;
	s2 =	rddreg [dreg:$0x1]  }
0x3: {  	s3 =	rddreg [dreg:$0x2];
	s4 =	simm.s32 $0x0;
	s13 =	simm.s32 $0x9  }
0x4: {  	s14 =	simm.s32 $0x5200;
	s15 =	simm.s32 $0x80;
	s16 =	simm.s32 $0xA400  }
0x5: {  	s17 =	simm.s32 $0xB400;
	s19 =	simm.s32 $0xC400;
	s21 =	simm.s32 $0xD400  }
0x6: {  	s22 =	simm.s32 $0x1;
	s23 =	simm.s32 $0x5;
	s25 =	simm.s32 $0x2  }
0x7: {  	s28 =	simm.s32 $0x6;
	s30 =	simm.s32 $0x3;
	s18 =	simm.s32 $0x4  }
0x8: {  	s24 =	simm.s32 $0x8;
	s20 =	simm.s32 $0xA380;
	s6 =	smul.u32 $0xA000, s10  }
0x9: {  	s26 =	simm.s32 $0x0;
	s0 =	sand.u32 $0x1, s0;
	s7 =	smul.u32 $0xA40, s10  }
0xa: {  	[smem:$0x7FF] =	sst s4;
	s10 =	sshll.u32 s10, $0x6;
	s5 =	smul.u32 $0xA0000, s0  }
0xb: {  	_ =	strace $0x8000004D;
	s31 =	ssub.s32 $0x2, s0;
	p0 =	seq.s32 s0, $0x1  }
0xc: {  	s8 =	sadd.s32 s7, s2;
	s9 =	sshrl.u32 s31, $0x1;
	s5 =	sadd.s32 s6, s5  }
.Ltmp0:
0xd: {  	s6 =	sshrl.u32 s6, $0x1;
	s11 =	ssub.s32 s31, s9;
	(pc) =	sbr.rel .LBB2_1-.Ltmp0, $4  }
0xe: {  	s7 =	sadd.s32 $0xCC00, s8;
	s8 =	sadd.s32 $0x1E00, s8;
	s9 =	sadd.s32 $0xA000, s1  }
0xf: {  	s29 =	sshrl.u32 s5, $0x4;
	s5 =	sadd.s32 $0xC200, s2;
	s12 =	sadd.s32 s6, s3  }
0x10: {  	s6 =	sor.u32 $0x1C09, s10;
	s11 =	smax.u32 s11, $0x1;
	s2 =	sadd.s32 s29, s2  }
0x11: {  	s12 =	sshrl.u32 s12, $0x3;
	s10 =	sadd.s32 $0x17000, s2;
	s2 =	simm.s32 $0x7  }
.LBB2_7:
0x12: {  	[spmem:s3] =	stream.indirect.scatter.add.bf16 [tilespmem:s21], [sflag:$0x8], $0x20, s31, s15, $0xb8;
	[tilespmem:$0x13400] =	vst v63  }
0x13: {  	s29 =	smov.u32 s9  }
.LBB2_8:
0x14: {  	_ =	swait.ge [sflag:s24], $0x1000  }
0x15: {  	[sflag:s24] =	ssyncset.done $0x0  }
0x16: {  	s0 =	simm.s32 $0x5180;
	[sflag:s24] =	ssyncadd.s32 $0xFFFFF000  }
0x17: {  	[tilespmem:s21], [sflag:$0x4] =	stream.indirect.gather [hbm4b:s29+s15], $0x20, s0, s15, $0xb8;
	[tilespmem:$0x13400] =	vst v63  }
0x18: {  	_ =	swait.ge [sflag:s22], $0x1000  }
0x19: {  	[sflag:s22] =	ssyncset.done $0x0  }
0x1a: {  	s31 =	simm.s32 $0xA200;
	[sflag:s22] =	ssyncadd.s32 $0xFFFFF000  }
0x1b: {  	[spmem:s3] =	stream.indirect.scatter.add.bf16 [tilespmem:s16], [sflag:$0x5], $0x20, s31, s15, $0xb8;
	[tilespmem:$0x13400] =	vst v63  }
0x1c: {  	_ =	swait.ge [sflag:s25], $0x1000  }
0x1d: {  	[sflag:s25] =	ssyncset.done $0x0  }
0x1e: {  	s29 =	simm.s32 $0xA280;
	[sflag:s25] =	ssyncadd.s32 $0xFFFFF000  }
0x1f: {  	[spmem:s3] =	stream.indirect.scatter.add.bf16 [tilespmem:s17], [sflag:$0x6], $0x20, s29, s15, $0xb8;
	[tilespmem:$0x13400] =	vst v63  }
0x20: {  	_ =	swait.ge [sflag:s30], $0x1000  }
0x21: {  	[sflag:s30] =	ssyncset.done $0x0  }
0x22: {  	s31 =	simm.s32 $0xA300;
	[sflag:s30] =	ssyncadd.s32 $0xFFFFF000  }
0x23: {  	[spmem:s3] =	stream.indirect.scatter.add.bf16 [tilespmem:s19], [sflag:$0x7], $0x20, s31, s15, $0xb8;
	[tilespmem:$0x13400] =	vst v63  }
0x24: {  	_ =	swait.ge [sflag:s18], $0x1000  }
0x25: {  	[sflag:s18] =	ssyncset.done $0x0  }
0x26: {  	[sflag:s18] =	ssyncadd.s32 $0xFFFFF000  }
0x27: {  	[spmem:s3] =	stream.indirect.scatter.add.bf16 [tilespmem:s21], [sflag:$0x8], $0x20, s20, s15, $0xb8;
	[tilespmem:$0x13400] =	vst v63  }
0x28: {  	_ =	swait.ge [sflag:s23], $0x1000  }
0x29: {  	[sflag:s23] =	ssyncset.done $0x0  }
0x2a: {  	[sflag:s23] =	ssyncadd.s32 $0xFFFFF000  }
0x2b: {  	_ =	swait.ge [sflag:s28], $0x1000  }
0x2c: {  	[sflag:s28] =	ssyncset.done $0x0  }
0x2d: {  	[sflag:s28] =	ssyncadd.s32 $0xFFFFF000  }
0x2e: {  	_ =	swait.ge [sflag:s2], $0x1000  }
0x2f: {  	[sflag:s2] =	ssyncset.done $0x0  }
0x30: {  	[sflag:s2] =	ssyncadd.s32 $0xFFFFF000  }
0x31: {  	_ =	swait.ge [sflag:s24], $0x1000  }
0x32: {  	s26 =	sadd.s32 $0x1, s26;
	[sflag:s24] =	ssyncset.done $0x0  }
0x33: {  	p1 =	sne.s32 s26, s11;
	[sflag:s24] =	ssyncadd.s32 $0xFFFFF000  }
.Ltmp1:
0x34: {  	[bflag:$0x0] =	sbarrier.arrive $0xFFFF;
	(pc) =	sbr.rel @!p1 .LBB2_9-.Ltmp1, $4  }
0x35: {  	[hbm:s10], [sflag:s6] =	dma.local [spmem:s12], $0xA00  }
0x36: {  	_ =	swait.ge [sflag:s13], $0xA00  }
0x37: {  	[sflag:s13] =	ssyncset.done $0x0  }
0x38: {  	[sflag:s13] =	ssyncadd.s32 $0xFFFFF600  }
.LBB2_1:
0x39: {  	[spmem:s12], [sflag:s6] =	dma.local [hbm:s5], $0xA00  }
0x3a: {  	_ =	swait.ge [sflag:s13], $0xA00  }
0x3b: {  	[sflag:s13] =	ssyncset.done $0x0  }
0x3c: {  	[sflag:s13] =	ssyncadd.s32 $0xFFFFF600  }
0x3d: {  	[tilespmem:s4], [sflag:$0x9] =	stream.linear.gather [hbm4b:s7+s4], $0x5200, $0x38;
	[tilespmem:$0x13400] =	vst v63  }
0x3e: {  	_ =	swait.ge [sflag:s13], $0x5200  }
0x3f: {  	[sflag:s13] =	ssyncset.done $0x0  }
0x40: {  	[sflag:s13] =	ssyncadd.s32 $0xFFFFAE00  }
0x41: {  	[tilespmem:s14], [sflag:$0x9] =	stream.linear.gather [hbm4b:s8+s4], $0x5200, $0x38;
	[tilespmem:$0x13400] =	vst v63  }
.Ltmp2:
0x42: {  	_ =	swait.ge [sflag:s13], $0x5200;
	(pc) =	sbr.rel @!p0 .LBB2_2-.Ltmp2, $3  }
0x43: {  	[sflag:s13] =	ssyncset.done $0x0  }
0x44: {  	[sflag:s13] =	ssyncadd.s32 $0xFFFFAE00  }
0x45: {  	[bflag:$0x0] =	sbarrier.arrive $0xFFFF;
	_ =	sdelay $0x1  }
0x46: {  	s0 =	simm.s32 $0x0  }
0x47: {  	[tilespmem:s16], [sflag:$0x1] =	stream.indirect.gather [hbm4b:s9+s15], $0x20, s0, s15, $0xb8;
	[tilespmem:$0x13400] =	vst v63  }
0x48: {  	_ = 	snop  }
0x49: {  	[tilespmem:s17], [sflag:$0x2] =	stream.indirect.gather [hbm4b:s9+s15], $0x20, s15, s15, $0xb8;
	[tilespmem:$0x13400] =	vst v63  }
0x4a: {  	s0 =	simm.s32 $0x100  }
0x4b: {  	[tilespmem:s19], [sflag:$0x3] =	stream.indirect.gather [hbm4b:s9+s15], $0x20, s0, s15, $0xb8;
	[tilespmem:$0x13400] =	vst v63  }
0x4c: {  	s0 =	simm.s32 $0x180  }
0x4d: {  	[tilespmem:s21], [sflag:$0x4] =	stream.indirect.gather [hbm4b:s9+s15], $0x20, s0, s15, $0xb8;
	[tilespmem:$0x13400] =	vst v63  }
0x4e: {  	_ =	swait.ge [sflag:s22], $0x1000  }
0x4f: {  	[sflag:s22] =	ssyncset.done $0x0  }
0x50: {  	[sflag:s22] =	ssyncadd.s32 $0xFFFFF000  }
0x51: {  	[spmem:s3] =	stream.indirect.scatter.add.bf16 [tilespmem:s16], [sflag:$0x5], $0x20, s14, s15, $0xb8;
	[tilespmem:$0x13400] =	vst v63  }
0x52: {  	_ =	swait.ge [sflag:s23], $0x1000  }
0x53: {  	[sflag:s23] =	ssyncset.done $0x0  }
0x54: {  	s0 =	simm.s32 $0x200;
	[sflag:s23] =	ssyncadd.s32 $0xFFFFF000  }
0x55: {  	[tilespmem:s16], [sflag:$0x1] =	stream.indirect.gather [hbm4b:s9+s15], $0x20, s0, s15, $0xb8;
	[tilespmem:$0x13400] =	vst v63  }
0x56: {  	_ =	swait.ge [sflag:s25], $0x1000  }
0x57: {  	[sflag:s25] =	ssyncset.done $0x0  }
0x58: {  	s0 =	simm.s32 $0x5280;
	[sflag:s25] =	ssyncadd.s32 $0xFFFFF000  }
0x59: {  	[spmem:s3] =	stream.indirect.scatter.add.bf16 [tilespmem:s17], [sflag:$0x6], $0x20, s0, s15, $0xb8;
	[tilespmem:$0x13400] =	vst v63  }
0x5a: {  	_ =	swait.ge [sflag:s28], $0x1000  }
0x5b: {  	[sflag:s28] =	ssyncset.done $0x0  }
0x5c: {  	s0 =	simm.s32 $0x280;
	[sflag:s28] =	ssyncadd.s32 $0xFFFFF000  }
0x5d: {  	[tilespmem:s17], [sflag:$0x2] =	stream.indirect.gather [hbm4b:s9+s15], $0x20, s0, s15, $0xb8;
	[tilespmem:$0x13400] =	vst v63  }
0x5e: {  	_ =	swait.ge [sflag:s30], $0x1000  }
0x5f: {  	[sflag:s30] =	ssyncset.done $0x0  }
0x60: {  	s0 =	simm.s32 $0x5300;
	[sflag:s30] =	ssyncadd.s32 $0xFFFFF000  }
0x61: {  	[spmem:s3] =	stream.indirect.scatter.add.bf16 [tilespmem:s19], [sflag:$0x7], $0x20, s0, s15, $0xb8;
	[tilespmem:$0x13400] =	vst v63  }
0x62: {  	_ =	swait.ge [sflag:s2], $0x1000  }
0x63: {  	[sflag:s2] =	ssyncset.done $0x0  }
0x64: {  	s0 =	simm.s32 $0x300;
	[sflag:s2] =	ssyncadd.s32 $0xFFFFF000  }
0x65: {  	[tilespmem:s19], [sflag:$0x3] =	stream.indirect.gather [hbm4b:s9+s15], $0x20, s0, s15, $0xb8;
	[tilespmem:$0x13400] =	vst v63  }
0x66: {  	_ =	swait.ge [sflag:s18], $0x1000  }
0x67: {  	[sflag:s18] =	ssyncset.done $0x0  }
0x68: {  	s0 =	simm.s32 $0x5380;
	[sflag:s18] =	ssyncadd.s32 $0xFFFFF000  }
0x69: {  	[spmem:s3] =	stream.indirect.scatter.add.bf16 [tilespmem:s21], [sflag:$0x8], $0x20, s0, s15, $0xb8;
	[tilespmem:$0x13400] =	vst v63  }
0x6a: {  	_ =	swait.ge [sflag:s24], $0x1000  }
0x6b: {  	[sflag:s24] =	ssyncset.done $0x0  }
0x6c: {  	s0 =	simm.s32 $0x380;
	[sflag:s24] =	ssyncadd.s32 $0xFFFFF000  }
0x6d: {  	[tilespmem:s21], [sflag:$0x4] =	stream.indirect.gather [hbm4b:s9+s15], $0x20, s0, s15, $0xb8;
	[tilespmem:$0x13400] =	vst v63  }
0x6e: {  	_ =	swait.ge [sflag:s22], $0x1000  }
0x6f: {  	[sflag:s22] =	ssyncset.done $0x0  }
0x70: {  	s0 =	simm.s32 $0x5400;
	[sflag:s22] =	ssyncadd.s32 $0xFFFFF000  }
0x71: {  	[spmem:s3] =	stream.indirect.scatter.add.bf16 [tilespmem:s16], [sflag:$0x5], $0x20, s0, s15, $0xb8;
	[tilespmem:$0x13400] =	vst v63  }
0x72: {  	_ =	swait.ge [sflag:s23], $0x1000  }
0x73: {  	[sflag:s23] =	ssyncset.done $0x0  }
0x74: {  	s0 =	simm.s32 $0x400;
	[sflag:s23] =	ssyncadd.s32 $0xFFFFF000  }
0x75: {  	[tilespmem:s16], [sflag:$0x1] =	stream.indirect.gather [hbm4b:s9+s15], $0x20, s0, s15, $0xb8;
	[tilespmem:$0x13400] =	vst v63  }
0x76: {  	_ =	swait.ge [sflag:s25], $0x1000  }
0x77: {  	[sflag:s25] =	ssyncset.done $0x0  }
0x78: {  	s0 =	simm.s32 $0x5480;
	[sflag:s25] =	ssyncadd.s32 $0xFFFFF000  }
0x79: {  	[spmem:s3] =	stream.indirect.scatter.add.bf16 [tilespmem:s17], [sflag:$0x6], $0x20, s0, s15, $0xb8;
	[tilespmem:$0x13400] =	vst v63  }
0x7a: {  	_ =	swait.ge [sflag:s28], $0x1000  }
0x7b: {  	[sflag:s28] =	ssyncset.done $0x0  }
0x7c: {  	s0 =	simm.s32 $0x480;
	[sflag:s28] =	ssyncadd.s32 $0xFFFFF000  }
0x7d: {  	[tilespmem:s17], [sflag:$0x2] =	stream.indirect.gather [hbm4b:s9+s15], $0x20, s0, s15, $0xb8;
	[tilespmem:$0x13400] =	vst v63  }
0x7e: {  	_ =	swait.ge [sflag:s30], $0x1000  }
0x7f: {  	[sflag:s30] =	ssyncset.done $0x0  }
0x80: {  	s0 =	simm.s32 $0x5500;
	[sflag:s30] =	ssyncadd.s32 $0xFFFFF000  }
0x81: {  	[spmem:s3] =	stream.indirect.scatter.add.bf16 [tilespmem:s19], [sflag:$0x7], $0x20, s0, s15, $0xb8;
	[tilespmem:$0x13400] =	vst v63  }
0x82: {  	_ =	swait.ge [sflag:s2], $0x1000  }
0x83: {  	[sflag:s2] =	ssyncset.done $0x0  }
0x84: {  	s0 =	simm.s32 $0x500;
	[sflag:s2] =	ssyncadd.s32 $0xFFFFF000  }
0x85: {  	[tilespmem:s19], [sflag:$0x3] =	stream.indirect.gather [hbm4b:s9+s15], $0x20, s0, s15, $0xb8;
	[tilespmem:$0x13400] =	vst v63  }
0x86: {  	_ =	swait.ge [sflag:s18], $0x1000  }
0x87: {  	[sflag:s18] =	ssyncset.done $0x0  }
0x88: {  	s29 =	simm.s32 $0x800;
	s31 =	simm.s32 $0x5580;
	[sflag:s18] =	ssyncadd.s32 $0xFFFFF000  }
.LBB2_6:
0x89: {  	[spmem:s3] =	stream.indirect.scatter.add.bf16 [tilespmem:s21], [sflag:$0x8], $0x20, s31, s15, $0xb8;
	[tilespmem:$0x13400] =	vst v63  }
0x8a: {  	s0 =	smov.u32 s29  }
0x8b: {  	p1 =	sne.s32 s29, $0x13000;
	s29 =	sadd.s32 $0x800, s29;
	_ =	swait.ge [sflag:s24], $0x1000  }
0x8c: {  	s31 =	sshra.s32 s0, $0x2;
	[sflag:s24] =	ssyncset.done $0x0  }
0x8d: {  	s0 =	sadd.s32 $0x380, s31;
	[sflag:s24] =	ssyncadd.s32 $0xFFFFF000  }
0x8e: {  	[tilespmem:s21], [sflag:$0x4] =	stream.indirect.gather [hbm4b:s9+s15], $0x20, s0, s15, $0xb8;
	[tilespmem:$0x13400] =	vst v63  }
0x8f: {  	_ =	swait.ge [sflag:s22], $0x1000  }
0x90: {  	[sflag:s22] =	ssyncset.done $0x0  }
0x91: {  	s0 =	sadd.s32 $0x5400, s31;
	[sflag:s22] =	ssyncadd.s32 $0xFFFFF000  }
0x92: {  	[spmem:s3] =	stream.indirect.scatter.add.bf16 [tilespmem:s16], [sflag:$0x5], $0x20, s0, s15, $0xb8;
	[tilespmem:$0x13400] =	vst v63  }
0x93: {  	_ =	swait.ge [sflag:s23], $0x1000  }
0x94: {  	[sflag:s23] =	ssyncset.done $0x0  }
0x95: {  	s0 =	sadd.s32 $0x400, s31;
	[sflag:s23] =	ssyncadd.s32 $0xFFFFF000  }
0x96: {  	[tilespmem:s16], [sflag:$0x1] =	stream.indirect.gather [hbm4b:s9+s15], $0x20, s0, s15, $0xb8;
	[tilespmem:$0x13400] =	vst v63  }
0x97: {  	_ =	swait.ge [sflag:s25], $0x1000  }
0x98: {  	[sflag:s25] =	ssyncset.done $0x0  }
0x99: {  	s0 =	sadd.s32 $0x5480, s31;
	[sflag:s25] =	ssyncadd.s32 $0xFFFFF000  }
0x9a: {  	[spmem:s3] =	stream.indirect.scatter.add.bf16 [tilespmem:s17], [sflag:$0x6], $0x20, s0, s15, $0xb8;
	[tilespmem:$0x13400] =	vst v63  }
0x9b: {  	_ =	swait.ge [sflag:s28], $0x1000  }
0x9c: {  	[sflag:s28] =	ssyncset.done $0x0  }
0x9d: {  	s0 =	sadd.s32 $0x480, s31;
	[sflag:s28] =	ssyncadd.s32 $0xFFFFF000  }
0x9e: {  	[tilespmem:s17], [sflag:$0x2] =	stream.indirect.gather [hbm4b:s9+s15], $0x20, s0, s15, $0xb8;
	[tilespmem:$0x13400] =	vst v63  }
0x9f: {  	_ =	swait.ge [sflag:s30], $0x1000  }
0xa0: {  	[sflag:s30] =	ssyncset.done $0x0  }
0xa1: {  	s0 =	sadd.s32 $0x5500, s31;
	[sflag:s30] =	ssyncadd.s32 $0xFFFFF000  }
0xa2: {  	[spmem:s3] =	stream.indirect.scatter.add.bf16 [tilespmem:s19], [sflag:$0x7], $0x20, s0, s15, $0xb8;
	[tilespmem:$0x13400] =	vst v63  }
0xa3: {  	_ =	swait.ge [sflag:s2], $0x1000  }
0xa4: {  	[sflag:s2] =	ssyncset.done $0x0  }
.Ltmp3:
0xa5: {  	s0 =	sadd.s32 $0x500, s31;
	[sflag:s2] =	ssyncadd.s32 $0xFFFFF000;
	(pc) =	sbr.rel @p1 .LBB2_6-.Ltmp3, $4  }
0xa6: {  	[tilespmem:s19], [sflag:$0x3] =	stream.indirect.gather [hbm4b:s9+s15], $0x20, s0, s15, $0xb8;
	[tilespmem:$0x13400] =	vst v63  }
0xa7: {  	_ =	swait.ge [sflag:s18], $0x1000  }
0xa8: {  	[sflag:s18] =	ssyncset.done $0x0  }
0xa9: {  	s31 =	sadd.s32 $0x5580, s31;
	[sflag:s18] =	ssyncadd.s32 $0xFFFFF000  }
.Ltmp4:
0xaa: {  	_ = 	snop;
	(pc) =	sbr.rel .LBB2_7-.Ltmp4, $1  }
0xab: {  	_ =	sdelay $0x3  }
.LBB2_2:
0xac: {  	s29 =	simm.s32 $0x0  }
0xad: {  	[tilespmem:s16], [sflag:$0x1] =	stream.indirect.gather [hbm4b:s1+s15], $0x20, s29, s15, $0xb8;
	[tilespmem:$0x13400] =	vst v63  }
0xae: {  	_ = 	snop  }
0xaf: {  	[tilespmem:s17], [sflag:$0x2] =	stream.indirect.gather [hbm4b:s1+s15], $0x20, s15, s15, $0xb8;
	[tilespmem:$0x13400] =	vst v63  }
0xb0: {  	s0 =	simm.s32 $0x100  }
0xb1: {  	[tilespmem:s19], [sflag:$0x3] =	stream.indirect.gather [hbm4b:s1+s15], $0x20, s0, s15, $0xb8;
	[tilespmem:$0x13400] =	vst v63  }
0xb2: {  	s0 =	simm.s32 $0x180  }
0xb3: {  	[tilespmem:s21], [sflag:$0x4] =	stream.indirect.gather [hbm4b:s1+s15], $0x20, s0, s15, $0xb8;
	[tilespmem:$0x13400] =	vst v63  }
0xb4: {  	_ =	swait.ge [sflag:s22], $0x1000  }
0xb5: {  	[sflag:s22] =	ssyncset.done $0x0  }
0xb6: {  	[sflag:s22] =	ssyncadd.s32 $0xFFFFF000  }
0xb7: {  	[spmem:s3] =	stream.indirect.scatter.add.bf16 [tilespmem:s16], [sflag:$0x5], $0x20, s14, s15, $0xb8;
	[tilespmem:$0x13400] =	vst v63  }
0xb8: {  	_ =	swait.ge [sflag:s23], $0x1000  }
0xb9: {  	[sflag:s23] =	ssyncset.done $0x0  }
0xba: {  	s0 =	simm.s32 $0x200;
	[sflag:s23] =	ssyncadd.s32 $0xFFFFF000  }
0xbb: {  	[tilespmem:s16], [sflag:$0x1] =	stream.indirect.gather [hbm4b:s1+s15], $0x20, s0, s15, $0xb8;
	[tilespmem:$0x13400] =	vst v63  }
0xbc: {  	_ =	swait.ge [sflag:s25], $0x1000  }
0xbd: {  	[sflag:s25] =	ssyncset.done $0x0  }
0xbe: {  	s0 =	simm.s32 $0x5280;
	[sflag:s25] =	ssyncadd.s32 $0xFFFFF000  }
0xbf: {  	[spmem:s3] =	stream.indirect.scatter.add.bf16 [tilespmem:s17], [sflag:$0x6], $0x20, s0, s15, $0xb8;
	[tilespmem:$0x13400] =	vst v63  }
0xc0: {  	_ =	swait.ge [sflag:s28], $0x1000  }
0xc1: {  	[sflag:s28] =	ssyncset.done $0x0  }
0xc2: {  	s0 =	simm.s32 $0x280;
	[sflag:s28] =	ssyncadd.s32 $0xFFFFF000  }
0xc3: {  	[tilespmem:s17], [sflag:$0x2] =	stream.indirect.gather [hbm4b:s1+s15], $0x20, s0, s15, $0xb8;
	[tilespmem:$0x13400] =	vst v63  }
0xc4: {  	_ =	swait.ge [sflag:s30], $0x1000  }
0xc5: {  	[sflag:s30] =	ssyncset.done $0x0  }
0xc6: {  	s0 =	simm.s32 $0x5300;
	[sflag:s30] =	ssyncadd.s32 $0xFFFFF000  }
0xc7: {  	[spmem:s3] =	stream.indirect.scatter.add.bf16 [tilespmem:s19], [sflag:$0x7], $0x20, s0, s15, $0xb8;
	[tilespmem:$0x13400] =	vst v63  }
0xc8: {  	_ =	swait.ge [sflag:s2], $0x1000  }
0xc9: {  	[sflag:s2] =	ssyncset.done $0x0  }
0xca: {  	s0 =	simm.s32 $0x300;
	[sflag:s2] =	ssyncadd.s32 $0xFFFFF000  }
0xcb: {  	[tilespmem:s19], [sflag:$0x3] =	stream.indirect.gather [hbm4b:s1+s15], $0x20, s0, s15, $0xb8;
	[tilespmem:$0x13400] =	vst v63  }
0xcc: {  	_ =	swait.ge [sflag:s18], $0x1000  }
0xcd: {  	[sflag:s18] =	ssyncset.done $0x0  }
0xce: {  	s0 =	simm.s32 $0x5380;
	[sflag:s18] =	ssyncadd.s32 $0xFFFFF000  }
0xcf: {  	[spmem:s3] =	stream.indirect.scatter.add.bf16 [tilespmem:s21], [sflag:$0x8], $0x20, s0, s15, $0xb8;
	[tilespmem:$0x13400] =	vst v63  }
0xd0: {  	_ =	swait.ge [sflag:s24], $0x1000  }
0xd1: {  	[sflag:s24] =	ssyncset.done $0x0  }
0xd2: {  	s29 =	simm.s32 $0x380;
	[sflag:s24] =	ssyncadd.s32 $0xFFFFF000  }
0xd3: {  	[tilespmem:s21], [sflag:$0x4] =	stream.indirect.gather [hbm4b:s1+s15], $0x20, s29, s15, $0xb8;
	[tilespmem:$0x13400] =	vst v63  }
0xd4: {  	_ =	swait.ge [sflag:s22], $0x1000  }
0xd5: {  	[sflag:s22] =	ssyncset.done $0x0  }
0xd6: {  	s29 =	simm.s32 $0x5400;
	[sflag:s22] =	ssyncadd.s32 $0xFFFFF000  }
0xd7: {  	[spmem:s3] =	stream.indirect.scatter.add.bf16 [tilespmem:s16], [sflag:$0x5], $0x20, s29, s15, $0xb8;
	[tilespmem:$0x13400] =	vst v63  }
0xd8: {  	_ =	swait.ge [sflag:s23], $0x1000  }
0xd9: {  	[sflag:s23] =	ssyncset.done $0x0  }
0xda: {  	s29 =	simm.s32 $0x400;
	[sflag:s23] =	ssyncadd.s32 $0xFFFFF000  }
0xdb: {  	[tilespmem:s16], [sflag:$0x1] =	stream.indirect.gather [hbm4b:s1+s15], $0x20, s29, s15, $0xb8;
	[tilespmem:$0x13400] =	vst v63  }
0xdc: {  	_ =	swait.ge [sflag:s25], $0x1000  }
0xdd: {  	[sflag:s25] =	ssyncset.done $0x0  }
0xde: {  	s29 =	simm.s32 $0x5480;
	[sflag:s25] =	ssyncadd.s32 $0xFFFFF000  }
0xdf: {  	[spmem:s3] =	stream.indirect.scatter.add.bf16 [tilespmem:s17], [sflag:$0x6], $0x20, s29, s15, $0xb8;
	[tilespmem:$0x13400] =	vst v63  }
0xe0: {  	_ =	swait.ge [sflag:s28], $0x1000  }
0xe1: {  	[sflag:s28] =	ssyncset.done $0x0  }
0xe2: {  	s29 =	simm.s32 $0x480;
	[sflag:s28] =	ssyncadd.s32 $0xFFFFF000  }
0xe3: {  	[tilespmem:s17], [sflag:$0x2] =	stream.indirect.gather [hbm4b:s1+s15], $0x20, s29, s15, $0xb8;
	[tilespmem:$0x13400] =	vst v63  }
0xe4: {  	_ =	swait.ge [sflag:s30], $0x1000  }
0xe5: {  	[sflag:s30] =	ssyncset.done $0x0  }
0xe6: {  	s29 =	simm.s32 $0x5500;
	[sflag:s30] =	ssyncadd.s32 $0xFFFFF000  }
0xe7: {  	[spmem:s3] =	stream.indirect.scatter.add.bf16 [tilespmem:s19], [sflag:$0x7], $0x20, s29, s15, $0xb8;
	[tilespmem:$0x13400] =	vst v63  }
0xe8: {  	_ =	swait.ge [sflag:s2], $0x1000  }
0xe9: {  	[sflag:s2] =	ssyncset.done $0x0  }
0xea: {  	s29 =	simm.s32 $0x500;
	[sflag:s2] =	ssyncadd.s32 $0xFFFFF000  }
0xeb: {  	[tilespmem:s19], [sflag:$0x3] =	stream.indirect.gather [hbm4b:s1+s15], $0x20, s29, s15, $0xb8;
	[tilespmem:$0x13400] =	vst v63  }
0xec: {  	_ =	swait.ge [sflag:s18], $0x1000  }
0xed: {  	[sflag:s18] =	ssyncset.done $0x0  }
0xee: {  	s31 =	simm.s32 $0x5580;
	s29 =	simm.s32 $0x800;
	[sflag:s18] =	ssyncadd.s32 $0xFFFFF000  }
.LBB2_3:
0xef: {  	[spmem:s3] =	stream.indirect.scatter.add.bf16 [tilespmem:s21], [sflag:$0x8], $0x20, s31, s15, $0xb8;
	[tilespmem:$0x13400] =	vst v63  }
0xf0: {  	s31 =	smov.u32 s29  }
0xf1: {  	p1 =	seq.s32 s29, $0x13000;
	s29 =	sadd.s32 $0x800, s29;
	_ =	swait.ge [sflag:s24], $0x1000  }
0xf2: {  	s31 =	sshra.s32 s31, $0x2;
	[sflag:s24] =	ssyncset.done $0x0  }
0xf3: {  	s0 =	sadd.s32 $0x380, s31;
	[sflag:s24] =	ssyncadd.s32 $0xFFFFF000  }
0xf4: {  	[tilespmem:s21], [sflag:$0x4] =	stream.indirect.gather [hbm4b:s1+s15], $0x20, s0, s15, $0xb8;
	[tilespmem:$0x13400] =	vst v63  }
0xf5: {  	_ =	swait.ge [sflag:s22], $0x1000  }
0xf6: {  	[sflag:s22] =	ssyncset.done $0x0  }
0xf7: {  	s0 =	sadd.s32 $0x5400, s31;
	[sflag:s22] =	ssyncadd.s32 $0xFFFFF000  }
0xf8: {  	[spmem:s3] =	stream.indirect.scatter.add.bf16 [tilespmem:s16], [sflag:$0x5], $0x20, s0, s15, $0xb8;
	[tilespmem:$0x13400] =	vst v63  }
0xf9: {  	_ =	swait.ge [sflag:s23], $0x1000  }
0xfa: {  	[sflag:s23] =	ssyncset.done $0x0  }
0xfb: {  	s0 =	sadd.s32 $0x400, s31;
	[sflag:s23] =	ssyncadd.s32 $0xFFFFF000  }
0xfc: {  	[tilespmem:s16], [sflag:$0x1] =	stream.indirect.gather [hbm4b:s1+s15], $0x20, s0, s15, $0xb8;
	[tilespmem:$0x13400] =	vst v63  }
0xfd: {  	_ =	swait.ge [sflag:s25], $0x1000  }
0xfe: {  	[sflag:s25] =	ssyncset.done $0x0  }
0xff: {  	s0 =	sadd.s32 $0x5480, s31;
	[sflag:s25] =	ssyncadd.s32 $0xFFFFF000  }
0x100: {  	[spmem:s3] =	stream.indirect.scatter.add.bf16 [tilespmem:s17], [sflag:$0x6], $0x20, s0, s15, $0xb8;
	[tilespmem:$0x13400] =	vst v63  }
0x101: {  	_ =	swait.ge [sflag:s28], $0x1000  }
0x102: {  	[sflag:s28] =	ssyncset.done $0x0  }
0x103: {  	s0 =	sadd.s32 $0x480, s31;
	[sflag:s28] =	ssyncadd.s32 $0xFFFFF000  }
0x104: {  	[tilespmem:s17], [sflag:$0x2] =	stream.indirect.gather [hbm4b:s1+s15], $0x20, s0, s15, $0xb8;
	[tilespmem:$0x13400] =	vst v63  }
0x105: {  	_ =	swait.ge [sflag:s30], $0x1000  }
0x106: {  	[sflag:s30] =	ssyncset.done $0x0  }
0x107: {  	s0 =	sadd.s32 $0x5500, s31;
	[sflag:s30] =	ssyncadd.s32 $0xFFFFF000  }
0x108: {  	[spmem:s3] =	stream.indirect.scatter.add.bf16 [tilespmem:s19], [sflag:$0x7], $0x20, s0, s15, $0xb8;
	[tilespmem:$0x13400] =	vst v63  }
0x109: {  	_ =	swait.ge [sflag:s2], $0x1000  }
0x10a: {  	[sflag:s2] =	ssyncset.done $0x0  }
.Ltmp5:
0x10b: {  	s0 =	sadd.s32 $0x500, s31;
	[sflag:s2] =	ssyncadd.s32 $0xFFFFF000;
	(pc) =	sbr.rel @!p1 .LBB2_3-.Ltmp5, $4  }
0x10c: {  	[tilespmem:s19], [sflag:$0x3] =	stream.indirect.gather [hbm4b:s1+s15], $0x20, s0, s15, $0xb8;
	[tilespmem:$0x13400] =	vst v63  }
0x10d: {  	_ =	swait.ge [sflag:s18], $0x1000  }
0x10e: {  	[sflag:s18] =	ssyncset.done $0x0  }
0x10f: {  	s31 =	sadd.s32 $0x5580, s31;
	[sflag:s18] =	ssyncadd.s32 $0xFFFFF000  }
.Ltmp6:
0x110: {  	(pc) =	sbr.rel .LBB2_8-.Ltmp6, $3  }
0x111: {  	_ =	sdelay $0x1  }
0x112: {  	[spmem:s3] =	stream.indirect.scatter.add.bf16 [tilespmem:s21], [sflag:$0x8], $0x20, s31, s15, $0xb8;
	[tilespmem:$0x13400] =	vst v63  }
0x113: {  	s29 =	smov.u32 s1  }
.LBB2_9:
0x114: {  	_ =	sfence.sel $0x180000  }
0x115: {  	[bflag:$0x0] =	sbarrier.arrive $0xFFFF  }
0x116: {  	_ =	strace $0x9000004D  }
0x117: {  	s0 =	stileid.u32;
	[bflag:$0x2] =	sbarrier.arrive $0xFFFF  }
0x118: {  	p0 =	sne.s32 s0, $0x0;
	s0 =	rddreg [dreg:$0x3]  }
0x119: {  	s0 =	sadd.s32 @!p0 $0x100000, s0  }
0x11a: {  	[sflag:s0] =	ssyncadd.tile.s32 @!p0 $0x1;
	_ =	shalt  }
.Lfunc_end2:
_tile_overlayer_lowered:
.L_overlay_start_2:
0x11b: {  	(tag) =	ssettag $0x2  }
0x11c: {  	s0 =	rddreg [dreg:$0x0];
	s2 =	stileid.u32  }
0x11d: {  	s1 =	rddreg [dreg:$0x1];
	p0 =	sne.s32 s2, $0x0  }
0x11e: {  	s3 =	rddreg [dreg:$0x2];
	[bflag:$0x3] =	sbarrier.arrive $0xFFFF;
	s2 =	simm.s32 @!p0 $0x1C09  }
0x11f: {  	[timem:s3], [sflag:s2] =	dma.local @!p0 [hbm:s0], s1  }
0x120: {  	s0 =	simm.s32 @!p0 $0x9  }
0x121: {  	_ =	swait.ge @!p0 [sflag:s0], s1  }
0x122: {  	s1 =	ssub.s32 @!p0 $0x0, s1;
	[sflag:s0] =	ssyncset.done @!p0 $0x0  }
0x123: {  	[sflag:s0] =	ssyncadd.s32 @!p0 s1  }
0x124: {  	[bflag:$0x3] =	sbarrier.arrive $0xFFFF  }
0x125: {  	_ =	shalt  }

// kernel: kernel.8.cloned.1.call-start
scs
__scs_entry_jumppad:
0x0: {  	(pc) =	sbr.rel $0x88, $3  }
0x1: {  	(tag) =	ssettag $0x0;
	lr =	simm.s32 $0x1  }
0x2: {  	[smem:$0x3F9B] =	sst lr;
	_ =	strace $0xD0000000  }
0x3: {  	_ = 	snop  }
0x4: {  	_ = 	snop  }
0x5: {  	_ = 	snop  }
0x6: {  	_ = 	snop  }
0x7: {  	_ = 	snop  }
__scs_overlays_trampoline_lowered:
0x8: {  	[smem:$0x3FAA] =	sst s0  }
0x9: {  	[smem:$0x3FAB] =	sst s1  }
0xa: {  	[smem:$0x3FAC] =	sst s2  }
0xb: {  	[smem:$0x3FAD] =	sst s3  }
0xc: {  	[smem:$0x3FAE] =	sst s4  }
0xd: {  	[smem:$0x3FAF] =	sst s5  }
0xe: {  	[smem:$0x3FB0] =	sst s6  }
0xf: {  	[smem:$0x3FB1] =	sst s7  }
0x10: {  	[smem:$0x3FB2] =	sst s8  }
0x11: {  	[smem:$0x3FB3] =	sst s9;
	s0 =	simm.s32 @!p0 $0x0  }
0x12: {  	s1 =	sld [smem:$0x3F99];
	s0 =	simm.s32 @p0 $0x1  }
0x13: {  	[smem:$0x3FB4] =	sst s0;
	s0 =	simm.s32 @!p1 $0x0  }
0x14: {  	s2 =	sld [smem:$0x3F98];
	s0 =	simm.s32 @p1 $0x1  }
0x15: {  	[smem:$0x3FB5] =	sst s0;
	s0 =	simm.s32 @!p2 $0x0  }
0x16: {  	s3 =	sld [smem:$0x3FDB];
	s0 =	simm.s32 @p2 $0x1  }
0x17: {  	s4 =	simm.s32 $0x1BF5;
	[smem:$0x3FB7] =	sst s0  }
0x18: {  	s0 =	sld [smem:$0x3F9A];
	_ =	swait.ge [sflag:s4], $0x0  }
0x19: {  	s7 =	sld [smem:$0x3F9B]  }
0x1a: {  	s8 =	sadd.s32 $0xFFFFE003, lr  }
0x1b: {  	s9 =	sadd.s32 $0xFFFFFEF7, lr;
	s5 =	simm.s32 $0xFFFFFFFF;
	p2 =	slt.u32 s8, $0xFFFFF086  }
0x1c: {  	p1 =	slt.u32 s9, $0xF7A;
	s5 =	simm.s32 @!p2 $0x0  }
0x1d: {  	s5 =	simm.s32 @p1 $0x1;
	p0 =	seq.s32 s7, s2  }
0x1e: {  	s7 =	smul.u32 @!p0 $0xF7A, s2;
	p2 =	seq.s32 @!p0 s5, $0x0  }
0x1f: {  	s9 =	smul.u32 $0xF7A, s1;
	s8 =	simm.s32 @!p0 $0x1BF5;
	p2 =	por !p2, p0  }
0x20: {  	[sflag:s8] =	ssyncset.s32 @!p0 $0xFFFFF086;
	s6 =	sadd.s32 @!p0 s3, s7;
	s7 =	simm.s32 @!p0 $0x108  }
0x21: {  	s3 =	sadd.s32 s3, s9;
	s6 =	sadd.s32 @!p0 $0x88, s6;
	s7 =	simm.s32 @p2 $0x1082  }
0x22: {  	[simem:s7], [sflag:s8] =	dma.local @!p0 [hbm:s6], $0xF7A  }
0x23: {  	s9 =	sor.u32 $0xD0000000, s2;
	s6 =	simm.s32 $0x108;
	_ =	swait.ge @!p0 [sflag:s8], $0x0  }
0x24: {  	s3 =	sadd.s32 $0x88, s3;
	s6 =	simm.s32 @!p1 $0x1082;
	[sflag:s4] =	ssyncset.s32 $0xFFFFF086  }
0x25: {  	[simem:s6], [sflag:s4] =	dma.local [hbm:s3], $0xF7A  }
0x26: {  	[smem:$0x3F9B] =	sst s1;
	(tag) =	ssettag s2;
	_ =	strace s9  }
0x27: {  	s1 =	sld [smem:$0x3FAB]  }
0x28: {  	s2 =	sld [smem:$0x3FAC]  }
0x29: {  	s4 =	sld [smem:$0x3FAE]  }
0x2a: {  	p0 =	seq.s32 s5, $0x0;
	s5 =	sld [smem:$0x3FAF]  }
0x2b: {  	s6 =	sld [smem:$0x3FB0]  }
0x2c: {  	s7 =	sld [smem:$0x3FB1]  }
0x2d: {  	s3 =	simm.s32 $0x108;
	s8 =	sld [smem:$0x3FB2]  }
0x2e: {  	s3 =	simm.s32 @!p0 $0x1082;
	s9 =	sld [smem:$0x3FB3]  }
0x2f: {  	lr =	sadd.s32 s0, s3;
	s0 =	sld [smem:$0x3FAA]  }
0x30: {  	s3 =	sld [smem:$0x3FAD]  }
0x31: {  	[smem:$0x3FB6] =	sst s10  }
0x32: {  	s10 =	sld [smem:$0x3FB4];
	_ =	sdelay $0x3  }
0x33: {  	p0 =	seq.s32 s10, $0x1;
	s10 =	sld [smem:$0x3FB6];
	_ =	sdelay $0x3  }
0x34: {  	[smem:$0x3FB6] =	sst s10  }
0x35: {  	s10 =	sld [smem:$0x3FB5];
	_ =	sdelay $0x3  }
0x36: {  	p1 =	seq.s32 s10, $0x1;
	s10 =	sld [smem:$0x3FB6];
	_ =	sdelay $0x3  }
0x37: {  	[smem:$0x3FB6] =	sst s10  }
0x38: {  	s10 =	sld [smem:$0x3FB7]  }
0x39: {  	_ = 	snop;
	(pc) =	sbr.ind lr, $3  }
0x3a: {  	_ = 	snop  }
0x3b: {  	_ = 	snop  }
0x3c: {  	p2 =	seq.s32 s10, $0x1;
	s10 =	sld [smem:$0x3FB6]  }
0x3d: {  	_ =	shalt  }
0x3e: {  	_ =	shalt  }
0x3f: {  	_ =	shalt  }
0x40: {  	_ =	shalt  }
0x41: {  	_ =	shalt  }
0x42: {  	_ =	shalt  }
0x43: {  	_ =	shalt  }
0x44: {  	_ =	shalt  }
0x45: {  	_ =	shalt  }
0x46: {  	_ =	shalt  }
0x47: {  	_ =	shalt  }
0x48: {  	_ =	shalt  }
0x49: {  	_ =	shalt  }
0x4a: {  	_ =	shalt  }
0x4b: {  	_ =	shalt  }
0x4c: {  	_ =	shalt  }
0x4d: {  	_ =	shalt  }
0x4e: {  	_ =	shalt  }
0x4f: {  	_ =	shalt  }
0x50: {  	_ =	shalt  }
0x51: {  	_ =	shalt  }
0x52: {  	_ =	shalt  }
0x53: {  	_ =	shalt  }
0x54: {  	_ =	shalt  }
0x55: {  	_ =	shalt  }
0x56: {  	_ =	shalt  }
0x57: {  	_ =	shalt  }
0x58: {  	_ =	shalt  }
0x59: {  	_ =	shalt  }
0x5a: {  	_ =	shalt  }
0x5b: {  	_ =	shalt  }
0x5c: {  	_ =	shalt  }
0x5d: {  	_ =	shalt  }
0x5e: {  	_ =	shalt  }
0x5f: {  	_ =	shalt  }
0x60: {  	_ =	shalt  }
0x61: {  	_ =	shalt  }
0x62: {  	_ =	shalt  }
0x63: {  	_ =	shalt  }
0x64: {  	_ =	shalt  }
0x65: {  	_ =	shalt  }
0x66: {  	_ =	shalt  }
0x67: {  	_ =	shalt  }
0x68: {  	_ =	shalt  }
0x69: {  	_ =	shalt  }
0x6a: {  	_ =	shalt  }
0x6b: {  	_ =	shalt  }
0x6c: {  	_ =	shalt  }
0x6d: {  	_ =	shalt  }
0x6e: {  	_ =	shalt  }
0x6f: {  	_ =	shalt  }
0x70: {  	_ =	shalt  }
0x71: {  	_ =	shalt  }
0x72: {  	_ =	shalt  }
0x73: {  	_ =	shalt  }
0x74: {  	_ =	shalt  }
0x75: {  	_ =	shalt  }
0x76: {  	_ =	shalt  }
0x77: {  	_ =	shalt  }
0x78: {  	_ =	shalt  }
0x79: {  	_ =	shalt  }
0x7a: {  	_ =	shalt  }
0x7b: {  	_ =	shalt  }
0x7c: {  	_ =	shalt  }
0x7d: {  	_ =	shalt  }
0x7e: {  	_ =	shalt  }
0x7f: {  	_ =	shalt  }
0x80: {  	_ =	shalt  }
0x81: {  	_ =	shalt  }
0x82: {  	_ =	shalt  }
0x83: {  	_ =	shalt  }
0x84: {  	_ =	shalt  }
0x85: {  	_ =	shalt  }
0x86: {  	_ =	shalt  }
0x87: {  	_ =	shalt  }
.Lfunc_end0:
.L_simem_size_0:
called_computation_lowered:
.L_overlay_start_0:
0x88: {  	s2 =	sld [smem:$0x3FD9]  }
0x89: {  	s3 =	sld [smem:$0x3FFE];
	_ =	sdelay $0x1  }
0x8a: {  	s1 =	srdreg.scid  }
0x8b: {  	s0 =	sand.u32 $0x1, s1  }
0x8c: {  	s17 =	sshll.u32 s0, $0xA;
	s2 =	sadd.s32 s3, s2  }
0x8d: {  	s2 =	sadd.s32 s2, s17  }
0x8e: {  	[smem:$0x3FC2] =	sst s2  }
0x8f: {  	_ = 	snop  }
0x90: {  	s2 =	sld [smem:$0x3FD0];
	(tm) =	ssettm $0x1  }
0x91: {  	s18 =	sld [smem:$0x3FFB];
	_ =	sdelay $0x3  }
0x92: {  	_ =	strace s18  }
0x93: {  	s3 =	sld [smem:$0x3FFC];
	_ =	sdelay $0x3  }
0x94: {  	_ =	strace s3  }
0x95: {  	s3 =	sld [smem:$0x3FFD];
	_ =	sdelay $0x3  }
0x96: {  	_ =	strace s3  }
0x97: {  	_ =	strace $0x8FFFFFFF  }
0x98: {  	s19 =	sld [smem:$0x3FDB];
	_ =	sdelay $0x1  }
0x99: {  	s4 =	simm.s32 $_scs_section_size  }
0x9a: {  	s5 =	simm.s32 $_size__tile_overlayer_lowered;
	s6 =	simm.s32 $_tile_overlayer_lowered  }
0x9b: {  	s22 =	simm.s32 $0x1BFF;
	s21 =	sshll.u32 s6, $0x1;
	s3 =	sadd.s32 s4, s19  }
0x9c: {  	s7 =	simm.s32 $0x0;
	s20 =	sshll.u32 s5, $0x1;
	s5 =	sadd.s32 s21, s3  }
0x9d: {  	[timem:s7], [sflag:s22] =	dma.local [hbm:s5], s20  }
0x9e: {  	_ =	swait.ge [sflag:s22], s20  }
0x9f: {  	s4 =	ssub.s32 $0x0, s20;
	[sflag:s22] =	ssyncset.done $0x0  }
0xa0: {  	[sflag:s22] =	ssyncadd.s32 s4;
	_ =	sdelay $0x1  }
0xa1: {  	s23 =	simm.s32 $0x1B8B  }
0xa2: {  	_ =	swait.ge [sflag:s23], $0x1  }
0xa3: {  	[sflag:s23] =	ssyncset.done $0x0  }
0xa4: {  	s25 =	simm.s32 $0x1B8E;
	s24 =	sld [smem:$0x3FFE];
	[sflag:s23] =	ssyncadd.s32 $0xFFFFFFFF  }
0xa5: {  	s26 =	simm.s32 $execute0_lowered;
	[smem:$0x3FD2] =	sst s25  }
0xa6: {  	s5 =	sshll.u32 s26, $0x1;
	_ =	strace $0x80000046;
	[dreg:$0x1] =	wrdreg $0xFFFFFFFF  }
0xa7: {  	s28 =	simm.s32 $_size_execute0_lowered;
	s3 =	sadd.s32 s3, s5;
	[dreg:$0x0] =	wrdreg $0x0  }
0xa8: {  	s5 =	sshll.u32 s28, $0x1;
	[dreg:$0x2] =	wrdreg s3  }
0xa9: {  	[dreg:$0x3] =	wrdreg s5  }
0xaa: {  	[dreg:$0x4] =	wrdreg $0xC0  }
0xab: {  	_ =	task [dreg:s7], $0x5FFFF  }
0xac: {  	[dreg:$0x1] =	wrdreg $0xFFFFFFFF  }
0xad: {  	[dreg:$0x0] =	wrdreg $0x60  }
0xae: {  	[dreg:$0x2] =	wrdreg s24  }
0xaf: {  	[dreg:$0x3] =	wrdreg s2  }
0xb0: {  	[dreg:$0x4] =	wrdreg $0x55000  }
0xb1: {  	[dreg:$0x5] =	wrdreg $0x9  }
0xb2: {  	_ =	task.clear_ibuf [dreg:s7], $0x6FFFF;
	_ =	strace $0x90000046  }
0xb3: {  	s29 =	simm.s32 $0x9;
	_ =	strace $0x80000048  }
0xb4: {  	_ =	swait.ge [sflag:s29], $0x1  }
0xb5: {  	[sflag:s29] =	ssyncadd.s32 $0xFFFFFFFF  }
0xb6: {  	_ =	strace $0x90000048  }
0xb7: {  	_ =	sfence  }
0xb8: {  	s30 =	sld [smem:$0x0];
	_ =	sdelay $0x2  }
0xb9: {  	s31 =	sshll.u32 s1, $0xD;
	s1 =	sshrl.u32 s1, $0x2  }
0xba: {  	s3 =	sand.u32 $0x4000, s31;
	s1 =	sadd.s32 s1, s30  }
0xbb: {  	s0 =	sor.u32 s3, s0;
	s1 =	sshll.u32 s1, $0x11  }
0xbc: {  	s0 =	sor.u32 s1, s0  }
0xbd: {  	s0 =	sadd.s32 $0x8F2B, s0  }
0xbe: {  	[sflag:s0] =	ssyncadd.remote.s32 $0x1  }
0xbf: {  	_ =	sfence.sel $0xFFFF  }
0xc0: {  	[dreg:$0x0] =	wrdreg $0xFFFFFFFF;
	(pc) =	sbr.abs _section_cstart, $3  }
0xc1: {  	[dreg:$0x1] =	wrdreg $0xFFFFFFFF  }
0xc2: {  	_ =	task.clear_ibuf [dreg:s7], $0x2FFFF;
	_ =	strace $0x9FFFFFFF  }
0xc3: {  	(tm) =	ssettm $0x7FFFFFFF  }
tec
execute0_lowered:
.L_overlay_start_1:
0x0: {  	(tag) =	ssettag $0x1  }
0x1: {  	s4 =	rddreg [dreg:$0x0]  }
0x2: {  	s6 =	rddreg [dreg:$0x1]  }
0x3: {  	s2 =	rddreg [dreg:$0x2]  }
0x4: {  	s0 =	rddreg [dreg:$0x3]  }
0x5: {  	s1 =	stileid.u32;
	s7 =	srdreg.scid  }
0x6: {  	s3 =	simm.s32 $0x0;
	s12 =	simm.s32 $0x5200;
	s5 =	smul.u32 $0xA40, s1  }
0x7: {  	s15 =	simm.s32 $0x0;
	s7 =	sand.u32 $0x1, s7;
	s8 =	smul.u32 $0x280, s1  }
0x8: {  	[smem:$0x7FF] =	sst s3;
	s13 =	sshll.u32 s1, $0x6;
	s10 =	smul.u32 $0x2800, s7  }
0x9: {  	s9 =	ssub.s32 $0x2, s7;
	_ =	strace $0x80000047;
	s31 =	smul.u32 $0xA400, s7  }
0xa: {  	s13 =	sor.u32 $0x1C01, s13;
	s11 =	sshrl.u32 s9, $0x1;
	s4 =	sadd.s32 s5, s4  }
0xb: {  	s5 =	sadd.s32 s8, s2;
	s9 =	ssub.s32 s9, s11;
	s30 =	sadd.s32 s8, s10  }
0xc: {  	s4 =	sadd.s32 $0x1E00, s4;
	s8 =	sshrl.u32 s31, $0x2;
	s11 =	simm.s32 $0x80  }
0xd: {  	s14 =	sshrl.u32 s5, $0x3;
	s10 =	sshrl.u32 s30, $0x3;
	s7 =	smax.u32 s9, $0x1  }
0xe: {  	v0 =	vimm.f32 $1.000000000e+00;
	v1 =	vimm.f32 $0.0e+00;
	s9 =	simm.s32 $0x1;
	s6 =	sadd.s32 s6, s10;
	s10 =	simm.s32 $0x5280  }
.LBB2_1:
0xf: {  	[tilespmem:s3], [sflag:$0x1] =	stream.linear.gather [hbm4b:s4+s3], $0x5200, $0x38;
	[tilespmem:$0x5780] =	vst v63  }
0x10: {  	_ =	swait.ge [sflag:s9], $0x5200  }
0x11: {  	[sflag:s9] =	ssyncset.done $0x0  }
0x12: {  	[sflag:s9] =	ssyncadd.s32 $0xFFFFAE00  }
0x13: {  	[tilespmem:$0x5200] =	vst v0  }
0x14: {  	[tilespmem:$0x5210] =	vst v0  }
0x15: {  	[tilespmem:$0x5220] =	vst v0  }
0x16: {  	[tilespmem:$0x5230] =	vst v0  }
0x17: {  	[tilespmem:$0x5240] =	vst v0  }
0x18: {  	[tilespmem:$0x5250] =	vst v0  }
0x19: {  	[tilespmem:$0x5260] =	vst v0  }
0x1a: {  	[tilespmem:$0x5270] =	vst v0  }
0x1b: {  	[tilespmem:$0x5280] =	vst v1  }
0x1c: {  	[tilespmem:$0x5290] =	vst v1  }
0x1d: {  	[tilespmem:$0x52A0] =	vst v1  }
0x1e: {  	[tilespmem:$0x52B0] =	vst v1  }
0x1f: {  	[tilespmem:$0x52C0] =	vst v1  }
0x20: {  	[tilespmem:$0x52D0] =	vst v1  }
0x21: {  	[tilespmem:$0x52E0] =	vst v1  }
0x22: {  	[tilespmem:$0x52F0] =	vst v1  }
0x23: {  	[tilespmem:$0x5300] =	vst v1  }
0x24: {  	[tilespmem:$0x5310] =	vst v1  }
0x25: {  	[tilespmem:$0x5320] =	vst v1  }
0x26: {  	[tilespmem:$0x5330] =	vst v1  }
0x27: {  	[tilespmem:$0x5340] =	vst v1  }
0x28: {  	[tilespmem:$0x5350] =	vst v1  }
0x29: {  	[tilespmem:$0x5360] =	vst v1  }
0x2a: {  	[tilespmem:$0x5370] =	vst v1  }
0x2b: {  	[tilespmem:$0x5380] =	vst v1  }
0x2c: {  	[tilespmem:$0x5390] =	vst v1  }
0x2d: {  	[tilespmem:$0x53A0] =	vst v1  }
0x2e: {  	[tilespmem:$0x53B0] =	vst v1  }
0x2f: {  	[tilespmem:$0x53C0] =	vst v1  }
0x30: {  	[tilespmem:$0x53D0] =	vst v1  }
0x31: {  	[tilespmem:$0x53E0] =	vst v1  }
0x32: {  	[tilespmem:$0x53F0] =	vst v1  }
0x33: {  	[tilespmem:$0x5400] =	vst v1  }
0x34: {  	[tilespmem:$0x5410] =	vst v1  }
0x35: {  	[tilespmem:$0x5420] =	vst v1  }
0x36: {  	[tilespmem:$0x5430] =	vst v1  }
0x37: {  	[tilespmem:$0x5440] =	vst v1  }
0x38: {  	[tilespmem:$0x5450] =	vst v1  }
0x39: {  	[tilespmem:$0x5460] =	vst v1  }
0x3a: {  	[tilespmem:$0x5470] =	vst v1  }
0x3b: {  	[tilespmem:$0x5480] =	vst v1  }
0x3c: {  	[tilespmem:$0x5490] =	vst v1  }
0x3d: {  	[tilespmem:$0x54A0] =	vst v1  }
0x3e: {  	[tilespmem:$0x54B0] =	vst v1  }
0x3f: {  	[tilespmem:$0x54C0] =	vst v1  }
0x40: {  	[tilespmem:$0x54D0] =	vst v1  }
0x41: {  	[tilespmem:$0x54E0] =	vst v1  }
0x42: {  	[tilespmem:$0x54F0] =	vst v1  }
0x43: {  	[spmem:s5] =	stream.linear.scatter [tilespmem:s10], [sflag:$0x1], $0x280, $0x38;
	[tilespmem:$0x5780] =	vst v63  }
0x44: {  	_ =	swait.ge [sflag:s9], $0x280  }
0x45: {  	[sflag:s9] =	ssyncset.done $0x0  }
0x46: {  	[sflag:s9] =	ssyncadd.s32 $0xFFFFFD80  }
0x47: {  	s16 =	sadd.s32 $0x0, s8;
	[bflag:$0x0] =	sbarrier.arrive $0xFFFF  }
0x48: {  	[spmem:s2] =	stream.indirect.scatter.add.f32 [tilespmem:s12], [sflag:$0x1], $0x1, s16, s11, $0xb8;
	[tilespmem:$0x5780] =	vst v63  }
0x49: {  	s16 =	simm.s32 $0x200;
	_ =	swait.ge [sflag:s9], $0x80  }
.LBB2_2:
0x4a: {  	s17 =	sshra.s32 s16, $0x2;
	[sflag:s9] =	ssyncset.done $0x0;
	p0 =	sne.s32 s16, $0xA200  }
.Ltmp0:
0x4b: {  	s17 =	sadd.s32 s17, s8;
	[sflag:s9] =	ssyncadd.s32 $0xFFFFFF80;
	(pc) =	sbr.rel @p0 .LBB2_2-.Ltmp0, $3  }
0x4c: {  	[spmem:s2] =	stream.indirect.scatter.add.f32 [tilespmem:s12], [sflag:$0x1], $0x1, s17, s11, $0xb8;
	[tilespmem:$0x5780] =	vst v63  }
0x4d: {  	s16 =	sadd.s32 $0x200, s16;
	_ =	sdelay $0x1  }
0x4e: {  	_ =	swait.ge [sflag:s9], $0x80  }
0x4f: {  	[sflag:s9] =	ssyncset.done $0x0;
	s15 =	sadd.s32 $0x1, s15  }
0x50: {  	[sflag:s9] =	ssyncadd.s32 $0xFFFFFF80;
	p0 =	sne.s32 s15, s7  }
.Ltmp1:
0x51: {  	[bflag:$0x0] =	sbarrier.arrive $0xFFFF;
	(pc) =	sbr.rel @p0 .LBB2_1-.Ltmp1, $4  }
0x52: {  	[hbm:s6], [sflag:s13] =	dma.local [spmem:s14], $0x50  }
0x53: {  	_ =	swait.ge [sflag:s9], $0x50  }
0x54: {  	[sflag:s9] =	ssyncset.done $0x0  }
0x55: {  	[sflag:s9] =	ssyncadd.s32 $0xFFFFFFB0  }
0x56: {  	_ =	sfence.sel $0x180000  }
0x57: {  	[bflag:$0x0] =	sbarrier.arrive $0xFFFF  }
0x58: {  	p0 =	sne.s32 s1, $0x0;
	_ =	strace $0x90000047  }
0x59: {  	s0 =	sadd.s32 @!p0 $0x100000, s0;
	[bflag:$0x2] =	sbarrier.arrive $0xFFFF  }
0x5a: {  	[sflag:s0] =	ssyncadd.tile.s32 @!p0 $0x1;
	_ =	shalt  }
.Lfunc_end2:
_tile_overlayer_lowered:
.L_overlay_start_2:
0x5b: {  	(tag) =	ssettag $0x2  }
0x5c: {  	s0 =	rddreg [dreg:$0x0];
	s2 =	stileid.u32  }
0x5d: {  	s1 =	rddreg [dreg:$0x1];
	p0 =	sne.s32 s2, $0x0  }
0x5e: {  	s3 =	rddreg [dreg:$0x2];
	[bflag:$0x3] =	sbarrier.arrive $0xFFFF;
	s2 =	simm.s32 @!p0 $0x1C01  }
0x5f: {  	[timem:s3], [sflag:s2] =	dma.local @!p0 [hbm:s0], s1  }
0x60: {  	s0 =	simm.s32 @!p0 $0x1  }
0x61: {  	_ =	swait.ge @!p0 [sflag:s0], s1  }
0x62: {  	s1 =	ssub.s32 @!p0 $0x0, s1;
	[sflag:s0] =	ssyncset.done @!p0 $0x0  }
0x63: {  	[sflag:s0] =	ssyncadd.s32 @!p0 s1  }
0x64: {  	[bflag:$0x3] =	sbarrier.arrive $0xFFFF  }
0x65: {  	_ =	shalt  }

</sc_bundles>
